<compile_context>
chip_gen: v7x
topology: tpu7x:2x2x1
jax: 0.10.2.dev20260603
libtpu: 0.0.44.dev20260713+nightly
codegen_flags: <defaults>
</compile_context>

<pallas_src>
import functools

import jax
import jax.numpy as jnp
from jax import lax
from jax.experimental import pallas as pl
from jax.experimental.pallas import tpu as pltpu
from jax.experimental.pallas import tpu_sc as plsc

NC = 2
NS = 16
NW = NC * NS

CH = 128
K = 2


def _gather_sc(idx_t, embedding, b, t, d):
    n_total = b * t
    n_units = n_total // CH
    n_su = n_units // K
    su_per_w = n_su // NW
    bh_n = b // CH
    dh_n = d // 8
    tbl = d * CH * K

    mesh = plsc.VectorSubcoreMesh(core_axis_name="c", subcore_axis_name="s")

    @functools.partial(
        pl.kernel,
        mesh=mesh,
        out_type=jax.ShapeDtypeStruct((n_total * d,), jnp.float32),
        compiler_params=pltpu.CompilerParams(
            use_tc_tiling_on_sc=False, needs_layout_passes=False),
        scratch_types=[
            pltpu.VMEM((su_per_w * K * CH,), jnp.int32),
            pltpu.VMEM((K * CH, d), jnp.float32),
            pltpu.VMEM((K * CH, d), jnp.float32),
            pltpu.VMEM((tbl,), jnp.float32),
            pltpu.VMEM((tbl,), jnp.float32),
            pltpu.SemaphoreType.DMA,
            pltpu.SemaphoreType.DMA,
            pltpu.SemaphoreType.DMA,
            pltpu.SemaphoreType.DMA,
        ],
    )
    def k(idx_hbm, table_hbm, out_hbm, idx_v, rows0, rows1, tb0, tb1,
          g0, g1, w0, w1):
        wid = lax.axis_index("s") * NC + lax.axis_index("c")
        sbase = wid * su_per_w
        pltpu.sync_copy(
            idx_hbm.at[pl.ds(sbase * K * CH, su_per_w * K * CH)], idx_v)

        iota = lax.iota(jnp.int32, 16)
        skews = [lax.rem(iota + dd, 16) for dd in range(16)]
        svs = [[((iota + c0) // 8) * (K * CH * 8) + ((iota + c0) % 8) * CH
                + skews[dd] for dd in range(16)]
               for c0 in range(0, d, 16)]

        def gather(ls, buf, sem):
            return pltpu.make_async_copy(
                table_hbm.at[idx_v.at[pl.ds(ls * (K * CH), K * CH)]], buf, sem)

        def transpose(rows, tb):
            for kk in range(K):
                def tblk(ii, _, kk=kk):
                    bi0 = ii * 16
                    for j, c0 in enumerate(range(0, d, 16)):
                        for dd in range(16):
                            rv = skews[dd] + (kk * CH + bi0)
                            v = plsc.load_gather(rows, [rv, iota + c0])
                            plsc.store_scatter(
                                tb, [svs[j][dd] + (kk * CH * 8 + bi0)], v)
                    return 0
                lax.fori_loop(0, CH // 16, tblk, 0)

        def writes(ls, tb, sem):
            u = (sbase + ls) * K
            row = (u // bh_n) * (dh_n * bh_n) + lax.rem(u, bh_n)
            return [pltpu.make_async_copy(
                        tb.at[pl.ds(ch * (K * CH * 8), K * CH * 8)],
                        out_hbm.at[pl.ds((row + ch * bh_n) * (8 * CH),
                                         K * CH * 8)],
                        sem)
                    for ch in range(dh_n)]

        gather(0, rows0, g0).start()
        gather(1, rows1, g1).start()

        def su(i, ls, rows, tb, gsem, wsem):
            gather(ls, rows, gsem).wait()
            transpose(rows, tb)
            gather(lax.rem(ls + 2, su_per_w), rows, gsem).start()
            for cp in writes(ls, tb, wsem):
                cp.start()

        def body(i, _):
            ls = 2 * i
            su(i, ls, rows0, tb0, g0, w0)
            su(i, ls + 1, rows1, tb1, g1, w1)
            for cp in writes(ls, tb0, w0) + writes(ls + 1, tb1, w1):
                cp.wait()
            return 0

        lax.fori_loop(0, su_per_w // 2, body, 0)

        gather(0, rows0, g0).wait()
        gather(1, rows1, g1).wait()

    return k(idx_t, embedding)


def kernel(state, embedding):
    b, t = state.shape
    _, d = embedding.shape
    idx_t = state.T.reshape(b * t)
    out1 = _gather_sc(idx_t, embedding, b, t, d)
    out5 = out1.reshape(t, d // 8, b // CH, 8, CH)
    return out5.transpose(2, 4, 0, 1, 3).reshape(b, t, d)

# --- scband reference (transcript-rebuilt; emitter-appended) ---
"""Pipeline reference for scband-discrete-obs-28784870817914 (READ-ONLY COPY).

The authoritative reference and input builder live on the scoring server;
editing this copy changes nothing except your own understanding.
"""

import jax, jax.numpy as jnp
import numpy as np

N_STATES = 1000000
D_OBS = 32

def setup_inputs(seed: int = 0) -> dict:
    key = jax.random.key(seed)
    k_idx, k_emb = jax.random.split(key)
    state = jax.random.randint(k_idx, (16384, 50), 0, N_STATES, dtype=jnp.int64 if jax.config.jax_enable_x64 else jnp.int32).astype(jnp.int32)
    # nn.Embed parameter: embedding table initialized with normal(stddev=1.0)
    embedding = jax.random.normal(k_emb, (N_STATES, D_OBS), dtype=jnp.float32) * 1.0
    return {"state": state, "embedding": embedding}

def reference(state, embedding):
    # flax nn.Embed.__call__ is a row gather: table[indices]
    return jnp.take(embedding, state, axis=0)

if __name__ == "__main__":
    import jax
    _d = setup_inputs()
    print(jax.jit(kernel)(*tuple(_d.values())))

</pallas_src>

<mosaic_0001>
#map = affine_map<(d0, d1) -> (0)>
#map1 = affine_map<(d0, d1) -> (0, 0)>
module attributes {stable_mosaic.version = 14 : i64} {
  func.func @k(%arg0: i32, %arg1: i32, %arg2: memref<819200xi32, #tpu.memory_space<hbm>>, %arg3: memref<1000000x32xf32, #tpu.memory_space<hbm>>, %arg4: memref<26214400xf32, #tpu.memory_space<hbm>>, %arg5: memref<25600xi32, #tpu.memory_space<vmem>>, %arg6: memref<256x32xf32, #tpu.memory_space<vmem>>, %arg7: memref<256x32xf32, #tpu.memory_space<vmem>>, %arg8: memref<8192xf32, #tpu.memory_space<vmem>>, %arg9: memref<8192xf32, #tpu.memory_space<vmem>>, %arg10: memref<!tpu.dma_semaphore, #tpu.memory_space<semaphore_mem>>, %arg11: memref<!tpu.dma_semaphore, #tpu.memory_space<semaphore_mem>>, %arg12: memref<!tpu.dma_semaphore, #tpu.memory_space<semaphore_mem>>, %arg13: memref<!tpu.dma_semaphore, #tpu.memory_space<semaphore_mem>>) attributes {dimension_semantics = [#tpu.dimension_semantics<core_parallel>, #tpu.dimension_semantics<subcore_parallel>], iteration_bounds = array<i64: 2, 16>, scalar_prefetch = 0 : i64, scratch_operands = 9 : i64, tpu.core_type = #tpu.core_type<sc_vector_subcore>, window_params = [{transform_indices = #map}, {transform_indices = #map1}, {transform_indices = #map}]} {
    %mul3A = arith.constant 2 : i32
    %mul3A_0 = arith.muli %arg1, %mul3A : i32
    %add3A = arith.addi %mul3A_0, %arg0 : i32
    %mul3A_1 = arith.constant 100 : i32
    %mul3A_2 = arith.muli %add3A, %mul3A_1 : i32
    %mul3A_3 = arith.constant 2 : i32
    %mul3A_4 = arith.muli %mul3A_2, %mul3A_3 : i32
    %mul3A_5 = arith.constant 128 : i32
    %mul3A_6 = arith.muli %mul3A_4, %mul3A_5 : i32
    "tpu.region"() ({
      %run_scoped3A = tpu.sem_alloc : memref<!tpu.dma_semaphore, #tpu.memory_space<semaphore_mem>>
      %dma_start3A_2261 = tpu.memref_slice %arg2[%mul3A_6] : memref<819200xi32, #tpu.memory_space<hbm>> -> memref<25600xi32, #tpu.memory_space<hbm>>
      %dma_start3A_2262 = tpu.memref_slice %arg2[%mul3A_6] : memref<819200xi32, #tpu.memory_space<hbm>> -> memref<25600xi32, #tpu.memory_space<hbm>>
      tpu.enqueue_dma source(%dma_start3A_2262 : memref<25600xi32, #tpu.memory_space<hbm>>) target(%arg5 : memref<25600xi32, #tpu.memory_space<vmem>>) target_semaphore(%run_scoped3A : memref<!tpu.dma_semaphore, #tpu.memory_space<semaphore_mem>>)
      %dma_wait3A_2263 = tpu.memref_slice %arg2[%mul3A_6] : memref<819200xi32, #tpu.memory_space<hbm>> -> memref<25600xi32, #tpu.memory_space<hbm>>
      %dma_wait3A_2264 = tpu.memref_slice %arg2[%mul3A_6] : memref<819200xi32, #tpu.memory_space<hbm>> -> memref<25600xi32, #tpu.memory_space<hbm>>
      tpu.wait_dma2 semaphore(%run_scoped3A : memref<!tpu.dma_semaphore, #tpu.memory_space<semaphore_mem>>) src(%dma_wait3A_2264 : memref<25600xi32, #tpu.memory_space<hbm>>) dst(%arg5 : memref<25600xi32, #tpu.memory_space<vmem>>)
      tpu.yield
    }) : () -> ()
    %iota3A = tpu.iota {dimensions = array<i32: 0>} : vector<16xi32>
    %add3A_7 = arith.constant 0 : i32
    %add3A_8 = vector.broadcast %add3A_7 : i32 to vector<16xi32>
    %add3A_9 = arith.addi %iota3A, %add3A_8 : vector<16xi32>
    %rem3A = arith.constant 16 : i32
    %rem3A_10 = vector.broadcast %rem3A : i32 to vector<16xi32>
    %rem3A_11 = arith.remsi %add3A_9, %rem3A_10 : vector<16xi32>
    %add3A_12 = arith.constant 1 : i32
    %add3A_13 = vector.broadcast %add3A_12 : i32 to vector<16xi32>
    %add3A_14 = arith.addi %iota3A, %add3A_13 : vector<16xi32>
    %rem3A_15 = arith.constant 16 : i32
    %rem3A_16 = vector.broadcast %rem3A_15 : i32 to vector<16xi32>
    %rem3A_17 = arith.remsi %add3A_14, %rem3A_16 : vector<16xi32>
    %add3A_18 = arith.constant 2 : i32
    %add3A_19 = vector.broadcast %add3A_18 : i32 to vector<16xi32>
    %add3A_20 = arith.addi %iota3A, %add3A_19 : vector<16xi32>
    %rem3A_21 = arith.constant 16 : i32
    %rem3A_22 = vector.broadcast %rem3A_21 : i32 to vector<16xi32>
    %rem3A_23 = arith.remsi %add3A_20, %rem3A_22 : vector<16xi32>
    %add3A_24 = arith.constant 3 : i32
    %add3A_25 = vector.broadcast %add3A_24 : i32 to vector<16xi32>
    %add3A_26 = arith.addi %iota3A, %add3A_25 : vector<16xi32>
    %rem3A_27 = arith.constant 16 : i32
    %rem3A_28 = vector.broadcast %rem3A_27 : i32 to vector<16xi32>
    %rem3A_29 = arith.remsi %add3A_26, %rem3A_28 : vector<16xi32>
    %add3A_30 = arith.constant 4 : i32
    %add3A_31 = vector.broadcast %add3A_30 : i32 to vector<16xi32>
    %add3A_32 = arith.addi %iota3A, %add3A_31 : vector<16xi32>
    %rem3A_33 = arith.constant 16 : i32
    %rem3A_34 = vector.broadcast %rem3A_33 : i32 to vector<16xi32>
    %rem3A_35 = arith.remsi %add3A_32, %rem3A_34 : vector<16xi32>
    %add3A_36 = arith.constant 5 : i32
    %add3A_37 = vector.broadcast %add3A_36 : i32 to vector<16xi32>
    %add3A_38 = arith.addi %iota3A, %add3A_37 : vector<16xi32>
    %rem3A_39 = arith.constant 16 : i32
    %rem3A_40 = vector.broadcast %rem3A_39 : i32 to vector<16xi32>
    %rem3A_41 = arith.remsi %add3A_38, %rem3A_40 : vector<16xi32>
    %add3A_42 = arith.constant 6 : i32
    %add3A_43 = vector.broadcast %add3A_42 : i32 to vector<16xi32>
    %add3A_44 = arith.addi %iota3A, %add3A_43 : vector<16xi32>
    %rem3A_45 = arith.constant 16 : i32
    %rem3A_46 = vector.broadcast %rem3A_45 : i32 to vector<16xi32>
    %rem3A_47 = arith.remsi %add3A_44, %rem3A_46 : vector<16xi32>
    %add3A_48 = arith.constant 7 : i32
    %add3A_49 = vector.broadcast %add3A_48 : i32 to vector<16xi32>
    %add3A_50 = arith.addi %iota3A, %add3A_49 : vector<16xi32>
    %rem3A_51 = arith.constant 16 : i32
    %rem3A_52 = vector.broadcast %rem3A_51 : i32 to vector<16xi32>
    %rem3A_53 = arith.remsi %add3A_50, %rem3A_52 : vector<16xi32>
    %add3A_54 = arith.constant 8 : i32
    %add3A_55 = vector.broadcast %add3A_54 : i32 to vector<16xi32>
    %add3A_56 = arith.addi %iota3A, %add3A_55 : vector<16xi32>
    %rem3A_57 = arith.constant 16 : i32
    %rem3A_58 = vector.broadcast %rem3A_57 : i32 to vector<16xi32>
    %rem3A_59 = arith.remsi %add3A_56, %rem3A_58 : vector<16xi32>
    %add3A_60 = arith.constant 9 : i32
    %add3A_61 = vector.broadcast %add3A_60 : i32 to vector<16xi32>
    %add3A_62 = arith.addi %iota3A, %add3A_61 : vector<16xi32>
    %rem3A_63 = arith.constant 16 : i32
    %rem3A_64 = vector.broadcast %rem3A_63 : i32 to vector<16xi32>
    %rem3A_65 = arith.remsi %add3A_62, %rem3A_64 : vector<16xi32>
    %add3A_66 = arith.constant 10 : i32
    %add3A_67 = vector.broadcast %add3A_66 : i32 to vector<16xi32>
    %add3A_68 = arith.addi %iota3A, %add3A_67 : vector<16xi32>
    %rem3A_69 = arith.constant 16 : i32
    %rem3A_70 = vector.broadcast %rem3A_69 : i32 to vector<16xi32>
    %rem3A_71 = arith.remsi %add3A_68, %rem3A_70 : vector<16xi32>
    %add3A_72 = arith.constant 11 : i32
    %add3A_73 = vector.broadcast %add3A_72 : i32 to vector<16xi32>
    %add3A_74 = arith.addi %iota3A, %add3A_73 : vector<16xi32>
    %rem3A_75 = arith.constant 16 : i32
    %rem3A_76 = vector.broadcast %rem3A_75 : i32 to vector<16xi32>
    %rem3A_77 = arith.remsi %add3A_74, %rem3A_76 : vector<16xi32>
    %add3A_78 = arith.constant 12 : i32
    %add3A_79 = vector.broadcast %add3A_78 : i32 to vector<16xi32>
    %add3A_80 = arith.addi %iota3A, %add3A_79 : vector<16xi32>
    %rem3A_81 = arith.constant 16 : i32
    %rem3A_82 = vector.broadcast %rem3A_81 : i32 to vector<16xi32>
    %rem3A_83 = arith.remsi %add3A_80, %rem3A_82 : vector<16xi32>
    %add3A_84 = arith.constant 13 : i32
    %add3A_85 = vector.broadcast %add3A_84 : i32 to vector<16xi32>
    %add3A_86 = arith.addi %iota3A, %add3A_85 : vector<16xi32>
    %rem3A_87 = arith.constant 16 : i32
    %rem3A_88 = vector.broadcast %rem3A_87 : i32 to vector<16xi32>
    %rem3A_89 = arith.remsi %add3A_86, %rem3A_88 : vector<16xi32>
    %add3A_90 = arith.constant 14 : i32
    %add3A_91 = vector.broadcast %add3A_90 : i32 to vector<16xi32>
    %add3A_92 = arith.addi %iota3A, %add3A_91 : vector<16xi32>
    %rem3A_93 = arith.constant 16 : i32
    %rem3A_94 = vector.broadcast %rem3A_93 : i32 to vector<16xi32>
    %rem3A_95 = arith.remsi %add3A_92, %rem3A_94 : vector<16xi32>
    %add3A_96 = arith.constant 15 : i32
    %add3A_97 = vector.broadcast %add3A_96 : i32 to vector<16xi32>
    %add3A_98 = arith.addi %iota3A, %add3A_97 : vector<16xi32>
    %rem3A_99 = arith.constant 16 : i32
    %rem3A_100 = vector.broadcast %rem3A_99 : i32 to vector<16xi32>
    %rem3A_101 = arith.remsi %add3A_98, %rem3A_100 : vector<16xi32>
    %add3A_102 = arith.constant 0 : i32
    %add3A_103 = vector.broadcast %add3A_102 : i32 to vector<16xi32>
    %add3A_104 = arith.addi %iota3A, %add3A_103 : vector<16xi32>
    %jit3A = arith.constant 8 : i32
    %div3A = vector.broadcast %jit3A : i32 to vector<16xi32>
    %div3A_105 = arith.divsi %add3A_104, %div3A : vector<16xi32>
    %sign3A = arith.constant 0 : i32
    %sign3A_106 = vector.broadcast %sign3A : i32 to vector<16xi32>
    %sign3A_107 = arith.cmpi sgt, %add3A_104, %sign3A_106 : vector<16xi32>
    %sign3A_108 = arith.extui %sign3A_107 : vector<16xi1> to vector<16xi32>
    %sign3A_109 = arith.constant 0 : i32
    %sign3A_110 = vector.broadcast %sign3A_109 : i32 to vector<16xi32>
    %sign3A_111 = arith.cmpi slt, %add3A_104, %sign3A_110 : vector<16xi32>
    %sign3A_112 = arith.extui %sign3A_111 : vector<16xi1> to vector<16xi32>
    %sign3A_113 = arith.subi %sign3A_108, %sign3A_112 : vector<16xi32>
    %sign3A_114 = arith.constant 0 : i32
    %sign3A_115 = arith.cmpi sgt, %jit3A, %sign3A_114 : i32
    %sign3A_116 = arith.extui %sign3A_115 : i1 to i32
    %sign3A_117 = arith.constant 0 : i32
    %sign3A_118 = arith.cmpi slt, %jit3A, %sign3A_117 : i32
    %sign3A_119 = arith.extui %sign3A_118 : i1 to i32
    %sign3A_120 = arith.subi %sign3A_116, %sign3A_119 : i32
    %ne3A = vector.broadcast %sign3A_120 : i32 to vector<16xi32>
    %ne3A_121 = arith.cmpi ne, %sign3A_113, %ne3A : vector<16xi32>
    %rem3A_122 = vector.broadcast %jit3A : i32 to vector<16xi32>
    %rem3A_123 = arith.remsi %add3A_104, %rem3A_122 : vector<16xi32>
    %ne3A_124 = arith.constant 0 : i32
    %ne3A_125 = vector.broadcast %ne3A_124 : i32 to vector<16xi32>
    %ne3A_126 = arith.cmpi ne, %rem3A_123, %ne3A_125 : vector<16xi32>
    %and3A = arith.andi %ne3A_121, %ne3A_126 : vector<16xi1>
    %sub3A = arith.constant 1 : i32
    %sub3A_127 = vector.broadcast %sub3A : i32 to vector<16xi32>
    %sub3A_128 = arith.subi %div3A_105, %sub3A_127 : vector<16xi32>
    %select_n3A = arith.select %and3A, %sub3A_128, %div3A_105 : vector<16xi1>, vector<16xi32>
    %mul3A_129 = arith.constant 2048 : i32
    %mul3A_130 = vector.broadcast %mul3A_129 : i32 to vector<16xi32>
    %mul3A_131 = arith.muli %select_n3A, %mul3A_130 : vector<16xi32>
    %add3A_132 = arith.constant 0 : i32
    %add3A_133 = vector.broadcast %add3A_132 : i32 to vector<16xi32>
    %add3A_134 = arith.addi %iota3A, %add3A_133 : vector<16xi32>
    %jit3A_135 = arith.constant 8 : i32
    %eq3A = arith.constant 0 : i32
    %eq3A_136 = arith.cmpi eq, %jit3A_135, %eq3A : i32
    %jit3A_137 = arith.constant 1 : i32
    %select_n3A_138 = arith.select %eq3A_136, %jit3A_137, %jit3A_135 : i32
    %rem3A_139 = vector.broadcast %select_n3A_138 : i32 to vector<16xi32>
    %rem3A_140 = arith.remsi %add3A_134, %rem3A_139 : vector<16xi32>
    %ne3A_141 = arith.constant 0 : i32
    %ne3A_142 = vector.broadcast %ne3A_141 : i32 to vector<16xi32>
    %ne3A_143 = arith.cmpi ne, %rem3A_140, %ne3A_142 : vector<16xi32>
    %lt3A = arith.constant 0 : i32
    %lt3A_144 = vector.broadcast %lt3A : i32 to vector<16xi32>
    %lt3A_145 = arith.cmpi slt, %rem3A_140, %lt3A_144 : vector<16xi32>
    %lt3A_146 = arith.constant 0 : i32
    %lt3A_147 = arith.cmpi slt, %select_n3A_138, %lt3A_146 : i32
    %ne3A_148 = vector.broadcast %lt3A_147 : i1 to vector<16xi1>
    %ne3A_149 = vector.broadcast %ne3A_148 : vector<16xi1> to vector<16xi1>
    %ne3A_150 = arith.xori %lt3A_145, %ne3A_149 : vector<16xi1>
    %and3A_151 = arith.andi %ne3A_150, %ne3A_143 : vector<16xi1>
    %add3A_152 = vector.broadcast %select_n3A_138 : i32 to vector<16xi32>
    %add3A_153 = arith.addi %rem3A_140, %add3A_152 : vector<16xi32>
    %select_n3A_154 = arith.select %and3A_151, %add3A_153, %rem3A_140 : vector<16xi1>, vector<16xi32>
    %mul3A_155 = arith.constant 128 : i32
    %mul3A_156 = vector.broadcast %mul3A_155 : i32 to vector<16xi32>
    %mul3A_157 = arith.muli %select_n3A_154, %mul3A_156 : vector<16xi32>
    %add3A_158 = arith.addi %mul3A_131, %mul3A_157 : vector<16xi32>
    %add3A_159 = arith.addi %add3A_158, %rem3A_11 : vector<16xi32>
    %add3A_160 = arith.constant 0 : i32
    %add3A_161 = vector.broadcast %add3A_160 : i32 to vector<16xi32>
    %add3A_162 = arith.addi %iota3A, %add3A_161 : vector<16xi32>
    %jit3A_163 = arith.constant 8 : i32
    %div3A_164 = vector.broadcast %jit3A_163 : i32 to vector<16xi32>
    %div3A_165 = arith.divsi %add3A_162, %div3A_164 : vector<16xi32>
    %sign3A_166 = arith.constant 0 : i32
    %sign3A_167 = vector.broadcast %sign3A_166 : i32 to vector<16xi32>
    %sign3A_168 = arith.cmpi sgt, %add3A_162, %sign3A_167 : vector<16xi32>
    %sign3A_169 = arith.extui %sign3A_168 : vector<16xi1> to vector<16xi32>
    %sign3A_170 = arith.constant 0 : i32
    %sign3A_171 = vector.broadcast %sign3A_170 : i32 to vector<16xi32>
    %sign3A_172 = arith.cmpi slt, %add3A_162, %sign3A_171 : vector<16xi32>
    %sign3A_173 = arith.extui %sign3A_172 : vector<16xi1> to vector<16xi32>
    %sign3A_174 = arith.subi %sign3A_169, %sign3A_173 : vector<16xi32>
    %sign3A_175 = arith.constant 0 : i32
    %sign3A_176 = arith.cmpi sgt, %jit3A_163, %sign3A_175 : i32
    %sign3A_177 = arith.extui %sign3A_176 : i1 to i32
    %sign3A_178 = arith.constant 0 : i32
    %sign3A_179 = arith.cmpi slt, %jit3A_163, %sign3A_178 : i32
    %sign3A_180 = arith.extui %sign3A_179 : i1 to i32
    %sign3A_181 = arith.subi %sign3A_177, %sign3A_180 : i32
    %ne3A_182 = vector.broadcast %sign3A_181 : i32 to vector<16xi32>
    %ne3A_183 = arith.cmpi ne, %sign3A_174, %ne3A_182 : vector<16xi32>
    %rem3A_184 = vector.broadcast %jit3A_163 : i32 to vector<16xi32>
    %rem3A_185 = arith.remsi %add3A_162, %rem3A_184 : vector<16xi32>
    %ne3A_186 = arith.constant 0 : i32
    %ne3A_187 = vector.broadcast %ne3A_186 : i32 to vector<16xi32>
    %ne3A_188 = arith.cmpi ne, %rem3A_185, %ne3A_187 : vector<16xi32>
    %and3A_189 = arith.andi %ne3A_183, %ne3A_188 : vector<16xi1>
    %sub3A_190 = arith.constant 1 : i32
    %sub3A_191 = vector.broadcast %sub3A_190 : i32 to vector<16xi32>
    %sub3A_192 = arith.subi %div3A_165, %sub3A_191 : vector<16xi32>
    %select_n3A_193 = arith.select %and3A_189, %sub3A_192, %div3A_165 : vector<16xi1>, vector<16xi32>
    %mul3A_194 = arith.constant 2048 : i32
    %mul3A_195 = vector.broadcast %mul3A_194 : i32 to vector<16xi32>
    %mul3A_196 = arith.muli %select_n3A_193, %mul3A_195 : vector<16xi32>
    %add3A_197 = arith.constant 0 : i32
    %add3A_198 = vector.broadcast %add3A_197 : i32 to vector<16xi32>
    %add3A_199 = arith.addi %iota3A, %add3A_198 : vector<16xi32>
    %jit3A_200 = arith.constant 8 : i32
    %eq3A_201 = arith.constant 0 : i32
    %eq3A_202 = arith.cmpi eq, %jit3A_200, %eq3A_201 : i32
    %jit3A_203 = arith.constant 1 : i32
    %select_n3A_204 = arith.select %eq3A_202, %jit3A_203, %jit3A_200 : i32
    %rem3A_205 = vector.broadcast %select_n3A_204 : i32 to vector<16xi32>
    %rem3A_206 = arith.remsi %add3A_199, %rem3A_205 : vector<16xi32>
    %ne3A_207 = arith.constant 0 : i32
    %ne3A_208 = vector.broadcast %ne3A_207 : i32 to vector<16xi32>
    %ne3A_209 = arith.cmpi ne, %rem3A_206, %ne3A_208 : vector<16xi32>
    %lt3A_210 = arith.constant 0 : i32
    %lt3A_211 = vector.broadcast %lt3A_210 : i32 to vector<16xi32>
    %lt3A_212 = arith.cmpi slt, %rem3A_206, %lt3A_211 : vector<16xi32>
    %lt3A_213 = arith.constant 0 : i32
    %lt3A_214 = arith.cmpi slt, %select_n3A_204, %lt3A_213 : i32
    %ne3A_215 = vector.broadcast %lt3A_214 : i1 to vector<16xi1>
    %ne3A_216 = vector.broadcast %ne3A_215 : vector<16xi1> to vector<16xi1>
    %ne3A_217 = arith.xori %lt3A_212, %ne3A_216 : vector<16xi1>
    %and3A_218 = arith.andi %ne3A_217, %ne3A_209 : vector<16xi1>
    %add3A_219 = vector.broadcast %select_n3A_204 : i32 to vector<16xi32>
    %add3A_220 = arith.addi %rem3A_206, %add3A_219 : vector<16xi32>
    %select_n3A_221 = arith.select %and3A_218, %add3A_220, %rem3A_206 : vector<16xi1>, vector<16xi32>
    %mul3A_222 = arith.constant 128 : i32
    %mul3A_223 = vector.broadcast %mul3A_222 : i32 to vector<16xi32>
    %mul3A_224 = arith.muli %select_n3A_221, %mul3A_223 : vector<16xi32>
    %add3A_225 = arith.addi %mul3A_196, %mul3A_224 : vector<16xi32>
    %add3A_226 = arith.addi %add3A_225, %rem3A_17 : vector<16xi32>
    %add3A_227 = arith.constant 0 : i32
    %add3A_228 = vector.broadcast %add3A_227 : i32 to vector<16xi32>
    %add3A_229 = arith.addi %iota3A, %add3A_228 : vector<16xi32>
    %jit3A_230 = arith.constant 8 : i32
    %div3A_231 = vector.broadcast %jit3A_230 : i32 to vector<16xi32>
    %div3A_232 = arith.divsi %add3A_229, %div3A_231 : vector<16xi32>
    %sign3A_233 = arith.constant 0 : i32
    %sign3A_234 = vector.broadcast %sign3A_233 : i32 to vector<16xi32>
    %sign3A_235 = arith.cmpi sgt, %add3A_229, %sign3A_234 : vector<16xi32>
    %sign3A_236 = arith.extui %sign3A_235 : vector<16xi1> to vector<16xi32>
    %sign3A_237 = arith.constant 0 : i32
    %sign3A_238 = vector.broadcast %sign3A_237 : i32 to vector<16xi32>
    %sign3A_239 = arith.cmpi slt, %add3A_229, %sign3A_238 : vector<16xi32>
    %sign3A_240 = arith.extui %sign3A_239 : vector<16xi1> to vector<16xi32>
    %sign3A_241 = arith.subi %sign3A_236, %sign3A_240 : vector<16xi32>
    %sign3A_242 = arith.constant 0 : i32
    %sign3A_243 = arith.cmpi sgt, %jit3A_230, %sign3A_242 : i32
    %sign3A_244 = arith.extui %sign3A_243 : i1 to i32
    %sign3A_245 = arith.constant 0 : i32
    %sign3A_246 = arith.cmpi slt, %jit3A_230, %sign3A_245 : i32
    %sign3A_247 = arith.extui %sign3A_246 : i1 to i32
    %sign3A_248 = arith.subi %sign3A_244, %sign3A_247 : i32
    %ne3A_249 = vector.broadcast %sign3A_248 : i32 to vector<16xi32>
    %ne3A_250 = arith.cmpi ne, %sign3A_241, %ne3A_249 : vector<16xi32>
    %rem3A_251 = vector.broadcast %jit3A_230 : i32 to vector<16xi32>
    %rem3A_252 = arith.remsi %add3A_229, %rem3A_251 : vector<16xi32>
    %ne3A_253 = arith.constant 0 : i32
    %ne3A_254 = vector.broadcast %ne3A_253 : i32 to vector<16xi32>
    %ne3A_255 = arith.cmpi ne, %rem3A_252, %ne3A_254 : vector<16xi32>
    %and3A_256 = arith.andi %ne3A_250, %ne3A_255 : vector<16xi1>
    %sub3A_257 = arith.constant 1 : i32
    %sub3A_258 = vector.broadcast %sub3A_257 : i32 to vector<16xi32>
    %sub3A_259 = arith.subi %div3A_232, %sub3A_258 : vector<16xi32>
    %select_n3A_260 = arith.select %and3A_256, %sub3A_259, %div3A_232 : vector<16xi1>, vector<16xi32>
    %mul3A_261 = arith.constant 2048 : i32
    %mul3A_262 = vector.broadcast %mul3A_261 : i32 to vector<16xi32>
    %mul3A_263 = arith.muli %select_n3A_260, %mul3A_262 : vector<16xi32>
    %add3A_264 = arith.constant 0 : i32
    %add3A_265 = vector.broadcast %add3A_264 : i32 to vector<16xi32>
    %add3A_266 = arith.addi %iota3A, %add3A_265 : vector<16xi32>
    %jit3A_267 = arith.constant 8 : i32
    %eq3A_268 = arith.constant 0 : i32
    %eq3A_269 = arith.cmpi eq, %jit3A_267, %eq3A_268 : i32
    %jit3A_270 = arith.constant 1 : i32
    %select_n3A_271 = arith.select %eq3A_269, %jit3A_270, %jit3A_267 : i32
    %rem3A_272 = vector.broadcast %select_n3A_271 : i32 to vector<16xi32>
    %rem3A_273 = arith.remsi %add3A_266, %rem3A_272 : vector<16xi32>
    %ne3A_274 = arith.constant 0 : i32
    %ne3A_275 = vector.broadcast %ne3A_274 : i32 to vector<16xi32>
    %ne3A_276 = arith.cmpi ne, %rem3A_273, %ne3A_275 : vector<16xi32>
    %lt3A_277 = arith.constant 0 : i32
    %lt3A_278 = vector.broadcast %lt3A_277 : i32 to vector<16xi32>
    %lt3A_279 = arith.cmpi slt, %rem3A_273, %lt3A_278 : vector<16xi32>
    %lt3A_280 = arith.constant 0 : i32
    %lt3A_281 = arith.cmpi slt, %select_n3A_271, %lt3A_280 : i32
    %ne3A_282 = vector.broadcast %lt3A_281 : i1 to vector<16xi1>
    %ne3A_283 = vector.broadcast %ne3A_282 : vector<16xi1> to vector<16xi1>
    %ne3A_284 = arith.xori %lt3A_279, %ne3A_283 : vector<16xi1>
    %and3A_285 = arith.andi %ne3A_284, %ne3A_276 : vector<16xi1>
    %add3A_286 = vector.broadcast %select_n3A_271 : i32 to vector<16xi32>
    %add3A_287 = arith.addi %rem3A_273, %add3A_286 : vector<16xi32>
    %select_n3A_288 = arith.select %and3A_285, %add3A_287, %rem3A_273 : vector<16xi1>, vector<16xi32>
    %mul3A_289 = arith.constant 128 : i32
    %mul3A_290 = vector.broadcast %mul3A_289 : i32 to vector<16xi32>
    %mul3A_291 = arith.muli %select_n3A_288, %mul3A_290 : vector<16xi32>
    %add3A_292 = arith.addi %mul3A_263, %mul3A_291 : vector<16xi32>
    %add3A_293 = arith.addi %add3A_292, %rem3A_23 : vector<16xi32>
    %add3A_294 = arith.constant 0 : i32
    %add3A_295 = vector.broadcast %add3A_294 : i32 to vector<16xi32>
    %add3A_296 = arith.addi %iota3A, %add3A_295 : vector<16xi32>
    %jit3A_297 = arith.constant 8 : i32
    %div3A_298 = vector.broadcast %jit3A_297 : i32 to vector<16xi32>
    %div3A_299 = arith.divsi %add3A_296, %div3A_298 : vector<16xi32>
    %sign3A_300 = arith.constant 0 : i32
    %sign3A_301 = vector.broadcast %sign3A_300 : i32 to vector<16xi32>
    %sign3A_302 = arith.cmpi sgt, %add3A_296, %sign3A_301 : vector<16xi32>
    %sign3A_303 = arith.extui %sign3A_302 : vector<16xi1> to vector<16xi32>
    %sign3A_304 = arith.constant 0 : i32
    %sign3A_305 = vector.broadcast %sign3A_304 : i32 to vector<16xi32>
    %sign3A_306 = arith.cmpi slt, %add3A_296, %sign3A_305 : vector<16xi32>
    %sign3A_307 = arith.extui %sign3A_306 : vector<16xi1> to vector<16xi32>
    %sign3A_308 = arith.subi %sign3A_303, %sign3A_307 : vector<16xi32>
    %sign3A_309 = arith.constant 0 : i32
    %sign3A_310 = arith.cmpi sgt, %jit3A_297, %sign3A_309 : i32
    %sign3A_311 = arith.extui %sign3A_310 : i1 to i32
    %sign3A_312 = arith.constant 0 : i32
    %sign3A_313 = arith.cmpi slt, %jit3A_297, %sign3A_312 : i32
    %sign3A_314 = arith.extui %sign3A_313 : i1 to i32
    %sign3A_315 = arith.subi %sign3A_311, %sign3A_314 : i32
    %ne3A_316 = vector.broadcast %sign3A_315 : i32 to vector<16xi32>
    %ne3A_317 = arith.cmpi ne, %sign3A_308, %ne3A_316 : vector<16xi32>
    %rem3A_318 = vector.broadcast %jit3A_297 : i32 to vector<16xi32>
    %rem3A_319 = arith.remsi %add3A_296, %rem3A_318 : vector<16xi32>
    %ne3A_320 = arith.constant 0 : i32
    %ne3A_321 = vector.broadcast %ne3A_320 : i32 to vector<16xi32>
    %ne3A_322 = arith.cmpi ne, %rem3A_319, %ne3A_321 : vector<16xi32>
    %and3A_323 = arith.andi %ne3A_317, %ne3A_322 : vector<16xi1>
    %sub3A_324 = arith.constant 1 : i32
    %sub3A_325 = vector.broadcast %sub3A_324 : i32 to vector<16xi32>
    %sub3A_326 = arith.subi %div3A_299, %sub3A_325 : vector<16xi32>
    %select_n3A_327 = arith.select %and3A_323, %sub3A_326, %div3A_299 : vector<16xi1>, vector<16xi32>
    %mul3A_328 = arith.constant 2048 : i32
    %mul3A_329 = vector.broadcast %mul3A_328 : i32 to vector<16xi32>
    %mul3A_330 = arith.muli %select_n3A_327, %mul3A_329 : vector<16xi32>
    %add3A_331 = arith.constant 0 : i32
    %add3A_332 = vector.broadcast %add3A_331 : i32 to vector<16xi32>
    %add3A_333 = arith.addi %iota3A, %add3A_332 : vector<16xi32>
    %jit3A_334 = arith.constant 8 : i32
    %eq3A_335 = arith.constant 0 : i32
    %eq3A_336 = arith.cmpi eq, %jit3A_334, %eq3A_335 : i32
    %jit3A_337 = arith.constant 1 : i32
    %select_n3A_338 = arith.select %eq3A_336, %jit3A_337, %jit3A_334 : i32
    %rem3A_339 = vector.broadcast %select_n3A_338 : i32 to vector<16xi32>
    %rem3A_340 = arith.remsi %add3A_333, %rem3A_339 : vector<16xi32>
    %ne3A_341 = arith.constant 0 : i32
    %ne3A_342 = vector.broadcast %ne3A_341 : i32 to vector<16xi32>
    %ne3A_343 = arith.cmpi ne, %rem3A_340, %ne3A_342 : vector<16xi32>
    %lt3A_344 = arith.constant 0 : i32
    %lt3A_345 = vector.broadcast %lt3A_344 : i32 to vector<16xi32>
    %lt3A_346 = arith.cmpi slt, %rem3A_340, %lt3A_345 : vector<16xi32>
    %lt3A_347 = arith.constant 0 : i32
    %lt3A_348 = arith.cmpi slt, %select_n3A_338, %lt3A_347 : i32
    %ne3A_349 = vector.broadcast %lt3A_348 : i1 to vector<16xi1>
    %ne3A_350 = vector.broadcast %ne3A_349 : vector<16xi1> to vector<16xi1>
    %ne3A_351 = arith.xori %lt3A_346, %ne3A_350 : vector<16xi1>
    %and3A_352 = arith.andi %ne3A_351, %ne3A_343 : vector<16xi1>
    %add3A_353 = vector.broadcast %select_n3A_338 : i32 to vector<16xi32>
    %add3A_354 = arith.addi %rem3A_340, %add3A_353 : vector<16xi32>
    %select_n3A_355 = arith.select %and3A_352, %add3A_354, %rem3A_340 : vector<16xi1>, vector<16xi32>
    %mul3A_356 = arith.constant 128 : i32
    %mul3A_357 = vector.broadcast %mul3A_356 : i32 to vector<16xi32>
    %mul3A_358 = arith.muli %select_n3A_355, %mul3A_357 : vector<16xi32>
    %add3A_359 = arith.addi %mul3A_330, %mul3A_358 : vector<16xi32>
    %add3A_360 = arith.addi %add3A_359, %rem3A_29 : vector<16xi32>
    %add3A_361 = arith.constant 0 : i32
    %add3A_362 = vector.broadcast %add3A_361 : i32 to vector<16xi32>
    %add3A_363 = arith.addi %iota3A, %add3A_362 : vector<16xi32>
    %jit3A_364 = arith.constant 8 : i32
    %div3A_365 = vector.broadcast %jit3A_364 : i32 to vector<16xi32>
    %div3A_366 = arith.divsi %add3A_363, %div3A_365 : vector<16xi32>
    %sign3A_367 = arith.constant 0 : i32
    %sign3A_368 = vector.broadcast %sign3A_367 : i32 to vector<16xi32>
    %sign3A_369 = arith.cmpi sgt, %add3A_363, %sign3A_368 : vector<16xi32>
    %sign3A_370 = arith.extui %sign3A_369 : vector<16xi1> to vector<16xi32>
    %sign3A_371 = arith.constant 0 : i32
    %sign3A_372 = vector.broadcast %sign3A_371 : i32 to vector<16xi32>
    %sign3A_373 = arith.cmpi slt, %add3A_363, %sign3A_372 : vector<16xi32>
    %sign3A_374 = arith.extui %sign3A_373 : vector<16xi1> to vector<16xi32>
    %sign3A_375 = arith.subi %sign3A_370, %sign3A_374 : vector<16xi32>
    %sign3A_376 = arith.constant 0 : i32
    %sign3A_377 = arith.cmpi sgt, %jit3A_364, %sign3A_376 : i32
    %sign3A_378 = arith.extui %sign3A_377 : i1 to i32
    %sign3A_379 = arith.constant 0 : i32
    %sign3A_380 = arith.cmpi slt, %jit3A_364, %sign3A_379 : i32
    %sign3A_381 = arith.extui %sign3A_380 : i1 to i32
    %sign3A_382 = arith.subi %sign3A_378, %sign3A_381 : i32
    %ne3A_383 = vector.broadcast %sign3A_382 : i32 to vector<16xi32>
    %ne3A_384 = arith.cmpi ne, %sign3A_375, %ne3A_383 : vector<16xi32>
    %rem3A_385 = vector.broadcast %jit3A_364 : i32 to vector<16xi32>
    %rem3A_386 = arith.remsi %add3A_363, %rem3A_385 : vector<16xi32>
    %ne3A_387 = arith.constant 0 : i32
    %ne3A_388 = vector.broadcast %ne3A_387 : i32 to vector<16xi32>
    %ne3A_389 = arith.cmpi ne, %rem3A_386, %ne3A_388 : vector<16xi32>
    %and3A_390 = arith.andi %ne3A_384, %ne3A_389 : vector<16xi1>
    %sub3A_391 = arith.constant 1 : i32
    %sub3A_392 = vector.broadcast %sub3A_391 : i32 to vector<16xi32>
    %sub3A_393 = arith.subi %div3A_366, %sub3A_392 : vector<16xi32>
    %select_n3A_394 = arith.select %and3A_390, %sub3A_393, %div3A_366 : vector<16xi1>, vector<16xi32>
    %mul3A_395 = arith.constant 2048 : i32
    %mul3A_396 = vector.broadcast %mul3A_395 : i32 to vector<16xi32>
    %mul3A_397 = arith.muli %select_n3A_394, %mul3A_396 : vector<16xi32>
    %add3A_398 = arith.constant 0 : i32
    %add3A_399 = vector.broadcast %add3A_398 : i32 to vector<16xi32>
    %add3A_400 = arith.addi %iota3A, %add3A_399 : vector<16xi32>
    %jit3A_401 = arith.constant 8 : i32
    %eq3A_402 = arith.constant 0 : i32
    %eq3A_403 = arith.cmpi eq, %jit3A_401, %eq3A_402 : i32
    %jit3A_404 = arith.constant 1 : i32
    %select_n3A_405 = arith.select %eq3A_403, %jit3A_404, %jit3A_401 : i32
    %rem3A_406 = vector.broadcast %select_n3A_405 : i32 to vector<16xi32>
    %rem3A_407 = arith.remsi %add3A_400, %rem3A_406 : vector<16xi32>
    %ne3A_408 = arith.constant 0 : i32
    %ne3A_409 = vector.broadcast %ne3A_408 : i32 to vector<16xi32>
    %ne3A_410 = arith.cmpi ne, %rem3A_407, %ne3A_409 : vector<16xi32>
    %lt3A_411 = arith.constant 0 : i32
    %lt3A_412 = vector.broadcast %lt3A_411 : i32 to vector<16xi32>
    %lt3A_413 = arith.cmpi slt, %rem3A_407, %lt3A_412 : vector<16xi32>
    %lt3A_414 = arith.constant 0 : i32
    %lt3A_415 = arith.cmpi slt, %select_n3A_405, %lt3A_414 : i32
    %ne3A_416 = vector.broadcast %lt3A_415 : i1 to vector<16xi1>
    %ne3A_417 = vector.broadcast %ne3A_416 : vector<16xi1> to vector<16xi1>
    %ne3A_418 = arith.xori %lt3A_413, %ne3A_417 : vector<16xi1>
    %and3A_419 = arith.andi %ne3A_418, %ne3A_410 : vector<16xi1>
    %add3A_420 = vector.broadcast %select_n3A_405 : i32 to vector<16xi32>
    %add3A_421 = arith.addi %rem3A_407, %add3A_420 : vector<16xi32>
    %select_n3A_422 = arith.select %and3A_419, %add3A_421, %rem3A_407 : vector<16xi1>, vector<16xi32>
    %mul3A_423 = arith.constant 128 : i32
    %mul3A_424 = vector.broadcast %mul3A_423 : i32 to vector<16xi32>
    %mul3A_425 = arith.muli %select_n3A_422, %mul3A_424 : vector<16xi32>
    %add3A_426 = arith.addi %mul3A_397, %mul3A_425 : vector<16xi32>
    %add3A_427 = arith.addi %add3A_426, %rem3A_35 : vector<16xi32>
    %add3A_428 = arith.constant 0 : i32
    %add3A_429 = vector.broadcast %add3A_428 : i32 to vector<16xi32>
    %add3A_430 = arith.addi %iota3A, %add3A_429 : vector<16xi32>
    %jit3A_431 = arith.constant 8 : i32
    %div3A_432 = vector.broadcast %jit3A_431 : i32 to vector<16xi32>
    %div3A_433 = arith.divsi %add3A_430, %div3A_432 : vector<16xi32>
    %sign3A_434 = arith.constant 0 : i32
    %sign3A_435 = vector.broadcast %sign3A_434 : i32 to vector<16xi32>
    %sign3A_436 = arith.cmpi sgt, %add3A_430, %sign3A_435 : vector<16xi32>
    %sign3A_437 = arith.extui %sign3A_436 : vector<16xi1> to vector<16xi32>
    %sign3A_438 = arith.constant 0 : i32
    %sign3A_439 = vector.broadcast %sign3A_438 : i32 to vector<16xi32>
    %sign3A_440 = arith.cmpi slt, %add3A_430, %sign3A_439 : vector<16xi32>
    %sign3A_441 = arith.extui %sign3A_440 : vector<16xi1> to vector<16xi32>
    %sign3A_442 = arith.subi %sign3A_437, %sign3A_441 : vector<16xi32>
    %sign3A_443 = arith.constant 0 : i32
    %sign3A_444 = arith.cmpi sgt, %jit3A_431, %sign3A_443 : i32
    %sign3A_445 = arith.extui %sign3A_444 : i1 to i32
    %sign3A_446 = arith.constant 0 : i32
    %sign3A_447 = arith.cmpi slt, %jit3A_431, %sign3A_446 : i32
    %sign3A_448 = arith.extui %sign3A_447 : i1 to i32
    %sign3A_449 = arith.subi %sign3A_445, %sign3A_448 : i32
    %ne3A_450 = vector.broadcast %sign3A_449 : i32 to vector<16xi32>
    %ne3A_451 = arith.cmpi ne, %sign3A_442, %ne3A_450 : vector<16xi32>
    %rem3A_452 = vector.broadcast %jit3A_431 : i32 to vector<16xi32>
    %rem3A_453 = arith.remsi %add3A_430, %rem3A_452 : vector<16xi32>
    %ne3A_454 = arith.constant 0 : i32
    %ne3A_455 = vector.broadcast %ne3A_454 : i32 to vector<16xi32>
    %ne3A_456 = arith.cmpi ne, %rem3A_453, %ne3A_455 : vector<16xi32>
    %and3A_457 = arith.andi %ne3A_451, %ne3A_456 : vector<16xi1>
    %sub3A_458 = arith.constant 1 : i32
    %sub3A_459 = vector.broadcast %sub3A_458 : i32 to vector<16xi32>
    %sub3A_460 = arith.subi %div3A_433, %sub3A_459 : vector<16xi32>
    %select_n3A_461 = arith.select %and3A_457, %sub3A_460, %div3A_433 : vector<16xi1>, vector<16xi32>
    %mul3A_462 = arith.constant 2048 : i32
    %mul3A_463 = vector.broadcast %mul3A_462 : i32 to vector<16xi32>
    %mul3A_464 = arith.muli %select_n3A_461, %mul3A_463 : vector<16xi32>
    %add3A_465 = arith.constant 0 : i32
    %add3A_466 = vector.broadcast %add3A_465 : i32 to vector<16xi32>
    %add3A_467 = arith.addi %iota3A, %add3A_466 : vector<16xi32>
    %jit3A_468 = arith.constant 8 : i32
    %eq3A_469 = arith.constant 0 : i32
    %eq3A_470 = arith.cmpi eq, %jit3A_468, %eq3A_469 : i32
    %jit3A_471 = arith.constant 1 : i32
    %select_n3A_472 = arith.select %eq3A_470, %jit3A_471, %jit3A_468 : i32
    %rem3A_473 = vector.broadcast %select_n3A_472 : i32 to vector<16xi32>
    %rem3A_474 = arith.remsi %add3A_467, %rem3A_473 : vector<16xi32>
    %ne3A_475 = arith.constant 0 : i32
    %ne3A_476 = vector.broadcast %ne3A_475 : i32 to vector<16xi32>
    %ne3A_477 = arith.cmpi ne, %rem3A_474, %ne3A_476 : vector<16xi32>
    %lt3A_478 = arith.constant 0 : i32
    %lt3A_479 = vector.broadcast %lt3A_478 : i32 to vector<16xi32>
    %lt3A_480 = arith.cmpi slt, %rem3A_474, %lt3A_479 : vector<16xi32>
    %lt3A_481 = arith.constant 0 : i32
    %lt3A_482 = arith.cmpi slt, %select_n3A_472, %lt3A_481 : i32
    %ne3A_483 = vector.broadcast %lt3A_482 : i1 to vector<16xi1>
    %ne3A_484 = vector.broadcast %ne3A_483 : vector<16xi1> to vector<16xi1>
    %ne3A_485 = arith.xori %lt3A_480, %ne3A_484 : vector<16xi1>
    %and3A_486 = arith.andi %ne3A_485, %ne3A_477 : vector<16xi1>
    %add3A_487 = vector.broadcast %select_n3A_472 : i32 to vector<16xi32>
    %add3A_488 = arith.addi %rem3A_474, %add3A_487 : vector<16xi32>
    %select_n3A_489 = arith.select %and3A_486, %add3A_488, %rem3A_474 : vector<16xi1>, vector<16xi32>
    %mul3A_490 = arith.constant 128 : i32
    %mul3A_491 = vector.broadcast %mul3A_490 : i32 to vector<16xi32>
    %mul3A_492 = arith.muli %select_n3A_489, %mul3A_491 : vector<16xi32>
    %add3A_493 = arith.addi %mul3A_464, %mul3A_492 : vector<16xi32>
    %add3A_494 = arith.addi %add3A_493, %rem3A_41 : vector<16xi32>
    %add3A_495 = arith.constant 0 : i32
    %add3A_496 = vector.broadcast %add3A_495 : i32 to vector<16xi32>
    %add3A_497 = arith.addi %iota3A, %add3A_496 : vector<16xi32>
    %jit3A_498 = arith.constant 8 : i32
    %div3A_499 = vector.broadcast %jit3A_498 : i32 to vector<16xi32>
    %div3A_500 = arith.divsi %add3A_497, %div3A_499 : vector<16xi32>
    %sign3A_501 = arith.constant 0 : i32
    %sign3A_502 = vector.broadcast %sign3A_501 : i32 to vector<16xi32>
    %sign3A_503 = arith.cmpi sgt, %add3A_497, %sign3A_502 : vector<16xi32>
    %sign3A_504 = arith.extui %sign3A_503 : vector<16xi1> to vector<16xi32>
    %sign3A_505 = arith.constant 0 : i32
    %sign3A_506 = vector.broadcast %sign3A_505 : i32 to vector<16xi32>
    %sign3A_507 = arith.cmpi slt, %add3A_497, %sign3A_506 : vector<16xi32>
    %sign3A_508 = arith.extui %sign3A_507 : vector<16xi1> to vector<16xi32>
    %sign3A_509 = arith.subi %sign3A_504, %sign3A_508 : vector<16xi32>
    %sign3A_510 = arith.constant 0 : i32
    %sign3A_511 = arith.cmpi sgt, %jit3A_498, %sign3A_510 : i32
    %sign3A_512 = arith.extui %sign3A_511 : i1 to i32
    %sign3A_513 = arith.constant 0 : i32
    %sign3A_514 = arith.cmpi slt, %jit3A_498, %sign3A_513 : i32
    %sign3A_515 = arith.extui %sign3A_514 : i1 to i32
    %sign3A_516 = arith.subi %sign3A_512, %sign3A_515 : i32
    %ne3A_517 = vector.broadcast %sign3A_516 : i32 to vector<16xi32>
    %ne3A_518 = arith.cmpi ne, %sign3A_509, %ne3A_517 : vector<16xi32>
    %rem3A_519 = vector.broadcast %jit3A_498 : i32 to vector<16xi32>
    %rem3A_520 = arith.remsi %add3A_497, %rem3A_519 : vector<16xi32>
    %ne3A_521 = arith.constant 0 : i32
    %ne3A_522 = vector.broadcast %ne3A_521 : i32 to vector<16xi32>
    %ne3A_523 = arith.cmpi ne, %rem3A_520, %ne3A_522 : vector<16xi32>
    %and3A_524 = arith.andi %ne3A_518, %ne3A_523 : vector<16xi1>
    %sub3A_525 = arith.constant 1 : i32
    %sub3A_526 = vector.broadcast %sub3A_525 : i32 to vector<16xi32>
    %sub3A_527 = arith.subi %div3A_500, %sub3A_526 : vector<16xi32>
    %select_n3A_528 = arith.select %and3A_524, %sub3A_527, %div3A_500 : vector<16xi1>, vector<16xi32>
    %mul3A_529 = arith.constant 2048 : i32
    %mul3A_530 = vector.broadcast %mul3A_529 : i32 to vector<16xi32>
    %mul3A_531 = arith.muli %select_n3A_528, %mul3A_530 : vector<16xi32>
    %add3A_532 = arith.constant 0 : i32
    %add3A_533 = vector.broadcast %add3A_532 : i32 to vector<16xi32>
    %add3A_534 = arith.addi %iota3A, %add3A_533 : vector<16xi32>
    %jit3A_535 = arith.constant 8 : i32
    %eq3A_536 = arith.constant 0 : i32
    %eq3A_537 = arith.cmpi eq, %jit3A_535, %eq3A_536 : i32
    %jit3A_538 = arith.constant 1 : i32
    %select_n3A_539 = arith.select %eq3A_537, %jit3A_538, %jit3A_535 : i32
    %rem3A_540 = vector.broadcast %select_n3A_539 : i32 to vector<16xi32>
    %rem3A_541 = arith.remsi %add3A_534, %rem3A_540 : vector<16xi32>
    %ne3A_542 = arith.constant 0 : i32
    %ne3A_543 = vector.broadcast %ne3A_542 : i32 to vector<16xi32>
    %ne3A_544 = arith.cmpi ne, %rem3A_541, %ne3A_543 : vector<16xi32>
    %lt3A_545 = arith.constant 0 : i32
    %lt3A_546 = vector.broadcast %lt3A_545 : i32 to vector<16xi32>
    %lt3A_547 = arith.cmpi slt, %rem3A_541, %lt3A_546 : vector<16xi32>
    %lt3A_548 = arith.constant 0 : i32
    %lt3A_549 = arith.cmpi slt, %select_n3A_539, %lt3A_548 : i32
    %ne3A_550 = vector.broadcast %lt3A_549 : i1 to vector<16xi1>
    %ne3A_551 = vector.broadcast %ne3A_550 : vector<16xi1> to vector<16xi1>
    %ne3A_552 = arith.xori %lt3A_547, %ne3A_551 : vector<16xi1>
    %and3A_553 = arith.andi %ne3A_552, %ne3A_544 : vector<16xi1>
    %add3A_554 = vector.broadcast %select_n3A_539 : i32 to vector<16xi32>
    %add3A_555 = arith.addi %rem3A_541, %add3A_554 : vector<16xi32>
    %select_n3A_556 = arith.select %and3A_553, %add3A_555, %rem3A_541 : vector<16xi1>, vector<16xi32>
    %mul3A_557 = arith.constant 128 : i32
    %mul3A_558 = vector.broadcast %mul3A_557 : i32 to vector<16xi32>
    %mul3A_559 = arith.muli %select_n3A_556, %mul3A_558 : vector<16xi32>
    %add3A_560 = arith.addi %mul3A_531, %mul3A_559 : vector<16xi32>
    %add3A_561 = arith.addi %add3A_560, %rem3A_47 : vector<16xi32>
    %add3A_562 = arith.constant 0 : i32
    %add3A_563 = vector.broadcast %add3A_562 : i32 to vector<16xi32>
    %add3A_564 = arith.addi %iota3A, %add3A_563 : vector<16xi32>
    %jit3A_565 = arith.constant 8 : i32
    %div3A_566 = vector.broadcast %jit3A_565 : i32 to vector<16xi32>
    %div3A_567 = arith.divsi %add3A_564, %div3A_566 : vector<16xi32>
    %sign3A_568 = arith.constant 0 : i32
    %sign3A_569 = vector.broadcast %sign3A_568 : i32 to vector<16xi32>
    %sign3A_570 = arith.cmpi sgt, %add3A_564, %sign3A_569 : vector<16xi32>
    %sign3A_571 = arith.extui %sign3A_570 : vector<16xi1> to vector<16xi32>
    %sign3A_572 = arith.constant 0 : i32
    %sign3A_573 = vector.broadcast %sign3A_572 : i32 to vector<16xi32>
    %sign3A_574 = arith.cmpi slt, %add3A_564, %sign3A_573 : vector<16xi32>
    %sign3A_575 = arith.extui %sign3A_574 : vector<16xi1> to vector<16xi32>
    %sign3A_576 = arith.subi %sign3A_571, %sign3A_575 : vector<16xi32>
    %sign3A_577 = arith.constant 0 : i32
    %sign3A_578 = arith.cmpi sgt, %jit3A_565, %sign3A_577 : i32
    %sign3A_579 = arith.extui %sign3A_578 : i1 to i32
    %sign3A_580 = arith.constant 0 : i32
    %sign3A_581 = arith.cmpi slt, %jit3A_565, %sign3A_580 : i32
    %sign3A_582 = arith.extui %sign3A_581 : i1 to i32
    %sign3A_583 = arith.subi %sign3A_579, %sign3A_582 : i32
    %ne3A_584 = vector.broadcast %sign3A_583 : i32 to vector<16xi32>
    %ne3A_585 = arith.cmpi ne, %sign3A_576, %ne3A_584 : vector<16xi32>
    %rem3A_586 = vector.broadcast %jit3A_565 : i32 to vector<16xi32>
    %rem3A_587 = arith.remsi %add3A_564, %rem3A_586 : vector<16xi32>
    %ne3A_588 = arith.constant 0 : i32
    %ne3A_589 = vector.broadcast %ne3A_588 : i32 to vector<16xi32>
    %ne3A_590 = arith.cmpi ne, %rem3A_587, %ne3A_589 : vector<16xi32>
    %and3A_591 = arith.andi %ne3A_585, %ne3A_590 : vector<16xi1>
    %sub3A_592 = arith.constant 1 : i32
    %sub3A_593 = vector.broadcast %sub3A_592 : i32 to vector<16xi32>
    %sub3A_594 = arith.subi %div3A_567, %sub3A_593 : vector<16xi32>
    %select_n3A_595 = arith.select %and3A_591, %sub3A_594, %div3A_567 : vector<16xi1>, vector<16xi32>
    %mul3A_596 = arith.constant 2048 : i32
    %mul3A_597 = vector.broadcast %mul3A_596 : i32 to vector<16xi32>
    %mul3A_598 = arith.muli %select_n3A_595, %mul3A_597 : vector<16xi32>
    %add3A_599 = arith.constant 0 : i32
    %add3A_600 = vector.broadcast %add3A_599 : i32 to vector<16xi32>
    %add3A_601 = arith.addi %iota3A, %add3A_600 : vector<16xi32>
    %jit3A_602 = arith.constant 8 : i32
    %eq3A_603 = arith.constant 0 : i32
    %eq3A_604 = arith.cmpi eq, %jit3A_602, %eq3A_603 : i32
    %jit3A_605 = arith.constant 1 : i32
    %select_n3A_606 = arith.select %eq3A_604, %jit3A_605, %jit3A_602 : i32
    %rem3A_607 = vector.broadcast %select_n3A_606 : i32 to vector<16xi32>
    %rem3A_608 = arith.remsi %add3A_601, %rem3A_607 : vector<16xi32>
    %ne3A_609 = arith.constant 0 : i32
    %ne3A_610 = vector.broadcast %ne3A_609 : i32 to vector<16xi32>
    %ne3A_611 = arith.cmpi ne, %rem3A_608, %ne3A_610 : vector<16xi32>
    %lt3A_612 = arith.constant 0 : i32
    %lt3A_613 = vector.broadcast %lt3A_612 : i32 to vector<16xi32>
    %lt3A_614 = arith.cmpi slt, %rem3A_608, %lt3A_613 : vector<16xi32>
    %lt3A_615 = arith.constant 0 : i32
    %lt3A_616 = arith.cmpi slt, %select_n3A_606, %lt3A_615 : i32
    %ne3A_617 = vector.broadcast %lt3A_616 : i1 to vector<16xi1>
    %ne3A_618 = vector.broadcast %ne3A_617 : vector<16xi1> to vector<16xi1>
    %ne3A_619 = arith.xori %lt3A_614, %ne3A_618 : vector<16xi1>
    %and3A_620 = arith.andi %ne3A_619, %ne3A_611 : vector<16xi1>
    %add3A_621 = vector.broadcast %select_n3A_606 : i32 to vector<16xi32>
    %add3A_622 = arith.addi %rem3A_608, %add3A_621 : vector<16xi32>
    %select_n3A_623 = arith.select %and3A_620, %add3A_622, %rem3A_608 : vector<16xi1>, vector<16xi32>
    %mul3A_624 = arith.constant 128 : i32
    %mul3A_625 = vector.broadcast %mul3A_624 : i32 to vector<16xi32>
    %mul3A_626 = arith.muli %select_n3A_623, %mul3A_625 : vector<16xi32>
    %add3A_627 = arith.addi %mul3A_598, %mul3A_626 : vector<16xi32>
    %add3A_628 = arith.addi %add3A_627, %rem3A_53 : vector<16xi32>
    %add3A_629 = arith.constant 0 : i32
    %add3A_630 = vector.broadcast %add3A_629 : i32 to vector<16xi32>
    %add3A_631 = arith.addi %iota3A, %add3A_630 : vector<16xi32>
    %jit3A_632 = arith.constant 8 : i32
    %div3A_633 = vector.broadcast %jit3A_632 : i32 to vector<16xi32>
    %div3A_634 = arith.divsi %add3A_631, %div3A_633 : vector<16xi32>
    %sign3A_635 = arith.constant 0 : i32
    %sign3A_636 = vector.broadcast %sign3A_635 : i32 to vector<16xi32>
    %sign3A_637 = arith.cmpi sgt, %add3A_631, %sign3A_636 : vector<16xi32>
    %sign3A_638 = arith.extui %sign3A_637 : vector<16xi1> to vector<16xi32>
    %sign3A_639 = arith.constant 0 : i32
    %sign3A_640 = vector.broadcast %sign3A_639 : i32 to vector<16xi32>
    %sign3A_641 = arith.cmpi slt, %add3A_631, %sign3A_640 : vector<16xi32>
    %sign3A_642 = arith.extui %sign3A_641 : vector<16xi1> to vector<16xi32>
    %sign3A_643 = arith.subi %sign3A_638, %sign3A_642 : vector<16xi32>
    %sign3A_644 = arith.constant 0 : i32
    %sign3A_645 = arith.cmpi sgt, %jit3A_632, %sign3A_644 : i32
    %sign3A_646 = arith.extui %sign3A_645 : i1 to i32
    %sign3A_647 = arith.constant 0 : i32
    %sign3A_648 = arith.cmpi slt, %jit3A_632, %sign3A_647 : i32
    %sign3A_649 = arith.extui %sign3A_648 : i1 to i32
    %sign3A_650 = arith.subi %sign3A_646, %sign3A_649 : i32
    %ne3A_651 = vector.broadcast %sign3A_650 : i32 to vector<16xi32>
    %ne3A_652 = arith.cmpi ne, %sign3A_643, %ne3A_651 : vector<16xi32>
    %rem3A_653 = vector.broadcast %jit3A_632 : i32 to vector<16xi32>
    %rem3A_654 = arith.remsi %add3A_631, %rem3A_653 : vector<16xi32>
    %ne3A_655 = arith.constant 0 : i32
    %ne3A_656 = vector.broadcast %ne3A_655 : i32 to vector<16xi32>
    %ne3A_657 = arith.cmpi ne, %rem3A_654, %ne3A_656 : vector<16xi32>
    %and3A_658 = arith.andi %ne3A_652, %ne3A_657 : vector<16xi1>
    %sub3A_659 = arith.constant 1 : i32
    %sub3A_660 = vector.broadcast %sub3A_659 : i32 to vector<16xi32>
    %sub3A_661 = arith.subi %div3A_634, %sub3A_660 : vector<16xi32>
    %select_n3A_662 = arith.select %and3A_658, %sub3A_661, %div3A_634 : vector<16xi1>, vector<16xi32>
    %mul3A_663 = arith.constant 2048 : i32
    %mul3A_664 = vector.broadcast %mul3A_663 : i32 to vector<16xi32>
    %mul3A_665 = arith.muli %select_n3A_662, %mul3A_664 : vector<16xi32>
    %add3A_666 = arith.constant 0 : i32
    %add3A_667 = vector.broadcast %add3A_666 : i32 to vector<16xi32>
    %add3A_668 = arith.addi %iota3A, %add3A_667 : vector<16xi32>
    %jit3A_669 = arith.constant 8 : i32
    %eq3A_670 = arith.constant 0 : i32
    %eq3A_671 = arith.cmpi eq, %jit3A_669, %eq3A_670 : i32
    %jit3A_672 = arith.constant 1 : i32
    %select_n3A_673 = arith.select %eq3A_671, %jit3A_672, %jit3A_669 : i32
    %rem3A_674 = vector.broadcast %select_n3A_673 : i32 to vector<16xi32>
    %rem3A_675 = arith.remsi %add3A_668, %rem3A_674 : vector<16xi32>
    %ne3A_676 = arith.constant 0 : i32
    %ne3A_677 = vector.broadcast %ne3A_676 : i32 to vector<16xi32>
    %ne3A_678 = arith.cmpi ne, %rem3A_675, %ne3A_677 : vector<16xi32>
    %lt3A_679 = arith.constant 0 : i32
    %lt3A_680 = vector.broadcast %lt3A_679 : i32 to vector<16xi32>
    %lt3A_681 = arith.cmpi slt, %rem3A_675, %lt3A_680 : vector<16xi32>
    %lt3A_682 = arith.constant 0 : i32
    %lt3A_683 = arith.cmpi slt, %select_n3A_673, %lt3A_682 : i32
    %ne3A_684 = vector.broadcast %lt3A_683 : i1 to vector<16xi1>
    %ne3A_685 = vector.broadcast %ne3A_684 : vector<16xi1> to vector<16xi1>
    %ne3A_686 = arith.xori %lt3A_681, %ne3A_685 : vector<16xi1>
    %and3A_687 = arith.andi %ne3A_686, %ne3A_678 : vector<16xi1>
    %add3A_688 = vector.broadcast %select_n3A_673 : i32 to vector<16xi32>
    %add3A_689 = arith.addi %rem3A_675, %add3A_688 : vector<16xi32>
    %select_n3A_690 = arith.select %and3A_687, %add3A_689, %rem3A_675 : vector<16xi1>, vector<16xi32>
    %mul3A_691 = arith.constant 128 : i32
    %mul3A_692 = vector.broadcast %mul3A_691 : i32 to vector<16xi32>
    %mul3A_693 = arith.muli %select_n3A_690, %mul3A_692 : vector<16xi32>
    %add3A_694 = arith.addi %mul3A_665, %mul3A_693 : vector<16xi32>
    %add3A_695 = arith.addi %add3A_694, %rem3A_59 : vector<16xi32>
    %add3A_696 = arith.constant 0 : i32
    %add3A_697 = vector.broadcast %add3A_696 : i32 to vector<16xi32>
    %add3A_698 = arith.addi %iota3A, %add3A_697 : vector<16xi32>
    %jit3A_699 = arith.constant 8 : i32
    %div3A_700 = vector.broadcast %jit3A_699 : i32 to vector<16xi32>
    %div3A_701 = arith.divsi %add3A_698, %div3A_700 : vector<16xi32>
    %sign3A_702 = arith.constant 0 : i32
    %sign3A_703 = vector.broadcast %sign3A_702 : i32 to vector<16xi32>
    %sign3A_704 = arith.cmpi sgt, %add3A_698, %sign3A_703 : vector<16xi32>
    %sign3A_705 = arith.extui %sign3A_704 : vector<16xi1> to vector<16xi32>
    %sign3A_706 = arith.constant 0 : i32
    %sign3A_707 = vector.broadcast %sign3A_706 : i32 to vector<16xi32>
    %sign3A_708 = arith.cmpi slt, %add3A_698, %sign3A_707 : vector<16xi32>
    %sign3A_709 = arith.extui %sign3A_708 : vector<16xi1> to vector<16xi32>
    %sign3A_710 = arith.subi %sign3A_705, %sign3A_709 : vector<16xi32>
    %sign3A_711 = arith.constant 0 : i32
    %sign3A_712 = arith.cmpi sgt, %jit3A_699, %sign3A_711 : i32
    %sign3A_713 = arith.extui %sign3A_712 : i1 to i32
    %sign3A_714 = arith.constant 0 : i32
    %sign3A_715 = arith.cmpi slt, %jit3A_699, %sign3A_714 : i32
    %sign3A_716 = arith.extui %sign3A_715 : i1 to i32
    %sign3A_717 = arith.subi %sign3A_713, %sign3A_716 : i32
    %ne3A_718 = vector.broadcast %sign3A_717 : i32 to vector<16xi32>
    %ne3A_719 = arith.cmpi ne, %sign3A_710, %ne3A_718 : vector<16xi32>
    %rem3A_720 = vector.broadcast %jit3A_699 : i32 to vector<16xi32>
    %rem3A_721 = arith.remsi %add3A_698, %rem3A_720 : vector<16xi32>
    %ne3A_722 = arith.constant 0 : i32
    %ne3A_723 = vector.broadcast %ne3A_722 : i32 to vector<16xi32>
    %ne3A_724 = arith.cmpi ne, %rem3A_721, %ne3A_723 : vector<16xi32>
    %and3A_725 = arith.andi %ne3A_719, %ne3A_724 : vector<16xi1>
    %sub3A_726 = arith.constant 1 : i32
    %sub3A_727 = vector.broadcast %sub3A_726 : i32 to vector<16xi32>
    %sub3A_728 = arith.subi %div3A_701, %sub3A_727 : vector<16xi32>
    %select_n3A_729 = arith.select %and3A_725, %sub3A_728, %div3A_701 : vector<16xi1>, vector<16xi32>
    %mul3A_730 = arith.constant 2048 : i32
    %mul3A_731 = vector.broadcast %mul3A_730 : i32 to vector<16xi32>
    %mul3A_732 = arith.muli %select_n3A_729, %mul3A_731 : vector<16xi32>
    %add3A_733 = arith.constant 0 : i32
    %add3A_734 = vector.broadcast %add3A_733 : i32 to vector<16xi32>
    %add3A_735 = arith.addi %iota3A, %add3A_734 : vector<16xi32>
    %jit3A_736 = arith.constant 8 : i32
    %eq3A_737 = arith.constant 0 : i32
    %eq3A_738 = arith.cmpi eq, %jit3A_736, %eq3A_737 : i32
    %jit3A_739 = arith.constant 1 : i32
    %select_n3A_740 = arith.select %eq3A_738, %jit3A_739, %jit3A_736 : i32
    %rem3A_741 = vector.broadcast %select_n3A_740 : i32 to vector<16xi32>
    %rem3A_742 = arith.remsi %add3A_735, %rem3A_741 : vector<16xi32>
    %ne3A_743 = arith.constant 0 : i32
    %ne3A_744 = vector.broadcast %ne3A_743 : i32 to vector<16xi32>
    %ne3A_745 = arith.cmpi ne, %rem3A_742, %ne3A_744 : vector<16xi32>
    %lt3A_746 = arith.constant 0 : i32
    %lt3A_747 = vector.broadcast %lt3A_746 : i32 to vector<16xi32>
    %lt3A_748 = arith.cmpi slt, %rem3A_742, %lt3A_747 : vector<16xi32>
    %lt3A_749 = arith.constant 0 : i32
    %lt3A_750 = arith.cmpi slt, %select_n3A_740, %lt3A_749 : i32
    %ne3A_751 = vector.broadcast %lt3A_750 : i1 to vector<16xi1>
    %ne3A_752 = vector.broadcast %ne3A_751 : vector<16xi1> to vector<16xi1>
    %ne3A_753 = arith.xori %lt3A_748, %ne3A_752 : vector<16xi1>
    %and3A_754 = arith.andi %ne3A_753, %ne3A_745 : vector<16xi1>
    %add3A_755 = vector.broadcast %select_n3A_740 : i32 to vector<16xi32>
    %add3A_756 = arith.addi %rem3A_742, %add3A_755 : vector<16xi32>
    %select_n3A_757 = arith.select %and3A_754, %add3A_756, %rem3A_742 : vector<16xi1>, vector<16xi32>
    %mul3A_758 = arith.constant 128 : i32
    %mul3A_759 = vector.broadcast %mul3A_758 : i32 to vector<16xi32>
    %mul3A_760 = arith.muli %select_n3A_757, %mul3A_759 : vector<16xi32>
    %add3A_761 = arith.addi %mul3A_732, %mul3A_760 : vector<16xi32>
    %add3A_762 = arith.addi %add3A_761, %rem3A_65 : vector<16xi32>
    %add3A_763 = arith.constant 0 : i32
    %add3A_764 = vector.broadcast %add3A_763 : i32 to vector<16xi32>
    %add3A_765 = arith.addi %iota3A, %add3A_764 : vector<16xi32>
    %jit3A_766 = arith.constant 8 : i32
    %div3A_767 = vector.broadcast %jit3A_766 : i32 to vector<16xi32>
    %div3A_768 = arith.divsi %add3A_765, %div3A_767 : vector<16xi32>
    %sign3A_769 = arith.constant 0 : i32
    %sign3A_770 = vector.broadcast %sign3A_769 : i32 to vector<16xi32>
    %sign3A_771 = arith.cmpi sgt, %add3A_765, %sign3A_770 : vector<16xi32>
    %sign3A_772 = arith.extui %sign3A_771 : vector<16xi1> to vector<16xi32>
    %sign3A_773 = arith.constant 0 : i32
    %sign3A_774 = vector.broadcast %sign3A_773 : i32 to vector<16xi32>
    %sign3A_775 = arith.cmpi slt, %add3A_765, %sign3A_774 : vector<16xi32>
    %sign3A_776 = arith.extui %sign3A_775 : vector<16xi1> to vector<16xi32>
    %sign3A_777 = arith.subi %sign3A_772, %sign3A_776 : vector<16xi32>
    %sign3A_778 = arith.constant 0 : i32
    %sign3A_779 = arith.cmpi sgt, %jit3A_766, %sign3A_778 : i32
    %sign3A_780 = arith.extui %sign3A_779 : i1 to i32
    %sign3A_781 = arith.constant 0 : i32
    %sign3A_782 = arith.cmpi slt, %jit3A_766, %sign3A_781 : i32
    %sign3A_783 = arith.extui %sign3A_782 : i1 to i32
    %sign3A_784 = arith.subi %sign3A_780, %sign3A_783 : i32
    %ne3A_785 = vector.broadcast %sign3A_784 : i32 to vector<16xi32>
    %ne3A_786 = arith.cmpi ne, %sign3A_777, %ne3A_785 : vector<16xi32>
    %rem3A_787 = vector.broadcast %jit3A_766 : i32 to vector<16xi32>
    %rem3A_788 = arith.remsi %add3A_765, %rem3A_787 : vector<16xi32>
    %ne3A_789 = arith.constant 0 : i32
    %ne3A_790 = vector.broadcast %ne3A_789 : i32 to vector<16xi32>
    %ne3A_791 = arith.cmpi ne, %rem3A_788, %ne3A_790 : vector<16xi32>
    %and3A_792 = arith.andi %ne3A_786, %ne3A_791 : vector<16xi1>
    %sub3A_793 = arith.constant 1 : i32
    %sub3A_794 = vector.broadcast %sub3A_793 : i32 to vector<16xi32>
    %sub3A_795 = arith.subi %div3A_768, %sub3A_794 : vector<16xi32>
    %select_n3A_796 = arith.select %and3A_792, %sub3A_795, %div3A_768 : vector<16xi1>, vector<16xi32>
    %mul3A_797 = arith.constant 2048 : i32
    %mul3A_798 = vector.broadcast %mul3A_797 : i32 to vector<16xi32>
    %mul3A_799 = arith.muli %select_n3A_796, %mul3A_798 : vector<16xi32>
    %add3A_800 = arith.constant 0 : i32
    %add3A_801 = vector.broadcast %add3A_800 : i32 to vector<16xi32>
    %add3A_802 = arith.addi %iota3A, %add3A_801 : vector<16xi32>
    %jit3A_803 = arith.constant 8 : i32
    %eq3A_804 = arith.constant 0 : i32
    %eq3A_805 = arith.cmpi eq, %jit3A_803, %eq3A_804 : i32
    %jit3A_806 = arith.constant 1 : i32
    %select_n3A_807 = arith.select %eq3A_805, %jit3A_806, %jit3A_803 : i32
    %rem3A_808 = vector.broadcast %select_n3A_807 : i32 to vector<16xi32>
    %rem3A_809 = arith.remsi %add3A_802, %rem3A_808 : vector<16xi32>
    %ne3A_810 = arith.constant 0 : i32
    %ne3A_811 = vector.broadcast %ne3A_810 : i32 to vector<16xi32>
    %ne3A_812 = arith.cmpi ne, %rem3A_809, %ne3A_811 : vector<16xi32>
    %lt3A_813 = arith.constant 0 : i32
    %lt3A_814 = vector.broadcast %lt3A_813 : i32 to vector<16xi32>
    %lt3A_815 = arith.cmpi slt, %rem3A_809, %lt3A_814 : vector<16xi32>
    %lt3A_816 = arith.constant 0 : i32
    %lt3A_817 = arith.cmpi slt, %select_n3A_807, %lt3A_816 : i32
    %ne3A_818 = vector.broadcast %lt3A_817 : i1 to vector<16xi1>
    %ne3A_819 = vector.broadcast %ne3A_818 : vector<16xi1> to vector<16xi1>
    %ne3A_820 = arith.xori %lt3A_815, %ne3A_819 : vector<16xi1>
    %and3A_821 = arith.andi %ne3A_820, %ne3A_812 : vector<16xi1>
    %add3A_822 = vector.broadcast %select_n3A_807 : i32 to vector<16xi32>
    %add3A_823 = arith.addi %rem3A_809, %add3A_822 : vector<16xi32>
    %select_n3A_824 = arith.select %and3A_821, %add3A_823, %rem3A_809 : vector<16xi1>, vector<16xi32>
    %mul3A_825 = arith.constant 128 : i32
    %mul3A_826 = vector.broadcast %mul3A_825 : i32 to vector<16xi32>
    %mul3A_827 = arith.muli %select_n3A_824, %mul3A_826 : vector<16xi32>
    %add3A_828 = arith.addi %mul3A_799, %mul3A_827 : vector<16xi32>
    %add3A_829 = arith.addi %add3A_828, %rem3A_71 : vector<16xi32>
    %add3A_830 = arith.constant 0 : i32
    %add3A_831 = vector.broadcast %add3A_830 : i32 to vector<16xi32>
    %add3A_832 = arith.addi %iota3A, %add3A_831 : vector<16xi32>
    %jit3A_833 = arith.constant 8 : i32
    %div3A_834 = vector.broadcast %jit3A_833 : i32 to vector<16xi32>
    %div3A_835 = arith.divsi %add3A_832, %div3A_834 : vector<16xi32>
    %sign3A_836 = arith.constant 0 : i32
    %sign3A_837 = vector.broadcast %sign3A_836 : i32 to vector<16xi32>
    %sign3A_838 = arith.cmpi sgt, %add3A_832, %sign3A_837 : vector<16xi32>
    %sign3A_839 = arith.extui %sign3A_838 : vector<16xi1> to vector<16xi32>
    %sign3A_840 = arith.constant 0 : i32
    %sign3A_841 = vector.broadcast %sign3A_840 : i32 to vector<16xi32>
    %sign3A_842 = arith.cmpi slt, %add3A_832, %sign3A_841 : vector<16xi32>
    %sign3A_843 = arith.extui %sign3A_842 : vector<16xi1> to vector<16xi32>
    %sign3A_844 = arith.subi %sign3A_839, %sign3A_843 : vector<16xi32>
    %sign3A_845 = arith.constant 0 : i32
    %sign3A_846 = arith.cmpi sgt, %jit3A_833, %sign3A_845 : i32
    %sign3A_847 = arith.extui %sign3A_846 : i1 to i32
    %sign3A_848 = arith.constant 0 : i32
    %sign3A_849 = arith.cmpi slt, %jit3A_833, %sign3A_848 : i32
    %sign3A_850 = arith.extui %sign3A_849 : i1 to i32
    %sign3A_851 = arith.subi %sign3A_847, %sign3A_850 : i32
    %ne3A_852 = vector.broadcast %sign3A_851 : i32 to vector<16xi32>
    %ne3A_853 = arith.cmpi ne, %sign3A_844, %ne3A_852 : vector<16xi32>
    %rem3A_854 = vector.broadcast %jit3A_833 : i32 to vector<16xi32>
    %rem3A_855 = arith.remsi %add3A_832, %rem3A_854 : vector<16xi32>
    %ne3A_856 = arith.constant 0 : i32
    %ne3A_857 = vector.broadcast %ne3A_856 : i32 to vector<16xi32>
    %ne3A_858 = arith.cmpi ne, %rem3A_855, %ne3A_857 : vector<16xi32>
    %and3A_859 = arith.andi %ne3A_853, %ne3A_858 : vector<16xi1>
    %sub3A_860 = arith.constant 1 : i32
    %sub3A_861 = vector.broadcast %sub3A_860 : i32 to vector<16xi32>
    %sub3A_862 = arith.subi %div3A_835, %sub3A_861 : vector<16xi32>
    %select_n3A_863 = arith.select %and3A_859, %sub3A_862, %div3A_835 : vector<16xi1>, vector<16xi32>
    %mul3A_864 = arith.constant 2048 : i32
    %mul3A_865 = vector.broadcast %mul3A_864 : i32 to vector<16xi32>
    %mul3A_866 = arith.muli %select_n3A_863, %mul3A_865 : vector<16xi32>
    %add3A_867 = arith.constant 0 : i32
    %add3A_868 = vector.broadcast %add3A_867 : i32 to vector<16xi32>
    %add3A_869 = arith.addi %iota3A, %add3A_868 : vector<16xi32>
    %jit3A_870 = arith.constant 8 : i32
    %eq3A_871 = arith.constant 0 : i32
    %eq3A_872 = arith.cmpi eq, %jit3A_870, %eq3A_871 : i32
    %jit3A_873 = arith.constant 1 : i32
    %select_n3A_874 = arith.select %eq3A_872, %jit3A_873, %jit3A_870 : i32
    %rem3A_875 = vector.broadcast %select_n3A_874 : i32 to vector<16xi32>
    %rem3A_876 = arith.remsi %add3A_869, %rem3A_875 : vector<16xi32>
    %ne3A_877 = arith.constant 0 : i32
    %ne3A_878 = vector.broadcast %ne3A_877 : i32 to vector<16xi32>
    %ne3A_879 = arith.cmpi ne, %rem3A_876, %ne3A_878 : vector<16xi32>
    %lt3A_880 = arith.constant 0 : i32
    %lt3A_881 = vector.broadcast %lt3A_880 : i32 to vector<16xi32>
    %lt3A_882 = arith.cmpi slt, %rem3A_876, %lt3A_881 : vector<16xi32>
    %lt3A_883 = arith.constant 0 : i32
    %lt3A_884 = arith.cmpi slt, %select_n3A_874, %lt3A_883 : i32
    %ne3A_885 = vector.broadcast %lt3A_884 : i1 to vector<16xi1>
    %ne3A_886 = vector.broadcast %ne3A_885 : vector<16xi1> to vector<16xi1>
    %ne3A_887 = arith.xori %lt3A_882, %ne3A_886 : vector<16xi1>
    %and3A_888 = arith.andi %ne3A_887, %ne3A_879 : vector<16xi1>
    %add3A_889 = vector.broadcast %select_n3A_874 : i32 to vector<16xi32>
    %add3A_890 = arith.addi %rem3A_876, %add3A_889 : vector<16xi32>
    %select_n3A_891 = arith.select %and3A_888, %add3A_890, %rem3A_876 : vector<16xi1>, vector<16xi32>
    %mul3A_892 = arith.constant 128 : i32
    %mul3A_893 = vector.broadcast %mul3A_892 : i32 to vector<16xi32>
    %mul3A_894 = arith.muli %select_n3A_891, %mul3A_893 : vector<16xi32>
    %add3A_895 = arith.addi %mul3A_866, %mul3A_894 : vector<16xi32>
    %add3A_896 = arith.addi %add3A_895, %rem3A_77 : vector<16xi32>
    %add3A_897 = arith.constant 0 : i32
    %add3A_898 = vector.broadcast %add3A_897 : i32 to vector<16xi32>
    %add3A_899 = arith.addi %iota3A, %add3A_898 : vector<16xi32>
    %jit3A_900 = arith.constant 8 : i32
    %div3A_901 = vector.broadcast %jit3A_900 : i32 to vector<16xi32>
    %div3A_902 = arith.divsi %add3A_899, %div3A_901 : vector<16xi32>
    %sign3A_903 = arith.constant 0 : i32
    %sign3A_904 = vector.broadcast %sign3A_903 : i32 to vector<16xi32>
    %sign3A_905 = arith.cmpi sgt, %add3A_899, %sign3A_904 : vector<16xi32>
    %sign3A_906 = arith.extui %sign3A_905 : vector<16xi1> to vector<16xi32>
    %sign3A_907 = arith.constant 0 : i32
    %sign3A_908 = vector.broadcast %sign3A_907 : i32 to vector<16xi32>
    %sign3A_909 = arith.cmpi slt, %add3A_899, %sign3A_908 : vector<16xi32>
    %sign3A_910 = arith.extui %sign3A_909 : vector<16xi1> to vector<16xi32>
    %sign3A_911 = arith.subi %sign3A_906, %sign3A_910 : vector<16xi32>
    %sign3A_912 = arith.constant 0 : i32
    %sign3A_913 = arith.cmpi sgt, %jit3A_900, %sign3A_912 : i32
    %sign3A_914 = arith.extui %sign3A_913 : i1 to i32
    %sign3A_915 = arith.constant 0 : i32
    %sign3A_916 = arith.cmpi slt, %jit3A_900, %sign3A_915 : i32
    %sign3A_917 = arith.extui %sign3A_916 : i1 to i32
    %sign3A_918 = arith.subi %sign3A_914, %sign3A_917 : i32
    %ne3A_919 = vector.broadcast %sign3A_918 : i32 to vector<16xi32>
    %ne3A_920 = arith.cmpi ne, %sign3A_911, %ne3A_919 : vector<16xi32>
    %rem3A_921 = vector.broadcast %jit3A_900 : i32 to vector<16xi32>
    %rem3A_922 = arith.remsi %add3A_899, %rem3A_921 : vector<16xi32>
    %ne3A_923 = arith.constant 0 : i32
    %ne3A_924 = vector.broadcast %ne3A_923 : i32 to vector<16xi32>
    %ne3A_925 = arith.cmpi ne, %rem3A_922, %ne3A_924 : vector<16xi32>
    %and3A_926 = arith.andi %ne3A_920, %ne3A_925 : vector<16xi1>
    %sub3A_927 = arith.constant 1 : i32
    %sub3A_928 = vector.broadcast %sub3A_927 : i32 to vector<16xi32>
    %sub3A_929 = arith.subi %div3A_902, %sub3A_928 : vector<16xi32>
    %select_n3A_930 = arith.select %and3A_926, %sub3A_929, %div3A_902 : vector<16xi1>, vector<16xi32>
    %mul3A_931 = arith.constant 2048 : i32
    %mul3A_932 = vector.broadcast %mul3A_931 : i32 to vector<16xi32>
    %mul3A_933 = arith.muli %select_n3A_930, %mul3A_932 : vector<16xi32>
    %add3A_934 = arith.constant 0 : i32
    %add3A_935 = vector.broadcast %add3A_934 : i32 to vector<16xi32>
    %add3A_936 = arith.addi %iota3A, %add3A_935 : vector<16xi32>
    %jit3A_937 = arith.constant 8 : i32
    %eq3A_938 = arith.constant 0 : i32
    %eq3A_939 = arith.cmpi eq, %jit3A_937, %eq3A_938 : i32
    %jit3A_940 = arith.constant 1 : i32
    %select_n3A_941 = arith.select %eq3A_939, %jit3A_940, %jit3A_937 : i32
    %rem3A_942 = vector.broadcast %select_n3A_941 : i32 to vector<16xi32>
    %rem3A_943 = arith.remsi %add3A_936, %rem3A_942 : vector<16xi32>
    %ne3A_944 = arith.constant 0 : i32
    %ne3A_945 = vector.broadcast %ne3A_944 : i32 to vector<16xi32>
    %ne3A_946 = arith.cmpi ne, %rem3A_943, %ne3A_945 : vector<16xi32>
    %lt3A_947 = arith.constant 0 : i32
    %lt3A_948 = vector.broadcast %lt3A_947 : i32 to vector<16xi32>
    %lt3A_949 = arith.cmpi slt, %rem3A_943, %lt3A_948 : vector<16xi32>
    %lt3A_950 = arith.constant 0 : i32
    %lt3A_951 = arith.cmpi slt, %select_n3A_941, %lt3A_950 : i32
    %ne3A_952 = vector.broadcast %lt3A_951 : i1 to vector<16xi1>
    %ne3A_953 = vector.broadcast %ne3A_952 : vector<16xi1> to vector<16xi1>
    %ne3A_954 = arith.xori %lt3A_949, %ne3A_953 : vector<16xi1>
    %and3A_955 = arith.andi %ne3A_954, %ne3A_946 : vector<16xi1>
    %add3A_956 = vector.broadcast %select_n3A_941 : i32 to vector<16xi32>
    %add3A_957 = arith.addi %rem3A_943, %add3A_956 : vector<16xi32>
    %select_n3A_958 = arith.select %and3A_955, %add3A_957, %rem3A_943 : vector<16xi1>, vector<16xi32>
    %mul3A_959 = arith.constant 128 : i32
    %mul3A_960 = vector.broadcast %mul3A_959 : i32 to vector<16xi32>
    %mul3A_961 = arith.muli %select_n3A_958, %mul3A_960 : vector<16xi32>
    %add3A_962 = arith.addi %mul3A_933, %mul3A_961 : vector<16xi32>
    %add3A_963 = arith.addi %add3A_962, %rem3A_83 : vector<16xi32>
    %add3A_964 = arith.constant 0 : i32
    %add3A_965 = vector.broadcast %add3A_964 : i32 to vector<16xi32>
    %add3A_966 = arith.addi %iota3A, %add3A_965 : vector<16xi32>
    %jit3A_967 = arith.constant 8 : i32
    %div3A_968 = vector.broadcast %jit3A_967 : i32 to vector<16xi32>
    %div3A_969 = arith.divsi %add3A_966, %div3A_968 : vector<16xi32>
    %sign3A_970 = arith.constant 0 : i32
    %sign3A_971 = vector.broadcast %sign3A_970 : i32 to vector<16xi32>
    %sign3A_972 = arith.cmpi sgt, %add3A_966, %sign3A_971 : vector<16xi32>
    %sign3A_973 = arith.extui %sign3A_972 : vector<16xi1> to vector<16xi32>
    %sign3A_974 = arith.constant 0 : i32
    %sign3A_975 = vector.broadcast %sign3A_974 : i32 to vector<16xi32>
    %sign3A_976 = arith.cmpi slt, %add3A_966, %sign3A_975 : vector<16xi32>
    %sign3A_977 = arith.extui %sign3A_976 : vector<16xi1> to vector<16xi32>
    %sign3A_978 = arith.subi %sign3A_973, %sign3A_977 : vector<16xi32>
    %sign3A_979 = arith.constant 0 : i32
    %sign3A_980 = arith.cmpi sgt, %jit3A_967, %sign3A_979 : i32
    %sign3A_981 = arith.extui %sign3A_980 : i1 to i32
    %sign3A_982 = arith.constant 0 : i32
    %sign3A_983 = arith.cmpi slt, %jit3A_967, %sign3A_982 : i32
    %sign3A_984 = arith.extui %sign3A_983 : i1 to i32
    %sign3A_985 = arith.subi %sign3A_981, %sign3A_984 : i32
    %ne3A_986 = vector.broadcast %sign3A_985 : i32 to vector<16xi32>
    %ne3A_987 = arith.cmpi ne, %sign3A_978, %ne3A_986 : vector<16xi32>
    %rem3A_988 = vector.broadcast %jit3A_967 : i32 to vector<16xi32>
    %rem3A_989 = arith.remsi %add3A_966, %rem3A_988 : vector<16xi32>
    %ne3A_990 = arith.constant 0 : i32
    %ne3A_991 = vector.broadcast %ne3A_990 : i32 to vector<16xi32>
    %ne3A_992 = arith.cmpi ne, %rem3A_989, %ne3A_991 : vector<16xi32>
    %and3A_993 = arith.andi %ne3A_987, %ne3A_992 : vector<16xi1>
    %sub3A_994 = arith.constant 1 : i32
    %sub3A_995 = vector.broadcast %sub3A_994 : i32 to vector<16xi32>
    %sub3A_996 = arith.subi %div3A_969, %sub3A_995 : vector<16xi32>
    %select_n3A_997 = arith.select %and3A_993, %sub3A_996, %div3A_969 : vector<16xi1>, vector<16xi32>
    %mul3A_998 = arith.constant 2048 : i32
    %mul3A_999 = vector.broadcast %mul3A_998 : i32 to vector<16xi32>
    %mul3A_1000 = arith.muli %select_n3A_997, %mul3A_999 : vector<16xi32>
    %add3A_1001 = arith.constant 0 : i32
    %add3A_1002 = vector.broadcast %add3A_1001 : i32 to vector<16xi32>
    %add3A_1003 = arith.addi %iota3A, %add3A_1002 : vector<16xi32>
    %jit3A_1004 = arith.constant 8 : i32
    %eq3A_1005 = arith.constant 0 : i32
    %eq3A_1006 = arith.cmpi eq, %jit3A_1004, %eq3A_1005 : i32
    %jit3A_1007 = arith.constant 1 : i32
    %select_n3A_1008 = arith.select %eq3A_1006, %jit3A_1007, %jit3A_1004 : i32
    %rem3A_1009 = vector.broadcast %select_n3A_1008 : i32 to vector<16xi32>
    %rem3A_1010 = arith.remsi %add3A_1003, %rem3A_1009 : vector<16xi32>
    %ne3A_1011 = arith.constant 0 : i32
    %ne3A_1012 = vector.broadcast %ne3A_1011 : i32 to vector<16xi32>
    %ne3A_1013 = arith.cmpi ne, %rem3A_1010, %ne3A_1012 : vector<16xi32>
    %lt3A_1014 = arith.constant 0 : i32
    %lt3A_1015 = vector.broadcast %lt3A_1014 : i32 to vector<16xi32>
    %lt3A_1016 = arith.cmpi slt, %rem3A_1010, %lt3A_1015 : vector<16xi32>
    %lt3A_1017 = arith.constant 0 : i32
    %lt3A_1018 = arith.cmpi slt, %select_n3A_1008, %lt3A_1017 : i32
    %ne3A_1019 = vector.broadcast %lt3A_1018 : i1 to vector<16xi1>
    %ne3A_1020 = vector.broadcast %ne3A_1019 : vector<16xi1> to vector<16xi1>
    %ne3A_1021 = arith.xori %lt3A_1016, %ne3A_1020 : vector<16xi1>
    %and3A_1022 = arith.andi %ne3A_1021, %ne3A_1013 : vector<16xi1>
    %add3A_1023 = vector.broadcast %select_n3A_1008 : i32 to vector<16xi32>
    %add3A_1024 = arith.addi %rem3A_1010, %add3A_1023 : vector<16xi32>
    %select_n3A_1025 = arith.select %and3A_1022, %add3A_1024, %rem3A_1010 : vector<16xi1>, vector<16xi32>
    %mul3A_1026 = arith.constant 128 : i32
    %mul3A_1027 = vector.broadcast %mul3A_1026 : i32 to vector<16xi32>
    %mul3A_1028 = arith.muli %select_n3A_1025, %mul3A_1027 : vector<16xi32>
    %add3A_1029 = arith.addi %mul3A_1000, %mul3A_1028 : vector<16xi32>
    %add3A_1030 = arith.addi %add3A_1029, %rem3A_89 : vector<16xi32>
    %add3A_1031 = arith.constant 0 : i32
    %add3A_1032 = vector.broadcast %add3A_1031 : i32 to vector<16xi32>
    %add3A_1033 = arith.addi %iota3A, %add3A_1032 : vector<16xi32>
    %jit3A_1034 = arith.constant 8 : i32
    %div3A_1035 = vector.broadcast %jit3A_1034 : i32 to vector<16xi32>
    %div3A_1036 = arith.divsi %add3A_1033, %div3A_1035 : vector<16xi32>
    %sign3A_1037 = arith.constant 0 : i32
    %sign3A_1038 = vector.broadcast %sign3A_1037 : i32 to vector<16xi32>
    %sign3A_1039 = arith.cmpi sgt, %add3A_1033, %sign3A_1038 : vector<16xi32>
    %sign3A_1040 = arith.extui %sign3A_1039 : vector<16xi1> to vector<16xi32>
    %sign3A_1041 = arith.constant 0 : i32
    %sign3A_1042 = vector.broadcast %sign3A_1041 : i32 to vector<16xi32>
    %sign3A_1043 = arith.cmpi slt, %add3A_1033, %sign3A_1042 : vector<16xi32>
    %sign3A_1044 = arith.extui %sign3A_1043 : vector<16xi1> to vector<16xi32>
    %sign3A_1045 = arith.subi %sign3A_1040, %sign3A_1044 : vector<16xi32>
    %sign3A_1046 = arith.constant 0 : i32
    %sign3A_1047 = arith.cmpi sgt, %jit3A_1034, %sign3A_1046 : i32
    %sign3A_1048 = arith.extui %sign3A_1047 : i1 to i32
    %sign3A_1049 = arith.constant 0 : i32
    %sign3A_1050 = arith.cmpi slt, %jit3A_1034, %sign3A_1049 : i32
    %sign3A_1051 = arith.extui %sign3A_1050 : i1 to i32
    %sign3A_1052 = arith.subi %sign3A_1048, %sign3A_1051 : i32
    %ne3A_1053 = vector.broadcast %sign3A_1052 : i32 to vector<16xi32>
    %ne3A_1054 = arith.cmpi ne, %sign3A_1045, %ne3A_1053 : vector<16xi32>
    %rem3A_1055 = vector.broadcast %jit3A_1034 : i32 to vector<16xi32>
    %rem3A_1056 = arith.remsi %add3A_1033, %rem3A_1055 : vector<16xi32>
    %ne3A_1057 = arith.constant 0 : i32
    %ne3A_1058 = vector.broadcast %ne3A_1057 : i32 to vector<16xi32>
    %ne3A_1059 = arith.cmpi ne, %rem3A_1056, %ne3A_1058 : vector<16xi32>
    %and3A_1060 = arith.andi %ne3A_1054, %ne3A_1059 : vector<16xi1>
    %sub3A_1061 = arith.constant 1 : i32
    %sub3A_1062 = vector.broadcast %sub3A_1061 : i32 to vector<16xi32>
    %sub3A_1063 = arith.subi %div3A_1036, %sub3A_1062 : vector<16xi32>
    %select_n3A_1064 = arith.select %and3A_1060, %sub3A_1063, %div3A_1036 : vector<16xi1>, vector<16xi32>
    %mul3A_1065 = arith.constant 2048 : i32
    %mul3A_1066 = vector.broadcast %mul3A_1065 : i32 to vector<16xi32>
    %mul3A_1067 = arith.muli %select_n3A_1064, %mul3A_1066 : vector<16xi32>
    %add3A_1068 = arith.constant 0 : i32
    %add3A_1069 = vector.broadcast %add3A_1068 : i32 to vector<16xi32>
    %add3A_1070 = arith.addi %iota3A, %add3A_1069 : vector<16xi32>
    %jit3A_1071 = arith.constant 8 : i32
    %eq3A_1072 = arith.constant 0 : i32
    %eq3A_1073 = arith.cmpi eq, %jit3A_1071, %eq3A_1072 : i32
    %jit3A_1074 = arith.constant 1 : i32
    %select_n3A_1075 = arith.select %eq3A_1073, %jit3A_1074, %jit3A_1071 : i32
    %rem3A_1076 = vector.broadcast %select_n3A_1075 : i32 to vector<16xi32>
    %rem3A_1077 = arith.remsi %add3A_1070, %rem3A_1076 : vector<16xi32>
    %ne3A_1078 = arith.constant 0 : i32
    %ne3A_1079 = vector.broadcast %ne3A_1078 : i32 to vector<16xi32>
    %ne3A_1080 = arith.cmpi ne, %rem3A_1077, %ne3A_1079 : vector<16xi32>
    %lt3A_1081 = arith.constant 0 : i32
    %lt3A_1082 = vector.broadcast %lt3A_1081 : i32 to vector<16xi32>
    %lt3A_1083 = arith.cmpi slt, %rem3A_1077, %lt3A_1082 : vector<16xi32>
    %lt3A_1084 = arith.constant 0 : i32
    %lt3A_1085 = arith.cmpi slt, %select_n3A_1075, %lt3A_1084 : i32
    %ne3A_1086 = vector.broadcast %lt3A_1085 : i1 to vector<16xi1>
    %ne3A_1087 = vector.broadcast %ne3A_1086 : vector<16xi1> to vector<16xi1>
    %ne3A_1088 = arith.xori %lt3A_1083, %ne3A_1087 : vector<16xi1>
    %and3A_1089 = arith.andi %ne3A_1088, %ne3A_1080 : vector<16xi1>
    %add3A_1090 = vector.broadcast %select_n3A_1075 : i32 to vector<16xi32>
    %add3A_1091 = arith.addi %rem3A_1077, %add3A_1090 : vector<16xi32>
    %select_n3A_1092 = arith.select %and3A_1089, %add3A_1091, %rem3A_1077 : vector<16xi1>, vector<16xi32>
    %mul3A_1093 = arith.constant 128 : i32
    %mul3A_1094 = vector.broadcast %mul3A_1093 : i32 to vector<16xi32>
    %mul3A_1095 = arith.muli %select_n3A_1092, %mul3A_1094 : vector<16xi32>
    %add3A_1096 = arith.addi %mul3A_1067, %mul3A_1095 : vector<16xi32>
    %add3A_1097 = arith.addi %add3A_1096, %rem3A_95 : vector<16xi32>
    %add3A_1098 = arith.constant 0 : i32
    %add3A_1099 = vector.broadcast %add3A_1098 : i32 to vector<16xi32>
    %add3A_1100 = arith.addi %iota3A, %add3A_1099 : vector<16xi32>
    %jit3A_1101 = arith.constant 8 : i32
    %div3A_1102 = vector.broadcast %jit3A_1101 : i32 to vector<16xi32>
    %div3A_1103 = arith.divsi %add3A_1100, %div3A_1102 : vector<16xi32>
    %sign3A_1104 = arith.constant 0 : i32
    %sign3A_1105 = vector.broadcast %sign3A_1104 : i32 to vector<16xi32>
    %sign3A_1106 = arith.cmpi sgt, %add3A_1100, %sign3A_1105 : vector<16xi32>
    %sign3A_1107 = arith.extui %sign3A_1106 : vector<16xi1> to vector<16xi32>
    %sign3A_1108 = arith.constant 0 : i32
    %sign3A_1109 = vector.broadcast %sign3A_1108 : i32 to vector<16xi32>
    %sign3A_1110 = arith.cmpi slt, %add3A_1100, %sign3A_1109 : vector<16xi32>
    %sign3A_1111 = arith.extui %sign3A_1110 : vector<16xi1> to vector<16xi32>
    %sign3A_1112 = arith.subi %sign3A_1107, %sign3A_1111 : vector<16xi32>
    %sign3A_1113 = arith.constant 0 : i32
    %sign3A_1114 = arith.cmpi sgt, %jit3A_1101, %sign3A_1113 : i32
    %sign3A_1115 = arith.extui %sign3A_1114 : i1 to i32
    %sign3A_1116 = arith.constant 0 : i32
    %sign3A_1117 = arith.cmpi slt, %jit3A_1101, %sign3A_1116 : i32
    %sign3A_1118 = arith.extui %sign3A_1117 : i1 to i32
    %sign3A_1119 = arith.subi %sign3A_1115, %sign3A_1118 : i32
    %ne3A_1120 = vector.broadcast %sign3A_1119 : i32 to vector<16xi32>
    %ne3A_1121 = arith.cmpi ne, %sign3A_1112, %ne3A_1120 : vector<16xi32>
    %rem3A_1122 = vector.broadcast %jit3A_1101 : i32 to vector<16xi32>
    %rem3A_1123 = arith.remsi %add3A_1100, %rem3A_1122 : vector<16xi32>
    %ne3A_1124 = arith.constant 0 : i32
    %ne3A_1125 = vector.broadcast %ne3A_1124 : i32 to vector<16xi32>
    %ne3A_1126 = arith.cmpi ne, %rem3A_1123, %ne3A_1125 : vector<16xi32>
    %and3A_1127 = arith.andi %ne3A_1121, %ne3A_1126 : vector<16xi1>
    %sub3A_1128 = arith.constant 1 : i32
    %sub3A_1129 = vector.broadcast %sub3A_1128 : i32 to vector<16xi32>
    %sub3A_1130 = arith.subi %div3A_1103, %sub3A_1129 : vector<16xi32>
    %select_n3A_1131 = arith.select %and3A_1127, %sub3A_1130, %div3A_1103 : vector<16xi1>, vector<16xi32>
    %mul3A_1132 = arith.constant 2048 : i32
    %mul3A_1133 = vector.broadcast %mul3A_1132 : i32 to vector<16xi32>
    %mul3A_1134 = arith.muli %select_n3A_1131, %mul3A_1133 : vector<16xi32>
    %add3A_1135 = arith.constant 0 : i32
    %add3A_1136 = vector.broadcast %add3A_1135 : i32 to vector<16xi32>
    %add3A_1137 = arith.addi %iota3A, %add3A_1136 : vector<16xi32>
    %jit3A_1138 = arith.constant 8 : i32
    %eq3A_1139 = arith.constant 0 : i32
    %eq3A_1140 = arith.cmpi eq, %jit3A_1138, %eq3A_1139 : i32
    %jit3A_1141 = arith.constant 1 : i32
    %select_n3A_1142 = arith.select %eq3A_1140, %jit3A_1141, %jit3A_1138 : i32
    %rem3A_1143 = vector.broadcast %select_n3A_1142 : i32 to vector<16xi32>
    %rem3A_1144 = arith.remsi %add3A_1137, %rem3A_1143 : vector<16xi32>
    %ne3A_1145 = arith.constant 0 : i32
    %ne3A_1146 = vector.broadcast %ne3A_1145 : i32 to vector<16xi32>
    %ne3A_1147 = arith.cmpi ne, %rem3A_1144, %ne3A_1146 : vector<16xi32>
    %lt3A_1148 = arith.constant 0 : i32
    %lt3A_1149 = vector.broadcast %lt3A_1148 : i32 to vector<16xi32>
    %lt3A_1150 = arith.cmpi slt, %rem3A_1144, %lt3A_1149 : vector<16xi32>
    %lt3A_1151 = arith.constant 0 : i32
    %lt3A_1152 = arith.cmpi slt, %select_n3A_1142, %lt3A_1151 : i32
    %ne3A_1153 = vector.broadcast %lt3A_1152 : i1 to vector<16xi1>
    %ne3A_1154 = vector.broadcast %ne3A_1153 : vector<16xi1> to vector<16xi1>
    %ne3A_1155 = arith.xori %lt3A_1150, %ne3A_1154 : vector<16xi1>
    %and3A_1156 = arith.andi %ne3A_1155, %ne3A_1147 : vector<16xi1>
    %add3A_1157 = vector.broadcast %select_n3A_1142 : i32 to vector<16xi32>
    %add3A_1158 = arith.addi %rem3A_1144, %add3A_1157 : vector<16xi32>
    %select_n3A_1159 = arith.select %and3A_1156, %add3A_1158, %rem3A_1144 : vector<16xi1>, vector<16xi32>
    %mul3A_1160 = arith.constant 128 : i32
    %mul3A_1161 = vector.broadcast %mul3A_1160 : i32 to vector<16xi32>
    %mul3A_1162 = arith.muli %select_n3A_1159, %mul3A_1161 : vector<16xi32>
    %add3A_1163 = arith.addi %mul3A_1134, %mul3A_1162 : vector<16xi32>
    %add3A_1164 = arith.addi %add3A_1163, %rem3A_101 : vector<16xi32>
    %add3A_1165 = arith.constant 16 : i32
    %add3A_1166 = vector.broadcast %add3A_1165 : i32 to vector<16xi32>
    %add3A_1167 = arith.addi %iota3A, %add3A_1166 : vector<16xi32>
    %jit3A_1168 = arith.constant 8 : i32
    %div3A_1169 = vector.broadcast %jit3A_1168 : i32 to vector<16xi32>
    %div3A_1170 = arith.divsi %add3A_1167, %div3A_1169 : vector<16xi32>
    %sign3A_1171 = arith.constant 0 : i32
    %sign3A_1172 = vector.broadcast %sign3A_1171 : i32 to vector<16xi32>
    %sign3A_1173 = arith.cmpi sgt, %add3A_1167, %sign3A_1172 : vector<16xi32>
    %sign3A_1174 = arith.extui %sign3A_1173 : vector<16xi1> to vector<16xi32>
    %sign3A_1175 = arith.constant 0 : i32
    %sign3A_1176 = vector.broadcast %sign3A_1175 : i32 to vector<16xi32>
    %sign3A_1177 = arith.cmpi slt, %add3A_1167, %sign3A_1176 : vector<16xi32>
    %sign3A_1178 = arith.extui %sign3A_1177 : vector<16xi1> to vector<16xi32>
    %sign3A_1179 = arith.subi %sign3A_1174, %sign3A_1178 : vector<16xi32>
    %sign3A_1180 = arith.constant 0 : i32
    %sign3A_1181 = arith.cmpi sgt, %jit3A_1168, %sign3A_1180 : i32
    %sign3A_1182 = arith.extui %sign3A_1181 : i1 to i32
    %sign3A_1183 = arith.constant 0 : i32
    %sign3A_1184 = arith.cmpi slt, %jit3A_1168, %sign3A_1183 : i32
    %sign3A_1185 = arith.extui %sign3A_1184 : i1 to i32
    %sign3A_1186 = arith.subi %sign3A_1182, %sign3A_1185 : i32
    %ne3A_1187 = vector.broadcast %sign3A_1186 : i32 to vector<16xi32>
    %ne3A_1188 = arith.cmpi ne, %sign3A_1179, %ne3A_1187 : vector<16xi32>
    %rem3A_1189 = vector.broadcast %jit3A_1168 : i32 to vector<16xi32>
    %rem3A_1190 = arith.remsi %add3A_1167, %rem3A_1189 : vector<16xi32>
    %ne3A_1191 = arith.constant 0 : i32
    %ne3A_1192 = vector.broadcast %ne3A_1191 : i32 to vector<16xi32>
    %ne3A_1193 = arith.cmpi ne, %rem3A_1190, %ne3A_1192 : vector<16xi32>
    %and3A_1194 = arith.andi %ne3A_1188, %ne3A_1193 : vector<16xi1>
    %sub3A_1195 = arith.constant 1 : i32
    %sub3A_1196 = vector.broadcast %sub3A_1195 : i32 to vector<16xi32>
    %sub3A_1197 = arith.subi %div3A_1170, %sub3A_1196 : vector<16xi32>
    %select_n3A_1198 = arith.select %and3A_1194, %sub3A_1197, %div3A_1170 : vector<16xi1>, vector<16xi32>
    %mul3A_1199 = arith.constant 2048 : i32
    %mul3A_1200 = vector.broadcast %mul3A_1199 : i32 to vector<16xi32>
    %mul3A_1201 = arith.muli %select_n3A_1198, %mul3A_1200 : vector<16xi32>
    %add3A_1202 = arith.constant 16 : i32
    %add3A_1203 = vector.broadcast %add3A_1202 : i32 to vector<16xi32>
    %add3A_1204 = arith.addi %iota3A, %add3A_1203 : vector<16xi32>
    %jit3A_1205 = arith.constant 8 : i32
    %eq3A_1206 = arith.constant 0 : i32
    %eq3A_1207 = arith.cmpi eq, %jit3A_1205, %eq3A_1206 : i32
    %jit3A_1208 = arith.constant 1 : i32
    %select_n3A_1209 = arith.select %eq3A_1207, %jit3A_1208, %jit3A_1205 : i32
    %rem3A_1210 = vector.broadcast %select_n3A_1209 : i32 to vector<16xi32>
    %rem3A_1211 = arith.remsi %add3A_1204, %rem3A_1210 : vector<16xi32>
    %ne3A_1212 = arith.constant 0 : i32
    %ne3A_1213 = vector.broadcast %ne3A_1212 : i32 to vector<16xi32>
    %ne3A_1214 = arith.cmpi ne, %rem3A_1211, %ne3A_1213 : vector<16xi32>
    %lt3A_1215 = arith.constant 0 : i32
    %lt3A_1216 = vector.broadcast %lt3A_1215 : i32 to vector<16xi32>
    %lt3A_1217 = arith.cmpi slt, %rem3A_1211, %lt3A_1216 : vector<16xi32>
    %lt3A_1218 = arith.constant 0 : i32
    %lt3A_1219 = arith.cmpi slt, %select_n3A_1209, %lt3A_1218 : i32
    %ne3A_1220 = vector.broadcast %lt3A_1219 : i1 to vector<16xi1>
    %ne3A_1221 = vector.broadcast %ne3A_1220 : vector<16xi1> to vector<16xi1>
    %ne3A_1222 = arith.xori %lt3A_1217, %ne3A_1221 : vector<16xi1>
    %and3A_1223 = arith.andi %ne3A_1222, %ne3A_1214 : vector<16xi1>
    %add3A_1224 = vector.broadcast %select_n3A_1209 : i32 to vector<16xi32>
    %add3A_1225 = arith.addi %rem3A_1211, %add3A_1224 : vector<16xi32>
    %select_n3A_1226 = arith.select %and3A_1223, %add3A_1225, %rem3A_1211 : vector<16xi1>, vector<16xi32>
    %mul3A_1227 = arith.constant 128 : i32
    %mul3A_1228 = vector.broadcast %mul3A_1227 : i32 to vector<16xi32>
    %mul3A_1229 = arith.muli %select_n3A_1226, %mul3A_1228 : vector<16xi32>
    %add3A_1230 = arith.addi %mul3A_1201, %mul3A_1229 : vector<16xi32>
    %add3A_1231 = arith.addi %add3A_1230, %rem3A_11 : vector<16xi32>
    %add3A_1232 = arith.constant 16 : i32
    %add3A_1233 = vector.broadcast %add3A_1232 : i32 to vector<16xi32>
    %add3A_1234 = arith.addi %iota3A, %add3A_1233 : vector<16xi32>
    %jit3A_1235 = arith.constant 8 : i32
    %div3A_1236 = vector.broadcast %jit3A_1235 : i32 to vector<16xi32>
    %div3A_1237 = arith.divsi %add3A_1234, %div3A_1236 : vector<16xi32>
    %sign3A_1238 = arith.constant 0 : i32
    %sign3A_1239 = vector.broadcast %sign3A_1238 : i32 to vector<16xi32>
    %sign3A_1240 = arith.cmpi sgt, %add3A_1234, %sign3A_1239 : vector<16xi32>
    %sign3A_1241 = arith.extui %sign3A_1240 : vector<16xi1> to vector<16xi32>
    %sign3A_1242 = arith.constant 0 : i32
    %sign3A_1243 = vector.broadcast %sign3A_1242 : i32 to vector<16xi32>
    %sign3A_1244 = arith.cmpi slt, %add3A_1234, %sign3A_1243 : vector<16xi32>
    %sign3A_1245 = arith.extui %sign3A_1244 : vector<16xi1> to vector<16xi32>
    %sign3A_1246 = arith.subi %sign3A_1241, %sign3A_1245 : vector<16xi32>
    %sign3A_1247 = arith.constant 0 : i32
    %sign3A_1248 = arith.cmpi sgt, %jit3A_1235, %sign3A_1247 : i32
    %sign3A_1249 = arith.extui %sign3A_1248 : i1 to i32
    %sign3A_1250 = arith.constant 0 : i32
    %sign3A_1251 = arith.cmpi slt, %jit3A_1235, %sign3A_1250 : i32
    %sign3A_1252 = arith.extui %sign3A_1251 : i1 to i32
    %sign3A_1253 = arith.subi %sign3A_1249, %sign3A_1252 : i32
    %ne3A_1254 = vector.broadcast %sign3A_1253 : i32 to vector<16xi32>
    %ne3A_1255 = arith.cmpi ne, %sign3A_1246, %ne3A_1254 : vector<16xi32>
    %rem3A_1256 = vector.broadcast %jit3A_1235 : i32 to vector<16xi32>
    %rem3A_1257 = arith.remsi %add3A_1234, %rem3A_1256 : vector<16xi32>
    %ne3A_1258 = arith.constant 0 : i32
    %ne3A_1259 = vector.broadcast %ne3A_1258 : i32 to vector<16xi32>
    %ne3A_1260 = arith.cmpi ne, %rem3A_1257, %ne3A_1259 : vector<16xi32>
    %and3A_1261 = arith.andi %ne3A_1255, %ne3A_1260 : vector<16xi1>
    %sub3A_1262 = arith.constant 1 : i32
    %sub3A_1263 = vector.broadcast %sub3A_1262 : i32 to vector<16xi32>
    %sub3A_1264 = arith.subi %div3A_1237, %sub3A_1263 : vector<16xi32>
    %select_n3A_1265 = arith.select %and3A_1261, %sub3A_1264, %div3A_1237 : vector<16xi1>, vector<16xi32>
    %mul3A_1266 = arith.constant 2048 : i32
    %mul3A_1267 = vector.broadcast %mul3A_1266 : i32 to vector<16xi32>
    %mul3A_1268 = arith.muli %select_n3A_1265, %mul3A_1267 : vector<16xi32>
    %add3A_1269 = arith.constant 16 : i32
    %add3A_1270 = vector.broadcast %add3A_1269 : i32 to vector<16xi32>
    %add3A_1271 = arith.addi %iota3A, %add3A_1270 : vector<16xi32>
    %jit3A_1272 = arith.constant 8 : i32
    %eq3A_1273 = arith.constant 0 : i32
    %eq3A_1274 = arith.cmpi eq, %jit3A_1272, %eq3A_1273 : i32
    %jit3A_1275 = arith.constant 1 : i32
    %select_n3A_1276 = arith.select %eq3A_1274, %jit3A_1275, %jit3A_1272 : i32
    %rem3A_1277 = vector.broadcast %select_n3A_1276 : i32 to vector<16xi32>
    %rem3A_1278 = arith.remsi %add3A_1271, %rem3A_1277 : vector<16xi32>
    %ne3A_1279 = arith.constant 0 : i32
    %ne3A_1280 = vector.broadcast %ne3A_1279 : i32 to vector<16xi32>
    %ne3A_1281 = arith.cmpi ne, %rem3A_1278, %ne3A_1280 : vector<16xi32>
    %lt3A_1282 = arith.constant 0 : i32
    %lt3A_1283 = vector.broadcast %lt3A_1282 : i32 to vector<16xi32>
    %lt3A_1284 = arith.cmpi slt, %rem3A_1278, %lt3A_1283 : vector<16xi32>
    %lt3A_1285 = arith.constant 0 : i32
    %lt3A_1286 = arith.cmpi slt, %select_n3A_1276, %lt3A_1285 : i32
    %ne3A_1287 = vector.broadcast %lt3A_1286 : i1 to vector<16xi1>
    %ne3A_1288 = vector.broadcast %ne3A_1287 : vector<16xi1> to vector<16xi1>
    %ne3A_1289 = arith.xori %lt3A_1284, %ne3A_1288 : vector<16xi1>
    %and3A_1290 = arith.andi %ne3A_1289, %ne3A_1281 : vector<16xi1>
    %add3A_1291 = vector.broadcast %select_n3A_1276 : i32 to vector<16xi32>
    %add3A_1292 = arith.addi %rem3A_1278, %add3A_1291 : vector<16xi32>
    %select_n3A_1293 = arith.select %and3A_1290, %add3A_1292, %rem3A_1278 : vector<16xi1>, vector<16xi32>
    %mul3A_1294 = arith.constant 128 : i32
    %mul3A_1295 = vector.broadcast %mul3A_1294 : i32 to vector<16xi32>
    %mul3A_1296 = arith.muli %select_n3A_1293, %mul3A_1295 : vector<16xi32>
    %add3A_1297 = arith.addi %mul3A_1268, %mul3A_1296 : vector<16xi32>
    %add3A_1298 = arith.addi %add3A_1297, %rem3A_17 : vector<16xi32>
    %add3A_1299 = arith.constant 16 : i32
    %add3A_1300 = vector.broadcast %add3A_1299 : i32 to vector<16xi32>
    %add3A_1301 = arith.addi %iota3A, %add3A_1300 : vector<16xi32>
    %jit3A_1302 = arith.constant 8 : i32
    %div3A_1303 = vector.broadcast %jit3A_1302 : i32 to vector<16xi32>
    %div3A_1304 = arith.divsi %add3A_1301, %div3A_1303 : vector<16xi32>
    %sign3A_1305 = arith.constant 0 : i32
    %sign3A_1306 = vector.broadcast %sign3A_1305 : i32 to vector<16xi32>
    %sign3A_1307 = arith.cmpi sgt, %add3A_1301, %sign3A_1306 : vector<16xi32>
    %sign3A_1308 = arith.extui %sign3A_1307 : vector<16xi1> to vector<16xi32>
    %sign3A_1309 = arith.constant 0 : i32
    %sign3A_1310 = vector.broadcast %sign3A_1309 : i32 to vector<16xi32>
    %sign3A_1311 = arith.cmpi slt, %add3A_1301, %sign3A_1310 : vector<16xi32>
    %sign3A_1312 = arith.extui %sign3A_1311 : vector<16xi1> to vector<16xi32>
    %sign3A_1313 = arith.subi %sign3A_1308, %sign3A_1312 : vector<16xi32>
    %sign3A_1314 = arith.constant 0 : i32
    %sign3A_1315 = arith.cmpi sgt, %jit3A_1302, %sign3A_1314 : i32
    %sign3A_1316 = arith.extui %sign3A_1315 : i1 to i32
    %sign3A_1317 = arith.constant 0 : i32
    %sign3A_1318 = arith.cmpi slt, %jit3A_1302, %sign3A_1317 : i32
    %sign3A_1319 = arith.extui %sign3A_1318 : i1 to i32
    %sign3A_1320 = arith.subi %sign3A_1316, %sign3A_1319 : i32
    %ne3A_1321 = vector.broadcast %sign3A_1320 : i32 to vector<16xi32>
    %ne3A_1322 = arith.cmpi ne, %sign3A_1313, %ne3A_1321 : vector<16xi32>
    %rem3A_1323 = vector.broadcast %jit3A_1302 : i32 to vector<16xi32>
    %rem3A_1324 = arith.remsi %add3A_1301, %rem3A_1323 : vector<16xi32>
    %ne3A_1325 = arith.constant 0 : i32
    %ne3A_1326 = vector.broadcast %ne3A_1325 : i32 to vector<16xi32>
    %ne3A_1327 = arith.cmpi ne, %rem3A_1324, %ne3A_1326 : vector<16xi32>
    %and3A_1328 = arith.andi %ne3A_1322, %ne3A_1327 : vector<16xi1>
    %sub3A_1329 = arith.constant 1 : i32
    %sub3A_1330 = vector.broadcast %sub3A_1329 : i32 to vector<16xi32>
    %sub3A_1331 = arith.subi %div3A_1304, %sub3A_1330 : vector<16xi32>
    %select_n3A_1332 = arith.select %and3A_1328, %sub3A_1331, %div3A_1304 : vector<16xi1>, vector<16xi32>
    %mul3A_1333 = arith.constant 2048 : i32
    %mul3A_1334 = vector.broadcast %mul3A_1333 : i32 to vector<16xi32>
    %mul3A_1335 = arith.muli %select_n3A_1332, %mul3A_1334 : vector<16xi32>
    %add3A_1336 = arith.constant 16 : i32
    %add3A_1337 = vector.broadcast %add3A_1336 : i32 to vector<16xi32>
    %add3A_1338 = arith.addi %iota3A, %add3A_1337 : vector<16xi32>
    %jit3A_1339 = arith.constant 8 : i32
    %eq3A_1340 = arith.constant 0 : i32
    %eq3A_1341 = arith.cmpi eq, %jit3A_1339, %eq3A_1340 : i32
    %jit3A_1342 = arith.constant 1 : i32
    %select_n3A_1343 = arith.select %eq3A_1341, %jit3A_1342, %jit3A_1339 : i32
    %rem3A_1344 = vector.broadcast %select_n3A_1343 : i32 to vector<16xi32>
    %rem3A_1345 = arith.remsi %add3A_1338, %rem3A_1344 : vector<16xi32>
    %ne3A_1346 = arith.constant 0 : i32
    %ne3A_1347 = vector.broadcast %ne3A_1346 : i32 to vector<16xi32>
    %ne3A_1348 = arith.cmpi ne, %rem3A_1345, %ne3A_1347 : vector<16xi32>
    %lt3A_1349 = arith.constant 0 : i32
    %lt3A_1350 = vector.broadcast %lt3A_1349 : i32 to vector<16xi32>
    %lt3A_1351 = arith.cmpi slt, %rem3A_1345, %lt3A_1350 : vector<16xi32>
    %lt3A_1352 = arith.constant 0 : i32
    %lt3A_1353 = arith.cmpi slt, %select_n3A_1343, %lt3A_1352 : i32
    %ne3A_1354 = vector.broadcast %lt3A_1353 : i1 to vector<16xi1>
    %ne3A_1355 = vector.broadcast %ne3A_1354 : vector<16xi1> to vector<16xi1>
    %ne3A_1356 = arith.xori %lt3A_1351, %ne3A_1355 : vector<16xi1>
    %and3A_1357 = arith.andi %ne3A_1356, %ne3A_1348 : vector<16xi1>
    %add3A_1358 = vector.broadcast %select_n3A_1343 : i32 to vector<16xi32>
    %add3A_1359 = arith.addi %rem3A_1345, %add3A_1358 : vector<16xi32>
    %select_n3A_1360 = arith.select %and3A_1357, %add3A_1359, %rem3A_1345 : vector<16xi1>, vector<16xi32>
    %mul3A_1361 = arith.constant 128 : i32
    %mul3A_1362 = vector.broadcast %mul3A_1361 : i32 to vector<16xi32>
    %mul3A_1363 = arith.muli %select_n3A_1360, %mul3A_1362 : vector<16xi32>
    %add3A_1364 = arith.addi %mul3A_1335, %mul3A_1363 : vector<16xi32>
    %add3A_1365 = arith.addi %add3A_1364, %rem3A_23 : vector<16xi32>
    %add3A_1366 = arith.constant 16 : i32
    %add3A_1367 = vector.broadcast %add3A_1366 : i32 to vector<16xi32>
    %add3A_1368 = arith.addi %iota3A, %add3A_1367 : vector<16xi32>
    %jit3A_1369 = arith.constant 8 : i32
    %div3A_1370 = vector.broadcast %jit3A_1369 : i32 to vector<16xi32>
    %div3A_1371 = arith.divsi %add3A_1368, %div3A_1370 : vector<16xi32>
    %sign3A_1372 = arith.constant 0 : i32
    %sign3A_1373 = vector.broadcast %sign3A_1372 : i32 to vector<16xi32>
    %sign3A_1374 = arith.cmpi sgt, %add3A_1368, %sign3A_1373 : vector<16xi32>
    %sign3A_1375 = arith.extui %sign3A_1374 : vector<16xi1> to vector<16xi32>
    %sign3A_1376 = arith.constant 0 : i32
    %sign3A_1377 = vector.broadcast %sign3A_1376 : i32 to vector<16xi32>
    %sign3A_1378 = arith.cmpi slt, %add3A_1368, %sign3A_1377 : vector<16xi32>
    %sign3A_1379 = arith.extui %sign3A_1378 : vector<16xi1> to vector<16xi32>
    %sign3A_1380 = arith.subi %sign3A_1375, %sign3A_1379 : vector<16xi32>
    %sign3A_1381 = arith.constant 0 : i32
    %sign3A_1382 = arith.cmpi sgt, %jit3A_1369, %sign3A_1381 : i32
    %sign3A_1383 = arith.extui %sign3A_1382 : i1 to i32
    %sign3A_1384 = arith.constant 0 : i32
    %sign3A_1385 = arith.cmpi slt, %jit3A_1369, %sign3A_1384 : i32
    %sign3A_1386 = arith.extui %sign3A_1385 : i1 to i32
    %sign3A_1387 = arith.subi %sign3A_1383, %sign3A_1386 : i32
    %ne3A_1388 = vector.broadcast %sign3A_1387 : i32 to vector<16xi32>
    %ne3A_1389 = arith.cmpi ne, %sign3A_1380, %ne3A_1388 : vector<16xi32>
    %rem3A_1390 = vector.broadcast %jit3A_1369 : i32 to vector<16xi32>
    %rem3A_1391 = arith.remsi %add3A_1368, %rem3A_1390 : vector<16xi32>
    %ne3A_1392 = arith.constant 0 : i32
    %ne3A_1393 = vector.broadcast %ne3A_1392 : i32 to vector<16xi32>
    %ne3A_1394 = arith.cmpi ne, %rem3A_1391, %ne3A_1393 : vector<16xi32>
    %and3A_1395 = arith.andi %ne3A_1389, %ne3A_1394 : vector<16xi1>
    %sub3A_1396 = arith.constant 1 : i32
    %sub3A_1397 = vector.broadcast %sub3A_1396 : i32 to vector<16xi32>
    %sub3A_1398 = arith.subi %div3A_1371, %sub3A_1397 : vector<16xi32>
    %select_n3A_1399 = arith.select %and3A_1395, %sub3A_1398, %div3A_1371 : vector<16xi1>, vector<16xi32>
    %mul3A_1400 = arith.constant 2048 : i32
    %mul3A_1401 = vector.broadcast %mul3A_1400 : i32 to vector<16xi32>
    %mul3A_1402 = arith.muli %select_n3A_1399, %mul3A_1401 : vector<16xi32>
    %add3A_1403 = arith.constant 16 : i32
    %add3A_1404 = vector.broadcast %add3A_1403 : i32 to vector<16xi32>
    %add3A_1405 = arith.addi %iota3A, %add3A_1404 : vector<16xi32>
    %jit3A_1406 = arith.constant 8 : i32
    %eq3A_1407 = arith.constant 0 : i32
    %eq3A_1408 = arith.cmpi eq, %jit3A_1406, %eq3A_1407 : i32
    %jit3A_1409 = arith.constant 1 : i32
    %select_n3A_1410 = arith.select %eq3A_1408, %jit3A_1409, %jit3A_1406 : i32
    %rem3A_1411 = vector.broadcast %select_n3A_1410 : i32 to vector<16xi32>
    %rem3A_1412 = arith.remsi %add3A_1405, %rem3A_1411 : vector<16xi32>
    %ne3A_1413 = arith.constant 0 : i32
    %ne3A_1414 = vector.broadcast %ne3A_1413 : i32 to vector<16xi32>
    %ne3A_1415 = arith.cmpi ne, %rem3A_1412, %ne3A_1414 : vector<16xi32>
    %lt3A_1416 = arith.constant 0 : i32
    %lt3A_1417 = vector.broadcast %lt3A_1416 : i32 to vector<16xi32>
    %lt3A_1418 = arith.cmpi slt, %rem3A_1412, %lt3A_1417 : vector<16xi32>
    %lt3A_1419 = arith.constant 0 : i32
    %lt3A_1420 = arith.cmpi slt, %select_n3A_1410, %lt3A_1419 : i32
    %ne3A_1421 = vector.broadcast %lt3A_1420 : i1 to vector<16xi1>
    %ne3A_1422 = vector.broadcast %ne3A_1421 : vector<16xi1> to vector<16xi1>
    %ne3A_1423 = arith.xori %lt3A_1418, %ne3A_1422 : vector<16xi1>
    %and3A_1424 = arith.andi %ne3A_1423, %ne3A_1415 : vector<16xi1>
    %add3A_1425 = vector.broadcast %select_n3A_1410 : i32 to vector<16xi32>
    %add3A_1426 = arith.addi %rem3A_1412, %add3A_1425 : vector<16xi32>
    %select_n3A_1427 = arith.select %and3A_1424, %add3A_1426, %rem3A_1412 : vector<16xi1>, vector<16xi32>
    %mul3A_1428 = arith.constant 128 : i32
    %mul3A_1429 = vector.broadcast %mul3A_1428 : i32 to vector<16xi32>
    %mul3A_1430 = arith.muli %select_n3A_1427, %mul3A_1429 : vector<16xi32>
    %add3A_1431 = arith.addi %mul3A_1402, %mul3A_1430 : vector<16xi32>
    %add3A_1432 = arith.addi %add3A_1431, %rem3A_29 : vector<16xi32>
    %add3A_1433 = arith.constant 16 : i32
    %add3A_1434 = vector.broadcast %add3A_1433 : i32 to vector<16xi32>
    %add3A_1435 = arith.addi %iota3A, %add3A_1434 : vector<16xi32>
    %jit3A_1436 = arith.constant 8 : i32
    %div3A_1437 = vector.broadcast %jit3A_1436 : i32 to vector<16xi32>
    %div3A_1438 = arith.divsi %add3A_1435, %div3A_1437 : vector<16xi32>
    %sign3A_1439 = arith.constant 0 : i32
    %sign3A_1440 = vector.broadcast %sign3A_1439 : i32 to vector<16xi32>
    %sign3A_1441 = arith.cmpi sgt, %add3A_1435, %sign3A_1440 : vector<16xi32>
    %sign3A_1442 = arith.extui %sign3A_1441 : vector<16xi1> to vector<16xi32>
    %sign3A_1443 = arith.constant 0 : i32
    %sign3A_1444 = vector.broadcast %sign3A_1443 : i32 to vector<16xi32>
    %sign3A_1445 = arith.cmpi slt, %add3A_1435, %sign3A_1444 : vector<16xi32>
    %sign3A_1446 = arith.extui %sign3A_1445 : vector<16xi1> to vector<16xi32>
    %sign3A_1447 = arith.subi %sign3A_1442, %sign3A_1446 : vector<16xi32>
    %sign3A_1448 = arith.constant 0 : i32
    %sign3A_1449 = arith.cmpi sgt, %jit3A_1436, %sign3A_1448 : i32
    %sign3A_1450 = arith.extui %sign3A_1449 : i1 to i32
    %sign3A_1451 = arith.constant 0 : i32
    %sign3A_1452 = arith.cmpi slt, %jit3A_1436, %sign3A_1451 : i32
    %sign3A_1453 = arith.extui %sign3A_1452 : i1 to i32
    %sign3A_1454 = arith.subi %sign3A_1450, %sign3A_1453 : i32
    %ne3A_1455 = vector.broadcast %sign3A_1454 : i32 to vector<16xi32>
    %ne3A_1456 = arith.cmpi ne, %sign3A_1447, %ne3A_1455 : vector<16xi32>
    %rem3A_1457 = vector.broadcast %jit3A_1436 : i32 to vector<16xi32>
    %rem3A_1458 = arith.remsi %add3A_1435, %rem3A_1457 : vector<16xi32>
    %ne3A_1459 = arith.constant 0 : i32
    %ne3A_1460 = vector.broadcast %ne3A_1459 : i32 to vector<16xi32>
    %ne3A_1461 = arith.cmpi ne, %rem3A_1458, %ne3A_1460 : vector<16xi32>
    %and3A_1462 = arith.andi %ne3A_1456, %ne3A_1461 : vector<16xi1>
    %sub3A_1463 = arith.constant 1 : i32
    %sub3A_1464 = vector.broadcast %sub3A_1463 : i32 to vector<16xi32>
    %sub3A_1465 = arith.subi %div3A_1438, %sub3A_1464 : vector<16xi32>
    %select_n3A_1466 = arith.select %and3A_1462, %sub3A_1465, %div3A_1438 : vector<16xi1>, vector<16xi32>
    %mul3A_1467 = arith.constant 2048 : i32
    %mul3A_1468 = vector.broadcast %mul3A_1467 : i32 to vector<16xi32>
    %mul3A_1469 = arith.muli %select_n3A_1466, %mul3A_1468 : vector<16xi32>
    %add3A_1470 = arith.constant 16 : i32
    %add3A_1471 = vector.broadcast %add3A_1470 : i32 to vector<16xi32>
    %add3A_1472 = arith.addi %iota3A, %add3A_1471 : vector<16xi32>
    %jit3A_1473 = arith.constant 8 : i32
    %eq3A_1474 = arith.constant 0 : i32
    %eq3A_1475 = arith.cmpi eq, %jit3A_1473, %eq3A_1474 : i32
    %jit3A_1476 = arith.constant 1 : i32
    %select_n3A_1477 = arith.select %eq3A_1475, %jit3A_1476, %jit3A_1473 : i32
    %rem3A_1478 = vector.broadcast %select_n3A_1477 : i32 to vector<16xi32>
    %rem3A_1479 = arith.remsi %add3A_1472, %rem3A_1478 : vector<16xi32>
    %ne3A_1480 = arith.constant 0 : i32
    %ne3A_1481 = vector.broadcast %ne3A_1480 : i32 to vector<16xi32>
    %ne3A_1482 = arith.cmpi ne, %rem3A_1479, %ne3A_1481 : vector<16xi32>
    %lt3A_1483 = arith.constant 0 : i32
    %lt3A_1484 = vector.broadcast %lt3A_1483 : i32 to vector<16xi32>
    %lt3A_1485 = arith.cmpi slt, %rem3A_1479, %lt3A_1484 : vector<16xi32>
    %lt3A_1486 = arith.constant 0 : i32
    %lt3A_1487 = arith.cmpi slt, %select_n3A_1477, %lt3A_1486 : i32
    %ne3A_1488 = vector.broadcast %lt3A_1487 : i1 to vector<16xi1>
    %ne3A_1489 = vector.broadcast %ne3A_1488 : vector<16xi1> to vector<16xi1>
    %ne3A_1490 = arith.xori %lt3A_1485, %ne3A_1489 : vector<16xi1>
    %and3A_1491 = arith.andi %ne3A_1490, %ne3A_1482 : vector<16xi1>
    %add3A_1492 = vector.broadcast %select_n3A_1477 : i32 to vector<16xi32>
    %add3A_1493 = arith.addi %rem3A_1479, %add3A_1492 : vector<16xi32>
    %select_n3A_1494 = arith.select %and3A_1491, %add3A_1493, %rem3A_1479 : vector<16xi1>, vector<16xi32>
    %mul3A_1495 = arith.constant 128 : i32
    %mul3A_1496 = vector.broadcast %mul3A_1495 : i32 to vector<16xi32>
    %mul3A_1497 = arith.muli %select_n3A_1494, %mul3A_1496 : vector<16xi32>
    %add3A_1498 = arith.addi %mul3A_1469, %mul3A_1497 : vector<16xi32>
    %add3A_1499 = arith.addi %add3A_1498, %rem3A_35 : vector<16xi32>
    %add3A_1500 = arith.constant 16 : i32
    %add3A_1501 = vector.broadcast %add3A_1500 : i32 to vector<16xi32>
    %add3A_1502 = arith.addi %iota3A, %add3A_1501 : vector<16xi32>
    %jit3A_1503 = arith.constant 8 : i32
    %div3A_1504 = vector.broadcast %jit3A_1503 : i32 to vector<16xi32>
    %div3A_1505 = arith.divsi %add3A_1502, %div3A_1504 : vector<16xi32>
    %sign3A_1506 = arith.constant 0 : i32
    %sign3A_1507 = vector.broadcast %sign3A_1506 : i32 to vector<16xi32>
    %sign3A_1508 = arith.cmpi sgt, %add3A_1502, %sign3A_1507 : vector<16xi32>
    %sign3A_1509 = arith.extui %sign3A_1508 : vector<16xi1> to vector<16xi32>
    %sign3A_1510 = arith.constant 0 : i32
    %sign3A_1511 = vector.broadcast %sign3A_1510 : i32 to vector<16xi32>
    %sign3A_1512 = arith.cmpi slt, %add3A_1502, %sign3A_1511 : vector<16xi32>
    %sign3A_1513 = arith.extui %sign3A_1512 : vector<16xi1> to vector<16xi32>
    %sign3A_1514 = arith.subi %sign3A_1509, %sign3A_1513 : vector<16xi32>
    %sign3A_1515 = arith.constant 0 : i32
    %sign3A_1516 = arith.cmpi sgt, %jit3A_1503, %sign3A_1515 : i32
    %sign3A_1517 = arith.extui %sign3A_1516 : i1 to i32
    %sign3A_1518 = arith.constant 0 : i32
    %sign3A_1519 = arith.cmpi slt, %jit3A_1503, %sign3A_1518 : i32
    %sign3A_1520 = arith.extui %sign3A_1519 : i1 to i32
    %sign3A_1521 = arith.subi %sign3A_1517, %sign3A_1520 : i32
    %ne3A_1522 = vector.broadcast %sign3A_1521 : i32 to vector<16xi32>
    %ne3A_1523 = arith.cmpi ne, %sign3A_1514, %ne3A_1522 : vector<16xi32>
    %rem3A_1524 = vector.broadcast %jit3A_1503 : i32 to vector<16xi32>
    %rem3A_1525 = arith.remsi %add3A_1502, %rem3A_1524 : vector<16xi32>
    %ne3A_1526 = arith.constant 0 : i32
    %ne3A_1527 = vector.broadcast %ne3A_1526 : i32 to vector<16xi32>
    %ne3A_1528 = arith.cmpi ne, %rem3A_1525, %ne3A_1527 : vector<16xi32>
    %and3A_1529 = arith.andi %ne3A_1523, %ne3A_1528 : vector<16xi1>
    %sub3A_1530 = arith.constant 1 : i32
    %sub3A_1531 = vector.broadcast %sub3A_1530 : i32 to vector<16xi32>
    %sub3A_1532 = arith.subi %div3A_1505, %sub3A_1531 : vector<16xi32>
    %select_n3A_1533 = arith.select %and3A_1529, %sub3A_1532, %div3A_1505 : vector<16xi1>, vector<16xi32>
    %mul3A_1534 = arith.constant 2048 : i32
    %mul3A_1535 = vector.broadcast %mul3A_1534 : i32 to vector<16xi32>
    %mul3A_1536 = arith.muli %select_n3A_1533, %mul3A_1535 : vector<16xi32>
    %add3A_1537 = arith.constant 16 : i32
    %add3A_1538 = vector.broadcast %add3A_1537 : i32 to vector<16xi32>
    %add3A_1539 = arith.addi %iota3A, %add3A_1538 : vector<16xi32>
    %jit3A_1540 = arith.constant 8 : i32
    %eq3A_1541 = arith.constant 0 : i32
    %eq3A_1542 = arith.cmpi eq, %jit3A_1540, %eq3A_1541 : i32
    %jit3A_1543 = arith.constant 1 : i32
    %select_n3A_1544 = arith.select %eq3A_1542, %jit3A_1543, %jit3A_1540 : i32
    %rem3A_1545 = vector.broadcast %select_n3A_1544 : i32 to vector<16xi32>
    %rem3A_1546 = arith.remsi %add3A_1539, %rem3A_1545 : vector<16xi32>
    %ne3A_1547 = arith.constant 0 : i32
    %ne3A_1548 = vector.broadcast %ne3A_1547 : i32 to vector<16xi32>
    %ne3A_1549 = arith.cmpi ne, %rem3A_1546, %ne3A_1548 : vector<16xi32>
    %lt3A_1550 = arith.constant 0 : i32
    %lt3A_1551 = vector.broadcast %lt3A_1550 : i32 to vector<16xi32>
    %lt3A_1552 = arith.cmpi slt, %rem3A_1546, %lt3A_1551 : vector<16xi32>
    %lt3A_1553 = arith.constant 0 : i32
    %lt3A_1554 = arith.cmpi slt, %select_n3A_1544, %lt3A_1553 : i32
    %ne3A_1555 = vector.broadcast %lt3A_1554 : i1 to vector<16xi1>
    %ne3A_1556 = vector.broadcast %ne3A_1555 : vector<16xi1> to vector<16xi1>
    %ne3A_1557 = arith.xori %lt3A_1552, %ne3A_1556 : vector<16xi1>
    %and3A_1558 = arith.andi %ne3A_1557, %ne3A_1549 : vector<16xi1>
    %add3A_1559 = vector.broadcast %select_n3A_1544 : i32 to vector<16xi32>
    %add3A_1560 = arith.addi %rem3A_1546, %add3A_1559 : vector<16xi32>
    %select_n3A_1561 = arith.select %and3A_1558, %add3A_1560, %rem3A_1546 : vector<16xi1>, vector<16xi32>
    %mul3A_1562 = arith.constant 128 : i32
    %mul3A_1563 = vector.broadcast %mul3A_1562 : i32 to vector<16xi32>
    %mul3A_1564 = arith.muli %select_n3A_1561, %mul3A_1563 : vector<16xi32>
    %add3A_1565 = arith.addi %mul3A_1536, %mul3A_1564 : vector<16xi32>
    %add3A_1566 = arith.addi %add3A_1565, %rem3A_41 : vector<16xi32>
    %add3A_1567 = arith.constant 16 : i32
    %add3A_1568 = vector.broadcast %add3A_1567 : i32 to vector<16xi32>
    %add3A_1569 = arith.addi %iota3A, %add3A_1568 : vector<16xi32>
    %jit3A_1570 = arith.constant 8 : i32
    %div3A_1571 = vector.broadcast %jit3A_1570 : i32 to vector<16xi32>
    %div3A_1572 = arith.divsi %add3A_1569, %div3A_1571 : vector<16xi32>
    %sign3A_1573 = arith.constant 0 : i32
    %sign3A_1574 = vector.broadcast %sign3A_1573 : i32 to vector<16xi32>
    %sign3A_1575 = arith.cmpi sgt, %add3A_1569, %sign3A_1574 : vector<16xi32>
    %sign3A_1576 = arith.extui %sign3A_1575 : vector<16xi1> to vector<16xi32>
    %sign3A_1577 = arith.constant 0 : i32
    %sign3A_1578 = vector.broadcast %sign3A_1577 : i32 to vector<16xi32>
    %sign3A_1579 = arith.cmpi slt, %add3A_1569, %sign3A_1578 : vector<16xi32>
    %sign3A_1580 = arith.extui %sign3A_1579 : vector<16xi1> to vector<16xi32>
    %sign3A_1581 = arith.subi %sign3A_1576, %sign3A_1580 : vector<16xi32>
    %sign3A_1582 = arith.constant 0 : i32
    %sign3A_1583 = arith.cmpi sgt, %jit3A_1570, %sign3A_1582 : i32
    %sign3A_1584 = arith.extui %sign3A_1583 : i1 to i32
    %sign3A_1585 = arith.constant 0 : i32
    %sign3A_1586 = arith.cmpi slt, %jit3A_1570, %sign3A_1585 : i32
    %sign3A_1587 = arith.extui %sign3A_1586 : i1 to i32
    %sign3A_1588 = arith.subi %sign3A_1584, %sign3A_1587 : i32
    %ne3A_1589 = vector.broadcast %sign3A_1588 : i32 to vector<16xi32>
    %ne3A_1590 = arith.cmpi ne, %sign3A_1581, %ne3A_1589 : vector<16xi32>
    %rem3A_1591 = vector.broadcast %jit3A_1570 : i32 to vector<16xi32>
    %rem3A_1592 = arith.remsi %add3A_1569, %rem3A_1591 : vector<16xi32>
    %ne3A_1593 = arith.constant 0 : i32
    %ne3A_1594 = vector.broadcast %ne3A_1593 : i32 to vector<16xi32>
    %ne3A_1595 = arith.cmpi ne, %rem3A_1592, %ne3A_1594 : vector<16xi32>
    %and3A_1596 = arith.andi %ne3A_1590, %ne3A_1595 : vector<16xi1>
    %sub3A_1597 = arith.constant 1 : i32
    %sub3A_1598 = vector.broadcast %sub3A_1597 : i32 to vector<16xi32>
    %sub3A_1599 = arith.subi %div3A_1572, %sub3A_1598 : vector<16xi32>
    %select_n3A_1600 = arith.select %and3A_1596, %sub3A_1599, %div3A_1572 : vector<16xi1>, vector<16xi32>
    %mul3A_1601 = arith.constant 2048 : i32
    %mul3A_1602 = vector.broadcast %mul3A_1601 : i32 to vector<16xi32>
    %mul3A_1603 = arith.muli %select_n3A_1600, %mul3A_1602 : vector<16xi32>
    %add3A_1604 = arith.constant 16 : i32
    %add3A_1605 = vector.broadcast %add3A_1604 : i32 to vector<16xi32>
    %add3A_1606 = arith.addi %iota3A, %add3A_1605 : vector<16xi32>
    %jit3A_1607 = arith.constant 8 : i32
    %eq3A_1608 = arith.constant 0 : i32
    %eq3A_1609 = arith.cmpi eq, %jit3A_1607, %eq3A_1608 : i32
    %jit3A_1610 = arith.constant 1 : i32
    %select_n3A_1611 = arith.select %eq3A_1609, %jit3A_1610, %jit3A_1607 : i32
    %rem3A_1612 = vector.broadcast %select_n3A_1611 : i32 to vector<16xi32>
    %rem3A_1613 = arith.remsi %add3A_1606, %rem3A_1612 : vector<16xi32>
    %ne3A_1614 = arith.constant 0 : i32
    %ne3A_1615 = vector.broadcast %ne3A_1614 : i32 to vector<16xi32>
    %ne3A_1616 = arith.cmpi ne, %rem3A_1613, %ne3A_1615 : vector<16xi32>
    %lt3A_1617 = arith.constant 0 : i32
    %lt3A_1618 = vector.broadcast %lt3A_1617 : i32 to vector<16xi32>
    %lt3A_1619 = arith.cmpi slt, %rem3A_1613, %lt3A_1618 : vector<16xi32>
    %lt3A_1620 = arith.constant 0 : i32
    %lt3A_1621 = arith.cmpi slt, %select_n3A_1611, %lt3A_1620 : i32
    %ne3A_1622 = vector.broadcast %lt3A_1621 : i1 to vector<16xi1>
    %ne3A_1623 = vector.broadcast %ne3A_1622 : vector<16xi1> to vector<16xi1>
    %ne3A_1624 = arith.xori %lt3A_1619, %ne3A_1623 : vector<16xi1>
    %and3A_1625 = arith.andi %ne3A_1624, %ne3A_1616 : vector<16xi1>
    %add3A_1626 = vector.broadcast %select_n3A_1611 : i32 to vector<16xi32>
    %add3A_1627 = arith.addi %rem3A_1613, %add3A_1626 : vector<16xi32>
    %select_n3A_1628 = arith.select %and3A_1625, %add3A_1627, %rem3A_1613 : vector<16xi1>, vector<16xi32>
    %mul3A_1629 = arith.constant 128 : i32
    %mul3A_1630 = vector.broadcast %mul3A_1629 : i32 to vector<16xi32>
    %mul3A_1631 = arith.muli %select_n3A_1628, %mul3A_1630 : vector<16xi32>
    %add3A_1632 = arith.addi %mul3A_1603, %mul3A_1631 : vector<16xi32>
    %add3A_1633 = arith.addi %add3A_1632, %rem3A_47 : vector<16xi32>
    %add3A_1634 = arith.constant 16 : i32
    %add3A_1635 = vector.broadcast %add3A_1634 : i32 to vector<16xi32>
    %add3A_1636 = arith.addi %iota3A, %add3A_1635 : vector<16xi32>
    %jit3A_1637 = arith.constant 8 : i32
    %div3A_1638 = vector.broadcast %jit3A_1637 : i32 to vector<16xi32>
    %div3A_1639 = arith.divsi %add3A_1636, %div3A_1638 : vector<16xi32>
    %sign3A_1640 = arith.constant 0 : i32
    %sign3A_1641 = vector.broadcast %sign3A_1640 : i32 to vector<16xi32>
    %sign3A_1642 = arith.cmpi sgt, %add3A_1636, %sign3A_1641 : vector<16xi32>
    %sign3A_1643 = arith.extui %sign3A_1642 : vector<16xi1> to vector<16xi32>
    %sign3A_1644 = arith.constant 0 : i32
    %sign3A_1645 = vector.broadcast %sign3A_1644 : i32 to vector<16xi32>
    %sign3A_1646 = arith.cmpi slt, %add3A_1636, %sign3A_1645 : vector<16xi32>
    %sign3A_1647 = arith.extui %sign3A_1646 : vector<16xi1> to vector<16xi32>
    %sign3A_1648 = arith.subi %sign3A_1643, %sign3A_1647 : vector<16xi32>
    %sign3A_1649 = arith.constant 0 : i32
    %sign3A_1650 = arith.cmpi sgt, %jit3A_1637, %sign3A_1649 : i32
    %sign3A_1651 = arith.extui %sign3A_1650 : i1 to i32
    %sign3A_1652 = arith.constant 0 : i32
    %sign3A_1653 = arith.cmpi slt, %jit3A_1637, %sign3A_1652 : i32
    %sign3A_1654 = arith.extui %sign3A_1653 : i1 to i32
    %sign3A_1655 = arith.subi %sign3A_1651, %sign3A_1654 : i32
    %ne3A_1656 = vector.broadcast %sign3A_1655 : i32 to vector<16xi32>
    %ne3A_1657 = arith.cmpi ne, %sign3A_1648, %ne3A_1656 : vector<16xi32>
    %rem3A_1658 = vector.broadcast %jit3A_1637 : i32 to vector<16xi32>
    %rem3A_1659 = arith.remsi %add3A_1636, %rem3A_1658 : vector<16xi32>
    %ne3A_1660 = arith.constant 0 : i32
    %ne3A_1661 = vector.broadcast %ne3A_1660 : i32 to vector<16xi32>
    %ne3A_1662 = arith.cmpi ne, %rem3A_1659, %ne3A_1661 : vector<16xi32>
    %and3A_1663 = arith.andi %ne3A_1657, %ne3A_1662 : vector<16xi1>
    %sub3A_1664 = arith.constant 1 : i32
    %sub3A_1665 = vector.broadcast %sub3A_1664 : i32 to vector<16xi32>
    %sub3A_1666 = arith.subi %div3A_1639, %sub3A_1665 : vector<16xi32>
    %select_n3A_1667 = arith.select %and3A_1663, %sub3A_1666, %div3A_1639 : vector<16xi1>, vector<16xi32>
    %mul3A_1668 = arith.constant 2048 : i32
    %mul3A_1669 = vector.broadcast %mul3A_1668 : i32 to vector<16xi32>
    %mul3A_1670 = arith.muli %select_n3A_1667, %mul3A_1669 : vector<16xi32>
    %add3A_1671 = arith.constant 16 : i32
    %add3A_1672 = vector.broadcast %add3A_1671 : i32 to vector<16xi32>
    %add3A_1673 = arith.addi %iota3A, %add3A_1672 : vector<16xi32>
    %jit3A_1674 = arith.constant 8 : i32
    %eq3A_1675 = arith.constant 0 : i32
    %eq3A_1676 = arith.cmpi eq, %jit3A_1674, %eq3A_1675 : i32
    %jit3A_1677 = arith.constant 1 : i32
    %select_n3A_1678 = arith.select %eq3A_1676, %jit3A_1677, %jit3A_1674 : i32
    %rem3A_1679 = vector.broadcast %select_n3A_1678 : i32 to vector<16xi32>
    %rem3A_1680 = arith.remsi %add3A_1673, %rem3A_1679 : vector<16xi32>
    %ne3A_1681 = arith.constant 0 : i32
    %ne3A_1682 = vector.broadcast %ne3A_1681 : i32 to vector<16xi32>
    %ne3A_1683 = arith.cmpi ne, %rem3A_1680, %ne3A_1682 : vector<16xi32>
    %lt3A_1684 = arith.constant 0 : i32
    %lt3A_1685 = vector.broadcast %lt3A_1684 : i32 to vector<16xi32>
    %lt3A_1686 = arith.cmpi slt, %rem3A_1680, %lt3A_1685 : vector<16xi32>
    %lt3A_1687 = arith.constant 0 : i32
    %lt3A_1688 = arith.cmpi slt, %select_n3A_1678, %lt3A_1687 : i32
    %ne3A_1689 = vector.broadcast %lt3A_1688 : i1 to vector<16xi1>
    %ne3A_1690 = vector.broadcast %ne3A_1689 : vector<16xi1> to vector<16xi1>
    %ne3A_1691 = arith.xori %lt3A_1686, %ne3A_1690 : vector<16xi1>
    %and3A_1692 = arith.andi %ne3A_1691, %ne3A_1683 : vector<16xi1>
    %add3A_1693 = vector.broadcast %select_n3A_1678 : i32 to vector<16xi32>
    %add3A_1694 = arith.addi %rem3A_1680, %add3A_1693 : vector<16xi32>
    %select_n3A_1695 = arith.select %and3A_1692, %add3A_1694, %rem3A_1680 : vector<16xi1>, vector<16xi32>
    %mul3A_1696 = arith.constant 128 : i32
    %mul3A_1697 = vector.broadcast %mul3A_1696 : i32 to vector<16xi32>
    %mul3A_1698 = arith.muli %select_n3A_1695, %mul3A_1697 : vector<16xi32>
    %add3A_1699 = arith.addi %mul3A_1670, %mul3A_1698 : vector<16xi32>
    %add3A_1700 = arith.addi %add3A_1699, %rem3A_53 : vector<16xi32>
    %add3A_1701 = arith.constant 16 : i32
    %add3A_1702 = vector.broadcast %add3A_1701 : i32 to vector<16xi32>
    %add3A_1703 = arith.addi %iota3A, %add3A_1702 : vector<16xi32>
    %jit3A_1704 = arith.constant 8 : i32
    %div3A_1705 = vector.broadcast %jit3A_1704 : i32 to vector<16xi32>
    %div3A_1706 = arith.divsi %add3A_1703, %div3A_1705 : vector<16xi32>
    %sign3A_1707 = arith.constant 0 : i32
    %sign3A_1708 = vector.broadcast %sign3A_1707 : i32 to vector<16xi32>
    %sign3A_1709 = arith.cmpi sgt, %add3A_1703, %sign3A_1708 : vector<16xi32>
    %sign3A_1710 = arith.extui %sign3A_1709 : vector<16xi1> to vector<16xi32>
    %sign3A_1711 = arith.constant 0 : i32
    %sign3A_1712 = vector.broadcast %sign3A_1711 : i32 to vector<16xi32>
    %sign3A_1713 = arith.cmpi slt, %add3A_1703, %sign3A_1712 : vector<16xi32>
    %sign3A_1714 = arith.extui %sign3A_1713 : vector<16xi1> to vector<16xi32>
    %sign3A_1715 = arith.subi %sign3A_1710, %sign3A_1714 : vector<16xi32>
    %sign3A_1716 = arith.constant 0 : i32
    %sign3A_1717 = arith.cmpi sgt, %jit3A_1704, %sign3A_1716 : i32
    %sign3A_1718 = arith.extui %sign3A_1717 : i1 to i32
    %sign3A_1719 = arith.constant 0 : i32
    %sign3A_1720 = arith.cmpi slt, %jit3A_1704, %sign3A_1719 : i32
    %sign3A_1721 = arith.extui %sign3A_1720 : i1 to i32
    %sign3A_1722 = arith.subi %sign3A_1718, %sign3A_1721 : i32
    %ne3A_1723 = vector.broadcast %sign3A_1722 : i32 to vector<16xi32>
    %ne3A_1724 = arith.cmpi ne, %sign3A_1715, %ne3A_1723 : vector<16xi32>
    %rem3A_1725 = vector.broadcast %jit3A_1704 : i32 to vector<16xi32>
    %rem3A_1726 = arith.remsi %add3A_1703, %rem3A_1725 : vector<16xi32>
    %ne3A_1727 = arith.constant 0 : i32
    %ne3A_1728 = vector.broadcast %ne3A_1727 : i32 to vector<16xi32>
    %ne3A_1729 = arith.cmpi ne, %rem3A_1726, %ne3A_1728 : vector<16xi32>
    %and3A_1730 = arith.andi %ne3A_1724, %ne3A_1729 : vector<16xi1>
    %sub3A_1731 = arith.constant 1 : i32
    %sub3A_1732 = vector.broadcast %sub3A_1731 : i32 to vector<16xi32>
    %sub3A_1733 = arith.subi %div3A_1706, %sub3A_1732 : vector<16xi32>
    %select_n3A_1734 = arith.select %and3A_1730, %sub3A_1733, %div3A_1706 : vector<16xi1>, vector<16xi32>
    %mul3A_1735 = arith.constant 2048 : i32
    %mul3A_1736 = vector.broadcast %mul3A_1735 : i32 to vector<16xi32>
    %mul3A_1737 = arith.muli %select_n3A_1734, %mul3A_1736 : vector<16xi32>
    %add3A_1738 = arith.constant 16 : i32
    %add3A_1739 = vector.broadcast %add3A_1738 : i32 to vector<16xi32>
    %add3A_1740 = arith.addi %iota3A, %add3A_1739 : vector<16xi32>
    %jit3A_1741 = arith.constant 8 : i32
    %eq3A_1742 = arith.constant 0 : i32
    %eq3A_1743 = arith.cmpi eq, %jit3A_1741, %eq3A_1742 : i32
    %jit3A_1744 = arith.constant 1 : i32
    %select_n3A_1745 = arith.select %eq3A_1743, %jit3A_1744, %jit3A_1741 : i32
    %rem3A_1746 = vector.broadcast %select_n3A_1745 : i32 to vector<16xi32>
    %rem3A_1747 = arith.remsi %add3A_1740, %rem3A_1746 : vector<16xi32>
    %ne3A_1748 = arith.constant 0 : i32
    %ne3A_1749 = vector.broadcast %ne3A_1748 : i32 to vector<16xi32>
    %ne3A_1750 = arith.cmpi ne, %rem3A_1747, %ne3A_1749 : vector<16xi32>
    %lt3A_1751 = arith.constant 0 : i32
    %lt3A_1752 = vector.broadcast %lt3A_1751 : i32 to vector<16xi32>
    %lt3A_1753 = arith.cmpi slt, %rem3A_1747, %lt3A_1752 : vector<16xi32>
    %lt3A_1754 = arith.constant 0 : i32
    %lt3A_1755 = arith.cmpi slt, %select_n3A_1745, %lt3A_1754 : i32
    %ne3A_1756 = vector.broadcast %lt3A_1755 : i1 to vector<16xi1>
    %ne3A_1757 = vector.broadcast %ne3A_1756 : vector<16xi1> to vector<16xi1>
    %ne3A_1758 = arith.xori %lt3A_1753, %ne3A_1757 : vector<16xi1>
    %and3A_1759 = arith.andi %ne3A_1758, %ne3A_1750 : vector<16xi1>
    %add3A_1760 = vector.broadcast %select_n3A_1745 : i32 to vector<16xi32>
    %add3A_1761 = arith.addi %rem3A_1747, %add3A_1760 : vector<16xi32>
    %select_n3A_1762 = arith.select %and3A_1759, %add3A_1761, %rem3A_1747 : vector<16xi1>, vector<16xi32>
    %mul3A_1763 = arith.constant 128 : i32
    %mul3A_1764 = vector.broadcast %mul3A_1763 : i32 to vector<16xi32>
    %mul3A_1765 = arith.muli %select_n3A_1762, %mul3A_1764 : vector<16xi32>
    %add3A_1766 = arith.addi %mul3A_1737, %mul3A_1765 : vector<16xi32>
    %add3A_1767 = arith.addi %add3A_1766, %rem3A_59 : vector<16xi32>
    %add3A_1768 = arith.constant 16 : i32
    %add3A_1769 = vector.broadcast %add3A_1768 : i32 to vector<16xi32>
    %add3A_1770 = arith.addi %iota3A, %add3A_1769 : vector<16xi32>
    %jit3A_1771 = arith.constant 8 : i32
    %div3A_1772 = vector.broadcast %jit3A_1771 : i32 to vector<16xi32>
    %div3A_1773 = arith.divsi %add3A_1770, %div3A_1772 : vector<16xi32>
    %sign3A_1774 = arith.constant 0 : i32
    %sign3A_1775 = vector.broadcast %sign3A_1774 : i32 to vector<16xi32>
    %sign3A_1776 = arith.cmpi sgt, %add3A_1770, %sign3A_1775 : vector<16xi32>
    %sign3A_1777 = arith.extui %sign3A_1776 : vector<16xi1> to vector<16xi32>
    %sign3A_1778 = arith.constant 0 : i32
    %sign3A_1779 = vector.broadcast %sign3A_1778 : i32 to vector<16xi32>
    %sign3A_1780 = arith.cmpi slt, %add3A_1770, %sign3A_1779 : vector<16xi32>
    %sign3A_1781 = arith.extui %sign3A_1780 : vector<16xi1> to vector<16xi32>
    %sign3A_1782 = arith.subi %sign3A_1777, %sign3A_1781 : vector<16xi32>
    %sign3A_1783 = arith.constant 0 : i32
    %sign3A_1784 = arith.cmpi sgt, %jit3A_1771, %sign3A_1783 : i32
    %sign3A_1785 = arith.extui %sign3A_1784 : i1 to i32
    %sign3A_1786 = arith.constant 0 : i32
    %sign3A_1787 = arith.cmpi slt, %jit3A_1771, %sign3A_1786 : i32
    %sign3A_1788 = arith.extui %sign3A_1787 : i1 to i32
    %sign3A_1789 = arith.subi %sign3A_1785, %sign3A_1788 : i32
    %ne3A_1790 = vector.broadcast %sign3A_1789 : i32 to vector<16xi32>
    %ne3A_1791 = arith.cmpi ne, %sign3A_1782, %ne3A_1790 : vector<16xi32>
    %rem3A_1792 = vector.broadcast %jit3A_1771 : i32 to vector<16xi32>
    %rem3A_1793 = arith.remsi %add3A_1770, %rem3A_1792 : vector<16xi32>
    %ne3A_1794 = arith.constant 0 : i32
    %ne3A_1795 = vector.broadcast %ne3A_1794 : i32 to vector<16xi32>
    %ne3A_1796 = arith.cmpi ne, %rem3A_1793, %ne3A_1795 : vector<16xi32>
    %and3A_1797 = arith.andi %ne3A_1791, %ne3A_1796 : vector<16xi1>
    %sub3A_1798 = arith.constant 1 : i32
    %sub3A_1799 = vector.broadcast %sub3A_1798 : i32 to vector<16xi32>
    %sub3A_1800 = arith.subi %div3A_1773, %sub3A_1799 : vector<16xi32>
    %select_n3A_1801 = arith.select %and3A_1797, %sub3A_1800, %div3A_1773 : vector<16xi1>, vector<16xi32>
    %mul3A_1802 = arith.constant 2048 : i32
    %mul3A_1803 = vector.broadcast %mul3A_1802 : i32 to vector<16xi32>
    %mul3A_1804 = arith.muli %select_n3A_1801, %mul3A_1803 : vector<16xi32>
    %add3A_1805 = arith.constant 16 : i32
    %add3A_1806 = vector.broadcast %add3A_1805 : i32 to vector<16xi32>
    %add3A_1807 = arith.addi %iota3A, %add3A_1806 : vector<16xi32>
    %jit3A_1808 = arith.constant 8 : i32
    %eq3A_1809 = arith.constant 0 : i32
    %eq3A_1810 = arith.cmpi eq, %jit3A_1808, %eq3A_1809 : i32
    %jit3A_1811 = arith.constant 1 : i32
    %select_n3A_1812 = arith.select %eq3A_1810, %jit3A_1811, %jit3A_1808 : i32
    %rem3A_1813 = vector.broadcast %select_n3A_1812 : i32 to vector<16xi32>
    %rem3A_1814 = arith.remsi %add3A_1807, %rem3A_1813 : vector<16xi32>
    %ne3A_1815 = arith.constant 0 : i32
    %ne3A_1816 = vector.broadcast %ne3A_1815 : i32 to vector<16xi32>
    %ne3A_1817 = arith.cmpi ne, %rem3A_1814, %ne3A_1816 : vector<16xi32>
    %lt3A_1818 = arith.constant 0 : i32
    %lt3A_1819 = vector.broadcast %lt3A_1818 : i32 to vector<16xi32>
    %lt3A_1820 = arith.cmpi slt, %rem3A_1814, %lt3A_1819 : vector<16xi32>
    %lt3A_1821 = arith.constant 0 : i32
    %lt3A_1822 = arith.cmpi slt, %select_n3A_1812, %lt3A_1821 : i32
    %ne3A_1823 = vector.broadcast %lt3A_1822 : i1 to vector<16xi1>
    %ne3A_1824 = vector.broadcast %ne3A_1823 : vector<16xi1> to vector<16xi1>
    %ne3A_1825 = arith.xori %lt3A_1820, %ne3A_1824 : vector<16xi1>
    %and3A_1826 = arith.andi %ne3A_1825, %ne3A_1817 : vector<16xi1>
    %add3A_1827 = vector.broadcast %select_n3A_1812 : i32 to vector<16xi32>
    %add3A_1828 = arith.addi %rem3A_1814, %add3A_1827 : vector<16xi32>
    %select_n3A_1829 = arith.select %and3A_1826, %add3A_1828, %rem3A_1814 : vector<16xi1>, vector<16xi32>
    %mul3A_1830 = arith.constant 128 : i32
    %mul3A_1831 = vector.broadcast %mul3A_1830 : i32 to vector<16xi32>
    %mul3A_1832 = arith.muli %select_n3A_1829, %mul3A_1831 : vector<16xi32>
    %add3A_1833 = arith.addi %mul3A_1804, %mul3A_1832 : vector<16xi32>
    %add3A_1834 = arith.addi %add3A_1833, %rem3A_65 : vector<16xi32>
    %add3A_1835 = arith.constant 16 : i32
    %add3A_1836 = vector.broadcast %add3A_1835 : i32 to vector<16xi32>
    %add3A_1837 = arith.addi %iota3A, %add3A_1836 : vector<16xi32>
    %jit3A_1838 = arith.constant 8 : i32
    %div3A_1839 = vector.broadcast %jit3A_1838 : i32 to vector<16xi32>
    %div3A_1840 = arith.divsi %add3A_1837, %div3A_1839 : vector<16xi32>
    %sign3A_1841 = arith.constant 0 : i32
    %sign3A_1842 = vector.broadcast %sign3A_1841 : i32 to vector<16xi32>
    %sign3A_1843 = arith.cmpi sgt, %add3A_1837, %sign3A_1842 : vector<16xi32>
    %sign3A_1844 = arith.extui %sign3A_1843 : vector<16xi1> to vector<16xi32>
    %sign3A_1845 = arith.constant 0 : i32
    %sign3A_1846 = vector.broadcast %sign3A_1845 : i32 to vector<16xi32>
    %sign3A_1847 = arith.cmpi slt, %add3A_1837, %sign3A_1846 : vector<16xi32>
    %sign3A_1848 = arith.extui %sign3A_1847 : vector<16xi1> to vector<16xi32>
    %sign3A_1849 = arith.subi %sign3A_1844, %sign3A_1848 : vector<16xi32>
    %sign3A_1850 = arith.constant 0 : i32
    %sign3A_1851 = arith.cmpi sgt, %jit3A_1838, %sign3A_1850 : i32
    %sign3A_1852 = arith.extui %sign3A_1851 : i1 to i32
    %sign3A_1853 = arith.constant 0 : i32
    %sign3A_1854 = arith.cmpi slt, %jit3A_1838, %sign3A_1853 : i32
    %sign3A_1855 = arith.extui %sign3A_1854 : i1 to i32
    %sign3A_1856 = arith.subi %sign3A_1852, %sign3A_1855 : i32
    %ne3A_1857 = vector.broadcast %sign3A_1856 : i32 to vector<16xi32>
    %ne3A_1858 = arith.cmpi ne, %sign3A_1849, %ne3A_1857 : vector<16xi32>
    %rem3A_1859 = vector.broadcast %jit3A_1838 : i32 to vector<16xi32>
    %rem3A_1860 = arith.remsi %add3A_1837, %rem3A_1859 : vector<16xi32>
    %ne3A_1861 = arith.constant 0 : i32
    %ne3A_1862 = vector.broadcast %ne3A_1861 : i32 to vector<16xi32>
    %ne3A_1863 = arith.cmpi ne, %rem3A_1860, %ne3A_1862 : vector<16xi32>
    %and3A_1864 = arith.andi %ne3A_1858, %ne3A_1863 : vector<16xi1>
    %sub3A_1865 = arith.constant 1 : i32
    %sub3A_1866 = vector.broadcast %sub3A_1865 : i32 to vector<16xi32>
    %sub3A_1867 = arith.subi %div3A_1840, %sub3A_1866 : vector<16xi32>
    %select_n3A_1868 = arith.select %and3A_1864, %sub3A_1867, %div3A_1840 : vector<16xi1>, vector<16xi32>
    %mul3A_1869 = arith.constant 2048 : i32
    %mul3A_1870 = vector.broadcast %mul3A_1869 : i32 to vector<16xi32>
    %mul3A_1871 = arith.muli %select_n3A_1868, %mul3A_1870 : vector<16xi32>
    %add3A_1872 = arith.constant 16 : i32
    %add3A_1873 = vector.broadcast %add3A_1872 : i32 to vector<16xi32>
    %add3A_1874 = arith.addi %iota3A, %add3A_1873 : vector<16xi32>
    %jit3A_1875 = arith.constant 8 : i32
    %eq3A_1876 = arith.constant 0 : i32
    %eq3A_1877 = arith.cmpi eq, %jit3A_1875, %eq3A_1876 : i32
    %jit3A_1878 = arith.constant 1 : i32
    %select_n3A_1879 = arith.select %eq3A_1877, %jit3A_1878, %jit3A_1875 : i32
    %rem3A_1880 = vector.broadcast %select_n3A_1879 : i32 to vector<16xi32>
    %rem3A_1881 = arith.remsi %add3A_1874, %rem3A_1880 : vector<16xi32>
    %ne3A_1882 = arith.constant 0 : i32
    %ne3A_1883 = vector.broadcast %ne3A_1882 : i32 to vector<16xi32>
    %ne3A_1884 = arith.cmpi ne, %rem3A_1881, %ne3A_1883 : vector<16xi32>
    %lt3A_1885 = arith.constant 0 : i32
    %lt3A_1886 = vector.broadcast %lt3A_1885 : i32 to vector<16xi32>
    %lt3A_1887 = arith.cmpi slt, %rem3A_1881, %lt3A_1886 : vector<16xi32>
    %lt3A_1888 = arith.constant 0 : i32
    %lt3A_1889 = arith.cmpi slt, %select_n3A_1879, %lt3A_1888 : i32
    %ne3A_1890 = vector.broadcast %lt3A_1889 : i1 to vector<16xi1>
    %ne3A_1891 = vector.broadcast %ne3A_1890 : vector<16xi1> to vector<16xi1>
    %ne3A_1892 = arith.xori %lt3A_1887, %ne3A_1891 : vector<16xi1>
    %and3A_1893 = arith.andi %ne3A_1892, %ne3A_1884 : vector<16xi1>
    %add3A_1894 = vector.broadcast %select_n3A_1879 : i32 to vector<16xi32>
    %add3A_1895 = arith.addi %rem3A_1881, %add3A_1894 : vector<16xi32>
    %select_n3A_1896 = arith.select %and3A_1893, %add3A_1895, %rem3A_1881 : vector<16xi1>, vector<16xi32>
    %mul3A_1897 = arith.constant 128 : i32
    %mul3A_1898 = vector.broadcast %mul3A_1897 : i32 to vector<16xi32>
    %mul3A_1899 = arith.muli %select_n3A_1896, %mul3A_1898 : vector<16xi32>
    %add3A_1900 = arith.addi %mul3A_1871, %mul3A_1899 : vector<16xi32>
    %add3A_1901 = arith.addi %add3A_1900, %rem3A_71 : vector<16xi32>
    %add3A_1902 = arith.constant 16 : i32
    %add3A_1903 = vector.broadcast %add3A_1902 : i32 to vector<16xi32>
    %add3A_1904 = arith.addi %iota3A, %add3A_1903 : vector<16xi32>
    %jit3A_1905 = arith.constant 8 : i32
    %div3A_1906 = vector.broadcast %jit3A_1905 : i32 to vector<16xi32>
    %div3A_1907 = arith.divsi %add3A_1904, %div3A_1906 : vector<16xi32>
    %sign3A_1908 = arith.constant 0 : i32
    %sign3A_1909 = vector.broadcast %sign3A_1908 : i32 to vector<16xi32>
    %sign3A_1910 = arith.cmpi sgt, %add3A_1904, %sign3A_1909 : vector<16xi32>
    %sign3A_1911 = arith.extui %sign3A_1910 : vector<16xi1> to vector<16xi32>
    %sign3A_1912 = arith.constant 0 : i32
    %sign3A_1913 = vector.broadcast %sign3A_1912 : i32 to vector<16xi32>
    %sign3A_1914 = arith.cmpi slt, %add3A_1904, %sign3A_1913 : vector<16xi32>
    %sign3A_1915 = arith.extui %sign3A_1914 : vector<16xi1> to vector<16xi32>
    %sign3A_1916 = arith.subi %sign3A_1911, %sign3A_1915 : vector<16xi32>
    %sign3A_1917 = arith.constant 0 : i32
    %sign3A_1918 = arith.cmpi sgt, %jit3A_1905, %sign3A_1917 : i32
    %sign3A_1919 = arith.extui %sign3A_1918 : i1 to i32
    %sign3A_1920 = arith.constant 0 : i32
    %sign3A_1921 = arith.cmpi slt, %jit3A_1905, %sign3A_1920 : i32
    %sign3A_1922 = arith.extui %sign3A_1921 : i1 to i32
    %sign3A_1923 = arith.subi %sign3A_1919, %sign3A_1922 : i32
    %ne3A_1924 = vector.broadcast %sign3A_1923 : i32 to vector<16xi32>
    %ne3A_1925 = arith.cmpi ne, %sign3A_1916, %ne3A_1924 : vector<16xi32>
    %rem3A_1926 = vector.broadcast %jit3A_1905 : i32 to vector<16xi32>
    %rem3A_1927 = arith.remsi %add3A_1904, %rem3A_1926 : vector<16xi32>
    %ne3A_1928 = arith.constant 0 : i32
    %ne3A_1929 = vector.broadcast %ne3A_1928 : i32 to vector<16xi32>
    %ne3A_1930 = arith.cmpi ne, %rem3A_1927, %ne3A_1929 : vector<16xi32>
    %and3A_1931 = arith.andi %ne3A_1925, %ne3A_1930 : vector<16xi1>
    %sub3A_1932 = arith.constant 1 : i32
    %sub3A_1933 = vector.broadcast %sub3A_1932 : i32 to vector<16xi32>
    %sub3A_1934 = arith.subi %div3A_1907, %sub3A_1933 : vector<16xi32>
    %select_n3A_1935 = arith.select %and3A_1931, %sub3A_1934, %div3A_1907 : vector<16xi1>, vector<16xi32>
    %mul3A_1936 = arith.constant 2048 : i32
    %mul3A_1937 = vector.broadcast %mul3A_1936 : i32 to vector<16xi32>
    %mul3A_1938 = arith.muli %select_n3A_1935, %mul3A_1937 : vector<16xi32>
    %add3A_1939 = arith.constant 16 : i32
    %add3A_1940 = vector.broadcast %add3A_1939 : i32 to vector<16xi32>
    %add3A_1941 = arith.addi %iota3A, %add3A_1940 : vector<16xi32>
    %jit3A_1942 = arith.constant 8 : i32
    %eq3A_1943 = arith.constant 0 : i32
    %eq3A_1944 = arith.cmpi eq, %jit3A_1942, %eq3A_1943 : i32
    %jit3A_1945 = arith.constant 1 : i32
    %select_n3A_1946 = arith.select %eq3A_1944, %jit3A_1945, %jit3A_1942 : i32
    %rem3A_1947 = vector.broadcast %select_n3A_1946 : i32 to vector<16xi32>
    %rem3A_1948 = arith.remsi %add3A_1941, %rem3A_1947 : vector<16xi32>
    %ne3A_1949 = arith.constant 0 : i32
    %ne3A_1950 = vector.broadcast %ne3A_1949 : i32 to vector<16xi32>
    %ne3A_1951 = arith.cmpi ne, %rem3A_1948, %ne3A_1950 : vector<16xi32>
    %lt3A_1952 = arith.constant 0 : i32
    %lt3A_1953 = vector.broadcast %lt3A_1952 : i32 to vector<16xi32>
    %lt3A_1954 = arith.cmpi slt, %rem3A_1948, %lt3A_1953 : vector<16xi32>
    %lt3A_1955 = arith.constant 0 : i32
    %lt3A_1956 = arith.cmpi slt, %select_n3A_1946, %lt3A_1955 : i32
    %ne3A_1957 = vector.broadcast %lt3A_1956 : i1 to vector<16xi1>
    %ne3A_1958 = vector.broadcast %ne3A_1957 : vector<16xi1> to vector<16xi1>
    %ne3A_1959 = arith.xori %lt3A_1954, %ne3A_1958 : vector<16xi1>
    %and3A_1960 = arith.andi %ne3A_1959, %ne3A_1951 : vector<16xi1>
    %add3A_1961 = vector.broadcast %select_n3A_1946 : i32 to vector<16xi32>
    %add3A_1962 = arith.addi %rem3A_1948, %add3A_1961 : vector<16xi32>
    %select_n3A_1963 = arith.select %and3A_1960, %add3A_1962, %rem3A_1948 : vector<16xi1>, vector<16xi32>
    %mul3A_1964 = arith.constant 128 : i32
    %mul3A_1965 = vector.broadcast %mul3A_1964 : i32 to vector<16xi32>
    %mul3A_1966 = arith.muli %select_n3A_1963, %mul3A_1965 : vector<16xi32>
    %add3A_1967 = arith.addi %mul3A_1938, %mul3A_1966 : vector<16xi32>
    %add3A_1968 = arith.addi %add3A_1967, %rem3A_77 : vector<16xi32>
    %add3A_1969 = arith.constant 16 : i32
    %add3A_1970 = vector.broadcast %add3A_1969 : i32 to vector<16xi32>
    %add3A_1971 = arith.addi %iota3A, %add3A_1970 : vector<16xi32>
    %jit3A_1972 = arith.constant 8 : i32
    %div3A_1973 = vector.broadcast %jit3A_1972 : i32 to vector<16xi32>
    %div3A_1974 = arith.divsi %add3A_1971, %div3A_1973 : vector<16xi32>
    %sign3A_1975 = arith.constant 0 : i32
    %sign3A_1976 = vector.broadcast %sign3A_1975 : i32 to vector<16xi32>
    %sign3A_1977 = arith.cmpi sgt, %add3A_1971, %sign3A_1976 : vector<16xi32>
    %sign3A_1978 = arith.extui %sign3A_1977 : vector<16xi1> to vector<16xi32>
    %sign3A_1979 = arith.constant 0 : i32
    %sign3A_1980 = vector.broadcast %sign3A_1979 : i32 to vector<16xi32>
    %sign3A_1981 = arith.cmpi slt, %add3A_1971, %sign3A_1980 : vector<16xi32>
    %sign3A_1982 = arith.extui %sign3A_1981 : vector<16xi1> to vector<16xi32>
    %sign3A_1983 = arith.subi %sign3A_1978, %sign3A_1982 : vector<16xi32>
    %sign3A_1984 = arith.constant 0 : i32
    %sign3A_1985 = arith.cmpi sgt, %jit3A_1972, %sign3A_1984 : i32
    %sign3A_1986 = arith.extui %sign3A_1985 : i1 to i32
    %sign3A_1987 = arith.constant 0 : i32
    %sign3A_1988 = arith.cmpi slt, %jit3A_1972, %sign3A_1987 : i32
    %sign3A_1989 = arith.extui %sign3A_1988 : i1 to i32
    %sign3A_1990 = arith.subi %sign3A_1986, %sign3A_1989 : i32
    %ne3A_1991 = vector.broadcast %sign3A_1990 : i32 to vector<16xi32>
    %ne3A_1992 = arith.cmpi ne, %sign3A_1983, %ne3A_1991 : vector<16xi32>
    %rem3A_1993 = vector.broadcast %jit3A_1972 : i32 to vector<16xi32>
    %rem3A_1994 = arith.remsi %add3A_1971, %rem3A_1993 : vector<16xi32>
    %ne3A_1995 = arith.constant 0 : i32
    %ne3A_1996 = vector.broadcast %ne3A_1995 : i32 to vector<16xi32>
    %ne3A_1997 = arith.cmpi ne, %rem3A_1994, %ne3A_1996 : vector<16xi32>
    %and3A_1998 = arith.andi %ne3A_1992, %ne3A_1997 : vector<16xi1>
    %sub3A_1999 = arith.constant 1 : i32
    %sub3A_2000 = vector.broadcast %sub3A_1999 : i32 to vector<16xi32>
    %sub3A_2001 = arith.subi %div3A_1974, %sub3A_2000 : vector<16xi32>
    %select_n3A_2002 = arith.select %and3A_1998, %sub3A_2001, %div3A_1974 : vector<16xi1>, vector<16xi32>
    %mul3A_2003 = arith.constant 2048 : i32
    %mul3A_2004 = vector.broadcast %mul3A_2003 : i32 to vector<16xi32>
    %mul3A_2005 = arith.muli %select_n3A_2002, %mul3A_2004 : vector<16xi32>
    %add3A_2006 = arith.constant 16 : i32
    %add3A_2007 = vector.broadcast %add3A_2006 : i32 to vector<16xi32>
    %add3A_2008 = arith.addi %iota3A, %add3A_2007 : vector<16xi32>
    %jit3A_2009 = arith.constant 8 : i32
    %eq3A_2010 = arith.constant 0 : i32
    %eq3A_2011 = arith.cmpi eq, %jit3A_2009, %eq3A_2010 : i32
    %jit3A_2012 = arith.constant 1 : i32
    %select_n3A_2013 = arith.select %eq3A_2011, %jit3A_2012, %jit3A_2009 : i32
    %rem3A_2014 = vector.broadcast %select_n3A_2013 : i32 to vector<16xi32>
    %rem3A_2015 = arith.remsi %add3A_2008, %rem3A_2014 : vector<16xi32>
    %ne3A_2016 = arith.constant 0 : i32
    %ne3A_2017 = vector.broadcast %ne3A_2016 : i32 to vector<16xi32>
    %ne3A_2018 = arith.cmpi ne, %rem3A_2015, %ne3A_2017 : vector<16xi32>
    %lt3A_2019 = arith.constant 0 : i32
    %lt3A_2020 = vector.broadcast %lt3A_2019 : i32 to vector<16xi32>
    %lt3A_2021 = arith.cmpi slt, %rem3A_2015, %lt3A_2020 : vector<16xi32>
    %lt3A_2022 = arith.constant 0 : i32
    %lt3A_2023 = arith.cmpi slt, %select_n3A_2013, %lt3A_2022 : i32
    %ne3A_2024 = vector.broadcast %lt3A_2023 : i1 to vector<16xi1>
    %ne3A_2025 = vector.broadcast %ne3A_2024 : vector<16xi1> to vector<16xi1>
    %ne3A_2026 = arith.xori %lt3A_2021, %ne3A_2025 : vector<16xi1>
    %and3A_2027 = arith.andi %ne3A_2026, %ne3A_2018 : vector<16xi1>
    %add3A_2028 = vector.broadcast %select_n3A_2013 : i32 to vector<16xi32>
    %add3A_2029 = arith.addi %rem3A_2015, %add3A_2028 : vector<16xi32>
    %select_n3A_2030 = arith.select %and3A_2027, %add3A_2029, %rem3A_2015 : vector<16xi1>, vector<16xi32>
    %mul3A_2031 = arith.constant 128 : i32
    %mul3A_2032 = vector.broadcast %mul3A_2031 : i32 to vector<16xi32>
    %mul3A_2033 = arith.muli %select_n3A_2030, %mul3A_2032 : vector<16xi32>
    %add3A_2034 = arith.addi %mul3A_2005, %mul3A_2033 : vector<16xi32>
    %add3A_2035 = arith.addi %add3A_2034, %rem3A_83 : vector<16xi32>
    %add3A_2036 = arith.constant 16 : i32
    %add3A_2037 = vector.broadcast %add3A_2036 : i32 to vector<16xi32>
    %add3A_2038 = arith.addi %iota3A, %add3A_2037 : vector<16xi32>
    %jit3A_2039 = arith.constant 8 : i32
    %div3A_2040 = vector.broadcast %jit3A_2039 : i32 to vector<16xi32>
    %div3A_2041 = arith.divsi %add3A_2038, %div3A_2040 : vector<16xi32>
    %sign3A_2042 = arith.constant 0 : i32
    %sign3A_2043 = vector.broadcast %sign3A_2042 : i32 to vector<16xi32>
    %sign3A_2044 = arith.cmpi sgt, %add3A_2038, %sign3A_2043 : vector<16xi32>
    %sign3A_2045 = arith.extui %sign3A_2044 : vector<16xi1> to vector<16xi32>
    %sign3A_2046 = arith.constant 0 : i32
    %sign3A_2047 = vector.broadcast %sign3A_2046 : i32 to vector<16xi32>
    %sign3A_2048 = arith.cmpi slt, %add3A_2038, %sign3A_2047 : vector<16xi32>
    %sign3A_2049 = arith.extui %sign3A_2048 : vector<16xi1> to vector<16xi32>
    %sign3A_2050 = arith.subi %sign3A_2045, %sign3A_2049 : vector<16xi32>
    %sign3A_2051 = arith.constant 0 : i32
    %sign3A_2052 = arith.cmpi sgt, %jit3A_2039, %sign3A_2051 : i32
    %sign3A_2053 = arith.extui %sign3A_2052 : i1 to i32
    %sign3A_2054 = arith.constant 0 : i32
    %sign3A_2055 = arith.cmpi slt, %jit3A_2039, %sign3A_2054 : i32
    %sign3A_2056 = arith.extui %sign3A_2055 : i1 to i32
    %sign3A_2057 = arith.subi %sign3A_2053, %sign3A_2056 : i32
    %ne3A_2058 = vector.broadcast %sign3A_2057 : i32 to vector<16xi32>
    %ne3A_2059 = arith.cmpi ne, %sign3A_2050, %ne3A_2058 : vector<16xi32>
    %rem3A_2060 = vector.broadcast %jit3A_2039 : i32 to vector<16xi32>
    %rem3A_2061 = arith.remsi %add3A_2038, %rem3A_2060 : vector<16xi32>
    %ne3A_2062 = arith.constant 0 : i32
    %ne3A_2063 = vector.broadcast %ne3A_2062 : i32 to vector<16xi32>
    %ne3A_2064 = arith.cmpi ne, %rem3A_2061, %ne3A_2063 : vector<16xi32>
    %and3A_2065 = arith.andi %ne3A_2059, %ne3A_2064 : vector<16xi1>
    %sub3A_2066 = arith.constant 1 : i32
    %sub3A_2067 = vector.broadcast %sub3A_2066 : i32 to vector<16xi32>
    %sub3A_2068 = arith.subi %div3A_2041, %sub3A_2067 : vector<16xi32>
    %select_n3A_2069 = arith.select %and3A_2065, %sub3A_2068, %div3A_2041 : vector<16xi1>, vector<16xi32>
    %mul3A_2070 = arith.constant 2048 : i32
    %mul3A_2071 = vector.broadcast %mul3A_2070 : i32 to vector<16xi32>
    %mul3A_2072 = arith.muli %select_n3A_2069, %mul3A_2071 : vector<16xi32>
    %add3A_2073 = arith.constant 16 : i32
    %add3A_2074 = vector.broadcast %add3A_2073 : i32 to vector<16xi32>
    %add3A_2075 = arith.addi %iota3A, %add3A_2074 : vector<16xi32>
    %jit3A_2076 = arith.constant 8 : i32
    %eq3A_2077 = arith.constant 0 : i32
    %eq3A_2078 = arith.cmpi eq, %jit3A_2076, %eq3A_2077 : i32
    %jit3A_2079 = arith.constant 1 : i32
    %select_n3A_2080 = arith.select %eq3A_2078, %jit3A_2079, %jit3A_2076 : i32
    %rem3A_2081 = vector.broadcast %select_n3A_2080 : i32 to vector<16xi32>
    %rem3A_2082 = arith.remsi %add3A_2075, %rem3A_2081 : vector<16xi32>
    %ne3A_2083 = arith.constant 0 : i32
    %ne3A_2084 = vector.broadcast %ne3A_2083 : i32 to vector<16xi32>
    %ne3A_2085 = arith.cmpi ne, %rem3A_2082, %ne3A_2084 : vector<16xi32>
    %lt3A_2086 = arith.constant 0 : i32
    %lt3A_2087 = vector.broadcast %lt3A_2086 : i32 to vector<16xi32>
    %lt3A_2088 = arith.cmpi slt, %rem3A_2082, %lt3A_2087 : vector<16xi32>
    %lt3A_2089 = arith.constant 0 : i32
    %lt3A_2090 = arith.cmpi slt, %select_n3A_2080, %lt3A_2089 : i32
    %ne3A_2091 = vector.broadcast %lt3A_2090 : i1 to vector<16xi1>
    %ne3A_2092 = vector.broadcast %ne3A_2091 : vector<16xi1> to vector<16xi1>
    %ne3A_2093 = arith.xori %lt3A_2088, %ne3A_2092 : vector<16xi1>
    %and3A_2094 = arith.andi %ne3A_2093, %ne3A_2085 : vector<16xi1>
    %add3A_2095 = vector.broadcast %select_n3A_2080 : i32 to vector<16xi32>
    %add3A_2096 = arith.addi %rem3A_2082, %add3A_2095 : vector<16xi32>
    %select_n3A_2097 = arith.select %and3A_2094, %add3A_2096, %rem3A_2082 : vector<16xi1>, vector<16xi32>
    %mul3A_2098 = arith.constant 128 : i32
    %mul3A_2099 = vector.broadcast %mul3A_2098 : i32 to vector<16xi32>
    %mul3A_2100 = arith.muli %select_n3A_2097, %mul3A_2099 : vector<16xi32>
    %add3A_2101 = arith.addi %mul3A_2072, %mul3A_2100 : vector<16xi32>
    %add3A_2102 = arith.addi %add3A_2101, %rem3A_89 : vector<16xi32>
    %add3A_2103 = arith.constant 16 : i32
    %add3A_2104 = vector.broadcast %add3A_2103 : i32 to vector<16xi32>
    %add3A_2105 = arith.addi %iota3A, %add3A_2104 : vector<16xi32>
    %jit3A_2106 = arith.constant 8 : i32
    %div3A_2107 = vector.broadcast %jit3A_2106 : i32 to vector<16xi32>
    %div3A_2108 = arith.divsi %add3A_2105, %div3A_2107 : vector<16xi32>
    %sign3A_2109 = arith.constant 0 : i32
    %sign3A_2110 = vector.broadcast %sign3A_2109 : i32 to vector<16xi32>
    %sign3A_2111 = arith.cmpi sgt, %add3A_2105, %sign3A_2110 : vector<16xi32>
    %sign3A_2112 = arith.extui %sign3A_2111 : vector<16xi1> to vector<16xi32>
    %sign3A_2113 = arith.constant 0 : i32
    %sign3A_2114 = vector.broadcast %sign3A_2113 : i32 to vector<16xi32>
    %sign3A_2115 = arith.cmpi slt, %add3A_2105, %sign3A_2114 : vector<16xi32>
    %sign3A_2116 = arith.extui %sign3A_2115 : vector<16xi1> to vector<16xi32>
    %sign3A_2117 = arith.subi %sign3A_2112, %sign3A_2116 : vector<16xi32>
    %sign3A_2118 = arith.constant 0 : i32
    %sign3A_2119 = arith.cmpi sgt, %jit3A_2106, %sign3A_2118 : i32
    %sign3A_2120 = arith.extui %sign3A_2119 : i1 to i32
    %sign3A_2121 = arith.constant 0 : i32
    %sign3A_2122 = arith.cmpi slt, %jit3A_2106, %sign3A_2121 : i32
    %sign3A_2123 = arith.extui %sign3A_2122 : i1 to i32
    %sign3A_2124 = arith.subi %sign3A_2120, %sign3A_2123 : i32
    %ne3A_2125 = vector.broadcast %sign3A_2124 : i32 to vector<16xi32>
    %ne3A_2126 = arith.cmpi ne, %sign3A_2117, %ne3A_2125 : vector<16xi32>
    %rem3A_2127 = vector.broadcast %jit3A_2106 : i32 to vector<16xi32>
    %rem3A_2128 = arith.remsi %add3A_2105, %rem3A_2127 : vector<16xi32>
    %ne3A_2129 = arith.constant 0 : i32
    %ne3A_2130 = vector.broadcast %ne3A_2129 : i32 to vector<16xi32>
    %ne3A_2131 = arith.cmpi ne, %rem3A_2128, %ne3A_2130 : vector<16xi32>
    %and3A_2132 = arith.andi %ne3A_2126, %ne3A_2131 : vector<16xi1>
    %sub3A_2133 = arith.constant 1 : i32
    %sub3A_2134 = vector.broadcast %sub3A_2133 : i32 to vector<16xi32>
    %sub3A_2135 = arith.subi %div3A_2108, %sub3A_2134 : vector<16xi32>
    %select_n3A_2136 = arith.select %and3A_2132, %sub3A_2135, %div3A_2108 : vector<16xi1>, vector<16xi32>
    %mul3A_2137 = arith.constant 2048 : i32
    %mul3A_2138 = vector.broadcast %mul3A_2137 : i32 to vector<16xi32>
    %mul3A_2139 = arith.muli %select_n3A_2136, %mul3A_2138 : vector<16xi32>
    %add3A_2140 = arith.constant 16 : i32
    %add3A_2141 = vector.broadcast %add3A_2140 : i32 to vector<16xi32>
    %add3A_2142 = arith.addi %iota3A, %add3A_2141 : vector<16xi32>
    %jit3A_2143 = arith.constant 8 : i32
    %eq3A_2144 = arith.constant 0 : i32
    %eq3A_2145 = arith.cmpi eq, %jit3A_2143, %eq3A_2144 : i32
    %jit3A_2146 = arith.constant 1 : i32
    %select_n3A_2147 = arith.select %eq3A_2145, %jit3A_2146, %jit3A_2143 : i32
    %rem3A_2148 = vector.broadcast %select_n3A_2147 : i32 to vector<16xi32>
    %rem3A_2149 = arith.remsi %add3A_2142, %rem3A_2148 : vector<16xi32>
    %ne3A_2150 = arith.constant 0 : i32
    %ne3A_2151 = vector.broadcast %ne3A_2150 : i32 to vector<16xi32>
    %ne3A_2152 = arith.cmpi ne, %rem3A_2149, %ne3A_2151 : vector<16xi32>
    %lt3A_2153 = arith.constant 0 : i32
    %lt3A_2154 = vector.broadcast %lt3A_2153 : i32 to vector<16xi32>
    %lt3A_2155 = arith.cmpi slt, %rem3A_2149, %lt3A_2154 : vector<16xi32>
    %lt3A_2156 = arith.constant 0 : i32
    %lt3A_2157 = arith.cmpi slt, %select_n3A_2147, %lt3A_2156 : i32
    %ne3A_2158 = vector.broadcast %lt3A_2157 : i1 to vector<16xi1>
    %ne3A_2159 = vector.broadcast %ne3A_2158 : vector<16xi1> to vector<16xi1>
    %ne3A_2160 = arith.xori %lt3A_2155, %ne3A_2159 : vector<16xi1>
    %and3A_2161 = arith.andi %ne3A_2160, %ne3A_2152 : vector<16xi1>
    %add3A_2162 = vector.broadcast %select_n3A_2147 : i32 to vector<16xi32>
    %add3A_2163 = arith.addi %rem3A_2149, %add3A_2162 : vector<16xi32>
    %select_n3A_2164 = arith.select %and3A_2161, %add3A_2163, %rem3A_2149 : vector<16xi1>, vector<16xi32>
    %mul3A_2165 = arith.constant 128 : i32
    %mul3A_2166 = vector.broadcast %mul3A_2165 : i32 to vector<16xi32>
    %mul3A_2167 = arith.muli %select_n3A_2164, %mul3A_2166 : vector<16xi32>
    %add3A_2168 = arith.addi %mul3A_2139, %mul3A_2167 : vector<16xi32>
    %add3A_2169 = arith.addi %add3A_2168, %rem3A_95 : vector<16xi32>
    %add3A_2170 = arith.constant 16 : i32
    %add3A_2171 = vector.broadcast %add3A_2170 : i32 to vector<16xi32>
    %add3A_2172 = arith.addi %iota3A, %add3A_2171 : vector<16xi32>
    %jit3A_2173 = arith.constant 8 : i32
    %div3A_2174 = vector.broadcast %jit3A_2173 : i32 to vector<16xi32>
    %div3A_2175 = arith.divsi %add3A_2172, %div3A_2174 : vector<16xi32>
    %sign3A_2176 = arith.constant 0 : i32
    %sign3A_2177 = vector.broadcast %sign3A_2176 : i32 to vector<16xi32>
    %sign3A_2178 = arith.cmpi sgt, %add3A_2172, %sign3A_2177 : vector<16xi32>
    %sign3A_2179 = arith.extui %sign3A_2178 : vector<16xi1> to vector<16xi32>
    %sign3A_2180 = arith.constant 0 : i32
    %sign3A_2181 = vector.broadcast %sign3A_2180 : i32 to vector<16xi32>
    %sign3A_2182 = arith.cmpi slt, %add3A_2172, %sign3A_2181 : vector<16xi32>
    %sign3A_2183 = arith.extui %sign3A_2182 : vector<16xi1> to vector<16xi32>
    %sign3A_2184 = arith.subi %sign3A_2179, %sign3A_2183 : vector<16xi32>
    %sign3A_2185 = arith.constant 0 : i32
    %sign3A_2186 = arith.cmpi sgt, %jit3A_2173, %sign3A_2185 : i32
    %sign3A_2187 = arith.extui %sign3A_2186 : i1 to i32
    %sign3A_2188 = arith.constant 0 : i32
    %sign3A_2189 = arith.cmpi slt, %jit3A_2173, %sign3A_2188 : i32
    %sign3A_2190 = arith.extui %sign3A_2189 : i1 to i32
    %sign3A_2191 = arith.subi %sign3A_2187, %sign3A_2190 : i32
    %ne3A_2192 = vector.broadcast %sign3A_2191 : i32 to vector<16xi32>
    %ne3A_2193 = arith.cmpi ne, %sign3A_2184, %ne3A_2192 : vector<16xi32>
    %rem3A_2194 = vector.broadcast %jit3A_2173 : i32 to vector<16xi32>
    %rem3A_2195 = arith.remsi %add3A_2172, %rem3A_2194 : vector<16xi32>
    %ne3A_2196 = arith.constant 0 : i32
    %ne3A_2197 = vector.broadcast %ne3A_2196 : i32 to vector<16xi32>
    %ne3A_2198 = arith.cmpi ne, %rem3A_2195, %ne3A_2197 : vector<16xi32>
    %and3A_2199 = arith.andi %ne3A_2193, %ne3A_2198 : vector<16xi1>
    %sub3A_2200 = arith.constant 1 : i32
    %sub3A_2201 = vector.broadcast %sub3A_2200 : i32 to vector<16xi32>
    %sub3A_2202 = arith.subi %div3A_2175, %sub3A_2201 : vector<16xi32>
    %select_n3A_2203 = arith.select %and3A_2199, %sub3A_2202, %div3A_2175 : vector<16xi1>, vector<16xi32>
    %mul3A_2204 = arith.constant 2048 : i32
    %mul3A_2205 = vector.broadcast %mul3A_2204 : i32 to vector<16xi32>
    %mul3A_2206 = arith.muli %select_n3A_2203, %mul3A_2205 : vector<16xi32>
    %add3A_2207 = arith.constant 16 : i32
    %add3A_2208 = vector.broadcast %add3A_2207 : i32 to vector<16xi32>
    %add3A_2209 = arith.addi %iota3A, %add3A_2208 : vector<16xi32>
    %jit3A_2210 = arith.constant 8 : i32
    %eq3A_2211 = arith.constant 0 : i32
    %eq3A_2212 = arith.cmpi eq, %jit3A_2210, %eq3A_2211 : i32
    %jit3A_2213 = arith.constant 1 : i32
    %select_n3A_2214 = arith.select %eq3A_2212, %jit3A_2213, %jit3A_2210 : i32
    %rem3A_2215 = vector.broadcast %select_n3A_2214 : i32 to vector<16xi32>
    %rem3A_2216 = arith.remsi %add3A_2209, %rem3A_2215 : vector<16xi32>
    %ne3A_2217 = arith.constant 0 : i32
    %ne3A_2218 = vector.broadcast %ne3A_2217 : i32 to vector<16xi32>
    %ne3A_2219 = arith.cmpi ne, %rem3A_2216, %ne3A_2218 : vector<16xi32>
    %lt3A_2220 = arith.constant 0 : i32
    %lt3A_2221 = vector.broadcast %lt3A_2220 : i32 to vector<16xi32>
    %lt3A_2222 = arith.cmpi slt, %rem3A_2216, %lt3A_2221 : vector<16xi32>
    %lt3A_2223 = arith.constant 0 : i32
    %lt3A_2224 = arith.cmpi slt, %select_n3A_2214, %lt3A_2223 : i32
    %ne3A_2225 = vector.broadcast %lt3A_2224 : i1 to vector<16xi1>
    %ne3A_2226 = vector.broadcast %ne3A_2225 : vector<16xi1> to vector<16xi1>
    %ne3A_2227 = arith.xori %lt3A_2222, %ne3A_2226 : vector<16xi1>
    %and3A_2228 = arith.andi %ne3A_2227, %ne3A_2219 : vector<16xi1>
    %add3A_2229 = vector.broadcast %select_n3A_2214 : i32 to vector<16xi32>
    %add3A_2230 = arith.addi %rem3A_2216, %add3A_2229 : vector<16xi32>
    %select_n3A_2231 = arith.select %and3A_2228, %add3A_2230, %rem3A_2216 : vector<16xi1>, vector<16xi32>
    %mul3A_2232 = arith.constant 128 : i32
    %mul3A_2233 = vector.broadcast %mul3A_2232 : i32 to vector<16xi32>
    %mul3A_2234 = arith.muli %select_n3A_2231, %mul3A_2233 : vector<16xi32>
    %add3A_2235 = arith.addi %mul3A_2206, %mul3A_2234 : vector<16xi32>
    %add3A_2236 = arith.addi %add3A_2235, %rem3A_101 : vector<16xi32>
    %dma_start3A = arith.constant 0 : i32
    %dma_start3A_2237 = tpu.memref_slice %arg5[%dma_start3A] : memref<25600xi32, #tpu.memory_space<vmem>> -> memref<256xi32, #tpu.memory_space<vmem>>
    %dma_start3A_2238 = arith.constant 0 : i32
    %dma_start3A_2239 = arith.constant 0 : i32
    %dma_start3A_2240 = tpu.memref_slice %arg3[%dma_start3A_2238, %dma_start3A_2239] : memref<1000000x32xf32, #tpu.memory_space<hbm>> -> memref<1000000x32xf32, #tpu.memory_space<hbm>>
    tpu.enqueue_indirect_dma source(%dma_start3A_2240 : memref<1000000x32xf32, #tpu.memory_space<hbm>>) target(%arg6 : memref<256x32xf32, #tpu.memory_space<vmem>>) offsets(%dma_start3A_2237 : memref<256xi32, #tpu.memory_space<vmem>>) semaphore(%arg10 : memref<!tpu.dma_semaphore, #tpu.memory_space<semaphore_mem>>)
    %dma_start3A_2241 = arith.constant 256 : i32
    %dma_start3A_2242 = tpu.memref_slice %arg5[%dma_start3A_2241] : memref<25600xi32, #tpu.memory_space<vmem>> -> memref<256xi32, #tpu.memory_space<vmem>>
    %dma_start3A_2243 = arith.constant 0 : i32
    %dma_start3A_2244 = arith.constant 0 : i32
    %dma_start3A_2245 = tpu.memref_slice %arg3[%dma_start3A_2243, %dma_start3A_2244] : memref<1000000x32xf32, #tpu.memory_space<hbm>> -> memref<1000000x32xf32, #tpu.memory_space<hbm>>
    tpu.enqueue_indirect_dma source(%dma_start3A_2245 : memref<1000000x32xf32, #tpu.memory_space<hbm>>) target(%arg7 : memref<256x32xf32, #tpu.memory_space<vmem>>) offsets(%dma_start3A_2242 : memref<256xi32, #tpu.memory_space<vmem>>) semaphore(%arg11 : memref<!tpu.dma_semaphore, #tpu.memory_space<semaphore_mem>>)
    %scan3A = arith.constant 0 : i32
    %scan3A_2246 = arith.constant 0 : i32
    %scan3A_2247 = arith.constant 50 : i32
    %scan3A_2248 = arith.addi %scan3A_2246, %scan3A_2247 : i32
    %scan3A_2249 = arith.constant 1 : i32
    %scan3A_2250 = scf.for %scan3A_2261 = %scan3A_2246 to %scan3A_2248 step %scan3A_2249 iter_args(%scan3A_2262 = %scan3A) -> (i32)  : i32 {
      %mul3A_2263 = arith.constant 2 : i32
      %mul3A_2264 = arith.muli %mul3A_2263, %scan3A_2261 : i32
      %mul3A_2265 = arith.constant 256 : i32
      %mul3A_2266 = arith.muli %mul3A_2264, %mul3A_2265 : i32
      %dma_wait3A_2267 = tpu.memref_slice %arg5[%mul3A_2266] : memref<25600xi32, #tpu.memory_space<vmem>> -> memref<256xi32, #tpu.memory_space<vmem>>
      %dma_wait3A_2268 = arith.constant 0 : i32
      %dma_wait3A_2269 = arith.constant 0 : i32
      %dma_wait3A_2270 = tpu.memref_slice %arg3[%dma_wait3A_2268, %dma_wait3A_2269] : memref<1000000x32xf32, #tpu.memory_space<hbm>> -> memref<1000000x32xf32, #tpu.memory_space<hbm>>
      tpu.wait_indirect_dma semaphore(%arg10 : memref<!tpu.dma_semaphore, #tpu.memory_space<semaphore_mem>>) src(%dma_wait3A_2270 : memref<1000000x32xf32, #tpu.memory_space<hbm>>) dst(%arg6 : memref<256x32xf32, #tpu.memory_space<vmem>>)
      %scan3A_2271 = arith.constant 0 : i32
      %scan3A_2272 = arith.constant 0 : i32
      %scan3A_2273 = arith.constant 8 : i32
      %scan3A_2274 = arith.addi %scan3A_2272, %scan3A_2273 : i32
      %scan3A_2275 = arith.constant 1 : i32
      %scan3A_2276 = scf.for %scan3A_2618 = %scan3A_2272 to %scan3A_2274 step %scan3A_2275 iter_args(%scan3A_2619 = %scan3A_2271) -> (i32)  : i32 {
        %mul3A_2620 = arith.constant 16 : i32
        %mul3A_2621 = arith.muli %scan3A_2618, %mul3A_2620 : i32
        %add3A_2622 = arith.constant 0 : i32
        %add3A_2623 = arith.addi %add3A_2622, %mul3A_2621 : i32
        %add3A_2624 = vector.broadcast %add3A_2623 : i32 to vector<16xi32>
        %add3A_2625 = arith.addi %rem3A_11, %add3A_2624 : vector<16xi32>
        %add3A_2626 = arith.constant 0 : i32
        %add3A_2627 = vector.broadcast %add3A_2626 : i32 to vector<16xi32>
        %add3A_2628 = arith.addi %iota3A, %add3A_2627 : vector<16xi32>
        %gather3A = tpu.vector_load_idx %arg6[%add3A_2625, %add3A_2628] : memref<256x32xf32, #tpu.memory_space<vmem>>[vector<16xi32>, vector<16xi32>], vector<16xf32>,
        %add3A_2629 = arith.constant 0 : i32
        %add3A_2630 = arith.addi %add3A_2629, %mul3A_2621 : i32
        %add3A_2631 = vector.broadcast %add3A_2630 : i32 to vector<16xi32>
        %add3A_2632 = arith.addi %add3A_159, %add3A_2631 : vector<16xi32>
        tpu.vector_store_idx %arg8[%add3A_2632], %gather3A : memref<8192xf32, #tpu.memory_space<vmem>>[vector<16xi32>], vector<16xf32>,
        %add3A_2633 = arith.constant 0 : i32
        %add3A_2634 = arith.addi %add3A_2633, %mul3A_2621 : i32
        %add3A_2635 = vector.broadcast %add3A_2634 : i32 to vector<16xi32>
        %add3A_2636 = arith.addi %rem3A_17, %add3A_2635 : vector<16xi32>
        %add3A_2637 = arith.constant 0 : i32
        %add3A_2638 = vector.broadcast %add3A_2637 : i32 to vector<16xi32>
        %add3A_2639 = arith.addi %iota3A, %add3A_2638 : vector<16xi32>
        %gather3A_2640 = tpu.vector_load_idx %arg6[%add3A_2636, %add3A_2639] : memref<256x32xf32, #tpu.memory_space<vmem>>[vector<16xi32>, vector<16xi32>], vector<16xf32>,
        %add3A_2641 = arith.constant 0 : i32
        %add3A_2642 = arith.addi %add3A_2641, %mul3A_2621 : i32
        %add3A_2643 = vector.broadcast %add3A_2642 : i32 to vector<16xi32>
        %add3A_2644 = arith.addi %add3A_226, %add3A_2643 : vector<16xi32>
        tpu.vector_store_idx %arg8[%add3A_2644], %gather3A_2640 : memref<8192xf32, #tpu.memory_space<vmem>>[vector<16xi32>], vector<16xf32>,
        %add3A_2645 = arith.constant 0 : i32
        %add3A_2646 = arith.addi %add3A_2645, %mul3A_2621 : i32
        %add3A_2647 = vector.broadcast %add3A_2646 : i32 to vector<16xi32>
        %add3A_2648 = arith.addi %rem3A_23, %add3A_2647 : vector<16xi32>
        %add3A_2649 = arith.constant 0 : i32
        %add3A_2650 = vector.broadcast %add3A_2649 : i32 to vector<16xi32>
        %add3A_2651 = arith.addi %iota3A, %add3A_2650 : vector<16xi32>
        %gather3A_2652 = tpu.vector_load_idx %arg6[%add3A_2648, %add3A_2651] : memref<256x32xf32, #tpu.memory_space<vmem>>[vector<16xi32>, vector<16xi32>], vector<16xf32>,
        %add3A_2653 = arith.constant 0 : i32
        %add3A_2654 = arith.addi %add3A_2653, %mul3A_2621 : i32
        %add3A_2655 = vector.broadcast %add3A_2654 : i32 to vector<16xi32>
        %add3A_2656 = arith.addi %add3A_293, %add3A_2655 : vector<16xi32>
        tpu.vector_store_idx %arg8[%add3A_2656], %gather3A_2652 : memref<8192xf32, #tpu.memory_space<vmem>>[vector<16xi32>], vector<16xf32>,
        %add3A_2657 = arith.constant 0 : i32
        %add3A_2658 = arith.addi %add3A_2657, %mul3A_2621 : i32
        %add3A_2659 = vector.broadcast %add3A_2658 : i32 to vector<16xi32>
        %add3A_2660 = arith.addi %rem3A_29, %add3A_2659 : vector<16xi32>
        %add3A_2661 = arith.constant 0 : i32
        %add3A_2662 = vector.broadcast %add3A_2661 : i32 to vector<16xi32>
        %add3A_2663 = arith.addi %iota3A, %add3A_2662 : vector<16xi32>
        %gather3A_2664 = tpu.vector_load_idx %arg6[%add3A_2660, %add3A_2663] : memref<256x32xf32, #tpu.memory_space<vmem>>[vector<16xi32>, vector<16xi32>], vector<16xf32>,
        %add3A_2665 = arith.constant 0 : i32
        %add3A_2666 = arith.addi %add3A_2665, %mul3A_2621 : i32
        %add3A_2667 = vector.broadcast %add3A_2666 : i32 to vector<16xi32>
        %add3A_2668 = arith.addi %add3A_360, %add3A_2667 : vector<16xi32>
        tpu.vector_store_idx %arg8[%add3A_2668], %gather3A_2664 : memref<8192xf32, #tpu.memory_space<vmem>>[vector<16xi32>], vector<16xf32>,
        %add3A_2669 = arith.constant 0 : i32
        %add3A_2670 = arith.addi %add3A_2669, %mul3A_2621 : i32
        %add3A_2671 = vector.broadcast %add3A_2670 : i32 to vector<16xi32>
        %add3A_2672 = arith.addi %rem3A_35, %add3A_2671 : vector<16xi32>
        %add3A_2673 = arith.constant 0 : i32
        %add3A_2674 = vector.broadcast %add3A_2673 : i32 to vector<16xi32>
        %add3A_2675 = arith.addi %iota3A, %add3A_2674 : vector<16xi32>
        %gather3A_2676 = tpu.vector_load_idx %arg6[%add3A_2672, %add3A_2675] : memref<256x32xf32, #tpu.memory_space<vmem>>[vector<16xi32>, vector<16xi32>], vector<16xf32>,
        %add3A_2677 = arith.constant 0 : i32
        %add3A_2678 = arith.addi %add3A_2677, %mul3A_2621 : i32
        %add3A_2679 = vector.broadcast %add3A_2678 : i32 to vector<16xi32>
        %add3A_2680 = arith.addi %add3A_427, %add3A_2679 : vector<16xi32>
        tpu.vector_store_idx %arg8[%add3A_2680], %gather3A_2676 : memref<8192xf32, #tpu.memory_space<vmem>>[vector<16xi32>], vector<16xf32>,
        %add3A_2681 = arith.constant 0 : i32
        %add3A_2682 = arith.addi %add3A_2681, %mul3A_2621 : i32
        %add3A_2683 = vector.broadcast %add3A_2682 : i32 to vector<16xi32>
        %add3A_2684 = arith.addi %rem3A_41, %add3A_2683 : vector<16xi32>
        %add3A_2685 = arith.constant 0 : i32
        %add3A_2686 = vector.broadcast %add3A_2685 : i32 to vector<16xi32>
        %add3A_2687 = arith.addi %iota3A, %add3A_2686 : vector<16xi32>
        %gather3A_2688 = tpu.vector_load_idx %arg6[%add3A_2684, %add3A_2687] : memref<256x32xf32, #tpu.memory_space<vmem>>[vector<16xi32>, vector<16xi32>], vector<16xf32>,
        %add3A_2689 = arith.constant 0 : i32
        %add3A_2690 = arith.addi %add3A_2689, %mul3A_2621 : i32
        %add3A_2691 = vector.broadcast %add3A_2690 : i32 to vector<16xi32>
        %add3A_2692 = arith.addi %add3A_494, %add3A_2691 : vector<16xi32>
        tpu.vector_store_idx %arg8[%add3A_2692], %gather3A_2688 : memref<8192xf32, #tpu.memory_space<vmem>>[vector<16xi32>], vector<16xf32>,
        %add3A_2693 = arith.constant 0 : i32
        %add3A_2694 = arith.addi %add3A_2693, %mul3A_2621 : i32
        %add3A_2695 = vector.broadcast %add3A_2694 : i32 to vector<16xi32>
        %add3A_2696 = arith.addi %rem3A_47, %add3A_2695 : vector<16xi32>
        %add3A_2697 = arith.constant 0 : i32
        %add3A_2698 = vector.broadcast %add3A_2697 : i32 to vector<16xi32>
        %add3A_2699 = arith.addi %iota3A, %add3A_2698 : vector<16xi32>
        %gather3A_2700 = tpu.vector_load_idx %arg6[%add3A_2696, %add3A_2699] : memref<256x32xf32, #tpu.memory_space<vmem>>[vector<16xi32>, vector<16xi32>], vector<16xf32>,
        %add3A_2701 = arith.constant 0 : i32
        %add3A_2702 = arith.addi %add3A_2701, %mul3A_2621 : i32
        %add3A_2703 = vector.broadcast %add3A_2702 : i32 to vector<16xi32>
        %add3A_2704 = arith.addi %add3A_561, %add3A_2703 : vector<16xi32>
        tpu.vector_store_idx %arg8[%add3A_2704], %gather3A_2700 : memref<8192xf32, #tpu.memory_space<vmem>>[vector<16xi32>], vector<16xf32>,
        %add3A_2705 = arith.constant 0 : i32
        %add3A_2706 = arith.addi %add3A_2705, %mul3A_2621 : i32
        %add3A_2707 = vector.broadcast %add3A_2706 : i32 to vector<16xi32>
        %add3A_2708 = arith.addi %rem3A_53, %add3A_2707 : vector<16xi32>
        %add3A_2709 = arith.constant 0 : i32
        %add3A_2710 = vector.broadcast %add3A_2709 : i32 to vector<16xi32>
        %add3A_2711 = arith.addi %iota3A, %add3A_2710 : vector<16xi32>
        %gather3A_2712 = tpu.vector_load_idx %arg6[%add3A_2708, %add3A_2711] : memref<256x32xf32, #tpu.memory_space<vmem>>[vector<16xi32>, vector<16xi32>], vector<16xf32>,
        %add3A_2713 = arith.constant 0 : i32
        %add3A_2714 = arith.addi %add3A_2713, %mul3A_2621 : i32
        %add3A_2715 = vector.broadcast %add3A_2714 : i32 to vector<16xi32>
        %add3A_2716 = arith.addi %add3A_628, %add3A_2715 : vector<16xi32>
        tpu.vector_store_idx %arg8[%add3A_2716], %gather3A_2712 : memref<8192xf32, #tpu.memory_space<vmem>>[vector<16xi32>], vector<16xf32>,
        %add3A_2717 = arith.constant 0 : i32
        %add3A_2718 = arith.addi %add3A_2717, %mul3A_2621 : i32
        %add3A_2719 = vector.broadcast %add3A_2718 : i32 to vector<16xi32>
        %add3A_2720 = arith.addi %rem3A_59, %add3A_2719 : vector<16xi32>
        %add3A_2721 = arith.constant 0 : i32
        %add3A_2722 = vector.broadcast %add3A_2721 : i32 to vector<16xi32>
        %add3A_2723 = arith.addi %iota3A, %add3A_2722 : vector<16xi32>
        %gather3A_2724 = tpu.vector_load_idx %arg6[%add3A_2720, %add3A_2723] : memref<256x32xf32, #tpu.memory_space<vmem>>[vector<16xi32>, vector<16xi32>], vector<16xf32>,
        %add3A_2725 = arith.constant 0 : i32
        %add3A_2726 = arith.addi %add3A_2725, %mul3A_2621 : i32
        %add3A_2727 = vector.broadcast %add3A_2726 : i32 to vector<16xi32>
        %add3A_2728 = arith.addi %add3A_695, %add3A_2727 : vector<16xi32>
        tpu.vector_store_idx %arg8[%add3A_2728], %gather3A_2724 : memref<8192xf32, #tpu.memory_space<vmem>>[vector<16xi32>], vector<16xf32>,
        %add3A_2729 = arith.constant 0 : i32
        %add3A_2730 = arith.addi %add3A_2729, %mul3A_2621 : i32
        %add3A_2731 = vector.broadcast %add3A_2730 : i32 to vector<16xi32>
        %add3A_2732 = arith.addi %rem3A_65, %add3A_2731 : vector<16xi32>
        %add3A_2733 = arith.constant 0 : i32
        %add3A_2734 = vector.broadcast %add3A_2733 : i32 to vector<16xi32>
        %add3A_2735 = arith.addi %iota3A, %add3A_2734 : vector<16xi32>
        %gather3A_2736 = tpu.vector_load_idx %arg6[%add3A_2732, %add3A_2735] : memref<256x32xf32, #tpu.memory_space<vmem>>[vector<16xi32>, vector<16xi32>], vector<16xf32>,
        %add3A_2737 = arith.constant 0 : i32
        %add3A_2738 = arith.addi %add3A_2737, %mul3A_2621 : i32
        %add3A_2739 = vector.broadcast %add3A_2738 : i32 to vector<16xi32>
        %add3A_2740 = arith.addi %add3A_762, %add3A_2739 : vector<16xi32>
        tpu.vector_store_idx %arg8[%add3A_2740], %gather3A_2736 : memref<8192xf32, #tpu.memory_space<vmem>>[vector<16xi32>], vector<16xf32>,
        %add3A_2741 = arith.constant 0 : i32
        %add3A_2742 = arith.addi %add3A_2741, %mul3A_2621 : i32
        %add3A_2743 = vector.broadcast %add3A_2742 : i32 to vector<16xi32>
        %add3A_2744 = arith.addi %rem3A_71, %add3A_2743 : vector<16xi32>
        %add3A_2745 = arith.constant 0 : i32
        %add3A_2746 = vector.broadcast %add3A_2745 : i32 to vector<16xi32>
        %add3A_2747 = arith.addi %iota3A, %add3A_2746 : vector<16xi32>
        %gather3A_2748 = tpu.vector_load_idx %arg6[%add3A_2744, %add3A_2747] : memref<256x32xf32, #tpu.memory_space<vmem>>[vector<16xi32>, vector<16xi32>], vector<16xf32>,
        %add3A_2749 = arith.constant 0 : i32
        %add3A_2750 = arith.addi %add3A_2749, %mul3A_2621 : i32
        %add3A_2751 = vector.broadcast %add3A_2750 : i32 to vector<16xi32>
        %add3A_2752 = arith.addi %add3A_829, %add3A_2751 : vector<16xi32>
        tpu.vector_store_idx %arg8[%add3A_2752], %gather3A_2748 : memref<8192xf32, #tpu.memory_space<vmem>>[vector<16xi32>], vector<16xf32>,
        %add3A_2753 = arith.constant 0 : i32
        %add3A_2754 = arith.addi %add3A_2753, %mul3A_2621 : i32
        %add3A_2755 = vector.broadcast %add3A_2754 : i32 to vector<16xi32>
        %add3A_2756 = arith.addi %rem3A_77, %add3A_2755 : vector<16xi32>
        %add3A_2757 = arith.constant 0 : i32
        %add3A_2758 = vector.broadcast %add3A_2757 : i32 to vector<16xi32>
        %add3A_2759 = arith.addi %iota3A, %add3A_2758 : vector<16xi32>
        %gather3A_2760 = tpu.vector_load_idx %arg6[%add3A_2756, %add3A_2759] : memref<256x32xf32, #tpu.memory_space<vmem>>[vector<16xi32>, vector<16xi32>], vector<16xf32>,
        %add3A_2761 = arith.constant 0 : i32
        %add3A_2762 = arith.addi %add3A_2761, %mul3A_2621 : i32
        %add3A_2763 = vector.broadcast %add3A_2762 : i32 to vector<16xi32>
        %add3A_2764 = arith.addi %add3A_896, %add3A_2763 : vector<16xi32>
        tpu.vector_store_idx %arg8[%add3A_2764], %gather3A_2760 : memref<8192xf32, #tpu.memory_space<vmem>>[vector<16xi32>], vector<16xf32>,
        %add3A_2765 = arith.constant 0 : i32
        %add3A_2766 = arith.addi %add3A_2765, %mul3A_2621 : i32
        %add3A_2767 = vector.broadcast %add3A_2766 : i32 to vector<16xi32>
        %add3A_2768 = arith.addi %rem3A_83, %add3A_2767 : vector<16xi32>
        %add3A_2769 = arith.constant 0 : i32
        %add3A_2770 = vector.broadcast %add3A_2769 : i32 to vector<16xi32>
        %add3A_2771 = arith.addi %iota3A, %add3A_2770 : vector<16xi32>
        %gather3A_2772 = tpu.vector_load_idx %arg6[%add3A_2768, %add3A_2771] : memref<256x32xf32, #tpu.memory_space<vmem>>[vector<16xi32>, vector<16xi32>], vector<16xf32>,
        %add3A_2773 = arith.constant 0 : i32
        %add3A_2774 = arith.addi %add3A_2773, %mul3A_2621 : i32
        %add3A_2775 = vector.broadcast %add3A_2774 : i32 to vector<16xi32>
        %add3A_2776 = arith.addi %add3A_963, %add3A_2775 : vector<16xi32>
        tpu.vector_store_idx %arg8[%add3A_2776], %gather3A_2772 : memref<8192xf32, #tpu.memory_space<vmem>>[vector<16xi32>], vector<16xf32>,
        %add3A_2777 = arith.constant 0 : i32
        %add3A_2778 = arith.addi %add3A_2777, %mul3A_2621 : i32
        %add3A_2779 = vector.broadcast %add3A_2778 : i32 to vector<16xi32>
        %add3A_2780 = arith.addi %rem3A_89, %add3A_2779 : vector<16xi32>
        %add3A_2781 = arith.constant 0 : i32
        %add3A_2782 = vector.broadcast %add3A_2781 : i32 to vector<16xi32>
        %add3A_2783 = arith.addi %iota3A, %add3A_2782 : vector<16xi32>
        %gather3A_2784 = tpu.vector_load_idx %arg6[%add3A_2780, %add3A_2783] : memref<256x32xf32, #tpu.memory_space<vmem>>[vector<16xi32>, vector<16xi32>], vector<16xf32>,
        %add3A_2785 = arith.constant 0 : i32
        %add3A_2786 = arith.addi %add3A_2785, %mul3A_2621 : i32
        %add3A_2787 = vector.broadcast %add3A_2786 : i32 to vector<16xi32>
        %add3A_2788 = arith.addi %add3A_1030, %add3A_2787 : vector<16xi32>
        tpu.vector_store_idx %arg8[%add3A_2788], %gather3A_2784 : memref<8192xf32, #tpu.memory_space<vmem>>[vector<16xi32>], vector<16xf32>,
        %add3A_2789 = arith.constant 0 : i32
        %add3A_2790 = arith.addi %add3A_2789, %mul3A_2621 : i32
        %add3A_2791 = vector.broadcast %add3A_2790 : i32 to vector<16xi32>
        %add3A_2792 = arith.addi %rem3A_95, %add3A_2791 : vector<16xi32>
        %add3A_2793 = arith.constant 0 : i32
        %add3A_2794 = vector.broadcast %add3A_2793 : i32 to vector<16xi32>
        %add3A_2795 = arith.addi %iota3A, %add3A_2794 : vector<16xi32>
        %gather3A_2796 = tpu.vector_load_idx %arg6[%add3A_2792, %add3A_2795] : memref<256x32xf32, #tpu.memory_space<vmem>>[vector<16xi32>, vector<16xi32>], vector<16xf32>,
        %add3A_2797 = arith.constant 0 : i32
        %add3A_2798 = arith.addi %add3A_2797, %mul3A_2621 : i32
        %add3A_2799 = vector.broadcast %add3A_2798 : i32 to vector<16xi32>
        %add3A_2800 = arith.addi %add3A_1097, %add3A_2799 : vector<16xi32>
        tpu.vector_store_idx %arg8[%add3A_2800], %gather3A_2796 : memref<8192xf32, #tpu.memory_space<vmem>>[vector<16xi32>], vector<16xf32>,
        %add3A_2801 = arith.constant 0 : i32
        %add3A_2802 = arith.addi %add3A_2801, %mul3A_2621 : i32
        %add3A_2803 = vector.broadcast %add3A_2802 : i32 to vector<16xi32>
        %add3A_2804 = arith.addi %rem3A_101, %add3A_2803 : vector<16xi32>
        %add3A_2805 = arith.constant 0 : i32
        %add3A_2806 = vector.broadcast %add3A_2805 : i32 to vector<16xi32>
        %add3A_2807 = arith.addi %iota3A, %add3A_2806 : vector<16xi32>
        %gather3A_2808 = tpu.vector_load_idx %arg6[%add3A_2804, %add3A_2807] : memref<256x32xf32, #tpu.memory_space<vmem>>[vector<16xi32>, vector<16xi32>], vector<16xf32>,
        %add3A_2809 = arith.constant 0 : i32
        %add3A_2810 = arith.addi %add3A_2809, %mul3A_2621 : i32
        %add3A_2811 = vector.broadcast %add3A_2810 : i32 to vector<16xi32>
        %add3A_2812 = arith.addi %add3A_1164, %add3A_2811 : vector<16xi32>
        tpu.vector_store_idx %arg8[%add3A_2812], %gather3A_2808 : memref<8192xf32, #tpu.memory_space<vmem>>[vector<16xi32>], vector<16xf32>,
        %add3A_2813 = arith.constant 0 : i32
        %add3A_2814 = arith.addi %add3A_2813, %mul3A_2621 : i32
        %add3A_2815 = vector.broadcast %add3A_2814 : i32 to vector<16xi32>
        %add3A_2816 = arith.addi %rem3A_11, %add3A_2815 : vector<16xi32>
        %add3A_2817 = arith.constant 16 : i32
        %add3A_2818 = vector.broadcast %add3A_2817 : i32 to vector<16xi32>
        %add3A_2819 = arith.addi %iota3A, %add3A_2818 : vector<16xi32>
        %gather3A_2820 = tpu.vector_load_idx %arg6[%add3A_2816, %add3A_2819] : memref<256x32xf32, #tpu.memory_space<vmem>>[vector<16xi32>, vector<16xi32>], vector<16xf32>,
        %add3A_2821 = arith.constant 0 : i32
        %add3A_2822 = arith.addi %add3A_2821, %mul3A_2621 : i32
        %add3A_2823 = vector.broadcast %add3A_2822 : i32 to vector<16xi32>
        %add3A_2824 = arith.addi %add3A_1231, %add3A_2823 : vector<16xi32>
        tpu.vector_store_idx %arg8[%add3A_2824], %gather3A_2820 : memref<8192xf32, #tpu.memory_space<vmem>>[vector<16xi32>], vector<16xf32>,
        %add3A_2825 = arith.constant 0 : i32
        %add3A_2826 = arith.addi %add3A_2825, %mul3A_2621 : i32
        %add3A_2827 = vector.broadcast %add3A_2826 : i32 to vector<16xi32>
        %add3A_2828 = arith.addi %rem3A_17, %add3A_2827 : vector<16xi32>
        %add3A_2829 = arith.constant 16 : i32
        %add3A_2830 = vector.broadcast %add3A_2829 : i32 to vector<16xi32>
        %add3A_2831 = arith.addi %iota3A, %add3A_2830 : vector<16xi32>
        %gather3A_2832 = tpu.vector_load_idx %arg6[%add3A_2828, %add3A_2831] : memref<256x32xf32, #tpu.memory_space<vmem>>[vector<16xi32>, vector<16xi32>], vector<16xf32>,
        %add3A_2833 = arith.constant 0 : i32
        %add3A_2834 = arith.addi %add3A_2833, %mul3A_2621 : i32
        %add3A_2835 = vector.broadcast %add3A_2834 : i32 to vector<16xi32>
        %add3A_2836 = arith.addi %add3A_1298, %add3A_2835 : vector<16xi32>
        tpu.vector_store_idx %arg8[%add3A_2836], %gather3A_2832 : memref<8192xf32, #tpu.memory_space<vmem>>[vector<16xi32>], vector<16xf32>,
        %add3A_2837 = arith.constant 0 : i32
        %add3A_2838 = arith.addi %add3A_2837, %mul3A_2621 : i32
        %add3A_2839 = vector.broadcast %add3A_2838 : i32 to vector<16xi32>
        %add3A_2840 = arith.addi %rem3A_23, %add3A_2839 : vector<16xi32>
        %add3A_2841 = arith.constant 16 : i32
        %add3A_2842 = vector.broadcast %add3A_2841 : i32 to vector<16xi32>
        %add3A_2843 = arith.addi %iota3A, %add3A_2842 : vector<16xi32>
        %gather3A_2844 = tpu.vector_load_idx %arg6[%add3A_2840, %add3A_2843] : memref<256x32xf32, #tpu.memory_space<vmem>>[vector<16xi32>, vector<16xi32>], vector<16xf32>,
        %add3A_2845 = arith.constant 0 : i32
        %add3A_2846 = arith.addi %add3A_2845, %mul3A_2621 : i32
        %add3A_2847 = vector.broadcast %add3A_2846 : i32 to vector<16xi32>
        %add3A_2848 = arith.addi %add3A_1365, %add3A_2847 : vector<16xi32>
        tpu.vector_store_idx %arg8[%add3A_2848], %gather3A_2844 : memref<8192xf32, #tpu.memory_space<vmem>>[vector<16xi32>], vector<16xf32>,
        %add3A_2849 = arith.constant 0 : i32
        %add3A_2850 = arith.addi %add3A_2849, %mul3A_2621 : i32
        %add3A_2851 = vector.broadcast %add3A_2850 : i32 to vector<16xi32>
        %add3A_2852 = arith.addi %rem3A_29, %add3A_2851 : vector<16xi32>
        %add3A_2853 = arith.constant 16 : i32
        %add3A_2854 = vector.broadcast %add3A_2853 : i32 to vector<16xi32>
        %add3A_2855 = arith.addi %iota3A, %add3A_2854 : vector<16xi32>
        %gather3A_2856 = tpu.vector_load_idx %arg6[%add3A_2852, %add3A_2855] : memref<256x32xf32, #tpu.memory_space<vmem>>[vector<16xi32>, vector<16xi32>], vector<16xf32>,
        %add3A_2857 = arith.constant 0 : i32
        %add3A_2858 = arith.addi %add3A_2857, %mul3A_2621 : i32
        %add3A_2859 = vector.broadcast %add3A_2858 : i32 to vector<16xi32>
        %add3A_2860 = arith.addi %add3A_1432, %add3A_2859 : vector<16xi32>
        tpu.vector_store_idx %arg8[%add3A_2860], %gather3A_2856 : memref<8192xf32, #tpu.memory_space<vmem>>[vector<16xi32>], vector<16xf32>,
        %add3A_2861 = arith.constant 0 : i32
        %add3A_2862 = arith.addi %add3A_2861, %mul3A_2621 : i32
        %add3A_2863 = vector.broadcast %add3A_2862 : i32 to vector<16xi32>
        %add3A_2864 = arith.addi %rem3A_35, %add3A_2863 : vector<16xi32>
        %add3A_2865 = arith.constant 16 : i32
        %add3A_2866 = vector.broadcast %add3A_2865 : i32 to vector<16xi32>
        %add3A_2867 = arith.addi %iota3A, %add3A_2866 : vector<16xi32>
        %gather3A_2868 = tpu.vector_load_idx %arg6[%add3A_2864, %add3A_2867] : memref<256x32xf32, #tpu.memory_space<vmem>>[vector<16xi32>, vector<16xi32>], vector<16xf32>,
        %add3A_2869 = arith.constant 0 : i32
        %add3A_2870 = arith.addi %add3A_2869, %mul3A_2621 : i32
        %add3A_2871 = vector.broadcast %add3A_2870 : i32 to vector<16xi32>
        %add3A_2872 = arith.addi %add3A_1499, %add3A_2871 : vector<16xi32>
        tpu.vector_store_idx %arg8[%add3A_2872], %gather3A_2868 : memref<8192xf32, #tpu.memory_space<vmem>>[vector<16xi32>], vector<16xf32>,
        %add3A_2873 = arith.constant 0 : i32
        %add3A_2874 = arith.addi %add3A_2873, %mul3A_2621 : i32
        %add3A_2875 = vector.broadcast %add3A_2874 : i32 to vector<16xi32>
        %add3A_2876 = arith.addi %rem3A_41, %add3A_2875 : vector<16xi32>
        %add3A_2877 = arith.constant 16 : i32
        %add3A_2878 = vector.broadcast %add3A_2877 : i32 to vector<16xi32>
        %add3A_2879 = arith.addi %iota3A, %add3A_2878 : vector<16xi32>
        %gather3A_2880 = tpu.vector_load_idx %arg6[%add3A_2876, %add3A_2879] : memref<256x32xf32, #tpu.memory_space<vmem>>[vector<16xi32>, vector<16xi32>], vector<16xf32>,
        %add3A_2881 = arith.constant 0 : i32
        %add3A_2882 = arith.addi %add3A_2881, %mul3A_2621 : i32
        %add3A_2883 = vector.broadcast %add3A_2882 : i32 to vector<16xi32>
        %add3A_2884 = arith.addi %add3A_1566, %add3A_2883 : vector<16xi32>
        tpu.vector_store_idx %arg8[%add3A_2884], %gather3A_2880 : memref<8192xf32, #tpu.memory_space<vmem>>[vector<16xi32>], vector<16xf32>,
        %add3A_2885 = arith.constant 0 : i32
        %add3A_2886 = arith.addi %add3A_2885, %mul3A_2621 : i32
        %add3A_2887 = vector.broadcast %add3A_2886 : i32 to vector<16xi32>
        %add3A_2888 = arith.addi %rem3A_47, %add3A_2887 : vector<16xi32>
        %add3A_2889 = arith.constant 16 : i32
        %add3A_2890 = vector.broadcast %add3A_2889 : i32 to vector<16xi32>
        %add3A_2891 = arith.addi %iota3A, %add3A_2890 : vector<16xi32>
        %gather3A_2892 = tpu.vector_load_idx %arg6[%add3A_2888, %add3A_2891] : memref<256x32xf32, #tpu.memory_space<vmem>>[vector<16xi32>, vector<16xi32>], vector<16xf32>,
        %add3A_2893 = arith.constant 0 : i32
        %add3A_2894 = arith.addi %add3A_2893, %mul3A_2621 : i32
        %add3A_2895 = vector.broadcast %add3A_2894 : i32 to vector<16xi32>
        %add3A_2896 = arith.addi %add3A_1633, %add3A_2895 : vector<16xi32>
        tpu.vector_store_idx %arg8[%add3A_2896], %gather3A_2892 : memref<8192xf32, #tpu.memory_space<vmem>>[vector<16xi32>], vector<16xf32>,
        %add3A_2897 = arith.constant 0 : i32
        %add3A_2898 = arith.addi %add3A_2897, %mul3A_2621 : i32
        %add3A_2899 = vector.broadcast %add3A_2898 : i32 to vector<16xi32>
        %add3A_2900 = arith.addi %rem3A_53, %add3A_2899 : vector<16xi32>
        %add3A_2901 = arith.constant 16 : i32
        %add3A_2902 = vector.broadcast %add3A_2901 : i32 to vector<16xi32>
        %add3A_2903 = arith.addi %iota3A, %add3A_2902 : vector<16xi32>
        %gather3A_2904 = tpu.vector_load_idx %arg6[%add3A_2900, %add3A_2903] : memref<256x32xf32, #tpu.memory_space<vmem>>[vector<16xi32>, vector<16xi32>], vector<16xf32>,
        %add3A_2905 = arith.constant 0 : i32
        %add3A_2906 = arith.addi %add3A_2905, %mul3A_2621 : i32
        %add3A_2907 = vector.broadcast %add3A_2906 : i32 to vector<16xi32>
        %add3A_2908 = arith.addi %add3A_1700, %add3A_2907 : vector<16xi32>
        tpu.vector_store_idx %arg8[%add3A_2908], %gather3A_2904 : memref<8192xf32, #tpu.memory_space<vmem>>[vector<16xi32>], vector<16xf32>,
        %add3A_2909 = arith.constant 0 : i32
        %add3A_2910 = arith.addi %add3A_2909, %mul3A_2621 : i32
        %add3A_2911 = vector.broadcast %add3A_2910 : i32 to vector<16xi32>
        %add3A_2912 = arith.addi %rem3A_59, %add3A_2911 : vector<16xi32>
        %add3A_2913 = arith.constant 16 : i32
        %add3A_2914 = vector.broadcast %add3A_2913 : i32 to vector<16xi32>
        %add3A_2915 = arith.addi %iota3A, %add3A_2914 : vector<16xi32>
        %gather3A_2916 = tpu.vector_load_idx %arg6[%add3A_2912, %add3A_2915] : memref<256x32xf32, #tpu.memory_space<vmem>>[vector<16xi32>, vector<16xi32>], vector<16xf32>,
        %add3A_2917 = arith.constant 0 : i32
        %add3A_2918 = arith.addi %add3A_2917, %mul3A_2621 : i32
        %add3A_2919 = vector.broadcast %add3A_2918 : i32 to vector<16xi32>
        %add3A_2920 = arith.addi %add3A_1767, %add3A_2919 : vector<16xi32>
        tpu.vector_store_idx %arg8[%add3A_2920], %gather3A_2916 : memref<8192xf32, #tpu.memory_space<vmem>>[vector<16xi32>], vector<16xf32>,
        %add3A_2921 = arith.constant 0 : i32
        %add3A_2922 = arith.addi %add3A_2921, %mul3A_2621 : i32
        %add3A_2923 = vector.broadcast %add3A_2922 : i32 to vector<16xi32>
        %add3A_2924 = arith.addi %rem3A_65, %add3A_2923 : vector<16xi32>
        %add3A_2925 = arith.constant 16 : i32
        %add3A_2926 = vector.broadcast %add3A_2925 : i32 to vector<16xi32>
        %add3A_2927 = arith.addi %iota3A, %add3A_2926 : vector<16xi32>
        %gather3A_2928 = tpu.vector_load_idx %arg6[%add3A_2924, %add3A_2927] : memref<256x32xf32, #tpu.memory_space<vmem>>[vector<16xi32>, vector<16xi32>], vector<16xf32>,
        %add3A_2929 = arith.constant 0 : i32
        %add3A_2930 = arith.addi %add3A_2929, %mul3A_2621 : i32
        %add3A_2931 = vector.broadcast %add3A_2930 : i32 to vector<16xi32>
        %add3A_2932 = arith.addi %add3A_1834, %add3A_2931 : vector<16xi32>
        tpu.vector_store_idx %arg8[%add3A_2932], %gather3A_2928 : memref<8192xf32, #tpu.memory_space<vmem>>[vector<16xi32>], vector<16xf32>,
        %add3A_2933 = arith.constant 0 : i32
        %add3A_2934 = arith.addi %add3A_2933, %mul3A_2621 : i32
        %add3A_2935 = vector.broadcast %add3A_2934 : i32 to vector<16xi32>
        %add3A_2936 = arith.addi %rem3A_71, %add3A_2935 : vector<16xi32>
        %add3A_2937 = arith.constant 16 : i32
        %add3A_2938 = vector.broadcast %add3A_2937 : i32 to vector<16xi32>
        %add3A_2939 = arith.addi %iota3A, %add3A_2938 : vector<16xi32>
        %gather3A_2940 = tpu.vector_load_idx %arg6[%add3A_2936, %add3A_2939] : memref<256x32xf32, #tpu.memory_space<vmem>>[vector<16xi32>, vector<16xi32>], vector<16xf32>,
        %add3A_2941 = arith.constant 0 : i32
        %add3A_2942 = arith.addi %add3A_2941, %mul3A_2621 : i32
        %add3A_2943 = vector.broadcast %add3A_2942 : i32 to vector<16xi32>
        %add3A_2944 = arith.addi %add3A_1901, %add3A_2943 : vector<16xi32>
        tpu.vector_store_idx %arg8[%add3A_2944], %gather3A_2940 : memref<8192xf32, #tpu.memory_space<vmem>>[vector<16xi32>], vector<16xf32>,
        %add3A_2945 = arith.constant 0 : i32
        %add3A_2946 = arith.addi %add3A_2945, %mul3A_2621 : i32
        %add3A_2947 = vector.broadcast %add3A_2946 : i32 to vector<16xi32>
        %add3A_2948 = arith.addi %rem3A_77, %add3A_2947 : vector<16xi32>
        %add3A_2949 = arith.constant 16 : i32
        %add3A_2950 = vector.broadcast %add3A_2949 : i32 to vector<16xi32>
        %add3A_2951 = arith.addi %iota3A, %add3A_2950 : vector<16xi32>
        %gather3A_2952 = tpu.vector_load_idx %arg6[%add3A_2948, %add3A_2951] : memref<256x32xf32, #tpu.memory_space<vmem>>[vector<16xi32>, vector<16xi32>], vector<16xf32>,
        %add3A_2953 = arith.constant 0 : i32
        %add3A_2954 = arith.addi %add3A_2953, %mul3A_2621 : i32
        %add3A_2955 = vector.broadcast %add3A_2954 : i32 to vector<16xi32>
        %add3A_2956 = arith.addi %add3A_1968, %add3A_2955 : vector<16xi32>
        tpu.vector_store_idx %arg8[%add3A_2956], %gather3A_2952 : memref<8192xf32, #tpu.memory_space<vmem>>[vector<16xi32>], vector<16xf32>,
        %add3A_2957 = arith.constant 0 : i32
        %add3A_2958 = arith.addi %add3A_2957, %mul3A_2621 : i32
        %add3A_2959 = vector.broadcast %add3A_2958 : i32 to vector<16xi32>
        %add3A_2960 = arith.addi %rem3A_83, %add3A_2959 : vector<16xi32>
        %add3A_2961 = arith.constant 16 : i32
        %add3A_2962 = vector.broadcast %add3A_2961 : i32 to vector<16xi32>
        %add3A_2963 = arith.addi %iota3A, %add3A_2962 : vector<16xi32>
        %gather3A_2964 = tpu.vector_load_idx %arg6[%add3A_2960, %add3A_2963] : memref<256x32xf32, #tpu.memory_space<vmem>>[vector<16xi32>, vector<16xi32>], vector<16xf32>,
        %add3A_2965 = arith.constant 0 : i32
        %add3A_2966 = arith.addi %add3A_2965, %mul3A_2621 : i32
        %add3A_2967 = vector.broadcast %add3A_2966 : i32 to vector<16xi32>
        %add3A_2968 = arith.addi %add3A_2035, %add3A_2967 : vector<16xi32>
        tpu.vector_store_idx %arg8[%add3A_2968], %gather3A_2964 : memref<8192xf32, #tpu.memory_space<vmem>>[vector<16xi32>], vector<16xf32>,
        %add3A_2969 = arith.constant 0 : i32
        %add3A_2970 = arith.addi %add3A_2969, %mul3A_2621 : i32
        %add3A_2971 = vector.broadcast %add3A_2970 : i32 to vector<16xi32>
        %add3A_2972 = arith.addi %rem3A_89, %add3A_2971 : vector<16xi32>
        %add3A_2973 = arith.constant 16 : i32
        %add3A_2974 = vector.broadcast %add3A_2973 : i32 to vector<16xi32>
        %add3A_2975 = arith.addi %iota3A, %add3A_2974 : vector<16xi32>
        %gather3A_2976 = tpu.vector_load_idx %arg6[%add3A_2972, %add3A_2975] : memref<256x32xf32, #tpu.memory_space<vmem>>[vector<16xi32>, vector<16xi32>], vector<16xf32>,
        %add3A_2977 = arith.constant 0 : i32
        %add3A_2978 = arith.addi %add3A_2977, %mul3A_2621 : i32
        %add3A_2979 = vector.broadcast %add3A_2978 : i32 to vector<16xi32>
        %add3A_2980 = arith.addi %add3A_2102, %add3A_2979 : vector<16xi32>
        tpu.vector_store_idx %arg8[%add3A_2980], %gather3A_2976 : memref<8192xf32, #tpu.memory_space<vmem>>[vector<16xi32>], vector<16xf32>,
        %add3A_2981 = arith.constant 0 : i32
        %add3A_2982 = arith.addi %add3A_2981, %mul3A_2621 : i32
        %add3A_2983 = vector.broadcast %add3A_2982 : i32 to vector<16xi32>
        %add3A_2984 = arith.addi %rem3A_95, %add3A_2983 : vector<16xi32>
        %add3A_2985 = arith.constant 16 : i32
        %add3A_2986 = vector.broadcast %add3A_2985 : i32 to vector<16xi32>
        %add3A_2987 = arith.addi %iota3A, %add3A_2986 : vector<16xi32>
        %gather3A_2988 = tpu.vector_load_idx %arg6[%add3A_2984, %add3A_2987] : memref<256x32xf32, #tpu.memory_space<vmem>>[vector<16xi32>, vector<16xi32>], vector<16xf32>,
        %add3A_2989 = arith.constant 0 : i32
        %add3A_2990 = arith.addi %add3A_2989, %mul3A_2621 : i32
        %add3A_2991 = vector.broadcast %add3A_2990 : i32 to vector<16xi32>
        %add3A_2992 = arith.addi %add3A_2169, %add3A_2991 : vector<16xi32>
        tpu.vector_store_idx %arg8[%add3A_2992], %gather3A_2988 : memref<8192xf32, #tpu.memory_space<vmem>>[vector<16xi32>], vector<16xf32>,
        %add3A_2993 = arith.constant 0 : i32
        %add3A_2994 = arith.addi %add3A_2993, %mul3A_2621 : i32
        %add3A_2995 = vector.broadcast %add3A_2994 : i32 to vector<16xi32>
        %add3A_2996 = arith.addi %rem3A_101, %add3A_2995 : vector<16xi32>
        %add3A_2997 = arith.constant 16 : i32
        %add3A_2998 = vector.broadcast %add3A_2997 : i32 to vector<16xi32>
        %add3A_2999 = arith.addi %iota3A, %add3A_2998 : vector<16xi32>
        %gather3A_3000 = tpu.vector_load_idx %arg6[%add3A_2996, %add3A_2999] : memref<256x32xf32, #tpu.memory_space<vmem>>[vector<16xi32>, vector<16xi32>], vector<16xf32>,
        %add3A_3001 = arith.constant 0 : i32
        %add3A_3002 = arith.addi %add3A_3001, %mul3A_2621 : i32
        %add3A_3003 = vector.broadcast %add3A_3002 : i32 to vector<16xi32>
        %add3A_3004 = arith.addi %add3A_2236, %add3A_3003 : vector<16xi32>
        tpu.vector_store_idx %arg8[%add3A_3004], %gather3A_3000 : memref<8192xf32, #tpu.memory_space<vmem>>[vector<16xi32>], vector<16xf32>,
        %scan3A_3005 = arith.constant 0 : i32
        scf.yield %scan3A_3005 : i32
      }
      %scan3A_2277 = arith.constant 8 : i32
      %scan3A_2278 = arith.constant 0 : i32
      %scan3A_2279 = arith.constant 0 : i32
      %scan3A_2280 = arith.constant 8 : i32
      %scan3A_2281 = arith.addi %scan3A_2279, %scan3A_2280 : i32
      %scan3A_2282 = arith.constant 1 : i32
      %scan3A_2283 = scf.for %scan3A_2618 = %scan3A_2279 to %scan3A_2281 step %scan3A_2282 iter_args(%scan3A_2619 = %scan3A_2278) -> (i32)  : i32 {
        %mul3A_2620 = arith.constant 16 : i32
        %mul3A_2621 = arith.muli %scan3A_2618, %mul3A_2620 : i32
        %add3A_2622 = arith.constant 128 : i32
        %add3A_2623 = arith.addi %add3A_2622, %mul3A_2621 : i32
        %add3A_2624 = vector.broadcast %add3A_2623 : i32 to vector<16xi32>
        %add3A_2625 = arith.addi %rem3A_11, %add3A_2624 : vector<16xi32>
        %add3A_2626 = arith.constant 0 : i32
        %add3A_2627 = vector.broadcast %add3A_2626 : i32 to vector<16xi32>
        %add3A_2628 = arith.addi %iota3A, %add3A_2627 : vector<16xi32>
        %gather3A = tpu.vector_load_idx %arg6[%add3A_2625, %add3A_2628] : memref<256x32xf32, #tpu.memory_space<vmem>>[vector<16xi32>, vector<16xi32>], vector<16xf32>,
        %add3A_2629 = arith.constant 1024 : i32
        %add3A_2630 = arith.addi %add3A_2629, %mul3A_2621 : i32
        %add3A_2631 = vector.broadcast %add3A_2630 : i32 to vector<16xi32>
        %add3A_2632 = arith.addi %add3A_159, %add3A_2631 : vector<16xi32>
        tpu.vector_store_idx %arg8[%add3A_2632], %gather3A : memref<8192xf32, #tpu.memory_space<vmem>>[vector<16xi32>], vector<16xf32>,
        %add3A_2633 = arith.constant 128 : i32
        %add3A_2634 = arith.addi %add3A_2633, %mul3A_2621 : i32
        %add3A_2635 = vector.broadcast %add3A_2634 : i32 to vector<16xi32>
        %add3A_2636 = arith.addi %rem3A_17, %add3A_2635 : vector<16xi32>
        %add3A_2637 = arith.constant 0 : i32
        %add3A_2638 = vector.broadcast %add3A_2637 : i32 to vector<16xi32>
        %add3A_2639 = arith.addi %iota3A, %add3A_2638 : vector<16xi32>
        %gather3A_2640 = tpu.vector_load_idx %arg6[%add3A_2636, %add3A_2639] : memref<256x32xf32, #tpu.memory_space<vmem>>[vector<16xi32>, vector<16xi32>], vector<16xf32>,
        %add3A_2641 = arith.constant 1024 : i32
        %add3A_2642 = arith.addi %add3A_2641, %mul3A_2621 : i32
        %add3A_2643 = vector.broadcast %add3A_2642 : i32 to vector<16xi32>
        %add3A_2644 = arith.addi %add3A_226, %add3A_2643 : vector<16xi32>
        tpu.vector_store_idx %arg8[%add3A_2644], %gather3A_2640 : memref<8192xf32, #tpu.memory_space<vmem>>[vector<16xi32>], vector<16xf32>,
        %add3A_2645 = arith.constant 128 : i32
        %add3A_2646 = arith.addi %add3A_2645, %mul3A_2621 : i32
        %add3A_2647 = vector.broadcast %add3A_2646 : i32 to vector<16xi32>
        %add3A_2648 = arith.addi %rem3A_23, %add3A_2647 : vector<16xi32>
        %add3A_2649 = arith.constant 0 : i32
        %add3A_2650 = vector.broadcast %add3A_2649 : i32 to vector<16xi32>
        %add3A_2651 = arith.addi %iota3A, %add3A_2650 : vector<16xi32>
        %gather3A_2652 = tpu.vector_load_idx %arg6[%add3A_2648, %add3A_2651] : memref<256x32xf32, #tpu.memory_space<vmem>>[vector<16xi32>, vector<16xi32>], vector<16xf32>,
        %add3A_2653 = arith.constant 1024 : i32
        %add3A_2654 = arith.addi %add3A_2653, %mul3A_2621 : i32
        %add3A_2655 = vector.broadcast %add3A_2654 : i32 to vector<16xi32>
        %add3A_2656 = arith.addi %add3A_293, %add3A_2655 : vector<16xi32>
        tpu.vector_store_idx %arg8[%add3A_2656], %gather3A_2652 : memref<8192xf32, #tpu.memory_space<vmem>>[vector<16xi32>], vector<16xf32>,
        %add3A_2657 = arith.constant 128 : i32
        %add3A_2658 = arith.addi %add3A_2657, %mul3A_2621 : i32
        %add3A_2659 = vector.broadcast %add3A_2658 : i32 to vector<16xi32>
        %add3A_2660 = arith.addi %rem3A_29, %add3A_2659 : vector<16xi32>
        %add3A_2661 = arith.constant 0 : i32
        %add3A_2662 = vector.broadcast %add3A_2661 : i32 to vector<16xi32>
        %add3A_2663 = arith.addi %iota3A, %add3A_2662 : vector<16xi32>
        %gather3A_2664 = tpu.vector_load_idx %arg6[%add3A_2660, %add3A_2663] : memref<256x32xf32, #tpu.memory_space<vmem>>[vector<16xi32>, vector<16xi32>], vector<16xf32>,
        %add3A_2665 = arith.constant 1024 : i32
        %add3A_2666 = arith.addi %add3A_2665, %mul3A_2621 : i32
        %add3A_2667 = vector.broadcast %add3A_2666 : i32 to vector<16xi32>
        %add3A_2668 = arith.addi %add3A_360, %add3A_2667 : vector<16xi32>
        tpu.vector_store_idx %arg8[%add3A_2668], %gather3A_2664 : memref<8192xf32, #tpu.memory_space<vmem>>[vector<16xi32>], vector<16xf32>,
        %add3A_2669 = arith.constant 128 : i32
        %add3A_2670 = arith.addi %add3A_2669, %mul3A_2621 : i32
        %add3A_2671 = vector.broadcast %add3A_2670 : i32 to vector<16xi32>
        %add3A_2672 = arith.addi %rem3A_35, %add3A_2671 : vector<16xi32>
        %add3A_2673 = arith.constant 0 : i32
        %add3A_2674 = vector.broadcast %add3A_2673 : i32 to vector<16xi32>
        %add3A_2675 = arith.addi %iota3A, %add3A_2674 : vector<16xi32>
        %gather3A_2676 = tpu.vector_load_idx %arg6[%add3A_2672, %add3A_2675] : memref<256x32xf32, #tpu.memory_space<vmem>>[vector<16xi32>, vector<16xi32>], vector<16xf32>,
        %add3A_2677 = arith.constant 1024 : i32
        %add3A_2678 = arith.addi %add3A_2677, %mul3A_2621 : i32
        %add3A_2679 = vector.broadcast %add3A_2678 : i32 to vector<16xi32>
        %add3A_2680 = arith.addi %add3A_427, %add3A_2679 : vector<16xi32>
        tpu.vector_store_idx %arg8[%add3A_2680], %gather3A_2676 : memref<8192xf32, #tpu.memory_space<vmem>>[vector<16xi32>], vector<16xf32>,
        %add3A_2681 = arith.constant 128 : i32
        %add3A_2682 = arith.addi %add3A_2681, %mul3A_2621 : i32
        %add3A_2683 = vector.broadcast %add3A_2682 : i32 to vector<16xi32>
        %add3A_2684 = arith.addi %rem3A_41, %add3A_2683 : vector<16xi32>
        %add3A_2685 = arith.constant 0 : i32
        %add3A_2686 = vector.broadcast %add3A_2685 : i32 to vector<16xi32>
        %add3A_2687 = arith.addi %iota3A, %add3A_2686 : vector<16xi32>
        %gather3A_2688 = tpu.vector_load_idx %arg6[%add3A_2684, %add3A_2687] : memref<256x32xf32, #tpu.memory_space<vmem>>[vector<16xi32>, vector<16xi32>], vector<16xf32>,
        %add3A_2689 = arith.constant 1024 : i32
        %add3A_2690 = arith.addi %add3A_2689, %mul3A_2621 : i32
        %add3A_2691 = vector.broadcast %add3A_2690 : i32 to vector<16xi32>
        %add3A_2692 = arith.addi %add3A_494, %add3A_2691 : vector<16xi32>
        tpu.vector_store_idx %arg8[%add3A_2692], %gather3A_2688 : memref<8192xf32, #tpu.memory_space<vmem>>[vector<16xi32>], vector<16xf32>,
        %add3A_2693 = arith.constant 128 : i32
        %add3A_2694 = arith.addi %add3A_2693, %mul3A_2621 : i32
        %add3A_2695 = vector.broadcast %add3A_2694 : i32 to vector<16xi32>
        %add3A_2696 = arith.addi %rem3A_47, %add3A_2695 : vector<16xi32>
        %add3A_2697 = arith.constant 0 : i32
        %add3A_2698 = vector.broadcast %add3A_2697 : i32 to vector<16xi32>
        %add3A_2699 = arith.addi %iota3A, %add3A_2698 : vector<16xi32>
        %gather3A_2700 = tpu.vector_load_idx %arg6[%add3A_2696, %add3A_2699] : memref<256x32xf32, #tpu.memory_space<vmem>>[vector<16xi32>, vector<16xi32>], vector<16xf32>,
        %add3A_2701 = arith.constant 1024 : i32
        %add3A_2702 = arith.addi %add3A_2701, %mul3A_2621 : i32
        %add3A_2703 = vector.broadcast %add3A_2702 : i32 to vector<16xi32>
        %add3A_2704 = arith.addi %add3A_561, %add3A_2703 : vector<16xi32>
        tpu.vector_store_idx %arg8[%add3A_2704], %gather3A_2700 : memref<8192xf32, #tpu.memory_space<vmem>>[vector<16xi32>], vector<16xf32>,
        %add3A_2705 = arith.constant 128 : i32
        %add3A_2706 = arith.addi %add3A_2705, %mul3A_2621 : i32
        %add3A_2707 = vector.broadcast %add3A_2706 : i32 to vector<16xi32>
        %add3A_2708 = arith.addi %rem3A_53, %add3A_2707 : vector<16xi32>
        %add3A_2709 = arith.constant 0 : i32
        %add3A_2710 = vector.broadcast %add3A_2709 : i32 to vector<16xi32>
        %add3A_2711 = arith.addi %iota3A, %add3A_2710 : vector<16xi32>
        %gather3A_2712 = tpu.vector_load_idx %arg6[%add3A_2708, %add3A_2711] : memref<256x32xf32, #tpu.memory_space<vmem>>[vector<16xi32>, vector<16xi32>], vector<16xf32>,
        %add3A_2713 = arith.constant 1024 : i32
        %add3A_2714 = arith.addi %add3A_2713, %mul3A_2621 : i32
        %add3A_2715 = vector.broadcast %add3A_2714 : i32 to vector<16xi32>
        %add3A_2716 = arith.addi %add3A_628, %add3A_2715 : vector<16xi32>
        tpu.vector_store_idx %arg8[%add3A_2716], %gather3A_2712 : memref<8192xf32, #tpu.memory_space<vmem>>[vector<16xi32>], vector<16xf32>,
        %add3A_2717 = arith.constant 128 : i32
        %add3A_2718 = arith.addi %add3A_2717, %mul3A_2621 : i32
        %add3A_2719 = vector.broadcast %add3A_2718 : i32 to vector<16xi32>
        %add3A_2720 = arith.addi %rem3A_59, %add3A_2719 : vector<16xi32>
        %add3A_2721 = arith.constant 0 : i32
        %add3A_2722 = vector.broadcast %add3A_2721 : i32 to vector<16xi32>
        %add3A_2723 = arith.addi %iota3A, %add3A_2722 : vector<16xi32>
        %gather3A_2724 = tpu.vector_load_idx %arg6[%add3A_2720, %add3A_2723] : memref<256x32xf32, #tpu.memory_space<vmem>>[vector<16xi32>, vector<16xi32>], vector<16xf32>,
        %add3A_2725 = arith.constant 1024 : i32
        %add3A_2726 = arith.addi %add3A_2725, %mul3A_2621 : i32
        %add3A_2727 = vector.broadcast %add3A_2726 : i32 to vector<16xi32>
        %add3A_2728 = arith.addi %add3A_695, %add3A_2727 : vector<16xi32>
        tpu.vector_store_idx %arg8[%add3A_2728], %gather3A_2724 : memref<8192xf32, #tpu.memory_space<vmem>>[vector<16xi32>], vector<16xf32>,
        %add3A_2729 = arith.constant 128 : i32
        %add3A_2730 = arith.addi %add3A_2729, %mul3A_2621 : i32
        %add3A_2731 = vector.broadcast %add3A_2730 : i32 to vector<16xi32>
        %add3A_2732 = arith.addi %rem3A_65, %add3A_2731 : vector<16xi32>
        %add3A_2733 = arith.constant 0 : i32
        %add3A_2734 = vector.broadcast %add3A_2733 : i32 to vector<16xi32>
        %add3A_2735 = arith.addi %iota3A, %add3A_2734 : vector<16xi32>
        %gather3A_2736 = tpu.vector_load_idx %arg6[%add3A_2732, %add3A_2735] : memref<256x32xf32, #tpu.memory_space<vmem>>[vector<16xi32>, vector<16xi32>], vector<16xf32>,
        %add3A_2737 = arith.constant 1024 : i32
        %add3A_2738 = arith.addi %add3A_2737, %mul3A_2621 : i32
        %add3A_2739 = vector.broadcast %add3A_2738 : i32 to vector<16xi32>
        %add3A_2740 = arith.addi %add3A_762, %add3A_2739 : vector<16xi32>
        tpu.vector_store_idx %arg8[%add3A_2740], %gather3A_2736 : memref<8192xf32, #tpu.memory_space<vmem>>[vector<16xi32>], vector<16xf32>,
        %add3A_2741 = arith.constant 128 : i32
        %add3A_2742 = arith.addi %add3A_2741, %mul3A_2621 : i32
        %add3A_2743 = vector.broadcast %add3A_2742 : i32 to vector<16xi32>
        %add3A_2744 = arith.addi %rem3A_71, %add3A_2743 : vector<16xi32>
        %add3A_2745 = arith.constant 0 : i32
        %add3A_2746 = vector.broadcast %add3A_2745 : i32 to vector<16xi32>
        %add3A_2747 = arith.addi %iota3A, %add3A_2746 : vector<16xi32>
        %gather3A_2748 = tpu.vector_load_idx %arg6[%add3A_2744, %add3A_2747] : memref<256x32xf32, #tpu.memory_space<vmem>>[vector<16xi32>, vector<16xi32>], vector<16xf32>,
        %add3A_2749 = arith.constant 1024 : i32
        %add3A_2750 = arith.addi %add3A_2749, %mul3A_2621 : i32
        %add3A_2751 = vector.broadcast %add3A_2750 : i32 to vector<16xi32>
        %add3A_2752 = arith.addi %add3A_829, %add3A_2751 : vector<16xi32>
        tpu.vector_store_idx %arg8[%add3A_2752], %gather3A_2748 : memref<8192xf32, #tpu.memory_space<vmem>>[vector<16xi32>], vector<16xf32>,
        %add3A_2753 = arith.constant 128 : i32
        %add3A_2754 = arith.addi %add3A_2753, %mul3A_2621 : i32
        %add3A_2755 = vector.broadcast %add3A_2754 : i32 to vector<16xi32>
        %add3A_2756 = arith.addi %rem3A_77, %add3A_2755 : vector<16xi32>
        %add3A_2757 = arith.constant 0 : i32
        %add3A_2758 = vector.broadcast %add3A_2757 : i32 to vector<16xi32>
        %add3A_2759 = arith.addi %iota3A, %add3A_2758 : vector<16xi32>
        %gather3A_2760 = tpu.vector_load_idx %arg6[%add3A_2756, %add3A_2759] : memref<256x32xf32, #tpu.memory_space<vmem>>[vector<16xi32>, vector<16xi32>], vector<16xf32>,
        %add3A_2761 = arith.constant 1024 : i32
        %add3A_2762 = arith.addi %add3A_2761, %mul3A_2621 : i32
        %add3A_2763 = vector.broadcast %add3A_2762 : i32 to vector<16xi32>
        %add3A_2764 = arith.addi %add3A_896, %add3A_2763 : vector<16xi32>
        tpu.vector_store_idx %arg8[%add3A_2764], %gather3A_2760 : memref<8192xf32, #tpu.memory_space<vmem>>[vector<16xi32>], vector<16xf32>,
        %add3A_2765 = arith.constant 128 : i32
        %add3A_2766 = arith.addi %add3A_2765, %mul3A_2621 : i32
        %add3A_2767 = vector.broadcast %add3A_2766 : i32 to vector<16xi32>
        %add3A_2768 = arith.addi %rem3A_83, %add3A_2767 : vector<16xi32>
        %add3A_2769 = arith.constant 0 : i32
        %add3A_2770 = vector.broadcast %add3A_2769 : i32 to vector<16xi32>
        %add3A_2771 = arith.addi %iota3A, %add3A_2770 : vector<16xi32>
        %gather3A_2772 = tpu.vector_load_idx %arg6[%add3A_2768, %add3A_2771] : memref<256x32xf32, #tpu.memory_space<vmem>>[vector<16xi32>, vector<16xi32>], vector<16xf32>,
        %add3A_2773 = arith.constant 1024 : i32
        %add3A_2774 = arith.addi %add3A_2773, %mul3A_2621 : i32
        %add3A_2775 = vector.broadcast %add3A_2774 : i32 to vector<16xi32>
        %add3A_2776 = arith.addi %add3A_963, %add3A_2775 : vector<16xi32>
        tpu.vector_store_idx %arg8[%add3A_2776], %gather3A_2772 : memref<8192xf32, #tpu.memory_space<vmem>>[vector<16xi32>], vector<16xf32>,
        %add3A_2777 = arith.constant 128 : i32
        %add3A_2778 = arith.addi %add3A_2777, %mul3A_2621 : i32
        %add3A_2779 = vector.broadcast %add3A_2778 : i32 to vector<16xi32>
        %add3A_2780 = arith.addi %rem3A_89, %add3A_2779 : vector<16xi32>
        %add3A_2781 = arith.constant 0 : i32
        %add3A_2782 = vector.broadcast %add3A_2781 : i32 to vector<16xi32>
        %add3A_2783 = arith.addi %iota3A, %add3A_2782 : vector<16xi32>
        %gather3A_2784 = tpu.vector_load_idx %arg6[%add3A_2780, %add3A_2783] : memref<256x32xf32, #tpu.memory_space<vmem>>[vector<16xi32>, vector<16xi32>], vector<16xf32>,
        %add3A_2785 = arith.constant 1024 : i32
        %add3A_2786 = arith.addi %add3A_2785, %mul3A_2621 : i32
        %add3A_2787 = vector.broadcast %add3A_2786 : i32 to vector<16xi32>
        %add3A_2788 = arith.addi %add3A_1030, %add3A_2787 : vector<16xi32>
        tpu.vector_store_idx %arg8[%add3A_2788], %gather3A_2784 : memref<8192xf32, #tpu.memory_space<vmem>>[vector<16xi32>], vector<16xf32>,
        %add3A_2789 = arith.constant 128 : i32
        %add3A_2790 = arith.addi %add3A_2789, %mul3A_2621 : i32
        %add3A_2791 = vector.broadcast %add3A_2790 : i32 to vector<16xi32>
        %add3A_2792 = arith.addi %rem3A_95, %add3A_2791 : vector<16xi32>
        %add3A_2793 = arith.constant 0 : i32
        %add3A_2794 = vector.broadcast %add3A_2793 : i32 to vector<16xi32>
        %add3A_2795 = arith.addi %iota3A, %add3A_2794 : vector<16xi32>
        %gather3A_2796 = tpu.vector_load_idx %arg6[%add3A_2792, %add3A_2795] : memref<256x32xf32, #tpu.memory_space<vmem>>[vector<16xi32>, vector<16xi32>], vector<16xf32>,
        %add3A_2797 = arith.constant 1024 : i32
        %add3A_2798 = arith.addi %add3A_2797, %mul3A_2621 : i32
        %add3A_2799 = vector.broadcast %add3A_2798 : i32 to vector<16xi32>
        %add3A_2800 = arith.addi %add3A_1097, %add3A_2799 : vector<16xi32>
        tpu.vector_store_idx %arg8[%add3A_2800], %gather3A_2796 : memref<8192xf32, #tpu.memory_space<vmem>>[vector<16xi32>], vector<16xf32>,
        %add3A_2801 = arith.constant 128 : i32
        %add3A_2802 = arith.addi %add3A_2801, %mul3A_2621 : i32
        %add3A_2803 = vector.broadcast %add3A_2802 : i32 to vector<16xi32>
        %add3A_2804 = arith.addi %rem3A_101, %add3A_2803 : vector<16xi32>
        %add3A_2805 = arith.constant 0 : i32
        %add3A_2806 = vector.broadcast %add3A_2805 : i32 to vector<16xi32>
        %add3A_2807 = arith.addi %iota3A, %add3A_2806 : vector<16xi32>
        %gather3A_2808 = tpu.vector_load_idx %arg6[%add3A_2804, %add3A_2807] : memref<256x32xf32, #tpu.memory_space<vmem>>[vector<16xi32>, vector<16xi32>], vector<16xf32>,
        %add3A_2809 = arith.constant 1024 : i32
        %add3A_2810 = arith.addi %add3A_2809, %mul3A_2621 : i32
        %add3A_2811 = vector.broadcast %add3A_2810 : i32 to vector<16xi32>
        %add3A_2812 = arith.addi %add3A_1164, %add3A_2811 : vector<16xi32>
        tpu.vector_store_idx %arg8[%add3A_2812], %gather3A_2808 : memref<8192xf32, #tpu.memory_space<vmem>>[vector<16xi32>], vector<16xf32>,
        %add3A_2813 = arith.constant 128 : i32
        %add3A_2814 = arith.addi %add3A_2813, %mul3A_2621 : i32
        %add3A_2815 = vector.broadcast %add3A_2814 : i32 to vector<16xi32>
        %add3A_2816 = arith.addi %rem3A_11, %add3A_2815 : vector<16xi32>
        %add3A_2817 = arith.constant 16 : i32
        %add3A_2818 = vector.broadcast %add3A_2817 : i32 to vector<16xi32>
        %add3A_2819 = arith.addi %iota3A, %add3A_2818 : vector<16xi32>
        %gather3A_2820 = tpu.vector_load_idx %arg6[%add3A_2816, %add3A_2819] : memref<256x32xf32, #tpu.memory_space<vmem>>[vector<16xi32>, vector<16xi32>], vector<16xf32>,
        %add3A_2821 = arith.constant 1024 : i32
        %add3A_2822 = arith.addi %add3A_2821, %mul3A_2621 : i32
        %add3A_2823 = vector.broadcast %add3A_2822 : i32 to vector<16xi32>
        %add3A_2824 = arith.addi %add3A_1231, %add3A_2823 : vector<16xi32>
        tpu.vector_store_idx %arg8[%add3A_2824], %gather3A_2820 : memref<8192xf32, #tpu.memory_space<vmem>>[vector<16xi32>], vector<16xf32>,
        %add3A_2825 = arith.constant 128 : i32
        %add3A_2826 = arith.addi %add3A_2825, %mul3A_2621 : i32
        %add3A_2827 = vector.broadcast %add3A_2826 : i32 to vector<16xi32>
        %add3A_2828 = arith.addi %rem3A_17, %add3A_2827 : vector<16xi32>
        %add3A_2829 = arith.constant 16 : i32
        %add3A_2830 = vector.broadcast %add3A_2829 : i32 to vector<16xi32>
        %add3A_2831 = arith.addi %iota3A, %add3A_2830 : vector<16xi32>
        %gather3A_2832 = tpu.vector_load_idx %arg6[%add3A_2828, %add3A_2831] : memref<256x32xf32, #tpu.memory_space<vmem>>[vector<16xi32>, vector<16xi32>], vector<16xf32>,
        %add3A_2833 = arith.constant 1024 : i32
        %add3A_2834 = arith.addi %add3A_2833, %mul3A_2621 : i32
        %add3A_2835 = vector.broadcast %add3A_2834 : i32 to vector<16xi32>
        %add3A_2836 = arith.addi %add3A_1298, %add3A_2835 : vector<16xi32>
        tpu.vector_store_idx %arg8[%add3A_2836], %gather3A_2832 : memref<8192xf32, #tpu.memory_space<vmem>>[vector<16xi32>], vector<16xf32>,
        %add3A_2837 = arith.constant 128 : i32
        %add3A_2838 = arith.addi %add3A_2837, %mul3A_2621 : i32
        %add3A_2839 = vector.broadcast %add3A_2838 : i32 to vector<16xi32>
        %add3A_2840 = arith.addi %rem3A_23, %add3A_2839 : vector<16xi32>
        %add3A_2841 = arith.constant 16 : i32
        %add3A_2842 = vector.broadcast %add3A_2841 : i32 to vector<16xi32>
        %add3A_2843 = arith.addi %iota3A, %add3A_2842 : vector<16xi32>
        %gather3A_2844 = tpu.vector_load_idx %arg6[%add3A_2840, %add3A_2843] : memref<256x32xf32, #tpu.memory_space<vmem>>[vector<16xi32>, vector<16xi32>], vector<16xf32>,
        %add3A_2845 = arith.constant 1024 : i32
        %add3A_2846 = arith.addi %add3A_2845, %mul3A_2621 : i32
        %add3A_2847 = vector.broadcast %add3A_2846 : i32 to vector<16xi32>
        %add3A_2848 = arith.addi %add3A_1365, %add3A_2847 : vector<16xi32>
        tpu.vector_store_idx %arg8[%add3A_2848], %gather3A_2844 : memref<8192xf32, #tpu.memory_space<vmem>>[vector<16xi32>], vector<16xf32>,
        %add3A_2849 = arith.constant 128 : i32
        %add3A_2850 = arith.addi %add3A_2849, %mul3A_2621 : i32
        %add3A_2851 = vector.broadcast %add3A_2850 : i32 to vector<16xi32>
        %add3A_2852 = arith.addi %rem3A_29, %add3A_2851 : vector<16xi32>
        %add3A_2853 = arith.constant 16 : i32
        %add3A_2854 = vector.broadcast %add3A_2853 : i32 to vector<16xi32>
        %add3A_2855 = arith.addi %iota3A, %add3A_2854 : vector<16xi32>
        %gather3A_2856 = tpu.vector_load_idx %arg6[%add3A_2852, %add3A_2855] : memref<256x32xf32, #tpu.memory_space<vmem>>[vector<16xi32>, vector<16xi32>], vector<16xf32>,
        %add3A_2857 = arith.constant 1024 : i32
        %add3A_2858 = arith.addi %add3A_2857, %mul3A_2621 : i32
        %add3A_2859 = vector.broadcast %add3A_2858 : i32 to vector<16xi32>
        %add3A_2860 = arith.addi %add3A_1432, %add3A_2859 : vector<16xi32>
        tpu.vector_store_idx %arg8[%add3A_2860], %gather3A_2856 : memref<8192xf32, #tpu.memory_space<vmem>>[vector<16xi32>], vector<16xf32>,
        %add3A_2861 = arith.constant 128 : i32
        %add3A_2862 = arith.addi %add3A_2861, %mul3A_2621 : i32
        %add3A_2863 = vector.broadcast %add3A_2862 : i32 to vector<16xi32>
        %add3A_2864 = arith.addi %rem3A_35, %add3A_2863 : vector<16xi32>
        %add3A_2865 = arith.constant 16 : i32
        %add3A_2866 = vector.broadcast %add3A_2865 : i32 to vector<16xi32>
        %add3A_2867 = arith.addi %iota3A, %add3A_2866 : vector<16xi32>
        %gather3A_2868 = tpu.vector_load_idx %arg6[%add3A_2864, %add3A_2867] : memref<256x32xf32, #tpu.memory_space<vmem>>[vector<16xi32>, vector<16xi32>], vector<16xf32>,
        %add3A_2869 = arith.constant 1024 : i32
        %add3A_2870 = arith.addi %add3A_2869, %mul3A_2621 : i32
        %add3A_2871 = vector.broadcast %add3A_2870 : i32 to vector<16xi32>
        %add3A_2872 = arith.addi %add3A_1499, %add3A_2871 : vector<16xi32>
        tpu.vector_store_idx %arg8[%add3A_2872], %gather3A_2868 : memref<8192xf32, #tpu.memory_space<vmem>>[vector<16xi32>], vector<16xf32>,
        %add3A_2873 = arith.constant 128 : i32
        %add3A_2874 = arith.addi %add3A_2873, %mul3A_2621 : i32
        %add3A_2875 = vector.broadcast %add3A_2874 : i32 to vector<16xi32>
        %add3A_2876 = arith.addi %rem3A_41, %add3A_2875 : vector<16xi32>
        %add3A_2877 = arith.constant 16 : i32
        %add3A_2878 = vector.broadcast %add3A_2877 : i32 to vector<16xi32>
        %add3A_2879 = arith.addi %iota3A, %add3A_2878 : vector<16xi32>
        %gather3A_2880 = tpu.vector_load_idx %arg6[%add3A_2876, %add3A_2879] : memref<256x32xf32, #tpu.memory_space<vmem>>[vector<16xi32>, vector<16xi32>], vector<16xf32>,
        %add3A_2881 = arith.constant 1024 : i32
        %add3A_2882 = arith.addi %add3A_2881, %mul3A_2621 : i32
        %add3A_2883 = vector.broadcast %add3A_2882 : i32 to vector<16xi32>
        %add3A_2884 = arith.addi %add3A_1566, %add3A_2883 : vector<16xi32>
        tpu.vector_store_idx %arg8[%add3A_2884], %gather3A_2880 : memref<8192xf32, #tpu.memory_space<vmem>>[vector<16xi32>], vector<16xf32>,
        %add3A_2885 = arith.constant 128 : i32
        %add3A_2886 = arith.addi %add3A_2885, %mul3A_2621 : i32
        %add3A_2887 = vector.broadcast %add3A_2886 : i32 to vector<16xi32>
        %add3A_2888 = arith.addi %rem3A_47, %add3A_2887 : vector<16xi32>
        %add3A_2889 = arith.constant 16 : i32
        %add3A_2890 = vector.broadcast %add3A_2889 : i32 to vector<16xi32>
        %add3A_2891 = arith.addi %iota3A, %add3A_2890 : vector<16xi32>
        %gather3A_2892 = tpu.vector_load_idx %arg6[%add3A_2888, %add3A_2891] : memref<256x32xf32, #tpu.memory_space<vmem>>[vector<16xi32>, vector<16xi32>], vector<16xf32>,
        %add3A_2893 = arith.constant 1024 : i32
        %add3A_2894 = arith.addi %add3A_2893, %mul3A_2621 : i32
        %add3A_2895 = vector.broadcast %add3A_2894 : i32 to vector<16xi32>
        %add3A_2896 = arith.addi %add3A_1633, %add3A_2895 : vector<16xi32>
        tpu.vector_store_idx %arg8[%add3A_2896], %gather3A_2892 : memref<8192xf32, #tpu.memory_space<vmem>>[vector<16xi32>], vector<16xf32>,
        %add3A_2897 = arith.constant 128 : i32
        %add3A_2898 = arith.addi %add3A_2897, %mul3A_2621 : i32
        %add3A_2899 = vector.broadcast %add3A_2898 : i32 to vector<16xi32>
        %add3A_2900 = arith.addi %rem3A_53, %add3A_2899 : vector<16xi32>
        %add3A_2901 = arith.constant 16 : i32
        %add3A_2902 = vector.broadcast %add3A_2901 : i32 to vector<16xi32>
        %add3A_2903 = arith.addi %iota3A, %add3A_2902 : vector<16xi32>
        %gather3A_2904 = tpu.vector_load_idx %arg6[%add3A_2900, %add3A_2903] : memref<256x32xf32, #tpu.memory_space<vmem>>[vector<16xi32>, vector<16xi32>], vector<16xf32>,
        %add3A_2905 = arith.constant 1024 : i32
        %add3A_2906 = arith.addi %add3A_2905, %mul3A_2621 : i32
        %add3A_2907 = vector.broadcast %add3A_2906 : i32 to vector<16xi32>
        %add3A_2908 = arith.addi %add3A_1700, %add3A_2907 : vector<16xi32>
        tpu.vector_store_idx %arg8[%add3A_2908], %gather3A_2904 : memref<8192xf32, #tpu.memory_space<vmem>>[vector<16xi32>], vector<16xf32>,
        %add3A_2909 = arith.constant 128 : i32
        %add3A_2910 = arith.addi %add3A_2909, %mul3A_2621 : i32
        %add3A_2911 = vector.broadcast %add3A_2910 : i32 to vector<16xi32>
        %add3A_2912 = arith.addi %rem3A_59, %add3A_2911 : vector<16xi32>
        %add3A_2913 = arith.constant 16 : i32
        %add3A_2914 = vector.broadcast %add3A_2913 : i32 to vector<16xi32>
        %add3A_2915 = arith.addi %iota3A, %add3A_2914 : vector<16xi32>
        %gather3A_2916 = tpu.vector_load_idx %arg6[%add3A_2912, %add3A_2915] : memref<256x32xf32, #tpu.memory_space<vmem>>[vector<16xi32>, vector<16xi32>], vector<16xf32>,
        %add3A_2917 = arith.constant 1024 : i32
        %add3A_2918 = arith.addi %add3A_2917, %mul3A_2621 : i32
        %add3A_2919 = vector.broadcast %add3A_2918 : i32 to vector<16xi32>
        %add3A_2920 = arith.addi %add3A_1767, %add3A_2919 : vector<16xi32>
        tpu.vector_store_idx %arg8[%add3A_2920], %gather3A_2916 : memref<8192xf32, #tpu.memory_space<vmem>>[vector<16xi32>], vector<16xf32>,
        %add3A_2921 = arith.constant 128 : i32
        %add3A_2922 = arith.addi %add3A_2921, %mul3A_2621 : i32
        %add3A_2923 = vector.broadcast %add3A_2922 : i32 to vector<16xi32>
        %add3A_2924 = arith.addi %rem3A_65, %add3A_2923 : vector<16xi32>
        %add3A_2925 = arith.constant 16 : i32
        %add3A_2926 = vector.broadcast %add3A_2925 : i32 to vector<16xi32>
        %add3A_2927 = arith.addi %iota3A, %add3A_2926 : vector<16xi32>
        %gather3A_2928 = tpu.vector_load_idx %arg6[%add3A_2924, %add3A_2927] : memref<256x32xf32, #tpu.memory_space<vmem>>[vector<16xi32>, vector<16xi32>], vector<16xf32>,
        %add3A_2929 = arith.constant 1024 : i32
        %add3A_2930 = arith.addi %add3A_2929, %mul3A_2621 : i32
        %add3A_2931 = vector.broadcast %add3A_2930 : i32 to vector<16xi32>
        %add3A_2932 = arith.addi %add3A_1834, %add3A_2931 : vector<16xi32>
        tpu.vector_store_idx %arg8[%add3A_2932], %gather3A_2928 : memref<8192xf32, #tpu.memory_space<vmem>>[vector<16xi32>], vector<16xf32>,
        %add3A_2933 = arith.constant 128 : i32
        %add3A_2934 = arith.addi %add3A_2933, %mul3A_2621 : i32
        %add3A_2935 = vector.broadcast %add3A_2934 : i32 to vector<16xi32>
        %add3A_2936 = arith.addi %rem3A_71, %add3A_2935 : vector<16xi32>
        %add3A_2937 = arith.constant 16 : i32
        %add3A_2938 = vector.broadcast %add3A_2937 : i32 to vector<16xi32>
        %add3A_2939 = arith.addi %iota3A, %add3A_2938 : vector<16xi32>
        %gather3A_2940 = tpu.vector_load_idx %arg6[%add3A_2936, %add3A_2939] : memref<256x32xf32, #tpu.memory_space<vmem>>[vector<16xi32>, vector<16xi32>], vector<16xf32>,
        %add3A_2941 = arith.constant 1024 : i32
        %add3A_2942 = arith.addi %add3A_2941, %mul3A_2621 : i32
        %add3A_2943 = vector.broadcast %add3A_2942 : i32 to vector<16xi32>
        %add3A_2944 = arith.addi %add3A_1901, %add3A_2943 : vector<16xi32>
        tpu.vector_store_idx %arg8[%add3A_2944], %gather3A_2940 : memref<8192xf32, #tpu.memory_space<vmem>>[vector<16xi32>], vector<16xf32>,
        %add3A_2945 = arith.constant 128 : i32
        %add3A_2946 = arith.addi %add3A_2945, %mul3A_2621 : i32
        %add3A_2947 = vector.broadcast %add3A_2946 : i32 to vector<16xi32>
        %add3A_2948 = arith.addi %rem3A_77, %add3A_2947 : vector<16xi32>
        %add3A_2949 = arith.constant 16 : i32
        %add3A_2950 = vector.broadcast %add3A_2949 : i32 to vector<16xi32>
        %add3A_2951 = arith.addi %iota3A, %add3A_2950 : vector<16xi32>
        %gather3A_2952 = tpu.vector_load_idx %arg6[%add3A_2948, %add3A_2951] : memref<256x32xf32, #tpu.memory_space<vmem>>[vector<16xi32>, vector<16xi32>], vector<16xf32>,
        %add3A_2953 = arith.constant 1024 : i32
        %add3A_2954 = arith.addi %add3A_2953, %mul3A_2621 : i32
        %add3A_2955 = vector.broadcast %add3A_2954 : i32 to vector<16xi32>
        %add3A_2956 = arith.addi %add3A_1968, %add3A_2955 : vector<16xi32>
        tpu.vector_store_idx %arg8[%add3A_2956], %gather3A_2952 : memref<8192xf32, #tpu.memory_space<vmem>>[vector<16xi32>], vector<16xf32>,
        %add3A_2957 = arith.constant 128 : i32
        %add3A_2958 = arith.addi %add3A_2957, %mul3A_2621 : i32
        %add3A_2959 = vector.broadcast %add3A_2958 : i32 to vector<16xi32>
        %add3A_2960 = arith.addi %rem3A_83, %add3A_2959 : vector<16xi32>
        %add3A_2961 = arith.constant 16 : i32
        %add3A_2962 = vector.broadcast %add3A_2961 : i32 to vector<16xi32>
        %add3A_2963 = arith.addi %iota3A, %add3A_2962 : vector<16xi32>
        %gather3A_2964 = tpu.vector_load_idx %arg6[%add3A_2960, %add3A_2963] : memref<256x32xf32, #tpu.memory_space<vmem>>[vector<16xi32>, vector<16xi32>], vector<16xf32>,
        %add3A_2965 = arith.constant 1024 : i32
        %add3A_2966 = arith.addi %add3A_2965, %mul3A_2621 : i32
        %add3A_2967 = vector.broadcast %add3A_2966 : i32 to vector<16xi32>
        %add3A_2968 = arith.addi %add3A_2035, %add3A_2967 : vector<16xi32>
        tpu.vector_store_idx %arg8[%add3A_2968], %gather3A_2964 : memref<8192xf32, #tpu.memory_space<vmem>>[vector<16xi32>], vector<16xf32>,
        %add3A_2969 = arith.constant 128 : i32
        %add3A_2970 = arith.addi %add3A_2969, %mul3A_2621 : i32
        %add3A_2971 = vector.broadcast %add3A_2970 : i32 to vector<16xi32>
        %add3A_2972 = arith.addi %rem3A_89, %add3A_2971 : vector<16xi32>
        %add3A_2973 = arith.constant 16 : i32
        %add3A_2974 = vector.broadcast %add3A_2973 : i32 to vector<16xi32>
        %add3A_2975 = arith.addi %iota3A, %add3A_2974 : vector<16xi32>
        %gather3A_2976 = tpu.vector_load_idx %arg6[%add3A_2972, %add3A_2975] : memref<256x32xf32, #tpu.memory_space<vmem>>[vector<16xi32>, vector<16xi32>], vector<16xf32>,
        %add3A_2977 = arith.constant 1024 : i32
        %add3A_2978 = arith.addi %add3A_2977, %mul3A_2621 : i32
        %add3A_2979 = vector.broadcast %add3A_2978 : i32 to vector<16xi32>
        %add3A_2980 = arith.addi %add3A_2102, %add3A_2979 : vector<16xi32>
        tpu.vector_store_idx %arg8[%add3A_2980], %gather3A_2976 : memref<8192xf32, #tpu.memory_space<vmem>>[vector<16xi32>], vector<16xf32>,
        %add3A_2981 = arith.constant 128 : i32
        %add3A_2982 = arith.addi %add3A_2981, %mul3A_2621 : i32
        %add3A_2983 = vector.broadcast %add3A_2982 : i32 to vector<16xi32>
        %add3A_2984 = arith.addi %rem3A_95, %add3A_2983 : vector<16xi32>
        %add3A_2985 = arith.constant 16 : i32
        %add3A_2986 = vector.broadcast %add3A_2985 : i32 to vector<16xi32>
        %add3A_2987 = arith.addi %iota3A, %add3A_2986 : vector<16xi32>
        %gather3A_2988 = tpu.vector_load_idx %arg6[%add3A_2984, %add3A_2987] : memref<256x32xf32, #tpu.memory_space<vmem>>[vector<16xi32>, vector<16xi32>], vector<16xf32>,
        %add3A_2989 = arith.constant 1024 : i32
        %add3A_2990 = arith.addi %add3A_2989, %mul3A_2621 : i32
        %add3A_2991 = vector.broadcast %add3A_2990 : i32 to vector<16xi32>
        %add3A_2992 = arith.addi %add3A_2169, %add3A_2991 : vector<16xi32>
        tpu.vector_store_idx %arg8[%add3A_2992], %gather3A_2988 : memref<8192xf32, #tpu.memory_space<vmem>>[vector<16xi32>], vector<16xf32>,
        %add3A_2993 = arith.constant 128 : i32
        %add3A_2994 = arith.addi %add3A_2993, %mul3A_2621 : i32
        %add3A_2995 = vector.broadcast %add3A_2994 : i32 to vector<16xi32>
        %add3A_2996 = arith.addi %rem3A_101, %add3A_2995 : vector<16xi32>
        %add3A_2997 = arith.constant 16 : i32
        %add3A_2998 = vector.broadcast %add3A_2997 : i32 to vector<16xi32>
        %add3A_2999 = arith.addi %iota3A, %add3A_2998 : vector<16xi32>
        %gather3A_3000 = tpu.vector_load_idx %arg6[%add3A_2996, %add3A_2999] : memref<256x32xf32, #tpu.memory_space<vmem>>[vector<16xi32>, vector<16xi32>], vector<16xf32>,
        %add3A_3001 = arith.constant 1024 : i32
        %add3A_3002 = arith.addi %add3A_3001, %mul3A_2621 : i32
        %add3A_3003 = vector.broadcast %add3A_3002 : i32 to vector<16xi32>
        %add3A_3004 = arith.addi %add3A_2236, %add3A_3003 : vector<16xi32>
        tpu.vector_store_idx %arg8[%add3A_3004], %gather3A_3000 : memref<8192xf32, #tpu.memory_space<vmem>>[vector<16xi32>], vector<16xf32>,
        %scan3A_3005 = arith.constant 0 : i32
        scf.yield %scan3A_3005 : i32
      }
      %scan3A_2284 = arith.constant 8 : i32
      %add3A_2285 = arith.constant 2 : i32
      %add3A_2286 = arith.addi %mul3A_2264, %add3A_2285 : i32
      %rem3A_2287 = arith.constant 100 : i32
      %rem3A_2288 = arith.remsi %add3A_2286, %rem3A_2287 : i32
      %mul3A_2289 = arith.constant 256 : i32
      %mul3A_2290 = arith.muli %rem3A_2288, %mul3A_2289 : i32
      %dma_start3A_2291 = tpu.memref_slice %arg5[%mul3A_2290] : memref<25600xi32, #tpu.memory_space<vmem>> -> memref<256xi32, #tpu.memory_space<vmem>>
      %dma_start3A_2292 = arith.constant 0 : i32
      %dma_start3A_2293 = arith.constant 0 : i32
      %dma_start3A_2294 = tpu.memref_slice %arg3[%dma_start3A_2292, %dma_start3A_2293] : memref<1000000x32xf32, #tpu.memory_space<hbm>> -> memref<1000000x32xf32, #tpu.memory_space<hbm>>
      tpu.enqueue_indirect_dma source(%dma_start3A_2294 : memref<1000000x32xf32, #tpu.memory_space<hbm>>) target(%arg6 : memref<256x32xf32, #tpu.memory_space<vmem>>) offsets(%dma_start3A_2291 : memref<256xi32, #tpu.memory_space<vmem>>) semaphore(%arg10 : memref<!tpu.dma_semaphore, #tpu.memory_space<semaphore_mem>>)
      %add3A_2295 = arith.addi %mul3A_2, %mul3A_2264 : i32
      %mul3A_2296 = arith.constant 2 : i32
      %mul3A_2297 = arith.muli %add3A_2295, %mul3A_2296 : i32
      %jit3A_2298 = arith.constant 128 : i32
      %div3A_2299 = arith.divsi %mul3A_2297, %jit3A_2298 : i32
      %sign3A_2300 = arith.constant 0 : i32
      %sign3A_2301 = arith.cmpi sgt, %mul3A_2297, %sign3A_2300 : i32
      %sign3A_2302 = arith.extui %sign3A_2301 : i1 to i32
      %sign3A_2303 = arith.constant 0 : i32
      %sign3A_2304 = arith.cmpi slt, %mul3A_2297, %sign3A_2303 : i32
      %sign3A_2305 = arith.extui %sign3A_2304 : i1 to i32
      %sign3A_2306 = arith.subi %sign3A_2302, %sign3A_2305 : i32
      %sign3A_2307 = arith.constant 0 : i32
      %sign3A_2308 = arith.cmpi sgt, %jit3A_2298, %sign3A_2307 : i32
      %sign3A_2309 = arith.extui %sign3A_2308 : i1 to i32
      %sign3A_2310 = arith.constant 0 : i32
      %sign3A_2311 = arith.cmpi slt, %jit3A_2298, %sign3A_2310 : i32
      %sign3A_2312 = arith.extui %sign3A_2311 : i1 to i32
      %sign3A_2313 = arith.subi %sign3A_2309, %sign3A_2312 : i32
      %ne3A_2314 = arith.cmpi ne, %sign3A_2306, %sign3A_2313 : i32
      %rem3A_2315 = arith.remsi %mul3A_2297, %jit3A_2298 : i32
      %ne3A_2316 = arith.constant 0 : i32
      %ne3A_2317 = arith.cmpi ne, %rem3A_2315, %ne3A_2316 : i32
      %and3A_2318 = arith.andi %ne3A_2314, %ne3A_2317 : i1
      %sub3A_2319 = arith.constant 1 : i32
      %sub3A_2320 = arith.subi %div3A_2299, %sub3A_2319 : i32
      %select_n3A_2321 = arith.select %and3A_2318, %sub3A_2320, %div3A_2299 : i32
      %mul3A_2322 = arith.constant 512 : i32
      %mul3A_2323 = arith.muli %select_n3A_2321, %mul3A_2322 : i32
      %rem3A_2324 = arith.constant 128 : i32
      %rem3A_2325 = arith.remsi %mul3A_2297, %rem3A_2324 : i32
      %add3A_2326 = arith.addi %mul3A_2323, %rem3A_2325 : i32
      %add3A_2327 = arith.constant 0 : i32
      %add3A_2328 = arith.addi %add3A_2326, %add3A_2327 : i32
      %mul3A_2329 = arith.constant 1024 : i32
      %mul3A_2330 = arith.muli %add3A_2328, %mul3A_2329 : i32
      %add3A_2331 = arith.constant 128 : i32
      %add3A_2332 = arith.addi %add3A_2326, %add3A_2331 : i32
      %mul3A_2333 = arith.constant 1024 : i32
      %mul3A_2334 = arith.muli %add3A_2332, %mul3A_2333 : i32
      %add3A_2335 = arith.constant 256 : i32
      %add3A_2336 = arith.addi %add3A_2326, %add3A_2335 : i32
      %mul3A_2337 = arith.constant 1024 : i32
      %mul3A_2338 = arith.muli %add3A_2336, %mul3A_2337 : i32
      %add3A_2339 = arith.constant 384 : i32
      %add3A_2340 = arith.addi %add3A_2326, %add3A_2339 : i32
      %mul3A_2341 = arith.constant 1024 : i32
      %mul3A_2342 = arith.muli %add3A_2340, %mul3A_2341 : i32
      %dma_start3A_2343 = arith.constant 0 : i32
      %dma_start3A_2344 = tpu.memref_slice %arg8[%dma_start3A_2343] : memref<8192xf32, #tpu.memory_space<vmem>> -> memref<2048xf32, #tpu.memory_space<vmem>>
      %dma_start3A_2345 = tpu.memref_slice %arg4[%mul3A_2330] : memref<26214400xf32, #tpu.memory_space<hbm>> -> memref<2048xf32, #tpu.memory_space<hbm>>
      %dma_start3A_2346 = tpu.memref_slice %arg4[%mul3A_2330] : memref<26214400xf32, #tpu.memory_space<hbm>> -> memref<2048xf32, #tpu.memory_space<hbm>>
      %dma_start3A_2347 = arith.constant 0 : i32
      %dma_start3A_2348 = tpu.memref_slice %arg8[%dma_start3A_2347] : memref<8192xf32, #tpu.memory_space<vmem>> -> memref<2048xf32, #tpu.memory_space<vmem>>
      tpu.enqueue_dma source(%dma_start3A_2348 : memref<2048xf32, #tpu.memory_space<vmem>>) target(%dma_start3A_2346 : memref<2048xf32, #tpu.memory_space<hbm>>) target_semaphore(%arg12 : memref<!tpu.dma_semaphore, #tpu.memory_space<semaphore_mem>>)
      %dma_start3A_2349 = arith.constant 2048 : i32
      %dma_start3A_2350 = tpu.memref_slice %arg8[%dma_start3A_2349] : memref<8192xf32, #tpu.memory_space<vmem>> -> memref<2048xf32, #tpu.memory_space<vmem>>
      %dma_start3A_2351 = tpu.memref_slice %arg4[%mul3A_2334] : memref<26214400xf32, #tpu.memory_space<hbm>> -> memref<2048xf32, #tpu.memory_space<hbm>>
      %dma_start3A_2352 = tpu.memref_slice %arg4[%mul3A_2334] : memref<26214400xf32, #tpu.memory_space<hbm>> -> memref<2048xf32, #tpu.memory_space<hbm>>
      %dma_start3A_2353 = arith.constant 2048 : i32
      %dma_start3A_2354 = tpu.memref_slice %arg8[%dma_start3A_2353] : memref<8192xf32, #tpu.memory_space<vmem>> -> memref<2048xf32, #tpu.memory_space<vmem>>
      tpu.enqueue_dma source(%dma_start3A_2354 : memref<2048xf32, #tpu.memory_space<vmem>>) target(%dma_start3A_2352 : memref<2048xf32, #tpu.memory_space<hbm>>) target_semaphore(%arg12 : memref<!tpu.dma_semaphore, #tpu.memory_space<semaphore_mem>>)
      %dma_start3A_2355 = arith.constant 4096 : i32
      %dma_start3A_2356 = tpu.memref_slice %arg8[%dma_start3A_2355] : memref<8192xf32, #tpu.memory_space<vmem>> -> memref<2048xf32, #tpu.memory_space<vmem>>
      %dma_start3A_2357 = tpu.memref_slice %arg4[%mul3A_2338] : memref<26214400xf32, #tpu.memory_space<hbm>> -> memref<2048xf32, #tpu.memory_space<hbm>>
      %dma_start3A_2358 = tpu.memref_slice %arg4[%mul3A_2338] : memref<26214400xf32, #tpu.memory_space<hbm>> -> memref<2048xf32, #tpu.memory_space<hbm>>
      %dma_start3A_2359 = arith.constant 4096 : i32
      %dma_start3A_2360 = tpu.memref_slice %arg8[%dma_start3A_2359] : memref<8192xf32, #tpu.memory_space<vmem>> -> memref<2048xf32, #tpu.memory_space<vmem>>
      tpu.enqueue_dma source(%dma_start3A_2360 : memref<2048xf32, #tpu.memory_space<vmem>>) target(%dma_start3A_2358 : memref<2048xf32, #tpu.memory_space<hbm>>) target_semaphore(%arg12 : memref<!tpu.dma_semaphore, #tpu.memory_space<semaphore_mem>>)
      %dma_start3A_2361 = arith.constant 6144 : i32
      %dma_start3A_2362 = tpu.memref_slice %arg8[%dma_start3A_2361] : memref<8192xf32, #tpu.memory_space<vmem>> -> memref<2048xf32, #tpu.memory_space<vmem>>
      %dma_start3A_2363 = tpu.memref_slice %arg4[%mul3A_2342] : memref<26214400xf32, #tpu.memory_space<hbm>> -> memref<2048xf32, #tpu.memory_space<hbm>>
      %dma_start3A_2364 = tpu.memref_slice %arg4[%mul3A_2342] : memref<26214400xf32, #tpu.memory_space<hbm>> -> memref<2048xf32, #tpu.memory_space<hbm>>
      %dma_start3A_2365 = arith.constant 6144 : i32
      %dma_start3A_2366 = tpu.memref_slice %arg8[%dma_start3A_2365] : memref<8192xf32, #tpu.memory_space<vmem>> -> memref<2048xf32, #tpu.memory_space<vmem>>
      tpu.enqueue_dma source(%dma_start3A_2366 : memref<2048xf32, #tpu.memory_space<vmem>>) target(%dma_start3A_2364 : memref<2048xf32, #tpu.memory_space<hbm>>) target_semaphore(%arg12 : memref<!tpu.dma_semaphore, #tpu.memory_space<semaphore_mem>>)
      %add3A_2367 = arith.constant 1 : i32
      %add3A_2368 = arith.addi %mul3A_2264, %add3A_2367 : i32
      %mul3A_2369 = arith.constant 256 : i32
      %mul3A_2370 = arith.muli %add3A_2368, %mul3A_2369 : i32
      %dma_wait3A_2371 = tpu.memref_slice %arg5[%mul3A_2370] : memref<25600xi32, #tpu.memory_space<vmem>> -> memref<256xi32, #tpu.memory_space<vmem>>
      %dma_wait3A_2372 = arith.constant 0 : i32
      %dma_wait3A_2373 = arith.constant 0 : i32
      %dma_wait3A_2374 = tpu.memref_slice %arg3[%dma_wait3A_2372, %dma_wait3A_2373] : memref<1000000x32xf32, #tpu.memory_space<hbm>> -> memref<1000000x32xf32, #tpu.memory_space<hbm>>
      tpu.wait_indirect_dma semaphore(%arg11 : memref<!tpu.dma_semaphore, #tpu.memory_space<semaphore_mem>>) src(%dma_wait3A_2374 : memref<1000000x32xf32, #tpu.memory_space<hbm>>) dst(%arg7 : memref<256x32xf32, #tpu.memory_space<vmem>>)
      %scan3A_2375 = arith.constant 0 : i32
      %scan3A_2376 = arith.constant 0 : i32
      %scan3A_2377 = arith.constant 8 : i32
      %scan3A_2378 = arith.addi %scan3A_2376, %scan3A_2377 : i32
      %scan3A_2379 = arith.constant 1 : i32
      %scan3A_2380 = scf.for %scan3A_2618 = %scan3A_2376 to %scan3A_2378 step %scan3A_2379 iter_args(%scan3A_2619 = %scan3A_2375) -> (i32)  : i32 {
        %mul3A_2620 = arith.constant 16 : i32
        %mul3A_2621 = arith.muli %scan3A_2618, %mul3A_2620 : i32
        %add3A_2622 = arith.constant 0 : i32
        %add3A_2623 = arith.addi %add3A_2622, %mul3A_2621 : i32
        %add3A_2624 = vector.broadcast %add3A_2623 : i32 to vector<16xi32>
        %add3A_2625 = arith.addi %rem3A_11, %add3A_2624 : vector<16xi32>
        %add3A_2626 = arith.constant 0 : i32
        %add3A_2627 = vector.broadcast %add3A_2626 : i32 to vector<16xi32>
        %add3A_2628 = arith.addi %iota3A, %add3A_2627 : vector<16xi32>
        %gather3A = tpu.vector_load_idx %arg7[%add3A_2625, %add3A_2628] : memref<256x32xf32, #tpu.memory_space<vmem>>[vector<16xi32>, vector<16xi32>], vector<16xf32>,
        %add3A_2629 = arith.constant 0 : i32
        %add3A_2630 = arith.addi %add3A_2629, %mul3A_2621 : i32
        %add3A_2631 = vector.broadcast %add3A_2630 : i32 to vector<16xi32>
        %add3A_2632 = arith.addi %add3A_159, %add3A_2631 : vector<16xi32>
        tpu.vector_store_idx %arg9[%add3A_2632], %gather3A : memref<8192xf32, #tpu.memory_space<vmem>>[vector<16xi32>], vector<16xf32>,
        %add3A_2633 = arith.constant 0 : i32
        %add3A_2634 = arith.addi %add3A_2633, %mul3A_2621 : i32
        %add3A_2635 = vector.broadcast %add3A_2634 : i32 to vector<16xi32>
        %add3A_2636 = arith.addi %rem3A_17, %add3A_2635 : vector<16xi32>
        %add3A_2637 = arith.constant 0 : i32
        %add3A_2638 = vector.broadcast %add3A_2637 : i32 to vector<16xi32>
        %add3A_2639 = arith.addi %iota3A, %add3A_2638 : vector<16xi32>
        %gather3A_2640 = tpu.vector_load_idx %arg7[%add3A_2636, %add3A_2639] : memref<256x32xf32, #tpu.memory_space<vmem>>[vector<16xi32>, vector<16xi32>], vector<16xf32>,
        %add3A_2641 = arith.constant 0 : i32
        %add3A_2642 = arith.addi %add3A_2641, %mul3A_2621 : i32
        %add3A_2643 = vector.broadcast %add3A_2642 : i32 to vector<16xi32>
        %add3A_2644 = arith.addi %add3A_226, %add3A_2643 : vector<16xi32>
        tpu.vector_store_idx %arg9[%add3A_2644], %gather3A_2640 : memref<8192xf32, #tpu.memory_space<vmem>>[vector<16xi32>], vector<16xf32>,
        %add3A_2645 = arith.constant 0 : i32
        %add3A_2646 = arith.addi %add3A_2645, %mul3A_2621 : i32
        %add3A_2647 = vector.broadcast %add3A_2646 : i32 to vector<16xi32>
        %add3A_2648 = arith.addi %rem3A_23, %add3A_2647 : vector<16xi32>
        %add3A_2649 = arith.constant 0 : i32
        %add3A_2650 = vector.broadcast %add3A_2649 : i32 to vector<16xi32>
        %add3A_2651 = arith.addi %iota3A, %add3A_2650 : vector<16xi32>
        %gather3A_2652 = tpu.vector_load_idx %arg7[%add3A_2648, %add3A_2651] : memref<256x32xf32, #tpu.memory_space<vmem>>[vector<16xi32>, vector<16xi32>], vector<16xf32>,
        %add3A_2653 = arith.constant 0 : i32
        %add3A_2654 = arith.addi %add3A_2653, %mul3A_2621 : i32
        %add3A_2655 = vector.broadcast %add3A_2654 : i32 to vector<16xi32>
        %add3A_2656 = arith.addi %add3A_293, %add3A_2655 : vector<16xi32>
        tpu.vector_store_idx %arg9[%add3A_2656], %gather3A_2652 : memref<8192xf32, #tpu.memory_space<vmem>>[vector<16xi32>], vector<16xf32>,
        %add3A_2657 = arith.constant 0 : i32
        %add3A_2658 = arith.addi %add3A_2657, %mul3A_2621 : i32
        %add3A_2659 = vector.broadcast %add3A_2658 : i32 to vector<16xi32>
        %add3A_2660 = arith.addi %rem3A_29, %add3A_2659 : vector<16xi32>
        %add3A_2661 = arith.constant 0 : i32
        %add3A_2662 = vector.broadcast %add3A_2661 : i32 to vector<16xi32>
        %add3A_2663 = arith.addi %iota3A, %add3A_2662 : vector<16xi32>
        %gather3A_2664 = tpu.vector_load_idx %arg7[%add3A_2660, %add3A_2663] : memref<256x32xf32, #tpu.memory_space<vmem>>[vector<16xi32>, vector<16xi32>], vector<16xf32>,
        %add3A_2665 = arith.constant 0 : i32
        %add3A_2666 = arith.addi %add3A_2665, %mul3A_2621 : i32
        %add3A_2667 = vector.broadcast %add3A_2666 : i32 to vector<16xi32>
        %add3A_2668 = arith.addi %add3A_360, %add3A_2667 : vector<16xi32>
        tpu.vector_store_idx %arg9[%add3A_2668], %gather3A_2664 : memref<8192xf32, #tpu.memory_space<vmem>>[vector<16xi32>], vector<16xf32>,
        %add3A_2669 = arith.constant 0 : i32
        %add3A_2670 = arith.addi %add3A_2669, %mul3A_2621 : i32
        %add3A_2671 = vector.broadcast %add3A_2670 : i32 to vector<16xi32>
        %add3A_2672 = arith.addi %rem3A_35, %add3A_2671 : vector<16xi32>
        %add3A_2673 = arith.constant 0 : i32
        %add3A_2674 = vector.broadcast %add3A_2673 : i32 to vector<16xi32>
        %add3A_2675 = arith.addi %iota3A, %add3A_2674 : vector<16xi32>
        %gather3A_2676 = tpu.vector_load_idx %arg7[%add3A_2672, %add3A_2675] : memref<256x32xf32, #tpu.memory_space<vmem>>[vector<16xi32>, vector<16xi32>], vector<16xf32>,
        %add3A_2677 = arith.constant 0 : i32
        %add3A_2678 = arith.addi %add3A_2677, %mul3A_2621 : i32
        %add3A_2679 = vector.broadcast %add3A_2678 : i32 to vector<16xi32>
        %add3A_2680 = arith.addi %add3A_427, %add3A_2679 : vector<16xi32>
        tpu.vector_store_idx %arg9[%add3A_2680], %gather3A_2676 : memref<8192xf32, #tpu.memory_space<vmem>>[vector<16xi32>], vector<16xf32>,
        %add3A_2681 = arith.constant 0 : i32
        %add3A_2682 = arith.addi %add3A_2681, %mul3A_2621 : i32
        %add3A_2683 = vector.broadcast %add3A_2682 : i32 to vector<16xi32>
        %add3A_2684 = arith.addi %rem3A_41, %add3A_2683 : vector<16xi32>
        %add3A_2685 = arith.constant 0 : i32
        %add3A_2686 = vector.broadcast %add3A_2685 : i32 to vector<16xi32>
        %add3A_2687 = arith.addi %iota3A, %add3A_2686 : vector<16xi32>
        %gather3A_2688 = tpu.vector_load_idx %arg7[%add3A_2684, %add3A_2687] : memref<256x32xf32, #tpu.memory_space<vmem>>[vector<16xi32>, vector<16xi32>], vector<16xf32>,
        %add3A_2689 = arith.constant 0 : i32
        %add3A_2690 = arith.addi %add3A_2689, %mul3A_2621 : i32
        %add3A_2691 = vector.broadcast %add3A_2690 : i32 to vector<16xi32>
        %add3A_2692 = arith.addi %add3A_494, %add3A_2691 : vector<16xi32>
        tpu.vector_store_idx %arg9[%add3A_2692], %gather3A_2688 : memref<8192xf32, #tpu.memory_space<vmem>>[vector<16xi32>], vector<16xf32>,
        %add3A_2693 = arith.constant 0 : i32
        %add3A_2694 = arith.addi %add3A_2693, %mul3A_2621 : i32
        %add3A_2695 = vector.broadcast %add3A_2694 : i32 to vector<16xi32>
        %add3A_2696 = arith.addi %rem3A_47, %add3A_2695 : vector<16xi32>
        %add3A_2697 = arith.constant 0 : i32
        %add3A_2698 = vector.broadcast %add3A_2697 : i32 to vector<16xi32>
        %add3A_2699 = arith.addi %iota3A, %add3A_2698 : vector<16xi32>
        %gather3A_2700 = tpu.vector_load_idx %arg7[%add3A_2696, %add3A_2699] : memref<256x32xf32, #tpu.memory_space<vmem>>[vector<16xi32>, vector<16xi32>], vector<16xf32>,
        %add3A_2701 = arith.constant 0 : i32
        %add3A_2702 = arith.addi %add3A_2701, %mul3A_2621 : i32
        %add3A_2703 = vector.broadcast %add3A_2702 : i32 to vector<16xi32>
        %add3A_2704 = arith.addi %add3A_561, %add3A_2703 : vector<16xi32>
        tpu.vector_store_idx %arg9[%add3A_2704], %gather3A_2700 : memref<8192xf32, #tpu.memory_space<vmem>>[vector<16xi32>], vector<16xf32>,
        %add3A_2705 = arith.constant 0 : i32
        %add3A_2706 = arith.addi %add3A_2705, %mul3A_2621 : i32
        %add3A_2707 = vector.broadcast %add3A_2706 : i32 to vector<16xi32>
        %add3A_2708 = arith.addi %rem3A_53, %add3A_2707 : vector<16xi32>
        %add3A_2709 = arith.constant 0 : i32
        %add3A_2710 = vector.broadcast %add3A_2709 : i32 to vector<16xi32>
        %add3A_2711 = arith.addi %iota3A, %add3A_2710 : vector<16xi32>
        %gather3A_2712 = tpu.vector_load_idx %arg7[%add3A_2708, %add3A_2711] : memref<256x32xf32, #tpu.memory_space<vmem>>[vector<16xi32>, vector<16xi32>], vector<16xf32>,
        %add3A_2713 = arith.constant 0 : i32
        %add3A_2714 = arith.addi %add3A_2713, %mul3A_2621 : i32
        %add3A_2715 = vector.broadcast %add3A_2714 : i32 to vector<16xi32>
        %add3A_2716 = arith.addi %add3A_628, %add3A_2715 : vector<16xi32>
        tpu.vector_store_idx %arg9[%add3A_2716], %gather3A_2712 : memref<8192xf32, #tpu.memory_space<vmem>>[vector<16xi32>], vector<16xf32>,
        %add3A_2717 = arith.constant 0 : i32
        %add3A_2718 = arith.addi %add3A_2717, %mul3A_2621 : i32
        %add3A_2719 = vector.broadcast %add3A_2718 : i32 to vector<16xi32>
        %add3A_2720 = arith.addi %rem3A_59, %add3A_2719 : vector<16xi32>
        %add3A_2721 = arith.constant 0 : i32
        %add3A_2722 = vector.broadcast %add3A_2721 : i32 to vector<16xi32>
        %add3A_2723 = arith.addi %iota3A, %add3A_2722 : vector<16xi32>
        %gather3A_2724 = tpu.vector_load_idx %arg7[%add3A_2720, %add3A_2723] : memref<256x32xf32, #tpu.memory_space<vmem>>[vector<16xi32>, vector<16xi32>], vector<16xf32>,
        %add3A_2725 = arith.constant 0 : i32
        %add3A_2726 = arith.addi %add3A_2725, %mul3A_2621 : i32
        %add3A_2727 = vector.broadcast %add3A_2726 : i32 to vector<16xi32>
        %add3A_2728 = arith.addi %add3A_695, %add3A_2727 : vector<16xi32>
        tpu.vector_store_idx %arg9[%add3A_2728], %gather3A_2724 : memref<8192xf32, #tpu.memory_space<vmem>>[vector<16xi32>], vector<16xf32>,
        %add3A_2729 = arith.constant 0 : i32
        %add3A_2730 = arith.addi %add3A_2729, %mul3A_2621 : i32
        %add3A_2731 = vector.broadcast %add3A_2730 : i32 to vector<16xi32>
        %add3A_2732 = arith.addi %rem3A_65, %add3A_2731 : vector<16xi32>
        %add3A_2733 = arith.constant 0 : i32
        %add3A_2734 = vector.broadcast %add3A_2733 : i32 to vector<16xi32>
        %add3A_2735 = arith.addi %iota3A, %add3A_2734 : vector<16xi32>
        %gather3A_2736 = tpu.vector_load_idx %arg7[%add3A_2732, %add3A_2735] : memref<256x32xf32, #tpu.memory_space<vmem>>[vector<16xi32>, vector<16xi32>], vector<16xf32>,
        %add3A_2737 = arith.constant 0 : i32
        %add3A_2738 = arith.addi %add3A_2737, %mul3A_2621 : i32
        %add3A_2739 = vector.broadcast %add3A_2738 : i32 to vector<16xi32>
        %add3A_2740 = arith.addi %add3A_762, %add3A_2739 : vector<16xi32>
        tpu.vector_store_idx %arg9[%add3A_2740], %gather3A_2736 : memref<8192xf32, #tpu.memory_space<vmem>>[vector<16xi32>], vector<16xf32>,
        %add3A_2741 = arith.constant 0 : i32
        %add3A_2742 = arith.addi %add3A_2741, %mul3A_2621 : i32
        %add3A_2743 = vector.broadcast %add3A_2742 : i32 to vector<16xi32>
        %add3A_2744 = arith.addi %rem3A_71, %add3A_2743 : vector<16xi32>
        %add3A_2745 = arith.constant 0 : i32
        %add3A_2746 = vector.broadcast %add3A_2745 : i32 to vector<16xi32>
        %add3A_2747 = arith.addi %iota3A, %add3A_2746 : vector<16xi32>
        %gather3A_2748 = tpu.vector_load_idx %arg7[%add3A_2744, %add3A_2747] : memref<256x32xf32, #tpu.memory_space<vmem>>[vector<16xi32>, vector<16xi32>], vector<16xf32>,
        %add3A_2749 = arith.constant 0 : i32
        %add3A_2750 = arith.addi %add3A_2749, %mul3A_2621 : i32
        %add3A_2751 = vector.broadcast %add3A_2750 : i32 to vector<16xi32>
        %add3A_2752 = arith.addi %add3A_829, %add3A_2751 : vector<16xi32>
        tpu.vector_store_idx %arg9[%add3A_2752], %gather3A_2748 : memref<8192xf32, #tpu.memory_space<vmem>>[vector<16xi32>], vector<16xf32>,
        %add3A_2753 = arith.constant 0 : i32
        %add3A_2754 = arith.addi %add3A_2753, %mul3A_2621 : i32
        %add3A_2755 = vector.broadcast %add3A_2754 : i32 to vector<16xi32>
        %add3A_2756 = arith.addi %rem3A_77, %add3A_2755 : vector<16xi32>
        %add3A_2757 = arith.constant 0 : i32
        %add3A_2758 = vector.broadcast %add3A_2757 : i32 to vector<16xi32>
        %add3A_2759 = arith.addi %iota3A, %add3A_2758 : vector<16xi32>
        %gather3A_2760 = tpu.vector_load_idx %arg7[%add3A_2756, %add3A_2759] : memref<256x32xf32, #tpu.memory_space<vmem>>[vector<16xi32>, vector<16xi32>], vector<16xf32>,
        %add3A_2761 = arith.constant 0 : i32
        %add3A_2762 = arith.addi %add3A_2761, %mul3A_2621 : i32
        %add3A_2763 = vector.broadcast %add3A_2762 : i32 to vector<16xi32>
        %add3A_2764 = arith.addi %add3A_896, %add3A_2763 : vector<16xi32>
        tpu.vector_store_idx %arg9[%add3A_2764], %gather3A_2760 : memref<8192xf32, #tpu.memory_space<vmem>>[vector<16xi32>], vector<16xf32>,
        %add3A_2765 = arith.constant 0 : i32
        %add3A_2766 = arith.addi %add3A_2765, %mul3A_2621 : i32
        %add3A_2767 = vector.broadcast %add3A_2766 : i32 to vector<16xi32>
        %add3A_2768 = arith.addi %rem3A_83, %add3A_2767 : vector<16xi32>
        %add3A_2769 = arith.constant 0 : i32
        %add3A_2770 = vector.broadcast %add3A_2769 : i32 to vector<16xi32>
        %add3A_2771 = arith.addi %iota3A, %add3A_2770 : vector<16xi32>
        %gather3A_2772 = tpu.vector_load_idx %arg7[%add3A_2768, %add3A_2771] : memref<256x32xf32, #tpu.memory_space<vmem>>[vector<16xi32>, vector<16xi32>], vector<16xf32>,
        %add3A_2773 = arith.constant 0 : i32
        %add3A_2774 = arith.addi %add3A_2773, %mul3A_2621 : i32
        %add3A_2775 = vector.broadcast %add3A_2774 : i32 to vector<16xi32>
        %add3A_2776 = arith.addi %add3A_963, %add3A_2775 : vector<16xi32>
        tpu.vector_store_idx %arg9[%add3A_2776], %gather3A_2772 : memref<8192xf32, #tpu.memory_space<vmem>>[vector<16xi32>], vector<16xf32>,
        %add3A_2777 = arith.constant 0 : i32
        %add3A_2778 = arith.addi %add3A_2777, %mul3A_2621 : i32
        %add3A_2779 = vector.broadcast %add3A_2778 : i32 to vector<16xi32>
        %add3A_2780 = arith.addi %rem3A_89, %add3A_2779 : vector<16xi32>
        %add3A_2781 = arith.constant 0 : i32
        %add3A_2782 = vector.broadcast %add3A_2781 : i32 to vector<16xi32>
        %add3A_2783 = arith.addi %iota3A, %add3A_2782 : vector<16xi32>
        %gather3A_2784 = tpu.vector_load_idx %arg7[%add3A_2780, %add3A_2783] : memref<256x32xf32, #tpu.memory_space<vmem>>[vector<16xi32>, vector<16xi32>], vector<16xf32>,
        %add3A_2785 = arith.constant 0 : i32
        %add3A_2786 = arith.addi %add3A_2785, %mul3A_2621 : i32
        %add3A_2787 = vector.broadcast %add3A_2786 : i32 to vector<16xi32>
        %add3A_2788 = arith.addi %add3A_1030, %add3A_2787 : vector<16xi32>
        tpu.vector_store_idx %arg9[%add3A_2788], %gather3A_2784 : memref<8192xf32, #tpu.memory_space<vmem>>[vector<16xi32>], vector<16xf32>,
        %add3A_2789 = arith.constant 0 : i32
        %add3A_2790 = arith.addi %add3A_2789, %mul3A_2621 : i32
        %add3A_2791 = vector.broadcast %add3A_2790 : i32 to vector<16xi32>
        %add3A_2792 = arith.addi %rem3A_95, %add3A_2791 : vector<16xi32>
        %add3A_2793 = arith.constant 0 : i32
        %add3A_2794 = vector.broadcast %add3A_2793 : i32 to vector<16xi32>
        %add3A_2795 = arith.addi %iota3A, %add3A_2794 : vector<16xi32>
        %gather3A_2796 = tpu.vector_load_idx %arg7[%add3A_2792, %add3A_2795] : memref<256x32xf32, #tpu.memory_space<vmem>>[vector<16xi32>, vector<16xi32>], vector<16xf32>,
        %add3A_2797 = arith.constant 0 : i32
        %add3A_2798 = arith.addi %add3A_2797, %mul3A_2621 : i32
        %add3A_2799 = vector.broadcast %add3A_2798 : i32 to vector<16xi32>
        %add3A_2800 = arith.addi %add3A_1097, %add3A_2799 : vector<16xi32>
        tpu.vector_store_idx %arg9[%add3A_2800], %gather3A_2796 : memref<8192xf32, #tpu.memory_space<vmem>>[vector<16xi32>], vector<16xf32>,
        %add3A_2801 = arith.constant 0 : i32
        %add3A_2802 = arith.addi %add3A_2801, %mul3A_2621 : i32
        %add3A_2803 = vector.broadcast %add3A_2802 : i32 to vector<16xi32>
        %add3A_2804 = arith.addi %rem3A_101, %add3A_2803 : vector<16xi32>
        %add3A_2805 = arith.constant 0 : i32
        %add3A_2806 = vector.broadcast %add3A_2805 : i32 to vector<16xi32>
        %add3A_2807 = arith.addi %iota3A, %add3A_2806 : vector<16xi32>
        %gather3A_2808 = tpu.vector_load_idx %arg7[%add3A_2804, %add3A_2807] : memref<256x32xf32, #tpu.memory_space<vmem>>[vector<16xi32>, vector<16xi32>], vector<16xf32>,
        %add3A_2809 = arith.constant 0 : i32
        %add3A_2810 = arith.addi %add3A_2809, %mul3A_2621 : i32
        %add3A_2811 = vector.broadcast %add3A_2810 : i32 to vector<16xi32>
        %add3A_2812 = arith.addi %add3A_1164, %add3A_2811 : vector<16xi32>
        tpu.vector_store_idx %arg9[%add3A_2812], %gather3A_2808 : memref<8192xf32, #tpu.memory_space<vmem>>[vector<16xi32>], vector<16xf32>,
        %add3A_2813 = arith.constant 0 : i32
        %add3A_2814 = arith.addi %add3A_2813, %mul3A_2621 : i32
        %add3A_2815 = vector.broadcast %add3A_2814 : i32 to vector<16xi32>
        %add3A_2816 = arith.addi %rem3A_11, %add3A_2815 : vector<16xi32>
        %add3A_2817 = arith.constant 16 : i32
        %add3A_2818 = vector.broadcast %add3A_2817 : i32 to vector<16xi32>
        %add3A_2819 = arith.addi %iota3A, %add3A_2818 : vector<16xi32>
        %gather3A_2820 = tpu.vector_load_idx %arg7[%add3A_2816, %add3A_2819] : memref<256x32xf32, #tpu.memory_space<vmem>>[vector<16xi32>, vector<16xi32>], vector<16xf32>,
        %add3A_2821 = arith.constant 0 : i32
        %add3A_2822 = arith.addi %add3A_2821, %mul3A_2621 : i32
        %add3A_2823 = vector.broadcast %add3A_2822 : i32 to vector<16xi32>
        %add3A_2824 = arith.addi %add3A_1231, %add3A_2823 : vector<16xi32>
        tpu.vector_store_idx %arg9[%add3A_2824], %gather3A_2820 : memref<8192xf32, #tpu.memory_space<vmem>>[vector<16xi32>], vector<16xf32>,
        %add3A_2825 = arith.constant 0 : i32
        %add3A_2826 = arith.addi %add3A_2825, %mul3A_2621 : i32
        %add3A_2827 = vector.broadcast %add3A_2826 : i32 to vector<16xi32>
        %add3A_2828 = arith.addi %rem3A_17, %add3A_2827 : vector<16xi32>
        %add3A_2829 = arith.constant 16 : i32
        %add3A_2830 = vector.broadcast %add3A_2829 : i32 to vector<16xi32>
        %add3A_2831 = arith.addi %iota3A, %add3A_2830 : vector<16xi32>
        %gather3A_2832 = tpu.vector_load_idx %arg7[%add3A_2828, %add3A_2831] : memref<256x32xf32, #tpu.memory_space<vmem>>[vector<16xi32>, vector<16xi32>], vector<16xf32>,
        %add3A_2833 = arith.constant 0 : i32
        %add3A_2834 = arith.addi %add3A_2833, %mul3A_2621 : i32
        %add3A_2835 = vector.broadcast %add3A_2834 : i32 to vector<16xi32>
        %add3A_2836 = arith.addi %add3A_1298, %add3A_2835 : vector<16xi32>
        tpu.vector_store_idx %arg9[%add3A_2836], %gather3A_2832 : memref<8192xf32, #tpu.memory_space<vmem>>[vector<16xi32>], vector<16xf32>,
        %add3A_2837 = arith.constant 0 : i32
        %add3A_2838 = arith.addi %add3A_2837, %mul3A_2621 : i32
        %add3A_2839 = vector.broadcast %add3A_2838 : i32 to vector<16xi32>
        %add3A_2840 = arith.addi %rem3A_23, %add3A_2839 : vector<16xi32>
        %add3A_2841 = arith.constant 16 : i32
        %add3A_2842 = vector.broadcast %add3A_2841 : i32 to vector<16xi32>
        %add3A_2843 = arith.addi %iota3A, %add3A_2842 : vector<16xi32>
        %gather3A_2844 = tpu.vector_load_idx %arg7[%add3A_2840, %add3A_2843] : memref<256x32xf32, #tpu.memory_space<vmem>>[vector<16xi32>, vector<16xi32>], vector<16xf32>,
        %add3A_2845 = arith.constant 0 : i32
        %add3A_2846 = arith.addi %add3A_2845, %mul3A_2621 : i32
        %add3A_2847 = vector.broadcast %add3A_2846 : i32 to vector<16xi32>
        %add3A_2848 = arith.addi %add3A_1365, %add3A_2847 : vector<16xi32>
        tpu.vector_store_idx %arg9[%add3A_2848], %gather3A_2844 : memref<8192xf32, #tpu.memory_space<vmem>>[vector<16xi32>], vector<16xf32>,
        %add3A_2849 = arith.constant 0 : i32
        %add3A_2850 = arith.addi %add3A_2849, %mul3A_2621 : i32
        %add3A_2851 = vector.broadcast %add3A_2850 : i32 to vector<16xi32>
        %add3A_2852 = arith.addi %rem3A_29, %add3A_2851 : vector<16xi32>
        %add3A_2853 = arith.constant 16 : i32
        %add3A_2854 = vector.broadcast %add3A_2853 : i32 to vector<16xi32>
        %add3A_2855 = arith.addi %iota3A, %add3A_2854 : vector<16xi32>
        %gather3A_2856 = tpu.vector_load_idx %arg7[%add3A_2852, %add3A_2855] : memref<256x32xf32, #tpu.memory_space<vmem>>[vector<16xi32>, vector<16xi32>], vector<16xf32>,
        %add3A_2857 = arith.constant 0 : i32
        %add3A_2858 = arith.addi %add3A_2857, %mul3A_2621 : i32
        %add3A_2859 = vector.broadcast %add3A_2858 : i32 to vector<16xi32>
        %add3A_2860 = arith.addi %add3A_1432, %add3A_2859 : vector<16xi32>
        tpu.vector_store_idx %arg9[%add3A_2860], %gather3A_2856 : memref<8192xf32, #tpu.memory_space<vmem>>[vector<16xi32>], vector<16xf32>,
        %add3A_2861 = arith.constant 0 : i32
        %add3A_2862 = arith.addi %add3A_2861, %mul3A_2621 : i32
        %add3A_2863 = vector.broadcast %add3A_2862 : i32 to vector<16xi32>
        %add3A_2864 = arith.addi %rem3A_35, %add3A_2863 : vector<16xi32>
        %add3A_2865 = arith.constant 16 : i32
        %add3A_2866 = vector.broadcast %add3A_2865 : i32 to vector<16xi32>
        %add3A_2867 = arith.addi %iota3A, %add3A_2866 : vector<16xi32>
        %gather3A_2868 = tpu.vector_load_idx %arg7[%add3A_2864, %add3A_2867] : memref<256x32xf32, #tpu.memory_space<vmem>>[vector<16xi32>, vector<16xi32>], vector<16xf32>,
        %add3A_2869 = arith.constant 0 : i32
        %add3A_2870 = arith.addi %add3A_2869, %mul3A_2621 : i32
        %add3A_2871 = vector.broadcast %add3A_2870 : i32 to vector<16xi32>
        %add3A_2872 = arith.addi %add3A_1499, %add3A_2871 : vector<16xi32>
        tpu.vector_store_idx %arg9[%add3A_2872], %gather3A_2868 : memref<8192xf32, #tpu.memory_space<vmem>>[vector<16xi32>], vector<16xf32>,
        %add3A_2873 = arith.constant 0 : i32
        %add3A_2874 = arith.addi %add3A_2873, %mul3A_2621 : i32
        %add3A_2875 = vector.broadcast %add3A_2874 : i32 to vector<16xi32>
        %add3A_2876 = arith.addi %rem3A_41, %add3A_2875 : vector<16xi32>
        %add3A_2877 = arith.constant 16 : i32
        %add3A_2878 = vector.broadcast %add3A_2877 : i32 to vector<16xi32>
        %add3A_2879 = arith.addi %iota3A, %add3A_2878 : vector<16xi32>
        %gather3A_2880 = tpu.vector_load_idx %arg7[%add3A_2876, %add3A_2879] : memref<256x32xf32, #tpu.memory_space<vmem>>[vector<16xi32>, vector<16xi32>], vector<16xf32>,
        %add3A_2881 = arith.constant 0 : i32
        %add3A_2882 = arith.addi %add3A_2881, %mul3A_2621 : i32
        %add3A_2883 = vector.broadcast %add3A_2882 : i32 to vector<16xi32>
        %add3A_2884 = arith.addi %add3A_1566, %add3A_2883 : vector<16xi32>
        tpu.vector_store_idx %arg9[%add3A_2884], %gather3A_2880 : memref<8192xf32, #tpu.memory_space<vmem>>[vector<16xi32>], vector<16xf32>,
        %add3A_2885 = arith.constant 0 : i32
        %add3A_2886 = arith.addi %add3A_2885, %mul3A_2621 : i32
        %add3A_2887 = vector.broadcast %add3A_2886 : i32 to vector<16xi32>
        %add3A_2888 = arith.addi %rem3A_47, %add3A_2887 : vector<16xi32>
        %add3A_2889 = arith.constant 16 : i32
        %add3A_2890 = vector.broadcast %add3A_2889 : i32 to vector<16xi32>
        %add3A_2891 = arith.addi %iota3A, %add3A_2890 : vector<16xi32>
        %gather3A_2892 = tpu.vector_load_idx %arg7[%add3A_2888, %add3A_2891] : memref<256x32xf32, #tpu.memory_space<vmem>>[vector<16xi32>, vector<16xi32>], vector<16xf32>,
        %add3A_2893 = arith.constant 0 : i32
        %add3A_2894 = arith.addi %add3A_2893, %mul3A_2621 : i32
        %add3A_2895 = vector.broadcast %add3A_2894 : i32 to vector<16xi32>
        %add3A_2896 = arith.addi %add3A_1633, %add3A_2895 : vector<16xi32>
        tpu.vector_store_idx %arg9[%add3A_2896], %gather3A_2892 : memref<8192xf32, #tpu.memory_space<vmem>>[vector<16xi32>], vector<16xf32>,
        %add3A_2897 = arith.constant 0 : i32
        %add3A_2898 = arith.addi %add3A_2897, %mul3A_2621 : i32
        %add3A_2899 = vector.broadcast %add3A_2898 : i32 to vector<16xi32>
        %add3A_2900 = arith.addi %rem3A_53, %add3A_2899 : vector<16xi32>
        %add3A_2901 = arith.constant 16 : i32
        %add3A_2902 = vector.broadcast %add3A_2901 : i32 to vector<16xi32>
        %add3A_2903 = arith.addi %iota3A, %add3A_2902 : vector<16xi32>
        %gather3A_2904 = tpu.vector_load_idx %arg7[%add3A_2900, %add3A_2903] : memref<256x32xf32, #tpu.memory_space<vmem>>[vector<16xi32>, vector<16xi32>], vector<16xf32>,
        %add3A_2905 = arith.constant 0 : i32
        %add3A_2906 = arith.addi %add3A_2905, %mul3A_2621 : i32
        %add3A_2907 = vector.broadcast %add3A_2906 : i32 to vector<16xi32>
        %add3A_2908 = arith.addi %add3A_1700, %add3A_2907 : vector<16xi32>
        tpu.vector_store_idx %arg9[%add3A_2908], %gather3A_2904 : memref<8192xf32, #tpu.memory_space<vmem>>[vector<16xi32>], vector<16xf32>,
        %add3A_2909 = arith.constant 0 : i32
        %add3A_2910 = arith.addi %add3A_2909, %mul3A_2621 : i32
        %add3A_2911 = vector.broadcast %add3A_2910 : i32 to vector<16xi32>
        %add3A_2912 = arith.addi %rem3A_59, %add3A_2911 : vector<16xi32>
        %add3A_2913 = arith.constant 16 : i32
        %add3A_2914 = vector.broadcast %add3A_2913 : i32 to vector<16xi32>
        %add3A_2915 = arith.addi %iota3A, %add3A_2914 : vector<16xi32>
        %gather3A_2916 = tpu.vector_load_idx %arg7[%add3A_2912, %add3A_2915] : memref<256x32xf32, #tpu.memory_space<vmem>>[vector<16xi32>, vector<16xi32>], vector<16xf32>,
        %add3A_2917 = arith.constant 0 : i32
        %add3A_2918 = arith.addi %add3A_2917, %mul3A_2621 : i32
        %add3A_2919 = vector.broadcast %add3A_2918 : i32 to vector<16xi32>
        %add3A_2920 = arith.addi %add3A_1767, %add3A_2919 : vector<16xi32>
        tpu.vector_store_idx %arg9[%add3A_2920], %gather3A_2916 : memref<8192xf32, #tpu.memory_space<vmem>>[vector<16xi32>], vector<16xf32>,
        %add3A_2921 = arith.constant 0 : i32
        %add3A_2922 = arith.addi %add3A_2921, %mul3A_2621 : i32
        %add3A_2923 = vector.broadcast %add3A_2922 : i32 to vector<16xi32>
        %add3A_2924 = arith.addi %rem3A_65, %add3A_2923 : vector<16xi32>
        %add3A_2925 = arith.constant 16 : i32
        %add3A_2926 = vector.broadcast %add3A_2925 : i32 to vector<16xi32>
        %add3A_2927 = arith.addi %iota3A, %add3A_2926 : vector<16xi32>
        %gather3A_2928 = tpu.vector_load_idx %arg7[%add3A_2924, %add3A_2927] : memref<256x32xf32, #tpu.memory_space<vmem>>[vector<16xi32>, vector<16xi32>], vector<16xf32>,
        %add3A_2929 = arith.constant 0 : i32
        %add3A_2930 = arith.addi %add3A_2929, %mul3A_2621 : i32
        %add3A_2931 = vector.broadcast %add3A_2930 : i32 to vector<16xi32>
        %add3A_2932 = arith.addi %add3A_1834, %add3A_2931 : vector<16xi32>
        tpu.vector_store_idx %arg9[%add3A_2932], %gather3A_2928 : memref<8192xf32, #tpu.memory_space<vmem>>[vector<16xi32>], vector<16xf32>,
        %add3A_2933 = arith.constant 0 : i32
        %add3A_2934 = arith.addi %add3A_2933, %mul3A_2621 : i32
        %add3A_2935 = vector.broadcast %add3A_2934 : i32 to vector<16xi32>
        %add3A_2936 = arith.addi %rem3A_71, %add3A_2935 : vector<16xi32>
        %add3A_2937 = arith.constant 16 : i32
        %add3A_2938 = vector.broadcast %add3A_2937 : i32 to vector<16xi32>
        %add3A_2939 = arith.addi %iota3A, %add3A_2938 : vector<16xi32>
        %gather3A_2940 = tpu.vector_load_idx %arg7[%add3A_2936, %add3A_2939] : memref<256x32xf32, #tpu.memory_space<vmem>>[vector<16xi32>, vector<16xi32>], vector<16xf32>,
        %add3A_2941 = arith.constant 0 : i32
        %add3A_2942 = arith.addi %add3A_2941, %mul3A_2621 : i32
        %add3A_2943 = vector.broadcast %add3A_2942 : i32 to vector<16xi32>
        %add3A_2944 = arith.addi %add3A_1901, %add3A_2943 : vector<16xi32>
        tpu.vector_store_idx %arg9[%add3A_2944], %gather3A_2940 : memref<8192xf32, #tpu.memory_space<vmem>>[vector<16xi32>], vector<16xf32>,
        %add3A_2945 = arith.constant 0 : i32
        %add3A_2946 = arith.addi %add3A_2945, %mul3A_2621 : i32
        %add3A_2947 = vector.broadcast %add3A_2946 : i32 to vector<16xi32>
        %add3A_2948 = arith.addi %rem3A_77, %add3A_2947 : vector<16xi32>
        %add3A_2949 = arith.constant 16 : i32
        %add3A_2950 = vector.broadcast %add3A_2949 : i32 to vector<16xi32>
        %add3A_2951 = arith.addi %iota3A, %add3A_2950 : vector<16xi32>
        %gather3A_2952 = tpu.vector_load_idx %arg7[%add3A_2948, %add3A_2951] : memref<256x32xf32, #tpu.memory_space<vmem>>[vector<16xi32>, vector<16xi32>], vector<16xf32>,
        %add3A_2953 = arith.constant 0 : i32
        %add3A_2954 = arith.addi %add3A_2953, %mul3A_2621 : i32
        %add3A_2955 = vector.broadcast %add3A_2954 : i32 to vector<16xi32>
        %add3A_2956 = arith.addi %add3A_1968, %add3A_2955 : vector<16xi32>
        tpu.vector_store_idx %arg9[%add3A_2956], %gather3A_2952 : memref<8192xf32, #tpu.memory_space<vmem>>[vector<16xi32>], vector<16xf32>,
        %add3A_2957 = arith.constant 0 : i32
        %add3A_2958 = arith.addi %add3A_2957, %mul3A_2621 : i32
        %add3A_2959 = vector.broadcast %add3A_2958 : i32 to vector<16xi32>
        %add3A_2960 = arith.addi %rem3A_83, %add3A_2959 : vector<16xi32>
        %add3A_2961 = arith.constant 16 : i32
        %add3A_2962 = vector.broadcast %add3A_2961 : i32 to vector<16xi32>
        %add3A_2963 = arith.addi %iota3A, %add3A_2962 : vector<16xi32>
        %gather3A_2964 = tpu.vector_load_idx %arg7[%add3A_2960, %add3A_2963] : memref<256x32xf32, #tpu.memory_space<vmem>>[vector<16xi32>, vector<16xi32>], vector<16xf32>,
        %add3A_2965 = arith.constant 0 : i32
        %add3A_2966 = arith.addi %add3A_2965, %mul3A_2621 : i32
        %add3A_2967 = vector.broadcast %add3A_2966 : i32 to vector<16xi32>
        %add3A_2968 = arith.addi %add3A_2035, %add3A_2967 : vector<16xi32>
        tpu.vector_store_idx %arg9[%add3A_2968], %gather3A_2964 : memref<8192xf32, #tpu.memory_space<vmem>>[vector<16xi32>], vector<16xf32>,
        %add3A_2969 = arith.constant 0 : i32
        %add3A_2970 = arith.addi %add3A_2969, %mul3A_2621 : i32
        %add3A_2971 = vector.broadcast %add3A_2970 : i32 to vector<16xi32>
        %add3A_2972 = arith.addi %rem3A_89, %add3A_2971 : vector<16xi32>
        %add3A_2973 = arith.constant 16 : i32
        %add3A_2974 = vector.broadcast %add3A_2973 : i32 to vector<16xi32>
        %add3A_2975 = arith.addi %iota3A, %add3A_2974 : vector<16xi32>
        %gather3A_2976 = tpu.vector_load_idx %arg7[%add3A_2972, %add3A_2975] : memref<256x32xf32, #tpu.memory_space<vmem>>[vector<16xi32>, vector<16xi32>], vector<16xf32>,
        %add3A_2977 = arith.constant 0 : i32
        %add3A_2978 = arith.addi %add3A_2977, %mul3A_2621 : i32
        %add3A_2979 = vector.broadcast %add3A_2978 : i32 to vector<16xi32>
        %add3A_2980 = arith.addi %add3A_2102, %add3A_2979 : vector<16xi32>
        tpu.vector_store_idx %arg9[%add3A_2980], %gather3A_2976 : memref<8192xf32, #tpu.memory_space<vmem>>[vector<16xi32>], vector<16xf32>,
        %add3A_2981 = arith.constant 0 : i32
        %add3A_2982 = arith.addi %add3A_2981, %mul3A_2621 : i32
        %add3A_2983 = vector.broadcast %add3A_2982 : i32 to vector<16xi32>
        %add3A_2984 = arith.addi %rem3A_95, %add3A_2983 : vector<16xi32>
        %add3A_2985 = arith.constant 16 : i32
        %add3A_2986 = vector.broadcast %add3A_2985 : i32 to vector<16xi32>
        %add3A_2987 = arith.addi %iota3A, %add3A_2986 : vector<16xi32>
        %gather3A_2988 = tpu.vector_load_idx %arg7[%add3A_2984, %add3A_2987] : memref<256x32xf32, #tpu.memory_space<vmem>>[vector<16xi32>, vector<16xi32>], vector<16xf32>,
        %add3A_2989 = arith.constant 0 : i32
        %add3A_2990 = arith.addi %add3A_2989, %mul3A_2621 : i32
        %add3A_2991 = vector.broadcast %add3A_2990 : i32 to vector<16xi32>
        %add3A_2992 = arith.addi %add3A_2169, %add3A_2991 : vector<16xi32>
        tpu.vector_store_idx %arg9[%add3A_2992], %gather3A_2988 : memref<8192xf32, #tpu.memory_space<vmem>>[vector<16xi32>], vector<16xf32>,
        %add3A_2993 = arith.constant 0 : i32
        %add3A_2994 = arith.addi %add3A_2993, %mul3A_2621 : i32
        %add3A_2995 = vector.broadcast %add3A_2994 : i32 to vector<16xi32>
        %add3A_2996 = arith.addi %rem3A_101, %add3A_2995 : vector<16xi32>
        %add3A_2997 = arith.constant 16 : i32
        %add3A_2998 = vector.broadcast %add3A_2997 : i32 to vector<16xi32>
        %add3A_2999 = arith.addi %iota3A, %add3A_2998 : vector<16xi32>
        %gather3A_3000 = tpu.vector_load_idx %arg7[%add3A_2996, %add3A_2999] : memref<256x32xf32, #tpu.memory_space<vmem>>[vector<16xi32>, vector<16xi32>], vector<16xf32>,
        %add3A_3001 = arith.constant 0 : i32
        %add3A_3002 = arith.addi %add3A_3001, %mul3A_2621 : i32
        %add3A_3003 = vector.broadcast %add3A_3002 : i32 to vector<16xi32>
        %add3A_3004 = arith.addi %add3A_2236, %add3A_3003 : vector<16xi32>
        tpu.vector_store_idx %arg9[%add3A_3004], %gather3A_3000 : memref<8192xf32, #tpu.memory_space<vmem>>[vector<16xi32>], vector<16xf32>,
        %scan3A_3005 = arith.constant 0 : i32
        scf.yield %scan3A_3005 : i32
      }
      %scan3A_2381 = arith.constant 8 : i32
      %scan3A_2382 = arith.constant 0 : i32
      %scan3A_2383 = arith.constant 0 : i32
      %scan3A_2384 = arith.constant 8 : i32
      %scan3A_2385 = arith.addi %scan3A_2383, %scan3A_2384 : i32
      %scan3A_2386 = arith.constant 1 : i32
      %scan3A_2387 = scf.for %scan3A_2618 = %scan3A_2383 to %scan3A_2385 step %scan3A_2386 iter_args(%scan3A_2619 = %scan3A_2382) -> (i32)  : i32 {
        %mul3A_2620 = arith.constant 16 : i32
        %mul3A_2621 = arith.muli %scan3A_2618, %mul3A_2620 : i32
        %add3A_2622 = arith.constant 128 : i32
        %add3A_2623 = arith.addi %add3A_2622, %mul3A_2621 : i32
        %add3A_2624 = vector.broadcast %add3A_2623 : i32 to vector<16xi32>
        %add3A_2625 = arith.addi %rem3A_11, %add3A_2624 : vector<16xi32>
        %add3A_2626 = arith.constant 0 : i32
        %add3A_2627 = vector.broadcast %add3A_2626 : i32 to vector<16xi32>
        %add3A_2628 = arith.addi %iota3A, %add3A_2627 : vector<16xi32>
        %gather3A = tpu.vector_load_idx %arg7[%add3A_2625, %add3A_2628] : memref<256x32xf32, #tpu.memory_space<vmem>>[vector<16xi32>, vector<16xi32>], vector<16xf32>,
        %add3A_2629 = arith.constant 1024 : i32
        %add3A_2630 = arith.addi %add3A_2629, %mul3A_2621 : i32
        %add3A_2631 = vector.broadcast %add3A_2630 : i32 to vector<16xi32>
        %add3A_2632 = arith.addi %add3A_159, %add3A_2631 : vector<16xi32>
        tpu.vector_store_idx %arg9[%add3A_2632], %gather3A : memref<8192xf32, #tpu.memory_space<vmem>>[vector<16xi32>], vector<16xf32>,
        %add3A_2633 = arith.constant 128 : i32
        %add3A_2634 = arith.addi %add3A_2633, %mul3A_2621 : i32
        %add3A_2635 = vector.broadcast %add3A_2634 : i32 to vector<16xi32>
        %add3A_2636 = arith.addi %rem3A_17, %add3A_2635 : vector<16xi32>
        %add3A_2637 = arith.constant 0 : i32
        %add3A_2638 = vector.broadcast %add3A_2637 : i32 to vector<16xi32>
        %add3A_2639 = arith.addi %iota3A, %add3A_2638 : vector<16xi32>
        %gather3A_2640 = tpu.vector_load_idx %arg7[%add3A_2636, %add3A_2639] : memref<256x32xf32, #tpu.memory_space<vmem>>[vector<16xi32>, vector<16xi32>], vector<16xf32>,
        %add3A_2641 = arith.constant 1024 : i32
        %add3A_2642 = arith.addi %add3A_2641, %mul3A_2621 : i32
        %add3A_2643 = vector.broadcast %add3A_2642 : i32 to vector<16xi32>
        %add3A_2644 = arith.addi %add3A_226, %add3A_2643 : vector<16xi32>
        tpu.vector_store_idx %arg9[%add3A_2644], %gather3A_2640 : memref<8192xf32, #tpu.memory_space<vmem>>[vector<16xi32>], vector<16xf32>,
        %add3A_2645 = arith.constant 128 : i32
        %add3A_2646 = arith.addi %add3A_2645, %mul3A_2621 : i32
        %add3A_2647 = vector.broadcast %add3A_2646 : i32 to vector<16xi32>
        %add3A_2648 = arith.addi %rem3A_23, %add3A_2647 : vector<16xi32>
        %add3A_2649 = arith.constant 0 : i32
        %add3A_2650 = vector.broadcast %add3A_2649 : i32 to vector<16xi32>
        %add3A_2651 = arith.addi %iota3A, %add3A_2650 : vector<16xi32>
        %gather3A_2652 = tpu.vector_load_idx %arg7[%add3A_2648, %add3A_2651] : memref<256x32xf32, #tpu.memory_space<vmem>>[vector<16xi32>, vector<16xi32>], vector<16xf32>,
        %add3A_2653 = arith.constant 1024 : i32
        %add3A_2654 = arith.addi %add3A_2653, %mul3A_2621 : i32
        %add3A_2655 = vector.broadcast %add3A_2654 : i32 to vector<16xi32>
        %add3A_2656 = arith.addi %add3A_293, %add3A_2655 : vector<16xi32>
        tpu.vector_store_idx %arg9[%add3A_2656], %gather3A_2652 : memref<8192xf32, #tpu.memory_space<vmem>>[vector<16xi32>], vector<16xf32>,
        %add3A_2657 = arith.constant 128 : i32
        %add3A_2658 = arith.addi %add3A_2657, %mul3A_2621 : i32
        %add3A_2659 = vector.broadcast %add3A_2658 : i32 to vector<16xi32>
        %add3A_2660 = arith.addi %rem3A_29, %add3A_2659 : vector<16xi32>
        %add3A_2661 = arith.constant 0 : i32
        %add3A_2662 = vector.broadcast %add3A_2661 : i32 to vector<16xi32>
        %add3A_2663 = arith.addi %iota3A, %add3A_2662 : vector<16xi32>
        %gather3A_2664 = tpu.vector_load_idx %arg7[%add3A_2660, %add3A_2663] : memref<256x32xf32, #tpu.memory_space<vmem>>[vector<16xi32>, vector<16xi32>], vector<16xf32>,
        %add3A_2665 = arith.constant 1024 : i32
        %add3A_2666 = arith.addi %add3A_2665, %mul3A_2621 : i32
        %add3A_2667 = vector.broadcast %add3A_2666 : i32 to vector<16xi32>
        %add3A_2668 = arith.addi %add3A_360, %add3A_2667 : vector<16xi32>
        tpu.vector_store_idx %arg9[%add3A_2668], %gather3A_2664 : memref<8192xf32, #tpu.memory_space<vmem>>[vector<16xi32>], vector<16xf32>,
        %add3A_2669 = arith.constant 128 : i32
        %add3A_2670 = arith.addi %add3A_2669, %mul3A_2621 : i32
        %add3A_2671 = vector.broadcast %add3A_2670 : i32 to vector<16xi32>
        %add3A_2672 = arith.addi %rem3A_35, %add3A_2671 : vector<16xi32>
        %add3A_2673 = arith.constant 0 : i32
        %add3A_2674 = vector.broadcast %add3A_2673 : i32 to vector<16xi32>
        %add3A_2675 = arith.addi %iota3A, %add3A_2674 : vector<16xi32>
        %gather3A_2676 = tpu.vector_load_idx %arg7[%add3A_2672, %add3A_2675] : memref<256x32xf32, #tpu.memory_space<vmem>>[vector<16xi32>, vector<16xi32>], vector<16xf32>,
        %add3A_2677 = arith.constant 1024 : i32
        %add3A_2678 = arith.addi %add3A_2677, %mul3A_2621 : i32
        %add3A_2679 = vector.broadcast %add3A_2678 : i32 to vector<16xi32>
        %add3A_2680 = arith.addi %add3A_427, %add3A_2679 : vector<16xi32>
        tpu.vector_store_idx %arg9[%add3A_2680], %gather3A_2676 : memref<8192xf32, #tpu.memory_space<vmem>>[vector<16xi32>], vector<16xf32>,
        %add3A_2681 = arith.constant 128 : i32
        %add3A_2682 = arith.addi %add3A_2681, %mul3A_2621 : i32
        %add3A_2683 = vector.broadcast %add3A_2682 : i32 to vector<16xi32>
        %add3A_2684 = arith.addi %rem3A_41, %add3A_2683 : vector<16xi32>
        %add3A_2685 = arith.constant 0 : i32
        %add3A_2686 = vector.broadcast %add3A_2685 : i32 to vector<16xi32>
        %add3A_2687 = arith.addi %iota3A, %add3A_2686 : vector<16xi32>
        %gather3A_2688 = tpu.vector_load_idx %arg7[%add3A_2684, %add3A_2687] : memref<256x32xf32, #tpu.memory_space<vmem>>[vector<16xi32>, vector<16xi32>], vector<16xf32>,
        %add3A_2689 = arith.constant 1024 : i32
        %add3A_2690 = arith.addi %add3A_2689, %mul3A_2621 : i32
        %add3A_2691 = vector.broadcast %add3A_2690 : i32 to vector<16xi32>
        %add3A_2692 = arith.addi %add3A_494, %add3A_2691 : vector<16xi32>
        tpu.vector_store_idx %arg9[%add3A_2692], %gather3A_2688 : memref<8192xf32, #tpu.memory_space<vmem>>[vector<16xi32>], vector<16xf32>,
        %add3A_2693 = arith.constant 128 : i32
        %add3A_2694 = arith.addi %add3A_2693, %mul3A_2621 : i32
        %add3A_2695 = vector.broadcast %add3A_2694 : i32 to vector<16xi32>
        %add3A_2696 = arith.addi %rem3A_47, %add3A_2695 : vector<16xi32>
        %add3A_2697 = arith.constant 0 : i32
        %add3A_2698 = vector.broadcast %add3A_2697 : i32 to vector<16xi32>
        %add3A_2699 = arith.addi %iota3A, %add3A_2698 : vector<16xi32>
        %gather3A_2700 = tpu.vector_load_idx %arg7[%add3A_2696, %add3A_2699] : memref<256x32xf32, #tpu.memory_space<vmem>>[vector<16xi32>, vector<16xi32>], vector<16xf32>,
        %add3A_2701 = arith.constant 1024 : i32
        %add3A_2702 = arith.addi %add3A_2701, %mul3A_2621 : i32
        %add3A_2703 = vector.broadcast %add3A_2702 : i32 to vector<16xi32>
        %add3A_2704 = arith.addi %add3A_561, %add3A_2703 : vector<16xi32>
        tpu.vector_store_idx %arg9[%add3A_2704], %gather3A_2700 : memref<8192xf32, #tpu.memory_space<vmem>>[vector<16xi32>], vector<16xf32>,
        %add3A_2705 = arith.constant 128 : i32
        %add3A_2706 = arith.addi %add3A_2705, %mul3A_2621 : i32
        %add3A_2707 = vector.broadcast %add3A_2706 : i32 to vector<16xi32>
        %add3A_2708 = arith.addi %rem3A_53, %add3A_2707 : vector<16xi32>
        %add3A_2709 = arith.constant 0 : i32
        %add3A_2710 = vector.broadcast %add3A_2709 : i32 to vector<16xi32>
        %add3A_2711 = arith.addi %iota3A, %add3A_2710 : vector<16xi32>
        %gather3A_2712 = tpu.vector_load_idx %arg7[%add3A_2708, %add3A_2711] : memref<256x32xf32, #tpu.memory_space<vmem>>[vector<16xi32>, vector<16xi32>], vector<16xf32>,
        %add3A_2713 = arith.constant 1024 : i32
        %add3A_2714 = arith.addi %add3A_2713, %mul3A_2621 : i32
        %add3A_2715 = vector.broadcast %add3A_2714 : i32 to vector<16xi32>
        %add3A_2716 = arith.addi %add3A_628, %add3A_2715 : vector<16xi32>
        tpu.vector_store_idx %arg9[%add3A_2716], %gather3A_2712 : memref<8192xf32, #tpu.memory_space<vmem>>[vector<16xi32>], vector<16xf32>,
        %add3A_2717 = arith.constant 128 : i32
        %add3A_2718 = arith.addi %add3A_2717, %mul3A_2621 : i32
        %add3A_2719 = vector.broadcast %add3A_2718 : i32 to vector<16xi32>
        %add3A_2720 = arith.addi %rem3A_59, %add3A_2719 : vector<16xi32>
        %add3A_2721 = arith.constant 0 : i32
        %add3A_2722 = vector.broadcast %add3A_2721 : i32 to vector<16xi32>
        %add3A_2723 = arith.addi %iota3A, %add3A_2722 : vector<16xi32>
        %gather3A_2724 = tpu.vector_load_idx %arg7[%add3A_2720, %add3A_2723] : memref<256x32xf32, #tpu.memory_space<vmem>>[vector<16xi32>, vector<16xi32>], vector<16xf32>,
        %add3A_2725 = arith.constant 1024 : i32
        %add3A_2726 = arith.addi %add3A_2725, %mul3A_2621 : i32
        %add3A_2727 = vector.broadcast %add3A_2726 : i32 to vector<16xi32>
        %add3A_2728 = arith.addi %add3A_695, %add3A_2727 : vector<16xi32>
        tpu.vector_store_idx %arg9[%add3A_2728], %gather3A_2724 : memref<8192xf32, #tpu.memory_space<vmem>>[vector<16xi32>], vector<16xf32>,
        %add3A_2729 = arith.constant 128 : i32
        %add3A_2730 = arith.addi %add3A_2729, %mul3A_2621 : i32
        %add3A_2731 = vector.broadcast %add3A_2730 : i32 to vector<16xi32>
        %add3A_2732 = arith.addi %rem3A_65, %add3A_2731 : vector<16xi32>
        %add3A_2733 = arith.constant 0 : i32
        %add3A_2734 = vector.broadcast %add3A_2733 : i32 to vector<16xi32>
        %add3A_2735 = arith.addi %iota3A, %add3A_2734 : vector<16xi32>
        %gather3A_2736 = tpu.vector_load_idx %arg7[%add3A_2732, %add3A_2735] : memref<256x32xf32, #tpu.memory_space<vmem>>[vector<16xi32>, vector<16xi32>], vector<16xf32>,
        %add3A_2737 = arith.constant 1024 : i32
        %add3A_2738 = arith.addi %add3A_2737, %mul3A_2621 : i32
        %add3A_2739 = vector.broadcast %add3A_2738 : i32 to vector<16xi32>
        %add3A_2740 = arith.addi %add3A_762, %add3A_2739 : vector<16xi32>
        tpu.vector_store_idx %arg9[%add3A_2740], %gather3A_2736 : memref<8192xf32, #tpu.memory_space<vmem>>[vector<16xi32>], vector<16xf32>,
        %add3A_2741 = arith.constant 128 : i32
        %add3A_2742 = arith.addi %add3A_2741, %mul3A_2621 : i32
        %add3A_2743 = vector.broadcast %add3A_2742 : i32 to vector<16xi32>
        %add3A_2744 = arith.addi %rem3A_71, %add3A_2743 : vector<16xi32>
        %add3A_2745 = arith.constant 0 : i32
        %add3A_2746 = vector.broadcast %add3A_2745 : i32 to vector<16xi32>
        %add3A_2747 = arith.addi %iota3A, %add3A_2746 : vector<16xi32>
        %gather3A_2748 = tpu.vector_load_idx %arg7[%add3A_2744, %add3A_2747] : memref<256x32xf32, #tpu.memory_space<vmem>>[vector<16xi32>, vector<16xi32>], vector<16xf32>,
        %add3A_2749 = arith.constant 1024 : i32
        %add3A_2750 = arith.addi %add3A_2749, %mul3A_2621 : i32
        %add3A_2751 = vector.broadcast %add3A_2750 : i32 to vector<16xi32>
        %add3A_2752 = arith.addi %add3A_829, %add3A_2751 : vector<16xi32>
        tpu.vector_store_idx %arg9[%add3A_2752], %gather3A_2748 : memref<8192xf32, #tpu.memory_space<vmem>>[vector<16xi32>], vector<16xf32>,
        %add3A_2753 = arith.constant 128 : i32
        %add3A_2754 = arith.addi %add3A_2753, %mul3A_2621 : i32
        %add3A_2755 = vector.broadcast %add3A_2754 : i32 to vector<16xi32>
        %add3A_2756 = arith.addi %rem3A_77, %add3A_2755 : vector<16xi32>
        %add3A_2757 = arith.constant 0 : i32
        %add3A_2758 = vector.broadcast %add3A_2757 : i32 to vector<16xi32>
        %add3A_2759 = arith.addi %iota3A, %add3A_2758 : vector<16xi32>
        %gather3A_2760 = tpu.vector_load_idx %arg7[%add3A_2756, %add3A_2759] : memref<256x32xf32, #tpu.memory_space<vmem>>[vector<16xi32>, vector<16xi32>], vector<16xf32>,
        %add3A_2761 = arith.constant 1024 : i32
        %add3A_2762 = arith.addi %add3A_2761, %mul3A_2621 : i32
        %add3A_2763 = vector.broadcast %add3A_2762 : i32 to vector<16xi32>
        %add3A_2764 = arith.addi %add3A_896, %add3A_2763 : vector<16xi32>
        tpu.vector_store_idx %arg9[%add3A_2764], %gather3A_2760 : memref<8192xf32, #tpu.memory_space<vmem>>[vector<16xi32>], vector<16xf32>,
        %add3A_2765 = arith.constant 128 : i32
        %add3A_2766 = arith.addi %add3A_2765, %mul3A_2621 : i32
        %add3A_2767 = vector.broadcast %add3A_2766 : i32 to vector<16xi32>
        %add3A_2768 = arith.addi %rem3A_83, %add3A_2767 : vector<16xi32>
        %add3A_2769 = arith.constant 0 : i32
        %add3A_2770 = vector.broadcast %add3A_2769 : i32 to vector<16xi32>
        %add3A_2771 = arith.addi %iota3A, %add3A_2770 : vector<16xi32>
        %gather3A_2772 = tpu.vector_load_idx %arg7[%add3A_2768, %add3A_2771] : memref<256x32xf32, #tpu.memory_space<vmem>>[vector<16xi32>, vector<16xi32>], vector<16xf32>,
        %add3A_2773 = arith.constant 1024 : i32
        %add3A_2774 = arith.addi %add3A_2773, %mul3A_2621 : i32
        %add3A_2775 = vector.broadcast %add3A_2774 : i32 to vector<16xi32>
        %add3A_2776 = arith.addi %add3A_963, %add3A_2775 : vector<16xi32>
        tpu.vector_store_idx %arg9[%add3A_2776], %gather3A_2772 : memref<8192xf32, #tpu.memory_space<vmem>>[vector<16xi32>], vector<16xf32>,
        %add3A_2777 = arith.constant 128 : i32
        %add3A_2778 = arith.addi %add3A_2777, %mul3A_2621 : i32
        %add3A_2779 = vector.broadcast %add3A_2778 : i32 to vector<16xi32>
        %add3A_2780 = arith.addi %rem3A_89, %add3A_2779 : vector<16xi32>
        %add3A_2781 = arith.constant 0 : i32
        %add3A_2782 = vector.broadcast %add3A_2781 : i32 to vector<16xi32>
        %add3A_2783 = arith.addi %iota3A, %add3A_2782 : vector<16xi32>
        %gather3A_2784 = tpu.vector_load_idx %arg7[%add3A_2780, %add3A_2783] : memref<256x32xf32, #tpu.memory_space<vmem>>[vector<16xi32>, vector<16xi32>], vector<16xf32>,
        %add3A_2785 = arith.constant 1024 : i32
        %add3A_2786 = arith.addi %add3A_2785, %mul3A_2621 : i32
        %add3A_2787 = vector.broadcast %add3A_2786 : i32 to vector<16xi32>
        %add3A_2788 = arith.addi %add3A_1030, %add3A_2787 : vector<16xi32>
        tpu.vector_store_idx %arg9[%add3A_2788], %gather3A_2784 : memref<8192xf32, #tpu.memory_space<vmem>>[vector<16xi32>], vector<16xf32>,
        %add3A_2789 = arith.constant 128 : i32
        %add3A_2790 = arith.addi %add3A_2789, %mul3A_2621 : i32
        %add3A_2791 = vector.broadcast %add3A_2790 : i32 to vector<16xi32>
        %add3A_2792 = arith.addi %rem3A_95, %add3A_2791 : vector<16xi32>
        %add3A_2793 = arith.constant 0 : i32
        %add3A_2794 = vector.broadcast %add3A_2793 : i32 to vector<16xi32>
        %add3A_2795 = arith.addi %iota3A, %add3A_2794 : vector<16xi32>
        %gather3A_2796 = tpu.vector_load_idx %arg7[%add3A_2792, %add3A_2795] : memref<256x32xf32, #tpu.memory_space<vmem>>[vector<16xi32>, vector<16xi32>], vector<16xf32>,
        %add3A_2797 = arith.constant 1024 : i32
        %add3A_2798 = arith.addi %add3A_2797, %mul3A_2621 : i32
        %add3A_2799 = vector.broadcast %add3A_2798 : i32 to vector<16xi32>
        %add3A_2800 = arith.addi %add3A_1097, %add3A_2799 : vector<16xi32>
        tpu.vector_store_idx %arg9[%add3A_2800], %gather3A_2796 : memref<8192xf32, #tpu.memory_space<vmem>>[vector<16xi32>], vector<16xf32>,
        %add3A_2801 = arith.constant 128 : i32
        %add3A_2802 = arith.addi %add3A_2801, %mul3A_2621 : i32
        %add3A_2803 = vector.broadcast %add3A_2802 : i32 to vector<16xi32>
        %add3A_2804 = arith.addi %rem3A_101, %add3A_2803 : vector<16xi32>
        %add3A_2805 = arith.constant 0 : i32
        %add3A_2806 = vector.broadcast %add3A_2805 : i32 to vector<16xi32>
        %add3A_2807 = arith.addi %iota3A, %add3A_2806 : vector<16xi32>
        %gather3A_2808 = tpu.vector_load_idx %arg7[%add3A_2804, %add3A_2807] : memref<256x32xf32, #tpu.memory_space<vmem>>[vector<16xi32>, vector<16xi32>], vector<16xf32>,
        %add3A_2809 = arith.constant 1024 : i32
        %add3A_2810 = arith.addi %add3A_2809, %mul3A_2621 : i32
        %add3A_2811 = vector.broadcast %add3A_2810 : i32 to vector<16xi32>
        %add3A_2812 = arith.addi %add3A_1164, %add3A_2811 : vector<16xi32>
        tpu.vector_store_idx %arg9[%add3A_2812], %gather3A_2808 : memref<8192xf32, #tpu.memory_space<vmem>>[vector<16xi32>], vector<16xf32>,
        %add3A_2813 = arith.constant 128 : i32
        %add3A_2814 = arith.addi %add3A_2813, %mul3A_2621 : i32
        %add3A_2815 = vector.broadcast %add3A_2814 : i32 to vector<16xi32>
        %add3A_2816 = arith.addi %rem3A_11, %add3A_2815 : vector<16xi32>
        %add3A_2817 = arith.constant 16 : i32
        %add3A_2818 = vector.broadcast %add3A_2817 : i32 to vector<16xi32>
        %add3A_2819 = arith.addi %iota3A, %add3A_2818 : vector<16xi32>
        %gather3A_2820 = tpu.vector_load_idx %arg7[%add3A_2816, %add3A_2819] : memref<256x32xf32, #tpu.memory_space<vmem>>[vector<16xi32>, vector<16xi32>], vector<16xf32>,
        %add3A_2821 = arith.constant 1024 : i32
        %add3A_2822 = arith.addi %add3A_2821, %mul3A_2621 : i32
        %add3A_2823 = vector.broadcast %add3A_2822 : i32 to vector<16xi32>
        %add3A_2824 = arith.addi %add3A_1231, %add3A_2823 : vector<16xi32>
        tpu.vector_store_idx %arg9[%add3A_2824], %gather3A_2820 : memref<8192xf32, #tpu.memory_space<vmem>>[vector<16xi32>], vector<16xf32>,
        %add3A_2825 = arith.constant 128 : i32
        %add3A_2826 = arith.addi %add3A_2825, %mul3A_2621 : i32
        %add3A_2827 = vector.broadcast %add3A_2826 : i32 to vector<16xi32>
        %add3A_2828 = arith.addi %rem3A_17, %add3A_2827 : vector<16xi32>
        %add3A_2829 = arith.constant 16 : i32
        %add3A_2830 = vector.broadcast %add3A_2829 : i32 to vector<16xi32>
        %add3A_2831 = arith.addi %iota3A, %add3A_2830 : vector<16xi32>
        %gather3A_2832 = tpu.vector_load_idx %arg7[%add3A_2828, %add3A_2831] : memref<256x32xf32, #tpu.memory_space<vmem>>[vector<16xi32>, vector<16xi32>], vector<16xf32>,
        %add3A_2833 = arith.constant 1024 : i32
        %add3A_2834 = arith.addi %add3A_2833, %mul3A_2621 : i32
        %add3A_2835 = vector.broadcast %add3A_2834 : i32 to vector<16xi32>
        %add3A_2836 = arith.addi %add3A_1298, %add3A_2835 : vector<16xi32>
        tpu.vector_store_idx %arg9[%add3A_2836], %gather3A_2832 : memref<8192xf32, #tpu.memory_space<vmem>>[vector<16xi32>], vector<16xf32>,
        %add3A_2837 = arith.constant 128 : i32
        %add3A_2838 = arith.addi %add3A_2837, %mul3A_2621 : i32
        %add3A_2839 = vector.broadcast %add3A_2838 : i32 to vector<16xi32>
        %add3A_2840 = arith.addi %rem3A_23, %add3A_2839 : vector<16xi32>
        %add3A_2841 = arith.constant 16 : i32
        %add3A_2842 = vector.broadcast %add3A_2841 : i32 to vector<16xi32>
        %add3A_2843 = arith.addi %iota3A, %add3A_2842 : vector<16xi32>
        %gather3A_2844 = tpu.vector_load_idx %arg7[%add3A_2840, %add3A_2843] : memref<256x32xf32, #tpu.memory_space<vmem>>[vector<16xi32>, vector<16xi32>], vector<16xf32>,
        %add3A_2845 = arith.constant 1024 : i32
        %add3A_2846 = arith.addi %add3A_2845, %mul3A_2621 : i32
        %add3A_2847 = vector.broadcast %add3A_2846 : i32 to vector<16xi32>
        %add3A_2848 = arith.addi %add3A_1365, %add3A_2847 : vector<16xi32>
        tpu.vector_store_idx %arg9[%add3A_2848], %gather3A_2844 : memref<8192xf32, #tpu.memory_space<vmem>>[vector<16xi32>], vector<16xf32>,
        %add3A_2849 = arith.constant 128 : i32
        %add3A_2850 = arith.addi %add3A_2849, %mul3A_2621 : i32
        %add3A_2851 = vector.broadcast %add3A_2850 : i32 to vector<16xi32>
        %add3A_2852 = arith.addi %rem3A_29, %add3A_2851 : vector<16xi32>
        %add3A_2853 = arith.constant 16 : i32
        %add3A_2854 = vector.broadcast %add3A_2853 : i32 to vector<16xi32>
        %add3A_2855 = arith.addi %iota3A, %add3A_2854 : vector<16xi32>
        %gather3A_2856 = tpu.vector_load_idx %arg7[%add3A_2852, %add3A_2855] : memref<256x32xf32, #tpu.memory_space<vmem>>[vector<16xi32>, vector<16xi32>], vector<16xf32>,
        %add3A_2857 = arith.constant 1024 : i32
        %add3A_2858 = arith.addi %add3A_2857, %mul3A_2621 : i32
        %add3A_2859 = vector.broadcast %add3A_2858 : i32 to vector<16xi32>
        %add3A_2860 = arith.addi %add3A_1432, %add3A_2859 : vector<16xi32>
        tpu.vector_store_idx %arg9[%add3A_2860], %gather3A_2856 : memref<8192xf32, #tpu.memory_space<vmem>>[vector<16xi32>], vector<16xf32>,
        %add3A_2861 = arith.constant 128 : i32
        %add3A_2862 = arith.addi %add3A_2861, %mul3A_2621 : i32
        %add3A_2863 = vector.broadcast %add3A_2862 : i32 to vector<16xi32>
        %add3A_2864 = arith.addi %rem3A_35, %add3A_2863 : vector<16xi32>
        %add3A_2865 = arith.constant 16 : i32
        %add3A_2866 = vector.broadcast %add3A_2865 : i32 to vector<16xi32>
        %add3A_2867 = arith.addi %iota3A, %add3A_2866 : vector<16xi32>
        %gather3A_2868 = tpu.vector_load_idx %arg7[%add3A_2864, %add3A_2867] : memref<256x32xf32, #tpu.memory_space<vmem>>[vector<16xi32>, vector<16xi32>], vector<16xf32>,
        %add3A_2869 = arith.constant 1024 : i32
        %add3A_2870 = arith.addi %add3A_2869, %mul3A_2621 : i32
        %add3A_2871 = vector.broadcast %add3A_2870 : i32 to vector<16xi32>
        %add3A_2872 = arith.addi %add3A_1499, %add3A_2871 : vector<16xi32>
        tpu.vector_store_idx %arg9[%add3A_2872], %gather3A_2868 : memref<8192xf32, #tpu.memory_space<vmem>>[vector<16xi32>], vector<16xf32>,
        %add3A_2873 = arith.constant 128 : i32
        %add3A_2874 = arith.addi %add3A_2873, %mul3A_2621 : i32
        %add3A_2875 = vector.broadcast %add3A_2874 : i32 to vector<16xi32>
        %add3A_2876 = arith.addi %rem3A_41, %add3A_2875 : vector<16xi32>
        %add3A_2877 = arith.constant 16 : i32
        %add3A_2878 = vector.broadcast %add3A_2877 : i32 to vector<16xi32>
        %add3A_2879 = arith.addi %iota3A, %add3A_2878 : vector<16xi32>
        %gather3A_2880 = tpu.vector_load_idx %arg7[%add3A_2876, %add3A_2879] : memref<256x32xf32, #tpu.memory_space<vmem>>[vector<16xi32>, vector<16xi32>], vector<16xf32>,
        %add3A_2881 = arith.constant 1024 : i32
        %add3A_2882 = arith.addi %add3A_2881, %mul3A_2621 : i32
        %add3A_2883 = vector.broadcast %add3A_2882 : i32 to vector<16xi32>
        %add3A_2884 = arith.addi %add3A_1566, %add3A_2883 : vector<16xi32>
        tpu.vector_store_idx %arg9[%add3A_2884], %gather3A_2880 : memref<8192xf32, #tpu.memory_space<vmem>>[vector<16xi32>], vector<16xf32>,
        %add3A_2885 = arith.constant 128 : i32
        %add3A_2886 = arith.addi %add3A_2885, %mul3A_2621 : i32
        %add3A_2887 = vector.broadcast %add3A_2886 : i32 to vector<16xi32>
        %add3A_2888 = arith.addi %rem3A_47, %add3A_2887 : vector<16xi32>
        %add3A_2889 = arith.constant 16 : i32
        %add3A_2890 = vector.broadcast %add3A_2889 : i32 to vector<16xi32>
        %add3A_2891 = arith.addi %iota3A, %add3A_2890 : vector<16xi32>
        %gather3A_2892 = tpu.vector_load_idx %arg7[%add3A_2888, %add3A_2891] : memref<256x32xf32, #tpu.memory_space<vmem>>[vector<16xi32>, vector<16xi32>], vector<16xf32>,
        %add3A_2893 = arith.constant 1024 : i32
        %add3A_2894 = arith.addi %add3A_2893, %mul3A_2621 : i32
        %add3A_2895 = vector.broadcast %add3A_2894 : i32 to vector<16xi32>
        %add3A_2896 = arith.addi %add3A_1633, %add3A_2895 : vector<16xi32>
        tpu.vector_store_idx %arg9[%add3A_2896], %gather3A_2892 : memref<8192xf32, #tpu.memory_space<vmem>>[vector<16xi32>], vector<16xf32>,
        %add3A_2897 = arith.constant 128 : i32
        %add3A_2898 = arith.addi %add3A_2897, %mul3A_2621 : i32
        %add3A_2899 = vector.broadcast %add3A_2898 : i32 to vector<16xi32>
        %add3A_2900 = arith.addi %rem3A_53, %add3A_2899 : vector<16xi32>
        %add3A_2901 = arith.constant 16 : i32
        %add3A_2902 = vector.broadcast %add3A_2901 : i32 to vector<16xi32>
        %add3A_2903 = arith.addi %iota3A, %add3A_2902 : vector<16xi32>
        %gather3A_2904 = tpu.vector_load_idx %arg7[%add3A_2900, %add3A_2903] : memref<256x32xf32, #tpu.memory_space<vmem>>[vector<16xi32>, vector<16xi32>], vector<16xf32>,
        %add3A_2905 = arith.constant 1024 : i32
        %add3A_2906 = arith.addi %add3A_2905, %mul3A_2621 : i32
        %add3A_2907 = vector.broadcast %add3A_2906 : i32 to vector<16xi32>
        %add3A_2908 = arith.addi %add3A_1700, %add3A_2907 : vector<16xi32>
        tpu.vector_store_idx %arg9[%add3A_2908], %gather3A_2904 : memref<8192xf32, #tpu.memory_space<vmem>>[vector<16xi32>], vector<16xf32>,
        %add3A_2909 = arith.constant 128 : i32
        %add3A_2910 = arith.addi %add3A_2909, %mul3A_2621 : i32
        %add3A_2911 = vector.broadcast %add3A_2910 : i32 to vector<16xi32>
        %add3A_2912 = arith.addi %rem3A_59, %add3A_2911 : vector<16xi32>
        %add3A_2913 = arith.constant 16 : i32
        %add3A_2914 = vector.broadcast %add3A_2913 : i32 to vector<16xi32>
        %add3A_2915 = arith.addi %iota3A, %add3A_2914 : vector<16xi32>
        %gather3A_2916 = tpu.vector_load_idx %arg7[%add3A_2912, %add3A_2915] : memref<256x32xf32, #tpu.memory_space<vmem>>[vector<16xi32>, vector<16xi32>], vector<16xf32>,
        %add3A_2917 = arith.constant 1024 : i32
        %add3A_2918 = arith.addi %add3A_2917, %mul3A_2621 : i32
        %add3A_2919 = vector.broadcast %add3A_2918 : i32 to vector<16xi32>
        %add3A_2920 = arith.addi %add3A_1767, %add3A_2919 : vector<16xi32>
        tpu.vector_store_idx %arg9[%add3A_2920], %gather3A_2916 : memref<8192xf32, #tpu.memory_space<vmem>>[vector<16xi32>], vector<16xf32>,
        %add3A_2921 = arith.constant 128 : i32
        %add3A_2922 = arith.addi %add3A_2921, %mul3A_2621 : i32
        %add3A_2923 = vector.broadcast %add3A_2922 : i32 to vector<16xi32>
        %add3A_2924 = arith.addi %rem3A_65, %add3A_2923 : vector<16xi32>
        %add3A_2925 = arith.constant 16 : i32
        %add3A_2926 = vector.broadcast %add3A_2925 : i32 to vector<16xi32>
        %add3A_2927 = arith.addi %iota3A, %add3A_2926 : vector<16xi32>
        %gather3A_2928 = tpu.vector_load_idx %arg7[%add3A_2924, %add3A_2927] : memref<256x32xf32, #tpu.memory_space<vmem>>[vector<16xi32>, vector<16xi32>], vector<16xf32>,
        %add3A_2929 = arith.constant 1024 : i32
        %add3A_2930 = arith.addi %add3A_2929, %mul3A_2621 : i32
        %add3A_2931 = vector.broadcast %add3A_2930 : i32 to vector<16xi32>
        %add3A_2932 = arith.addi %add3A_1834, %add3A_2931 : vector<16xi32>
        tpu.vector_store_idx %arg9[%add3A_2932], %gather3A_2928 : memref<8192xf32, #tpu.memory_space<vmem>>[vector<16xi32>], vector<16xf32>,
        %add3A_2933 = arith.constant 128 : i32
        %add3A_2934 = arith.addi %add3A_2933, %mul3A_2621 : i32
        %add3A_2935 = vector.broadcast %add3A_2934 : i32 to vector<16xi32>
        %add3A_2936 = arith.addi %rem3A_71, %add3A_2935 : vector<16xi32>
        %add3A_2937 = arith.constant 16 : i32
        %add3A_2938 = vector.broadcast %add3A_2937 : i32 to vector<16xi32>
        %add3A_2939 = arith.addi %iota3A, %add3A_2938 : vector<16xi32>
        %gather3A_2940 = tpu.vector_load_idx %arg7[%add3A_2936, %add3A_2939] : memref<256x32xf32, #tpu.memory_space<vmem>>[vector<16xi32>, vector<16xi32>], vector<16xf32>,
        %add3A_2941 = arith.constant 1024 : i32
        %add3A_2942 = arith.addi %add3A_2941, %mul3A_2621 : i32
        %add3A_2943 = vector.broadcast %add3A_2942 : i32 to vector<16xi32>
        %add3A_2944 = arith.addi %add3A_1901, %add3A_2943 : vector<16xi32>
        tpu.vector_store_idx %arg9[%add3A_2944], %gather3A_2940 : memref<8192xf32, #tpu.memory_space<vmem>>[vector<16xi32>], vector<16xf32>,
        %add3A_2945 = arith.constant 128 : i32
        %add3A_2946 = arith.addi %add3A_2945, %mul3A_2621 : i32
        %add3A_2947 = vector.broadcast %add3A_2946 : i32 to vector<16xi32>
        %add3A_2948 = arith.addi %rem3A_77, %add3A_2947 : vector<16xi32>
        %add3A_2949 = arith.constant 16 : i32
        %add3A_2950 = vector.broadcast %add3A_2949 : i32 to vector<16xi32>
        %add3A_2951 = arith.addi %iota3A, %add3A_2950 : vector<16xi32>
        %gather3A_2952 = tpu.vector_load_idx %arg7[%add3A_2948, %add3A_2951] : memref<256x32xf32, #tpu.memory_space<vmem>>[vector<16xi32>, vector<16xi32>], vector<16xf32>,
        %add3A_2953 = arith.constant 1024 : i32
        %add3A_2954 = arith.addi %add3A_2953, %mul3A_2621 : i32
        %add3A_2955 = vector.broadcast %add3A_2954 : i32 to vector<16xi32>
        %add3A_2956 = arith.addi %add3A_1968, %add3A_2955 : vector<16xi32>
        tpu.vector_store_idx %arg9[%add3A_2956], %gather3A_2952 : memref<8192xf32, #tpu.memory_space<vmem>>[vector<16xi32>], vector<16xf32>,
        %add3A_2957 = arith.constant 128 : i32
        %add3A_2958 = arith.addi %add3A_2957, %mul3A_2621 : i32
        %add3A_2959 = vector.broadcast %add3A_2958 : i32 to vector<16xi32>
        %add3A_2960 = arith.addi %rem3A_83, %add3A_2959 : vector<16xi32>
        %add3A_2961 = arith.constant 16 : i32
        %add3A_2962 = vector.broadcast %add3A_2961 : i32 to vector<16xi32>
        %add3A_2963 = arith.addi %iota3A, %add3A_2962 : vector<16xi32>
        %gather3A_2964 = tpu.vector_load_idx %arg7[%add3A_2960, %add3A_2963] : memref<256x32xf32, #tpu.memory_space<vmem>>[vector<16xi32>, vector<16xi32>], vector<16xf32>,
        %add3A_2965 = arith.constant 1024 : i32
        %add3A_2966 = arith.addi %add3A_2965, %mul3A_2621 : i32
        %add3A_2967 = vector.broadcast %add3A_2966 : i32 to vector<16xi32>
        %add3A_2968 = arith.addi %add3A_2035, %add3A_2967 : vector<16xi32>
        tpu.vector_store_idx %arg9[%add3A_2968], %gather3A_2964 : memref<8192xf32, #tpu.memory_space<vmem>>[vector<16xi32>], vector<16xf32>,
        %add3A_2969 = arith.constant 128 : i32
        %add3A_2970 = arith.addi %add3A_2969, %mul3A_2621 : i32
        %add3A_2971 = vector.broadcast %add3A_2970 : i32 to vector<16xi32>
        %add3A_2972 = arith.addi %rem3A_89, %add3A_2971 : vector<16xi32>
        %add3A_2973 = arith.constant 16 : i32
        %add3A_2974 = vector.broadcast %add3A_2973 : i32 to vector<16xi32>
        %add3A_2975 = arith.addi %iota3A, %add3A_2974 : vector<16xi32>
        %gather3A_2976 = tpu.vector_load_idx %arg7[%add3A_2972, %add3A_2975] : memref<256x32xf32, #tpu.memory_space<vmem>>[vector<16xi32>, vector<16xi32>], vector<16xf32>,
        %add3A_2977 = arith.constant 1024 : i32
        %add3A_2978 = arith.addi %add3A_2977, %mul3A_2621 : i32
        %add3A_2979 = vector.broadcast %add3A_2978 : i32 to vector<16xi32>
        %add3A_2980 = arith.addi %add3A_2102, %add3A_2979 : vector<16xi32>
        tpu.vector_store_idx %arg9[%add3A_2980], %gather3A_2976 : memref<8192xf32, #tpu.memory_space<vmem>>[vector<16xi32>], vector<16xf32>,
        %add3A_2981 = arith.constant 128 : i32
        %add3A_2982 = arith.addi %add3A_2981, %mul3A_2621 : i32
        %add3A_2983 = vector.broadcast %add3A_2982 : i32 to vector<16xi32>
        %add3A_2984 = arith.addi %rem3A_95, %add3A_2983 : vector<16xi32>
        %add3A_2985 = arith.constant 16 : i32
        %add3A_2986 = vector.broadcast %add3A_2985 : i32 to vector<16xi32>
        %add3A_2987 = arith.addi %iota3A, %add3A_2986 : vector<16xi32>
        %gather3A_2988 = tpu.vector_load_idx %arg7[%add3A_2984, %add3A_2987] : memref<256x32xf32, #tpu.memory_space<vmem>>[vector<16xi32>, vector<16xi32>], vector<16xf32>,
        %add3A_2989 = arith.constant 1024 : i32
        %add3A_2990 = arith.addi %add3A_2989, %mul3A_2621 : i32
        %add3A_2991 = vector.broadcast %add3A_2990 : i32 to vector<16xi32>
        %add3A_2992 = arith.addi %add3A_2169, %add3A_2991 : vector<16xi32>
        tpu.vector_store_idx %arg9[%add3A_2992], %gather3A_2988 : memref<8192xf32, #tpu.memory_space<vmem>>[vector<16xi32>], vector<16xf32>,
        %add3A_2993 = arith.constant 128 : i32
        %add3A_2994 = arith.addi %add3A_2993, %mul3A_2621 : i32
        %add3A_2995 = vector.broadcast %add3A_2994 : i32 to vector<16xi32>
        %add3A_2996 = arith.addi %rem3A_101, %add3A_2995 : vector<16xi32>
        %add3A_2997 = arith.constant 16 : i32
        %add3A_2998 = vector.broadcast %add3A_2997 : i32 to vector<16xi32>
        %add3A_2999 = arith.addi %iota3A, %add3A_2998 : vector<16xi32>
        %gather3A_3000 = tpu.vector_load_idx %arg7[%add3A_2996, %add3A_2999] : memref<256x32xf32, #tpu.memory_space<vmem>>[vector<16xi32>, vector<16xi32>], vector<16xf32>,
        %add3A_3001 = arith.constant 1024 : i32
        %add3A_3002 = arith.addi %add3A_3001, %mul3A_2621 : i32
        %add3A_3003 = vector.broadcast %add3A_3002 : i32 to vector<16xi32>
        %add3A_3004 = arith.addi %add3A_2236, %add3A_3003 : vector<16xi32>
        tpu.vector_store_idx %arg9[%add3A_3004], %gather3A_3000 : memref<8192xf32, #tpu.memory_space<vmem>>[vector<16xi32>], vector<16xf32>,
        %scan3A_3005 = arith.constant 0 : i32
        scf.yield %scan3A_3005 : i32
      }
      %scan3A_2388 = arith.constant 8 : i32
      %add3A_2389 = arith.constant 2 : i32
      %add3A_2390 = arith.addi %add3A_2368, %add3A_2389 : i32
      %rem3A_2391 = arith.constant 100 : i32
      %rem3A_2392 = arith.remsi %add3A_2390, %rem3A_2391 : i32
      %mul3A_2393 = arith.constant 256 : i32
      %mul3A_2394 = arith.muli %rem3A_2392, %mul3A_2393 : i32
      %dma_start3A_2395 = tpu.memref_slice %arg5[%mul3A_2394] : memref<25600xi32, #tpu.memory_space<vmem>> -> memref<256xi32, #tpu.memory_space<vmem>>
      %dma_start3A_2396 = arith.constant 0 : i32
      %dma_start3A_2397 = arith.constant 0 : i32
      %dma_start3A_2398 = tpu.memref_slice %arg3[%dma_start3A_2396, %dma_start3A_2397] : memref<1000000x32xf32, #tpu.memory_space<hbm>> -> memref<1000000x32xf32, #tpu.memory_space<hbm>>
      tpu.enqueue_indirect_dma source(%dma_start3A_2398 : memref<1000000x32xf32, #tpu.memory_space<hbm>>) target(%arg7 : memref<256x32xf32, #tpu.memory_space<vmem>>) offsets(%dma_start3A_2395 : memref<256xi32, #tpu.memory_space<vmem>>) semaphore(%arg11 : memref<!tpu.dma_semaphore, #tpu.memory_space<semaphore_mem>>)
      %add3A_2399 = arith.addi %mul3A_2, %add3A_2368 : i32
      %mul3A_2400 = arith.constant 2 : i32
      %mul3A_2401 = arith.muli %add3A_2399, %mul3A_2400 : i32
      %jit3A_2402 = arith.constant 128 : i32
      %div3A_2403 = arith.divsi %mul3A_2401, %jit3A_2402 : i32
      %sign3A_2404 = arith.constant 0 : i32
      %sign3A_2405 = arith.cmpi sgt, %mul3A_2401, %sign3A_2404 : i32
      %sign3A_2406 = arith.extui %sign3A_2405 : i1 to i32
      %sign3A_2407 = arith.constant 0 : i32
      %sign3A_2408 = arith.cmpi slt, %mul3A_2401, %sign3A_2407 : i32
      %sign3A_2409 = arith.extui %sign3A_2408 : i1 to i32
      %sign3A_2410 = arith.subi %sign3A_2406, %sign3A_2409 : i32
      %sign3A_2411 = arith.constant 0 : i32
      %sign3A_2412 = arith.cmpi sgt, %jit3A_2402, %sign3A_2411 : i32
      %sign3A_2413 = arith.extui %sign3A_2412 : i1 to i32
      %sign3A_2414 = arith.constant 0 : i32
      %sign3A_2415 = arith.cmpi slt, %jit3A_2402, %sign3A_2414 : i32
      %sign3A_2416 = arith.extui %sign3A_2415 : i1 to i32
      %sign3A_2417 = arith.subi %sign3A_2413, %sign3A_2416 : i32
      %ne3A_2418 = arith.cmpi ne, %sign3A_2410, %sign3A_2417 : i32
      %rem3A_2419 = arith.remsi %mul3A_2401, %jit3A_2402 : i32
      %ne3A_2420 = arith.constant 0 : i32
      %ne3A_2421 = arith.cmpi ne, %rem3A_2419, %ne3A_2420 : i32
      %and3A_2422 = arith.andi %ne3A_2418, %ne3A_2421 : i1
      %sub3A_2423 = arith.constant 1 : i32
      %sub3A_2424 = arith.subi %div3A_2403, %sub3A_2423 : i32
      %select_n3A_2425 = arith.select %and3A_2422, %sub3A_2424, %div3A_2403 : i32
      %mul3A_2426 = arith.constant 512 : i32
      %mul3A_2427 = arith.muli %select_n3A_2425, %mul3A_2426 : i32
      %rem3A_2428 = arith.constant 128 : i32
      %rem3A_2429 = arith.remsi %mul3A_2401, %rem3A_2428 : i32
      %add3A_2430 = arith.addi %mul3A_2427, %rem3A_2429 : i32
      %add3A_2431 = arith.constant 0 : i32
      %add3A_2432 = arith.addi %add3A_2430, %add3A_2431 : i32
      %mul3A_2433 = arith.constant 1024 : i32
      %mul3A_2434 = arith.muli %add3A_2432, %mul3A_2433 : i32
      %add3A_2435 = arith.constant 128 : i32
      %add3A_2436 = arith.addi %add3A_2430, %add3A_2435 : i32
      %mul3A_2437 = arith.constant 1024 : i32
      %mul3A_2438 = arith.muli %add3A_2436, %mul3A_2437 : i32
      %add3A_2439 = arith.constant 256 : i32
      %add3A_2440 = arith.addi %add3A_2430, %add3A_2439 : i32
      %mul3A_2441 = arith.constant 1024 : i32
      %mul3A_2442 = arith.muli %add3A_2440, %mul3A_2441 : i32
      %add3A_2443 = arith.constant 384 : i32
      %add3A_2444 = arith.addi %add3A_2430, %add3A_2443 : i32
      %mul3A_2445 = arith.constant 1024 : i32
      %mul3A_2446 = arith.muli %add3A_2444, %mul3A_2445 : i32
      %dma_start3A_2447 = arith.constant 0 : i32
      %dma_start3A_2448 = tpu.memref_slice %arg9[%dma_start3A_2447] : memref<8192xf32, #tpu.memory_space<vmem>> -> memref<2048xf32, #tpu.memory_space<vmem>>
      %dma_start3A_2449 = tpu.memref_slice %arg4[%mul3A_2434] : memref<26214400xf32, #tpu.memory_space<hbm>> -> memref<2048xf32, #tpu.memory_space<hbm>>
      %dma_start3A_2450 = tpu.memref_slice %arg4[%mul3A_2434] : memref<26214400xf32, #tpu.memory_space<hbm>> -> memref<2048xf32, #tpu.memory_space<hbm>>
      %dma_start3A_2451 = arith.constant 0 : i32
      %dma_start3A_2452 = tpu.memref_slice %arg9[%dma_start3A_2451] : memref<8192xf32, #tpu.memory_space<vmem>> -> memref<2048xf32, #tpu.memory_space<vmem>>
      tpu.enqueue_dma source(%dma_start3A_2452 : memref<2048xf32, #tpu.memory_space<vmem>>) target(%dma_start3A_2450 : memref<2048xf32, #tpu.memory_space<hbm>>) target_semaphore(%arg13 : memref<!tpu.dma_semaphore, #tpu.memory_space<semaphore_mem>>)
      %dma_start3A_2453 = arith.constant 2048 : i32
      %dma_start3A_2454 = tpu.memref_slice %arg9[%dma_start3A_2453] : memref<8192xf32, #tpu.memory_space<vmem>> -> memref<2048xf32, #tpu.memory_space<vmem>>
      %dma_start3A_2455 = tpu.memref_slice %arg4[%mul3A_2438] : memref<26214400xf32, #tpu.memory_space<hbm>> -> memref<2048xf32, #tpu.memory_space<hbm>>
      %dma_start3A_2456 = tpu.memref_slice %arg4[%mul3A_2438] : memref<26214400xf32, #tpu.memory_space<hbm>> -> memref<2048xf32, #tpu.memory_space<hbm>>
      %dma_start3A_2457 = arith.constant 2048 : i32
      %dma_start3A_2458 = tpu.memref_slice %arg9[%dma_start3A_2457] : memref<8192xf32, #tpu.memory_space<vmem>> -> memref<2048xf32, #tpu.memory_space<vmem>>
      tpu.enqueue_dma source(%dma_start3A_2458 : memref<2048xf32, #tpu.memory_space<vmem>>) target(%dma_start3A_2456 : memref<2048xf32, #tpu.memory_space<hbm>>) target_semaphore(%arg13 : memref<!tpu.dma_semaphore, #tpu.memory_space<semaphore_mem>>)
      %dma_start3A_2459 = arith.constant 4096 : i32
      %dma_start3A_2460 = tpu.memref_slice %arg9[%dma_start3A_2459] : memref<8192xf32, #tpu.memory_space<vmem>> -> memref<2048xf32, #tpu.memory_space<vmem>>
      %dma_start3A_2461 = tpu.memref_slice %arg4[%mul3A_2442] : memref<26214400xf32, #tpu.memory_space<hbm>> -> memref<2048xf32, #tpu.memory_space<hbm>>
      %dma_start3A_2462 = tpu.memref_slice %arg4[%mul3A_2442] : memref<26214400xf32, #tpu.memory_space<hbm>> -> memref<2048xf32, #tpu.memory_space<hbm>>
      %dma_start3A_2463 = arith.constant 4096 : i32
      %dma_start3A_2464 = tpu.memref_slice %arg9[%dma_start3A_2463] : memref<8192xf32, #tpu.memory_space<vmem>> -> memref<2048xf32, #tpu.memory_space<vmem>>
      tpu.enqueue_dma source(%dma_start3A_2464 : memref<2048xf32, #tpu.memory_space<vmem>>) target(%dma_start3A_2462 : memref<2048xf32, #tpu.memory_space<hbm>>) target_semaphore(%arg13 : memref<!tpu.dma_semaphore, #tpu.memory_space<semaphore_mem>>)
      %dma_start3A_2465 = arith.constant 6144 : i32
      %dma_start3A_2466 = tpu.memref_slice %arg9[%dma_start3A_2465] : memref<8192xf32, #tpu.memory_space<vmem>> -> memref<2048xf32, #tpu.memory_space<vmem>>
      %dma_start3A_2467 = tpu.memref_slice %arg4[%mul3A_2446] : memref<26214400xf32, #tpu.memory_space<hbm>> -> memref<2048xf32, #tpu.memory_space<hbm>>
      %dma_start3A_2468 = tpu.memref_slice %arg4[%mul3A_2446] : memref<26214400xf32, #tpu.memory_space<hbm>> -> memref<2048xf32, #tpu.memory_space<hbm>>
      %dma_start3A_2469 = arith.constant 6144 : i32
      %dma_start3A_2470 = tpu.memref_slice %arg9[%dma_start3A_2469] : memref<8192xf32, #tpu.memory_space<vmem>> -> memref<2048xf32, #tpu.memory_space<vmem>>
      tpu.enqueue_dma source(%dma_start3A_2470 : memref<2048xf32, #tpu.memory_space<vmem>>) target(%dma_start3A_2468 : memref<2048xf32, #tpu.memory_space<hbm>>) target_semaphore(%arg13 : memref<!tpu.dma_semaphore, #tpu.memory_space<semaphore_mem>>)
      %add3A_2471 = arith.addi %mul3A_2, %mul3A_2264 : i32
      %mul3A_2472 = arith.constant 2 : i32
      %mul3A_2473 = arith.muli %add3A_2471, %mul3A_2472 : i32
      %jit3A_2474 = arith.constant 128 : i32
      %div3A_2475 = arith.divsi %mul3A_2473, %jit3A_2474 : i32
      %sign3A_2476 = arith.constant 0 : i32
      %sign3A_2477 = arith.cmpi sgt, %mul3A_2473, %sign3A_2476 : i32
      %sign3A_2478 = arith.extui %sign3A_2477 : i1 to i32
      %sign3A_2479 = arith.constant 0 : i32
      %sign3A_2480 = arith.cmpi slt, %mul3A_2473, %sign3A_2479 : i32
      %sign3A_2481 = arith.extui %sign3A_2480 : i1 to i32
      %sign3A_2482 = arith.subi %sign3A_2478, %sign3A_2481 : i32
      %sign3A_2483 = arith.constant 0 : i32
      %sign3A_2484 = arith.cmpi sgt, %jit3A_2474, %sign3A_2483 : i32
      %sign3A_2485 = arith.extui %sign3A_2484 : i1 to i32
      %sign3A_2486 = arith.constant 0 : i32
      %sign3A_2487 = arith.cmpi slt, %jit3A_2474, %sign3A_2486 : i32
      %sign3A_2488 = arith.extui %sign3A_2487 : i1 to i32
      %sign3A_2489 = arith.subi %sign3A_2485, %sign3A_2488 : i32
      %ne3A_2490 = arith.cmpi ne, %sign3A_2482, %sign3A_2489 : i32
      %rem3A_2491 = arith.remsi %mul3A_2473, %jit3A_2474 : i32
      %ne3A_2492 = arith.constant 0 : i32
      %ne3A_2493 = arith.cmpi ne, %rem3A_2491, %ne3A_2492 : i32
      %and3A_2494 = arith.andi %ne3A_2490, %ne3A_2493 : i1
      %sub3A_2495 = arith.constant 1 : i32
      %sub3A_2496 = arith.subi %div3A_2475, %sub3A_2495 : i32
      %select_n3A_2497 = arith.select %and3A_2494, %sub3A_2496, %div3A_2475 : i32
      %mul3A_2498 = arith.constant 512 : i32
      %mul3A_2499 = arith.muli %select_n3A_2497, %mul3A_2498 : i32
      %rem3A_2500 = arith.constant 128 : i32
      %rem3A_2501 = arith.remsi %mul3A_2473, %rem3A_2500 : i32
      %add3A_2502 = arith.addi %mul3A_2499, %rem3A_2501 : i32
      %add3A_2503 = arith.constant 0 : i32
      %add3A_2504 = arith.addi %add3A_2502, %add3A_2503 : i32
      %mul3A_2505 = arith.constant 1024 : i32
      %mul3A_2506 = arith.muli %add3A_2504, %mul3A_2505 : i32
      %add3A_2507 = arith.constant 128 : i32
      %add3A_2508 = arith.addi %add3A_2502, %add3A_2507 : i32
      %mul3A_2509 = arith.constant 1024 : i32
      %mul3A_2510 = arith.muli %add3A_2508, %mul3A_2509 : i32
      %add3A_2511 = arith.constant 256 : i32
      %add3A_2512 = arith.addi %add3A_2502, %add3A_2511 : i32
      %mul3A_2513 = arith.constant 1024 : i32
      %mul3A_2514 = arith.muli %add3A_2512, %mul3A_2513 : i32
      %add3A_2515 = arith.constant 384 : i32
      %add3A_2516 = arith.addi %add3A_2502, %add3A_2515 : i32
      %mul3A_2517 = arith.constant 1024 : i32
      %mul3A_2518 = arith.muli %add3A_2516, %mul3A_2517 : i32
      %add3A_2519 = arith.constant 1 : i32
      %add3A_2520 = arith.addi %mul3A_2264, %add3A_2519 : i32
      %add3A_2521 = arith.addi %mul3A_2, %add3A_2520 : i32
      %mul3A_2522 = arith.constant 2 : i32
      %mul3A_2523 = arith.muli %add3A_2521, %mul3A_2522 : i32
      %jit3A_2524 = arith.constant 128 : i32
      %div3A_2525 = arith.divsi %mul3A_2523, %jit3A_2524 : i32
      %sign3A_2526 = arith.constant 0 : i32
      %sign3A_2527 = arith.cmpi sgt, %mul3A_2523, %sign3A_2526 : i32
      %sign3A_2528 = arith.extui %sign3A_2527 : i1 to i32
      %sign3A_2529 = arith.constant 0 : i32
      %sign3A_2530 = arith.cmpi slt, %mul3A_2523, %sign3A_2529 : i32
      %sign3A_2531 = arith.extui %sign3A_2530 : i1 to i32
      %sign3A_2532 = arith.subi %sign3A_2528, %sign3A_2531 : i32
      %sign3A_2533 = arith.constant 0 : i32
      %sign3A_2534 = arith.cmpi sgt, %jit3A_2524, %sign3A_2533 : i32
      %sign3A_2535 = arith.extui %sign3A_2534 : i1 to i32
      %sign3A_2536 = arith.constant 0 : i32
      %sign3A_2537 = arith.cmpi slt, %jit3A_2524, %sign3A_2536 : i32
      %sign3A_2538 = arith.extui %sign3A_2537 : i1 to i32
      %sign3A_2539 = arith.subi %sign3A_2535, %sign3A_2538 : i32
      %ne3A_2540 = arith.cmpi ne, %sign3A_2532, %sign3A_2539 : i32
      %rem3A_2541 = arith.remsi %mul3A_2523, %jit3A_2524 : i32
      %ne3A_2542 = arith.constant 0 : i32
      %ne3A_2543 = arith.cmpi ne, %rem3A_2541, %ne3A_2542 : i32
      %and3A_2544 = arith.andi %ne3A_2540, %ne3A_2543 : i1
      %sub3A_2545 = arith.constant 1 : i32
      %sub3A_2546 = arith.subi %div3A_2525, %sub3A_2545 : i32
      %select_n3A_2547 = arith.select %and3A_2544, %sub3A_2546, %div3A_2525 : i32
      %mul3A_2548 = arith.constant 512 : i32
      %mul3A_2549 = arith.muli %select_n3A_2547, %mul3A_2548 : i32
      %rem3A_2550 = arith.constant 128 : i32
      %rem3A_2551 = arith.remsi %mul3A_2523, %rem3A_2550 : i32
      %add3A_2552 = arith.addi %mul3A_2549, %rem3A_2551 : i32
      %add3A_2553 = arith.constant 0 : i32
      %add3A_2554 = arith.addi %add3A_2552, %add3A_2553 : i32
      %mul3A_2555 = arith.constant 1024 : i32
      %mul3A_2556 = arith.muli %add3A_2554, %mul3A_2555 : i32
      %add3A_2557 = arith.constant 128 : i32
      %add3A_2558 = arith.addi %add3A_2552, %add3A_2557 : i32
      %mul3A_2559 = arith.constant 1024 : i32
      %mul3A_2560 = arith.muli %add3A_2558, %mul3A_2559 : i32
      %add3A_2561 = arith.constant 256 : i32
      %add3A_2562 = arith.addi %add3A_2552, %add3A_2561 : i32
      %mul3A_2563 = arith.constant 1024 : i32
      %mul3A_2564 = arith.muli %add3A_2562, %mul3A_2563 : i32
      %add3A_2565 = arith.constant 384 : i32
      %add3A_2566 = arith.addi %add3A_2552, %add3A_2565 : i32
      %mul3A_2567 = arith.constant 1024 : i32
      %mul3A_2568 = arith.muli %add3A_2566, %mul3A_2567 : i32
      %dma_wait3A_2569 = arith.constant 0 : i32
      %dma_wait3A_2570 = tpu.memref_slice %arg8[%dma_wait3A_2569] : memref<8192xf32, #tpu.memory_space<vmem>> -> memref<2048xf32, #tpu.memory_space<vmem>>
      %dma_wait3A_2571 = tpu.memref_slice %arg4[%mul3A_2506] : memref<26214400xf32, #tpu.memory_space<hbm>> -> memref<2048xf32, #tpu.memory_space<hbm>>
      %dma_wait3A_2572 = tpu.memref_slice %arg4[%mul3A_2506] : memref<26214400xf32, #tpu.memory_space<hbm>> -> memref<2048xf32, #tpu.memory_space<hbm>>
      %dma_wait3A_2573 = arith.constant 0 : i32
      %dma_wait3A_2574 = tpu.memref_slice %arg8[%dma_wait3A_2573] : memref<8192xf32, #tpu.memory_space<vmem>> -> memref<2048xf32, #tpu.memory_space<vmem>>
      tpu.wait_dma2 semaphore(%arg12 : memref<!tpu.dma_semaphore, #tpu.memory_space<semaphore_mem>>) src(%dma_wait3A_2574 : memref<2048xf32, #tpu.memory_space<vmem>>) dst(%dma_wait3A_2572 : memref<2048xf32, #tpu.memory_space<hbm>>)
      %dma_wait3A_2575 = arith.constant 2048 : i32
      %dma_wait3A_2576 = tpu.memref_slice %arg8[%dma_wait3A_2575] : memref<8192xf32, #tpu.memory_space<vmem>> -> memref<2048xf32, #tpu.memory_space<vmem>>
      %dma_wait3A_2577 = tpu.memref_slice %arg4[%mul3A_2510] : memref<26214400xf32, #tpu.memory_space<hbm>> -> memref<2048xf32, #tpu.memory_space<hbm>>
      %dma_wait3A_2578 = tpu.memref_slice %arg4[%mul3A_2510] : memref<26214400xf32, #tpu.memory_space<hbm>> -> memref<2048xf32, #tpu.memory_space<hbm>>
      %dma_wait3A_2579 = arith.constant 2048 : i32
      %dma_wait3A_2580 = tpu.memref_slice %arg8[%dma_wait3A_2579] : memref<8192xf32, #tpu.memory_space<vmem>> -> memref<2048xf32, #tpu.memory_space<vmem>>
      tpu.wait_dma2 semaphore(%arg12 : memref<!tpu.dma_semaphore, #tpu.memory_space<semaphore_mem>>) src(%dma_wait3A_2580 : memref<2048xf32, #tpu.memory_space<vmem>>) dst(%dma_wait3A_2578 : memref<2048xf32, #tpu.memory_space<hbm>>)
      %dma_wait3A_2581 = arith.constant 4096 : i32
      %dma_wait3A_2582 = tpu.memref_slice %arg8[%dma_wait3A_2581] : memref<8192xf32, #tpu.memory_space<vmem>> -> memref<2048xf32, #tpu.memory_space<vmem>>
      %dma_wait3A_2583 = tpu.memref_slice %arg4[%mul3A_2514] : memref<26214400xf32, #tpu.memory_space<hbm>> -> memref<2048xf32, #tpu.memory_space<hbm>>
      %dma_wait3A_2584 = tpu.memref_slice %arg4[%mul3A_2514] : memref<26214400xf32, #tpu.memory_space<hbm>> -> memref<2048xf32, #tpu.memory_space<hbm>>
      %dma_wait3A_2585 = arith.constant 4096 : i32
      %dma_wait3A_2586 = tpu.memref_slice %arg8[%dma_wait3A_2585] : memref<8192xf32, #tpu.memory_space<vmem>> -> memref<2048xf32, #tpu.memory_space<vmem>>
      tpu.wait_dma2 semaphore(%arg12 : memref<!tpu.dma_semaphore, #tpu.memory_space<semaphore_mem>>) src(%dma_wait3A_2586 : memref<2048xf32, #tpu.memory_space<vmem>>) dst(%dma_wait3A_2584 : memref<2048xf32, #tpu.memory_space<hbm>>)
      %dma_wait3A_2587 = arith.constant 6144 : i32
      %dma_wait3A_2588 = tpu.memref_slice %arg8[%dma_wait3A_2587] : memref<8192xf32, #tpu.memory_space<vmem>> -> memref<2048xf32, #tpu.memory_space<vmem>>
      %dma_wait3A_2589 = tpu.memref_slice %arg4[%mul3A_2518] : memref<26214400xf32, #tpu.memory_space<hbm>> -> memref<2048xf32, #tpu.memory_space<hbm>>
      %dma_wait3A_2590 = tpu.memref_slice %arg4[%mul3A_2518] : memref<26214400xf32, #tpu.memory_space<hbm>> -> memref<2048xf32, #tpu.memory_space<hbm>>
      %dma_wait3A_2591 = arith.constant 6144 : i32
      %dma_wait3A_2592 = tpu.memref_slice %arg8[%dma_wait3A_2591] : memref<8192xf32, #tpu.memory_space<vmem>> -> memref<2048xf32, #tpu.memory_space<vmem>>
      tpu.wait_dma2 semaphore(%arg12 : memref<!tpu.dma_semaphore, #tpu.memory_space<semaphore_mem>>) src(%dma_wait3A_2592 : memref<2048xf32, #tpu.memory_space<vmem>>) dst(%dma_wait3A_2590 : memref<2048xf32, #tpu.memory_space<hbm>>)
      %dma_wait3A_2593 = arith.constant 0 : i32
      %dma_wait3A_2594 = tpu.memref_slice %arg9[%dma_wait3A_2593] : memref<8192xf32, #tpu.memory_space<vmem>> -> memref<2048xf32, #tpu.memory_space<vmem>>
      %dma_wait3A_2595 = tpu.memref_slice %arg4[%mul3A_2556] : memref<26214400xf32, #tpu.memory_space<hbm>> -> memref<2048xf32, #tpu.memory_space<hbm>>
      %dma_wait3A_2596 = tpu.memref_slice %arg4[%mul3A_2556] : memref<26214400xf32, #tpu.memory_space<hbm>> -> memref<2048xf32, #tpu.memory_space<hbm>>
      %dma_wait3A_2597 = arith.constant 0 : i32
      %dma_wait3A_2598 = tpu.memref_slice %arg9[%dma_wait3A_2597] : memref<8192xf32, #tpu.memory_space<vmem>> -> memref<2048xf32, #tpu.memory_space<vmem>>
      tpu.wait_dma2 semaphore(%arg13 : memref<!tpu.dma_semaphore, #tpu.memory_space<semaphore_mem>>) src(%dma_wait3A_2598 : memref<2048xf32, #tpu.memory_space<vmem>>) dst(%dma_wait3A_2596 : memref<2048xf32, #tpu.memory_space<hbm>>)
      %dma_wait3A_2599 = arith.constant 2048 : i32
      %dma_wait3A_2600 = tpu.memref_slice %arg9[%dma_wait3A_2599] : memref<8192xf32, #tpu.memory_space<vmem>> -> memref<2048xf32, #tpu.memory_space<vmem>>
      %dma_wait3A_2601 = tpu.memref_slice %arg4[%mul3A_2560] : memref<26214400xf32, #tpu.memory_space<hbm>> -> memref<2048xf32, #tpu.memory_space<hbm>>
      %dma_wait3A_2602 = tpu.memref_slice %arg4[%mul3A_2560] : memref<26214400xf32, #tpu.memory_space<hbm>> -> memref<2048xf32, #tpu.memory_space<hbm>>
      %dma_wait3A_2603 = arith.constant 2048 : i32
      %dma_wait3A_2604 = tpu.memref_slice %arg9[%dma_wait3A_2603] : memref<8192xf32, #tpu.memory_space<vmem>> -> memref<2048xf32, #tpu.memory_space<vmem>>
      tpu.wait_dma2 semaphore(%arg13 : memref<!tpu.dma_semaphore, #tpu.memory_space<semaphore_mem>>) src(%dma_wait3A_2604 : memref<2048xf32, #tpu.memory_space<vmem>>) dst(%dma_wait3A_2602 : memref<2048xf32, #tpu.memory_space<hbm>>)
      %dma_wait3A_2605 = arith.constant 4096 : i32
      %dma_wait3A_2606 = tpu.memref_slice %arg9[%dma_wait3A_2605] : memref<8192xf32, #tpu.memory_space<vmem>> -> memref<2048xf32, #tpu.memory_space<vmem>>
      %dma_wait3A_2607 = tpu.memref_slice %arg4[%mul3A_2564] : memref<26214400xf32, #tpu.memory_space<hbm>> -> memref<2048xf32, #tpu.memory_space<hbm>>
      %dma_wait3A_2608 = tpu.memref_slice %arg4[%mul3A_2564] : memref<26214400xf32, #tpu.memory_space<hbm>> -> memref<2048xf32, #tpu.memory_space<hbm>>
      %dma_wait3A_2609 = arith.constant 4096 : i32
      %dma_wait3A_2610 = tpu.memref_slice %arg9[%dma_wait3A_2609] : memref<8192xf32, #tpu.memory_space<vmem>> -> memref<2048xf32, #tpu.memory_space<vmem>>
      tpu.wait_dma2 semaphore(%arg13 : memref<!tpu.dma_semaphore, #tpu.memory_space<semaphore_mem>>) src(%dma_wait3A_2610 : memref<2048xf32, #tpu.memory_space<vmem>>) dst(%dma_wait3A_2608 : memref<2048xf32, #tpu.memory_space<hbm>>)
      %dma_wait3A_2611 = arith.constant 6144 : i32
      %dma_wait3A_2612 = tpu.memref_slice %arg9[%dma_wait3A_2611] : memref<8192xf32, #tpu.memory_space<vmem>> -> memref<2048xf32, #tpu.memory_space<vmem>>
      %dma_wait3A_2613 = tpu.memref_slice %arg4[%mul3A_2568] : memref<26214400xf32, #tpu.memory_space<hbm>> -> memref<2048xf32, #tpu.memory_space<hbm>>
      %dma_wait3A_2614 = tpu.memref_slice %arg4[%mul3A_2568] : memref<26214400xf32, #tpu.memory_space<hbm>> -> memref<2048xf32, #tpu.memory_space<hbm>>
      %dma_wait3A_2615 = arith.constant 6144 : i32
      %dma_wait3A_2616 = tpu.memref_slice %arg9[%dma_wait3A_2615] : memref<8192xf32, #tpu.memory_space<vmem>> -> memref<2048xf32, #tpu.memory_space<vmem>>
      tpu.wait_dma2 semaphore(%arg13 : memref<!tpu.dma_semaphore, #tpu.memory_space<semaphore_mem>>) src(%dma_wait3A_2616 : memref<2048xf32, #tpu.memory_space<vmem>>) dst(%dma_wait3A_2614 : memref<2048xf32, #tpu.memory_space<hbm>>)
      %scan3A_2617 = arith.constant 0 : i32
      scf.yield %scan3A_2617 : i32
    }
    %scan3A_2251 = arith.constant 50 : i32
    %dma_wait3A = arith.constant 0 : i32
    %dma_wait3A_2252 = tpu.memref_slice %arg5[%dma_wait3A] : memref<25600xi32, #tpu.memory_space<vmem>> -> memref<256xi32, #tpu.memory_space<vmem>>
    %dma_wait3A_2253 = arith.constant 0 : i32
    %dma_wait3A_2254 = arith.constant 0 : i32
    %dma_wait3A_2255 = tpu.memref_slice %arg3[%dma_wait3A_2253, %dma_wait3A_2254] : memref<1000000x32xf32, #tpu.memory_space<hbm>> -> memref<1000000x32xf32, #tpu.memory_space<hbm>>
    tpu.wait_indirect_dma semaphore(%arg10 : memref<!tpu.dma_semaphore, #tpu.memory_space<semaphore_mem>>) src(%dma_wait3A_2255 : memref<1000000x32xf32, #tpu.memory_space<hbm>>) dst(%arg6 : memref<256x32xf32, #tpu.memory_space<vmem>>)
    %dma_wait3A_2256 = arith.constant 256 : i32
    %dma_wait3A_2257 = tpu.memref_slice %arg5[%dma_wait3A_2256] : memref<25600xi32, #tpu.memory_space<vmem>> -> memref<256xi32, #tpu.memory_space<vmem>>
    %dma_wait3A_2258 = arith.constant 0 : i32
    %dma_wait3A_2259 = arith.constant 0 : i32
    %dma_wait3A_2260 = tpu.memref_slice %arg3[%dma_wait3A_2258, %dma_wait3A_2259] : memref<1000000x32xf32, #tpu.memory_space<hbm>> -> memref<1000000x32xf32, #tpu.memory_space<hbm>>
    tpu.wait_indirect_dma semaphore(%arg11 : memref<!tpu.dma_semaphore, #tpu.memory_space<semaphore_mem>>) src(%dma_wait3A_2260 : memref<1000000x32xf32, #tpu.memory_space<hbm>>) dst(%arg7 : memref<256x32xf32, #tpu.memory_space<vmem>>)
    return
  }
}

</mosaic_0001>

<sc_bundles>
// kernel: kernel.3.cloned.1.call-start
scs
__scs_entry_jumppad:
0x0: {  	(pc) =	sbr.rel $0x88, $3  }
0x1: {  	(tag) =	ssettag $0x0;
	lr =	simm.s32 $0x1  }
0x2: {  	[smem:$0x3F9F] =	sst lr;
	_ =	strace $0xD0000000  }
0x3: {  	_ = 	snop  }
0x4: {  	_ = 	snop  }
0x5: {  	_ = 	snop  }
0x6: {  	_ = 	snop  }
0x7: {  	_ = 	snop  }
__scs_overlays_trampoline_lowered:
0x8: {  	[smem:$0x3FAE] =	sst s0  }
0x9: {  	[smem:$0x3FAF] =	sst s1  }
0xa: {  	[smem:$0x3FB0] =	sst s2  }
0xb: {  	[smem:$0x3FB1] =	sst s3  }
0xc: {  	[smem:$0x3FB2] =	sst s4  }
0xd: {  	[smem:$0x3FB3] =	sst s5  }
0xe: {  	[smem:$0x3FB4] =	sst s6  }
0xf: {  	[smem:$0x3FB5] =	sst s7  }
0x10: {  	[smem:$0x3FB6] =	sst s8  }
0x11: {  	[smem:$0x3FB7] =	sst s9;
	s0 =	simm.s32 @!p0 $0x0  }
0x12: {  	s1 =	sld [smem:$0x3F9D];
	s0 =	simm.s32 @p0 $0x1  }
0x13: {  	[smem:$0x3FB8] =	sst s0;
	s0 =	simm.s32 @!p1 $0x0  }
0x14: {  	s2 =	sld [smem:$0x3F9C];
	s0 =	simm.s32 @p1 $0x1  }
0x15: {  	[smem:$0x3FB9] =	sst s0;
	s0 =	simm.s32 @!p2 $0x0  }
0x16: {  	s3 =	sld [smem:$0x3FDB];
	s0 =	simm.s32 @p2 $0x1  }
0x17: {  	s4 =	simm.s32 $0x1BF5;
	[smem:$0x3FBB] =	sst s0  }
0x18: {  	s0 =	sld [smem:$0x3F9E];
	_ =	swait.ge [sflag:s4], $0x0  }
0x19: {  	s7 =	sld [smem:$0x3F9F]  }
0x1a: {  	s8 =	sadd.s32 $0xFFFFE003, lr  }
0x1b: {  	s9 =	sadd.s32 $0xFFFFFEF7, lr;
	s5 =	simm.s32 $0xFFFFFFFF;
	p2 =	slt.u32 s8, $0xFFFFF086  }
0x1c: {  	p1 =	slt.u32 s9, $0xF7A;
	s5 =	simm.s32 @!p2 $0x0  }
0x1d: {  	s5 =	simm.s32 @p1 $0x1;
	p0 =	seq.s32 s7, s2  }
0x1e: {  	s7 =	smul.u32 @!p0 $0xF7A, s2;
	p2 =	seq.s32 @!p0 s5, $0x0  }
0x1f: {  	s9 =	smul.u32 $0xF7A, s1;
	s8 =	simm.s32 @!p0 $0x1BF5;
	p2 =	por !p2, p0  }
0x20: {  	[sflag:s8] =	ssyncset.s32 @!p0 $0xFFFFF086;
	s6 =	sadd.s32 @!p0 s3, s7;
	s7 =	simm.s32 @!p0 $0x108  }
0x21: {  	s3 =	sadd.s32 s3, s9;
	s6 =	sadd.s32 @!p0 $0x88, s6;
	s7 =	simm.s32 @p2 $0x1082  }
0x22: {  	[simem:s7], [sflag:s8] =	dma.local @!p0 [hbm:s6], $0xF7A  }
0x23: {  	s9 =	sor.u32 $0xD0000000, s2;
	s6 =	simm.s32 $0x108;
	_ =	swait.ge @!p0 [sflag:s8], $0x0  }
0x24: {  	s3 =	sadd.s32 $0x88, s3;
	s6 =	simm.s32 @!p1 $0x1082;
	[sflag:s4] =	ssyncset.s32 $0xFFFFF086  }
0x25: {  	[simem:s6], [sflag:s4] =	dma.local [hbm:s3], $0xF7A  }
0x26: {  	[smem:$0x3F9F] =	sst s1;
	(tag) =	ssettag s2;
	_ =	strace s9  }
0x27: {  	s1 =	sld [smem:$0x3FAF]  }
0x28: {  	s2 =	sld [smem:$0x3FB0]  }
0x29: {  	s4 =	sld [smem:$0x3FB2]  }
0x2a: {  	p0 =	seq.s32 s5, $0x0;
	s5 =	sld [smem:$0x3FB3]  }
0x2b: {  	s6 =	sld [smem:$0x3FB4]  }
0x2c: {  	s7 =	sld [smem:$0x3FB5]  }
0x2d: {  	s3 =	simm.s32 $0x108;
	s8 =	sld [smem:$0x3FB6]  }
0x2e: {  	s3 =	simm.s32 @!p0 $0x1082;
	s9 =	sld [smem:$0x3FB7]  }
0x2f: {  	lr =	sadd.s32 s0, s3;
	s0 =	sld [smem:$0x3FAE]  }
0x30: {  	s3 =	sld [smem:$0x3FB1]  }
0x31: {  	[smem:$0x3FBA] =	sst s10  }
0x32: {  	s10 =	sld [smem:$0x3FB8];
	_ =	sdelay $0x3  }
0x33: {  	p0 =	seq.s32 s10, $0x1;
	s10 =	sld [smem:$0x3FBA];
	_ =	sdelay $0x3  }
0x34: {  	[smem:$0x3FBA] =	sst s10  }
0x35: {  	s10 =	sld [smem:$0x3FB9];
	_ =	sdelay $0x3  }
0x36: {  	p1 =	seq.s32 s10, $0x1;
	s10 =	sld [smem:$0x3FBA];
	_ =	sdelay $0x3  }
0x37: {  	[smem:$0x3FBA] =	sst s10  }
0x38: {  	s10 =	sld [smem:$0x3FBB]  }
0x39: {  	_ = 	snop;
	(pc) =	sbr.ind lr, $3  }
0x3a: {  	_ = 	snop  }
0x3b: {  	_ = 	snop  }
0x3c: {  	p2 =	seq.s32 s10, $0x1;
	s10 =	sld [smem:$0x3FBA]  }
0x3d: {  	_ =	shalt  }
0x3e: {  	_ =	shalt  }
0x3f: {  	_ =	shalt  }
0x40: {  	_ =	shalt  }
0x41: {  	_ =	shalt  }
0x42: {  	_ =	shalt  }
0x43: {  	_ =	shalt  }
0x44: {  	_ =	shalt  }
0x45: {  	_ =	shalt  }
0x46: {  	_ =	shalt  }
0x47: {  	_ =	shalt  }
0x48: {  	_ =	shalt  }
0x49: {  	_ =	shalt  }
0x4a: {  	_ =	shalt  }
0x4b: {  	_ =	shalt  }
0x4c: {  	_ =	shalt  }
0x4d: {  	_ =	shalt  }
0x4e: {  	_ =	shalt  }
0x4f: {  	_ =	shalt  }
0x50: {  	_ =	shalt  }
0x51: {  	_ =	shalt  }
0x52: {  	_ =	shalt  }
0x53: {  	_ =	shalt  }
0x54: {  	_ =	shalt  }
0x55: {  	_ =	shalt  }
0x56: {  	_ =	shalt  }
0x57: {  	_ =	shalt  }
0x58: {  	_ =	shalt  }
0x59: {  	_ =	shalt  }
0x5a: {  	_ =	shalt  }
0x5b: {  	_ =	shalt  }
0x5c: {  	_ =	shalt  }
0x5d: {  	_ =	shalt  }
0x5e: {  	_ =	shalt  }
0x5f: {  	_ =	shalt  }
0x60: {  	_ =	shalt  }
0x61: {  	_ =	shalt  }
0x62: {  	_ =	shalt  }
0x63: {  	_ =	shalt  }
0x64: {  	_ =	shalt  }
0x65: {  	_ =	shalt  }
0x66: {  	_ =	shalt  }
0x67: {  	_ =	shalt  }
0x68: {  	_ =	shalt  }
0x69: {  	_ =	shalt  }
0x6a: {  	_ =	shalt  }
0x6b: {  	_ =	shalt  }
0x6c: {  	_ =	shalt  }
0x6d: {  	_ =	shalt  }
0x6e: {  	_ =	shalt  }
0x6f: {  	_ =	shalt  }
0x70: {  	_ =	shalt  }
0x71: {  	_ =	shalt  }
0x72: {  	_ =	shalt  }
0x73: {  	_ =	shalt  }
0x74: {  	_ =	shalt  }
0x75: {  	_ =	shalt  }
0x76: {  	_ =	shalt  }
0x77: {  	_ =	shalt  }
0x78: {  	_ =	shalt  }
0x79: {  	_ =	shalt  }
0x7a: {  	_ =	shalt  }
0x7b: {  	_ =	shalt  }
0x7c: {  	_ =	shalt  }
0x7d: {  	_ =	shalt  }
0x7e: {  	_ =	shalt  }
0x7f: {  	_ =	shalt  }
0x80: {  	_ =	shalt  }
0x81: {  	_ =	shalt  }
0x82: {  	_ =	shalt  }
0x83: {  	_ =	shalt  }
0x84: {  	_ =	shalt  }
0x85: {  	_ =	shalt  }
0x86: {  	_ =	shalt  }
0x87: {  	_ =	shalt  }
.Lfunc_end0:
.L_simem_size_0:
called_computation_lowered:
.L_overlay_start_0:
0x88: {  	s2 =	sld [smem:$0x3FD9]  }
0x89: {  	s3 =	sld [smem:$0x3FFE];
	_ =	sdelay $0x1  }
0x8a: {  	s1 =	srdreg.scid  }
0x8b: {  	s0 =	sand.u32 $0x1, s1  }
0x8c: {  	s17 =	sshll.u32 s0, $0xA;
	s2 =	sadd.s32 s3, s2  }
0x8d: {  	s2 =	sadd.s32 s2, s17  }
0x8e: {  	[smem:$0x3FC6] =	sst s2  }
0x8f: {  	_ = 	snop  }
0x90: {  	s2 =	sld [smem:$0x3FD0];
	(tm) =	ssettm $0x1  }
0x91: {  	s18 =	sld [smem:$0x3FFB];
	_ =	sdelay $0x3  }
0x92: {  	_ =	strace s18  }
0x93: {  	s3 =	sld [smem:$0x3FFC];
	_ =	sdelay $0x3  }
0x94: {  	_ =	strace s3  }
0x95: {  	s3 =	sld [smem:$0x3FFD];
	_ =	sdelay $0x3  }
0x96: {  	_ =	strace s3  }
0x97: {  	_ =	strace $0x8FFFFFFF  }
0x98: {  	s19 =	sld [smem:$0x3FDB];
	_ =	sdelay $0x1  }
0x99: {  	s4 =	simm.s32 $_scs_section_size  }
0x9a: {  	s5 =	simm.s32 $_size__tile_overlayer_lowered;
	s6 =	simm.s32 $_tile_overlayer_lowered  }
0x9b: {  	s22 =	simm.s32 $0x1BFF;
	s21 =	sshll.u32 s6, $0x1;
	s3 =	sadd.s32 s4, s19  }
0x9c: {  	s7 =	simm.s32 $0x0;
	s20 =	sshll.u32 s5, $0x1;
	s5 =	sadd.s32 s21, s3  }
0x9d: {  	[timem:s7], [sflag:s22] =	dma.local [hbm:s5], s20  }
0x9e: {  	_ =	swait.ge [sflag:s22], s20  }
0x9f: {  	s4 =	ssub.s32 $0x0, s20;
	[sflag:s22] =	ssyncset.done $0x0  }
0xa0: {  	[sflag:s22] =	ssyncadd.s32 s4;
	_ =	sdelay $0x1  }
0xa1: {  	s23 =	simm.s32 $0x1B8B  }
0xa2: {  	_ =	swait.ge [sflag:s23], $0x1  }
0xa3: {  	[sflag:s23] =	ssyncset.done $0x0  }
0xa4: {  	s25 =	simm.s32 $0x1B8E;
	s24 =	sld [smem:$0x3FFE];
	[sflag:s23] =	ssyncadd.s32 $0xFFFFFFFF  }
0xa5: {  	s26 =	simm.s32 $execute0_lowered;
	[smem:$0x3FD2] =	sst s25  }
0xa6: {  	s5 =	sshll.u32 s26, $0x1;
	_ =	strace $0x80000046;
	[dreg:$0x1] =	wrdreg $0xFFFFFFFF  }
0xa7: {  	s28 =	simm.s32 $_size_execute0_lowered;
	s3 =	sadd.s32 s3, s5;
	[dreg:$0x0] =	wrdreg $0x0  }
0xa8: {  	s5 =	sshll.u32 s28, $0x1;
	[dreg:$0x2] =	wrdreg s3  }
0xa9: {  	[dreg:$0x3] =	wrdreg s5  }
0xaa: {  	[dreg:$0x4] =	wrdreg $0xC0  }
0xab: {  	_ =	task [dreg:s7], $0x5FFFF  }
0xac: {  	[dreg:$0x1] =	wrdreg $0xFFFFFFFF  }
0xad: {  	[dreg:$0x0] =	wrdreg $0x60  }
0xae: {  	[dreg:$0x2] =	wrdreg s24  }
0xaf: {  	[dreg:$0x3] =	wrdreg s2  }
0xb0: {  	[dreg:$0x4] =	wrdreg $0x9  }
0xb1: {  	_ =	task.clear_ibuf [dreg:s7], $0x5FFFF;
	_ =	strace $0x90000046  }
0xb2: {  	s29 =	simm.s32 $0x9;
	_ =	strace $0x80000048  }
0xb3: {  	_ =	swait.ge [sflag:s29], $0x1  }
0xb4: {  	[sflag:s29] =	ssyncadd.s32 $0xFFFFFFFF  }
0xb5: {  	_ =	strace $0x90000048  }
0xb6: {  	_ =	sfence  }
0xb7: {  	s30 =	sld [smem:$0x0];
	_ =	sdelay $0x2  }
0xb8: {  	s31 =	sshll.u32 s1, $0xD;
	s1 =	sshrl.u32 s1, $0x2  }
0xb9: {  	s3 =	sand.u32 $0x4000, s31;
	s1 =	sadd.s32 s1, s30  }
0xba: {  	s0 =	sor.u32 s3, s0;
	s1 =	sshll.u32 s1, $0x11  }
0xbb: {  	s0 =	sor.u32 s1, s0  }
0xbc: {  	s0 =	sadd.s32 $0x8F2B, s0  }
0xbd: {  	[sflag:s0] =	ssyncadd.remote.s32 $0x1  }
0xbe: {  	_ =	sfence.sel $0xFFFF  }
0xbf: {  	[dreg:$0x0] =	wrdreg $0xFFFFFFFF;
	(pc) =	sbr.abs _section_cstart, $3  }
0xc0: {  	[dreg:$0x1] =	wrdreg $0xFFFFFFFF  }
0xc1: {  	_ =	task.clear_ibuf [dreg:s7], $0x2FFFF;
	_ =	strace $0x9FFFFFFF  }
0xc2: {  	(tm) =	ssettm $0x7FFFFFFF  }
0xc3: {  	_ =	shalt  }
tec
execute0_lowered:
.L_overlay_start_1:
0x0: {  	(tag) =	ssettag $0x1  }
0x1: {  	v0 =	vimm.s32 $0x60402000  }
0x2: {  	v1 =	vimm.s32 $0xE0C0A080;
	vm5 =	vcmask $0x1F10;
	v12 =	vimm.s32 $0x100  }
0x3: {  	vm9 =	vcmask $0x704;
	vm8 =	vcmask $0xB08;
	vm7 =	vcmask $0xF0C  }
0x4: {  	vm6 =	vcmask $0x1310;
	vm4 =	vcmask $0x1714;
	v3 =	vimm.s32 $0x160  }
0x5: {  	vm3 =	vcmask $0x1B18;
	vm2 =	vcmask $0x1F1C;
	v6 =	vimm.s32 $0x40200000  }
0x6: {  	v7 =	vimm.s32 $0x40200060;
	v8 =	vimm.s32 $0x1C0;
	vm10 =	vcmask $0x300  }
0x7: {  	vm0 =	vcmask $0x1F14;
	v9 =	vimm.s32 $0xC0A080E0;
	vm1 =	vcmask $0x1304  }
0x8: {  	vm11 =	vcmask $0x2314;
	vm12 =	vcmask $0x1708;
	vm13 =	vcmask $0x2718  }
0x9: {  	vm14 =	vcmask $0xF00;
	vm15 =	vcmask $0x1B10;
	v18 =	vimm.s32 $0xB85  }
0xa: {  	v19 =	vimm.s32 $0xB86;
	v20 =	vimm.s32 $0xB87;
	v21 =	vimm.s32 $0xB88  }
0xb: {  	v22 =	vimm.s32 $0xB89;
	v23 =	vimm.s32 $0xB8A;
	v24 =	vimm.s32 $0xB8B  }
0xc: {  	v25 =	vimm.s32 $0xB8C;
	v26 =	vimm.s32 $0xB8D;
	v27 =	vimm.s32 $0xB8E  }
0xd: {  	v28 =	vimm.s32 $0x1B8F;
	v29 =	vimm.s32 $0x1B80;
	v30 =	vimm.s32 $0x1B81  }
0xe: {  	v31 =	vimm.s32 $0x1B82;
	v32 =	vimm.s32 $0x1B83;
	v33 =	vimm.s32 $0x1B84  }
0xf: {  	v34 =	vimm.s32 $0x1B85;
	v35 =	vimm.s32 $0x1B86;
	v36 =	vimm.s32 $0x1B87  }
0x10: {  	v37 =	vimm.s32 $0x1B88;
	v38 =	vimm.s32 $0x1B89;
	v39 =	vimm.s32 $0x1B8A  }
0x11: {  	v40 =	vimm.s32 $0x1B8B;
	v41 =	vimm.s32 $0x1B8C;
	v42 =	vimm.s32 $0x1B8D  }
0x12: {  	v43 =	vimm.s32 $0x1B8E;
	v45 =	vimm.s32 $0xC0A08060;
	v0 =	vunpack.c.0.s8.s32 v0  }
0x13: {  	v1 =	vunpack.c.0.s8.s32 v1;
	v5 =	vsel vm9, $0x180, v3;
	v6 =	vunpack.c.0.s8.s32 v6  }
0x14: {  	v7 =	vunpack.c.0.s8.s32 v7;
	v8 =	vsel vm10, $0x1E0, v8;
	v3 =	vsel vm10, $0x180, v3  }
0x15: {  	v18 =	vsel vm10, $0x6, v18;
	v19 =	vsel vm10, $0x7, v19;
	v20 =	vsel vm10, $0x8, v20  }
0x16: {  	v21 =	vsel vm10, $0x9, v21;
	v22 =	vsel vm10, $0xA, v22;
	v23 =	vsel vm10, $0xB, v23  }
0x17: {  	v24 =	vsel vm10, $0xC, v24;
	v25 =	vsel vm10, $0xD, v25;
	v26 =	vsel vm10, $0xE, v26  }
0x18: {  	v27 =	vsel vm10, $0xF, v27;
	v28 =	vsel vm10, $0x1000, v28;
	v29 =	vsel vm10, $0x1001, v29  }
0x19: {  	v30 =	vsel vm10, $0x1002, v30;
	v31 =	vsel vm10, $0x1003, v31;
	v32 =	vsel vm10, $0x1004, v32  }
0x1a: {  	v33 =	vsel vm10, $0x1005, v33;
	v34 =	vsel vm10, $0x1006, v34;
	v35 =	vsel vm10, $0x1007, v35  }
0x1b: {  	v36 =	vsel vm10, $0x1008, v36;
	v37 =	vsel vm10, $0x1009, v37;
	v38 =	vsel vm10, $0x100A, v38  }
0x1c: {  	v39 =	vsel vm10, $0x100B, v39;
	v40 =	vsel vm10, $0x100C, v40;
	v41 =	vsel vm10, $0x100D, v41  }
0x1d: {  	v42 =	vsel vm10, $0x100E, v42;
	v43 =	vsel vm10, $0x100F, v43;
	v45 =	vunpack.c.0.s8.s32 v45  }
0x1e: {  	v5 =	vsel vm8, $0x1A0, v5;
	v3 =	vsel vm9, $0x1A0, v3;
	v18 =	vsel vm9, $0x87, v18  }
0x1f: {  	v19 =	vsel vm9, $0x88, v19;
	v20 =	vsel vm9, $0x89, v20;
	v21 =	vsel vm9, $0x8A, v21  }
0x20: {  	v22 =	vsel vm9, $0x8B, v22;
	v23 =	vsel vm9, $0x8C, v23;
	v24 =	vsel vm9, $0x8D, v24  }
0x21: {  	v25 =	vsel vm9, $0x8E, v25;
	v26 =	vsel vm9, $0x8F, v26;
	v27 =	vsel vm9, $0x80, v27  }
0x22: {  	v28 =	vsel vm9, $0x1081, v28;
	v29 =	vsel vm9, $0x1082, v29;
	v30 =	vsel vm9, $0x1083, v30  }
0x23: {  	v31 =	vsel vm9, $0x1084, v31;
	v32 =	vsel vm9, $0x1085, v32;
	v33 =	vsel vm9, $0x1086, v33  }
0x24: {  	v34 =	vsel vm9, $0x1087, v34;
	v35 =	vsel vm9, $0x1088, v35;
	v36 =	vsel vm9, $0x1089, v36  }
0x25: {  	v37 =	vsel vm9, $0x108A, v37;
	v38 =	vsel vm9, $0x108B, v38;
	v39 =	vsel vm9, $0x108C, v39  }
0x26: {  	v40 =	vsel vm9, $0x108D, v40;
	v41 =	vsel vm9, $0x108E, v41;
	v42 =	vsel vm9, $0x108F, v42  }
0x27: {  	v43 =	vsel vm9, $0x1080, v43;
	v2 =	vand.u32 $0xFF, v0;
	v10 =	vand.u32 $0xFF, v1  }
0x28: {  	v5 =	vsel vm7, $0x1C0, v5;
	v11 =	vand.u32 $0xFF, v7;
	v7 =	vunpack.c.0.s8.s32 v9  }
0x29: {  	v3 =	vsel vm8, $0x1C0, v3;
	v18 =	vsel vm8, $0x108, v18;
	v19 =	vsel vm8, $0x109, v19  }
0x2a: {  	v20 =	vsel vm8, $0x10A, v20;
	v21 =	vsel vm8, $0x10B, v21;
	v22 =	vsel vm8, $0x10C, v22  }
0x2b: {  	v23 =	vsel vm8, $0x10D, v23;
	v24 =	vsel vm8, $0x10E, v24;
	v25 =	vsel vm8, $0x10F, v25  }
0x2c: {  	v26 =	vsel vm8, $0x100, v26;
	v27 =	vsel vm8, $0x101, v27;
	v28 =	vsel vm8, $0x1102, v28  }
0x2d: {  	v29 =	vsel vm8, $0x1103, v29;
	v30 =	vsel vm8, $0x1104, v30;
	v31 =	vsel vm8, $0x1105, v31  }
0x2e: {  	v32 =	vsel vm8, $0x1106, v32;
	v33 =	vsel vm8, $0x1107, v33;
	v34 =	vsel vm8, $0x1108, v34  }
0x2f: {  	v35 =	vsel vm8, $0x1109, v35;
	v36 =	vsel vm8, $0x110A, v36;
	v37 =	vsel vm8, $0x110B, v37  }
0x30: {  	v38 =	vsel vm8, $0x110C, v38;
	v39 =	vsel vm8, $0x110D, v39;
	v40 =	vsel vm8, $0x110E, v40  }
0x31: {  	v41 =	vsel vm8, $0x110F, v41;
	v42 =	vsel vm8, $0x1100, v42;
	v43 =	vsel vm8, $0x1101, v43  }
0x32: {  	v45 =	vand.u32 $0xFF, v45;
	v1 =	vsel vm5, v10, v2;
	v5 =	vsel vm6, $0x1E0, v5  }
0x33: {  	v18 =	vsel vm7, $0x189, v18;
	v19 =	vsel vm7, $0x18A, v19;
	v20 =	vsel vm7, $0x18B, v20  }
0x34: {  	v21 =	vsel vm7, $0x18C, v21;
	v22 =	vsel vm7, $0x18D, v22;
	v23 =	vsel vm7, $0x18E, v23  }
0x35: {  	v24 =	vsel vm7, $0x18F, v24;
	v25 =	vsel vm7, $0x180, v25;
	v26 =	vsel vm7, $0x181, v26  }
0x36: {  	v27 =	vsel vm7, $0x182, v27;
	v28 =	vsel vm7, $0x1183, v28;
	v29 =	vsel vm7, $0x1184, v29  }
0x37: {  	v30 =	vsel vm7, $0x1185, v30;
	v31 =	vsel vm7, $0x1186, v31;
	v32 =	vsel vm7, $0x1187, v32  }
0x38: {  	v33 =	vsel vm7, $0x1188, v33;
	v34 =	vsel vm7, $0x1189, v34;
	v35 =	vsel vm7, $0x118A, v35  }
0x39: {  	v36 =	vsel vm7, $0x118B, v36;
	v37 =	vsel vm7, $0x118C, v37;
	v38 =	vsel vm7, $0x118D, v38  }
0x3a: {  	v39 =	vsel vm7, $0x118E, v39;
	v40 =	vsel vm7, $0x118F, v40;
	v41 =	vsel vm7, $0x1180, v41  }
0x3b: {  	v42 =	vsel vm7, $0x1181, v42;
	v43 =	vsel vm7, $0x1182, v43;
	v45 =	vsel vm6, $0xE0, v45  }
0x3c: {  	[tilespmem:$0x1FD00] =	vst v1;
	v1 =	vimm.s32 $0x180;
	v18 =	vsel vm6, $0x20A, v18;
	v19 =	vsel vm6, $0x20B, v19  }
0x3d: {  	v20 =	vsel vm6, $0x20C, v20;
	v21 =	vsel vm6, $0x20D, v21;
	v22 =	vsel vm6, $0x20E, v22  }
0x3e: {  	v23 =	vsel vm6, $0x20F, v23;
	v24 =	vsel vm6, $0x200, v24;
	v25 =	vsel vm6, $0x201, v25  }
0x3f: {  	v26 =	vsel vm6, $0x202, v26;
	v27 =	vsel vm6, $0x203, v27;
	v28 =	vsel vm6, $0x1204, v28  }
0x40: {  	v29 =	vsel vm6, $0x1205, v29;
	v30 =	vsel vm6, $0x1206, v30;
	v31 =	vsel vm6, $0x1207, v31  }
0x41: {  	v32 =	vsel vm6, $0x1208, v32;
	v33 =	vsel vm6, $0x1209, v33;
	v34 =	vsel vm6, $0x120A, v34  }
0x42: {  	v35 =	vsel vm6, $0x120B, v35;
	v36 =	vsel vm6, $0x120C, v36;
	v37 =	vsel vm6, $0x120D, v37  }
0x43: {  	v38 =	vsel vm6, $0x120E, v38;
	v39 =	vsel vm6, $0x120F, v39;
	v40 =	vsel vm6, $0x1200, v40  }
0x44: {  	v41 =	vsel vm6, $0x1201, v41;
	v42 =	vsel vm6, $0x1202, v42;
	v43 =	vsel vm6, $0x1203, v43  }
0x45: {  	v45 =	vsel vm4, $0x100, v45;
	v4 =	vsel vm9, $0x1A0, v1;
	v1 =	vsel vm10, $0x1A0, v1  }
0x46: {  	v18 =	vsel vm4, $0x28B, v18;
	v19 =	vsel vm4, $0x28C, v19;
	v20 =	vsel vm4, $0x28D, v20  }
0x47: {  	v21 =	vsel vm4, $0x28E, v21;
	v22 =	vsel vm4, $0x28F, v22;
	v23 =	vsel vm4, $0x280, v23  }
0x48: {  	v24 =	vsel vm4, $0x281, v24;
	v25 =	vsel vm4, $0x282, v25;
	v26 =	vsel vm4, $0x283, v26  }
0x49: {  	v27 =	vsel vm4, $0x284, v27;
	v28 =	vsel vm4, $0x1285, v28;
	v29 =	vsel vm4, $0x1286, v29  }
0x4a: {  	v30 =	vsel vm4, $0x1287, v30;
	v31 =	vsel vm4, $0x1288, v31;
	v32 =	vsel vm4, $0x1289, v32  }
0x4b: {  	v33 =	vsel vm4, $0x128A, v33;
	v34 =	vsel vm4, $0x128B, v34;
	v35 =	vsel vm4, $0x128C, v35  }
0x4c: {  	v36 =	vsel vm4, $0x128D, v36;
	v37 =	vsel vm4, $0x128E, v37;
	v38 =	vsel vm4, $0x128F, v38  }
0x4d: {  	v39 =	vsel vm4, $0x1280, v39;
	v40 =	vsel vm4, $0x1281, v40;
	v41 =	vsel vm4, $0x1282, v41  }
0x4e: {  	v42 =	vsel vm4, $0x1283, v42;
	v43 =	vsel vm4, $0x1284, v43;
	v48 =	vsel vm3, $0x120, v45  }
0x4f: {  	v4 =	vsel vm8, $0x1C0, v4;
	v1 =	vsel vm9, $0x1C0, v1;
	v18 =	vsel vm3, $0x30C, v18  }
0x50: {  	v19 =	vsel vm3, $0x30D, v19;
	v20 =	vsel vm3, $0x30E, v20;
	v21 =	vsel vm3, $0x30F, v21  }
0x51: {  	v22 =	vsel vm3, $0x300, v22;
	v23 =	vsel vm3, $0x301, v23;
	v24 =	vsel vm3, $0x302, v24  }
0x52: {  	v25 =	vsel vm3, $0x303, v25;
	v26 =	vsel vm3, $0x304, v26;
	v27 =	vsel vm3, $0x305, v27  }
0x53: {  	v28 =	vsel vm3, $0x1306, v28;
	v29 =	vsel vm3, $0x1307, v29;
	v30 =	vsel vm3, $0x1308, v30  }
0x54: {  	v31 =	vsel vm3, $0x1309, v31;
	v32 =	vsel vm3, $0x130A, v32;
	v33 =	vsel vm3, $0x130B, v33  }
0x55: {  	v34 =	vsel vm3, $0x130C, v34;
	v35 =	vsel vm3, $0x130D, v35;
	v36 =	vsel vm3, $0x130E, v36  }
0x56: {  	v37 =	vsel vm3, $0x130F, v37;
	v38 =	vsel vm3, $0x1300, v38;
	v39 =	vsel vm3, $0x1301, v39  }
0x57: {  	v40 =	vsel vm3, $0x1302, v40;
	v41 =	vsel vm3, $0x1303, v41;
	v42 =	vsel vm3, $0x1304, v42  }
0x58: {  	v43 =	vsel vm3, $0x1305, v43;
	v4 =	vsel vm7, $0x1E0, v4;
	v1 =	vsel vm8, $0x1E0, v1  }
0x59: {  	v54 =	vsel vm2, $0x138D, v34;
	v55 =	vsel vm2, $0x138E, v35;
	v56 =	vsel vm2, $0x138F, v36  }
0x5a: {  	v57 =	vsel vm2, $0x1380, v37;
	v58 =	vsel vm2, $0x1381, v38;
	v59 =	vsel vm2, $0x1382, v39  }
0x5b: {  	v60 =	vsel vm2, $0x1383, v40;
	v61 =	vsel vm2, $0x1384, v41;
	v62 =	vsel vm2, $0x1385, v42  }
0x5c: {  	v63 =	vsel vm2, $0x1386, v43;
	v0 =	vsel vm5, v0, v4;
	v4 =	vand.u32 $0xFF, v7  }
0x5d: {  	[tilespmem:$0x1FD20] =	vst v0;
	v0 =	vsel vm0, v6, v5;
	v5 =	vimm.s32 $0x20006040;
	vm0 =	vcmask $0x2B28  }
0x5e: {  	v6 =	vimm.s32 $0x604020;
	[tilespmem:$0x1FD40] =	vst v0;
	v0 =	vsel vm1, v11, v8;
	v5 =	vunpack.c.0.s8.s32 v5  }
0x5f: {  	v6 =	vunpack.c.0.s8.s32 v6;
	v8 =	vsel vm11, v4, v0;
	v0 =	vimm.s32 $0x1A0  }
0x60: {  	v0 =	vsel vm10, $0x1C0, v0;
	v9 =	vand.u32 $0xFF, v5;
	v5 =	vimm.s32 $0xA080E0C0  }
0x61: {  	vm1 =	vcmask $0x2724;
	v0 =	vsel vm9, $0x1E0, v0;
	v5 =	vunpack.c.0.s8.s32 v5  }
0x62: {  	v13 =	vand.u32 $0xFF, v6;
	v8 =	vsel vm1, $0x100, v8;
	v0 =	vsel vm12, v9, v0  }
0x63: {  	vm12 =	vcmask $0x1B0C;
	v7 =	vand.u32 $0xFF, v5;
	v5 =	vimm.s32 $0x80E0C0A0  }
0x64: {  	v8 =	vsel vm0, $0x120, v8;
	v1 =	vsel vm12, v13, v1;
	v5 =	vunpack.c.0.s8.s32 v5  }
0x65: {  	v6 =	vsel vm13, v7, v0;
	v0 =	vsel vm7, $0x1E0, v3;
	v3 =	vimm.s32 $0x140  }
0x66: {  	vm12 =	vcmask $0x2F20;
	v0 =	vsel vm5, v2, v0;
	v2 =	vsel vm10, $0x160, v3  }
0x67: {  	vm5 =	vcmask $0x2B1C;
	v6 =	vsel vm0, $0x100, v6;
	v14 =	vand.u32 $0xFF, v5  }
0x68: {  	v2 =	vsel vm9, $0x180, v2;
	v5 =	vimm.s32 $0x120;
	v3 =	vsel vm12, v10, v0  }
0x69: {  	vm12 =	vcmask $0x3324;
	v10 =	vsel vm6, $0x100, v10;
	v0 =	vsel vm8, $0x1A0, v2  }
0x6a: {  	v2 =	vsel vm10, $0x140, v5;
	v5 =	vsel vm5, v14, v1;
	v10 =	vsel vm4, $0x120, v10  }
0x6b: {  	v0 =	vsel vm7, $0x1C0, v0;
	v2 =	vsel vm9, $0x160, v2;
	v10 =	vsel vm3, $0x140, v10  }
0x6c: {  	v0 =	vsel vm6, $0x1E0, v0;
	v1 =	vsel vm8, $0x180, v2;
	v2 =	vsel vm10, $0x120, v12  }
0x6d: {  	v12 =	vsel vm9, $0x120, v12;
	v10 =	vsel vm2, $0x160, v10;
	v0 =	vsel vm11, v11, v0  }
0x6e: {  	v1 =	vsel vm7, $0x1A0, v1;
	v15 =	vsel vm9, $0x140, v2;
	vm11 =	vcmask $0x3728  }
0x6f: {  	v12 =	vsel vm8, $0x140, v12;
	[tilespmem:$0x1FD30] =	vst v10;
	v10 =	vsel vm2, $0x140, v48;
	v1 =	vsel vm6, $0x1C0, v1  }
0x70: {  	v2 =	vsel vm12, v4, v0;
	v4 =	vimm.s32 $0xC0;
	v12 =	vsel vm7, $0x160, v12  }
0x71: {  	v0 =	vsel vm4, $0x1E0, v1;
	v1 =	vsel vm8, $0x160, v15;
	v4 =	vsel vm10, $0xE0, v4  }
0x72: {  	v15 =	vimm.s32 $0xE0C0A0;
	v12 =	vsel vm6, $0x180, v12;
	v0 =	vsel vm13, v9, v0  }
0x73: {  	v1 =	vsel vm7, $0x180, v1;
	v15 =	vunpack.c.0.s8.s32 v15;
	vm13 =	vcmask $0xB00  }
0x74: {  	v12 =	vsel vm4, $0x1A0, v12;
	v1 =	vsel vm6, $0x1A0, v1;
	v7 =	vsel vm11, v7, v0  }
0x75: {  	v12 =	vsel vm3, $0x1C0, v12;
	v0 =	vsel vm4, $0x1C0, v1;
	v1 =	vsel vm9, $0x100, v4  }
0x76: {  	v4 =	vimm.s32 $0xA0;
	v15 =	vand.u32 $0xFF, v15;
	v12 =	vsel vm2, $0x1E0, v12  }
0x77: {  	v0 =	vsel vm3, $0x1E0, v0;
	v1 =	vsel vm8, $0x120, v1;
	v4 =	vsel vm10, $0xC0, v4  }
0x78: {  	v16 =	vnsel vm13, $0x80, v15;
	vm13 =	vcmask $0x3330;
	v1 =	vsel vm7, $0x140, v1  }
0x79: {  	v4 =	vsel vm9, $0xE0, v4;
	v0 =	vsel vm5, v13, v0;
	v16 =	vsel vm7, $0x100, v16  }
0x7a: {  	vm5 =	vcmask $0x2320;
	v3 =	vsel vm13, $0x100, v3;
	v1 =	vsel vm6, $0x160, v1  }
0x7b: {  	v4 =	vsel vm8, $0x100, v4;
	v16 =	vsel vm6, $0x120, v16;
	v34 =	vsel vm5, $0x1800, v56  }
0x7c: {  	v35 =	vsel vm5, $0x1801, v57;
	v36 =	vsel vm5, $0x1802, v58;
	v37 =	vsel vm5, $0x1803, v59  }
0x7d: {  	v38 =	vsel vm5, $0x1804, v60;
	v39 =	vsel vm5, $0x1805, v61;
	v40 =	vsel vm5, $0x1806, v62  }
0x7e: {  	v41 =	vsel vm5, $0x1807, v63;
	v1 =	vsel vm4, $0x180, v1;
	v4 =	vsel vm7, $0x120, v4  }
0x7f: {  	v16 =	vsel vm4, $0x140, v16;
	v34 =	vsel vm1, $0x1881, v34;
	v35 =	vsel vm1, $0x1882, v35  }
0x80: {  	v36 =	vsel vm1, $0x1883, v36;
	v37 =	vsel vm1, $0x1884, v37;
	v38 =	vsel vm1, $0x1885, v38  }
0x81: {  	v39 =	vsel vm1, $0x1886, v39;
	v40 =	vsel vm1, $0x1887, v40;
	v41 =	vsel vm1, $0x1888, v41  }
0x82: {  	v1 =	vsel vm3, $0x1A0, v1;
	v4 =	vsel vm6, $0x140, v4;
	v34 =	vsel vm0, $0x1902, v34  }
0x83: {  	v35 =	vsel vm0, $0x1903, v35;
	v36 =	vsel vm0, $0x1904, v36;
	v37 =	vsel vm0, $0x1905, v37  }
0x84: {  	v38 =	vsel vm0, $0x1906, v38;
	v39 =	vsel vm0, $0x1907, v39;
	v4 =	vsel vm4, $0x160, v4  }
0x85: {  	v40 =	vsel vm0, $0x1908, v40;
	v1 =	vsel vm2, $0x1C0, v1;
	v4 =	vsel vm3, $0x180, v4  }
0x86: {  	v41 =	vsel vm0, $0x1909, v41;
	v1 =	vsel vm5, $0x1E0, v1;
	v17 =	vsel vm2, $0x1A0, v4  }
0x87: {  	v4 =	vsel vm12, v11, v1;
	v11 =	vsel vm3, $0x160, v16;
	vm12 =	vcmask $0x3B2C  }
0x88: {  	v16 =	vimm.s32 $0xA0806040;
	v1 =	vsel vm5, $0x1C0, v17;
	v11 =	vsel vm2, $0x180, v11  }
0x89: {  	v17 =	vimm.s32 $0x80604020;
	v16 =	vunpack.c.0.s8.s32 v16;
	v0 =	vsel vm12, v14, v0  }
0x8a: {  	v14 =	vimm.s32 $0xB80;
	v1 =	vsel vm1, $0x1E0, v1;
	v11 =	vsel vm5, $0x1A0, v11  }
0x8b: {  	v17 =	vunpack.c.0.s8.s32 v17;
	v11 =	vsel vm1, $0x1C0, v11;
	v9 =	vsel vm11, v9, v1  }
0x8c: {  	[tilespmem:$0x1FC70] =	vst v0;
	v1 =	vand.u32 $0xFF, v16;
	v16 =	vimm.s32 $0xB83;
	v0 =	vsel vm0, $0x1E0, v11  }
0x8d: {  	v11 =	vand.u32 $0xFF, v17;
	v16 =	vsel vm10, $0x4, v16;
	v17 =	vimm.s32 $0xB84  }
0x8e: {  	v0 =	vsel vm12, v13, v0;
	v13 =	vimm.s32 $0xB8F;
	v17 =	vsel vm10, $0x5, v17  }
0x8f: {  	v16 =	vsel vm9, $0x85, v16;
	vm12 =	vcmask $0x2F2C;
	[tilespmem:$0x1FC80] =	vst v0;
	v0 =	vnsel vm14, $0x20, v1  }
0x90: {  	v1 =	vnsel vm14, $0x0, v11;
	v17 =	vsel vm9, $0x86, v17;
	v16 =	vsel vm8, $0x106, v16  }
0x91: {  	v8 =	vsel vm12, $0x140, v8;
	v5 =	vsel vm12, $0x100, v5;
	v34 =	vsel vm12, $0x1983, v34  }
0x92: {  	v35 =	vsel vm12, $0x1984, v35;
	v36 =	vsel vm12, $0x1985, v36;
	v37 =	vsel vm12, $0x1986, v37  }
0x93: {  	v38 =	vsel vm12, $0x1987, v38;
	v39 =	vsel vm12, $0x1988, v39;
	v40 =	vsel vm12, $0x1989, v40  }
0x94: {  	v41 =	vsel vm12, $0x198A, v41;
	vm14 =	vcmask $0x3734;
	v11 =	vsel vm15, v15, v1  }
0x95: {  	v1 =	vsel vm10, $0x0, v13;
	v13 =	vsel vm10, $0x1, v14;
	v14 =	vimm.s32 $0xB81  }
0x96: {  	v15 =	vimm.s32 $0xB82;
	v17 =	vsel vm8, $0x107, v17;
	v16 =	vsel vm7, $0x187, v16  }
0x97: {  	v0 =	vsel vm6, $0xC0, v0;
	v8 =	vsel vm13, $0x160, v8;
	v5 =	vsel vm13, $0x120, v5  }
0x98: {  	v34 =	vsel vm13, $0x1A04, v34;
	v35 =	vsel vm13, $0x1A05, v35;
	v36 =	vsel vm13, $0x1A06, v36  }
0x99: {  	v37 =	vsel vm13, $0x1A07, v37;
	v38 =	vsel vm13, $0x1A08, v38;
	v39 =	vsel vm13, $0x1A09, v39  }
0x9a: {  	v40 =	vsel vm13, $0x1A0A, v40;
	v41 =	vsel vm13, $0x1A0B, v41;
	v42 =	vsel vm14, $0x120, v3  }
0x9b: {  	v43 =	vsel vm14, $0x100, v2;
	v50 =	vsel vm14, $0x80, v4;
	vm15 =	vcmask $0x3B38  }
0x9c: {  	v14 =	vsel vm10, $0x2, v14;
	v15 =	vsel vm10, $0x3, v15;
	v1 =	vsel vm9, $0x81, v1  }
0x9d: {  	v13 =	vsel vm9, $0x82, v13;
	v17 =	vsel vm7, $0x188, v17;
	v16 =	vsel vm6, $0x208, v16  }
0x9e: {  	[tilespmem:$0x1FD50] =	vst v10;
	v0 =	vsel vm4, $0xE0, v0;
	v10 =	vsel vm2, $0x100, v11;
	v8 =	vsel vm14, $0x180, v8  }
0x9f: {  	v5 =	vsel vm14, $0x140, v5;
	v4 =	vsel vm15, $0x120, v43;
	v14 =	vsel vm9, $0x83, v14  }
0xa0: {  	v15 =	vsel vm9, $0x84, v15;
	v1 =	vsel vm8, $0x102, v1;
	v13 =	vsel vm8, $0x103, v13  }
0xa1: {  	v17 =	vsel vm6, $0x209, v17;
	v16 =	vsel vm4, $0x289, v16;
	v0 =	vsel vm3, $0x100, v0  }
0xa2: {  	v10 =	vsel vm5, $0x120, v10;
	v14 =	vsel vm8, $0x104, v14;
	v15 =	vsel vm8, $0x105, v15  }
0xa3: {  	v1 =	vsel vm7, $0x183, v1;
	v13 =	vsel vm7, $0x184, v13;
	v17 =	vsel vm4, $0x28A, v17  }
0xa4: {  	v16 =	vsel vm3, $0x30A, v16;
	v0 =	vsel vm2, $0x120, v0;
	v10 =	vsel vm1, $0x140, v10  }
0xa5: {  	v14 =	vsel vm7, $0x185, v14;
	v15 =	vsel vm7, $0x186, v15;
	v1 =	vsel vm6, $0x204, v1  }
0xa6: {  	v13 =	vsel vm6, $0x205, v13;
	v17 =	vsel vm3, $0x30B, v17;
	v0 =	vsel vm5, $0x140, v0  }
0xa7: {  	v10 =	vsel vm0, $0x160, v10;
	v14 =	vsel vm6, $0x206, v14;
	v15 =	vsel vm6, $0x207, v15  }
0xa8: {  	v1 =	vsel vm4, $0x285, v1;
	v13 =	vsel vm4, $0x286, v13;
	v0 =	vsel vm1, $0x160, v0  }
0xa9: {  	v10 =	vsel vm12, $0x180, v10;
	v14 =	vsel vm4, $0x287, v14;
	v15 =	vsel vm4, $0x288, v15  }
0xaa: {  	v1 =	vsel vm3, $0x306, v1;
	v13 =	vsel vm3, $0x307, v13;
	v0 =	vsel vm0, $0x180, v0  }
0xab: {  	v10 =	vsel vm13, $0x1A0, v10;
	v14 =	vsel vm3, $0x308, v14;
	v15 =	vsel vm3, $0x309, v15  }
0xac: {  	v1 =	vsel vm2, $0x387, v1;
	v11 =	vsel vm2, $0x388, v13;
	v0 =	vsel vm12, $0x1A0, v0  }
0xad: {  	[tilespmem:$0x1FD10] =	vst v12;
	v51 =	vsel vm14, $0x1C0, v10;
	v12 =	vsel vm2, $0x389, v14;
	v13 =	vsel vm2, $0x38A, v15  }
0xae: {  	v14 =	vsel vm2, $0x38B, v16;
	v15 =	vsel vm2, $0x38C, v17;
	v16 =	vsel vm2, $0x38D, v18  }
0xaf: {  	v17 =	vsel vm2, $0x38E, v19;
	v18 =	vsel vm2, $0x38F, v20;
	v19 =	vsel vm2, $0x380, v21  }
0xb0: {  	v20 =	vsel vm2, $0x381, v22;
	v21 =	vsel vm2, $0x382, v23;
	v22 =	vsel vm2, $0x383, v24  }
0xb1: {  	v23 =	vsel vm2, $0x384, v25;
	v24 =	vsel vm2, $0x385, v26;
	v25 =	vsel vm2, $0x386, v27  }
0xb2: {  	v26 =	vsel vm2, $0x1387, v28;
	v27 =	vsel vm2, $0x1388, v29;
	v28 =	vsel vm2, $0x1389, v30  }
0xb3: {  	v29 =	vsel vm2, $0x138A, v31;
	v30 =	vsel vm2, $0x138B, v32;
	v31 =	vsel vm2, $0x138C, v33  }
0xb4: {  	v1 =	vsel vm5, $0x808, v1;
	v11 =	vsel vm5, $0x809, v11;
	v32 =	vsel vm5, $0x180E, v54  }
0xb5: {  	v33 =	vsel vm5, $0x180F, v55;
	v0 =	vsel vm13, $0x1C0, v0;
	v12 =	vsel vm5, $0x80A, v12  }
0xb6: {  	v13 =	vsel vm5, $0x80B, v13;
	v14 =	vsel vm5, $0x80C, v14;
	v15 =	vsel vm5, $0x80D, v15  }
0xb7: {  	v16 =	vsel vm5, $0x80E, v16;
	v17 =	vsel vm5, $0x80F, v17;
	v18 =	vsel vm5, $0x800, v18  }
0xb8: {  	v19 =	vsel vm5, $0x801, v19;
	v20 =	vsel vm5, $0x802, v20;
	v21 =	vsel vm5, $0x803, v21  }
0xb9: {  	v22 =	vsel vm5, $0x804, v22;
	v23 =	vsel vm5, $0x805, v23;
	v24 =	vsel vm5, $0x806, v24  }
0xba: {  	v25 =	vsel vm5, $0x807, v25;
	v26 =	vsel vm5, $0x1808, v26;
	v27 =	vsel vm5, $0x1809, v27  }
0xbb: {  	v28 =	vsel vm5, $0x180A, v28;
	v29 =	vsel vm5, $0x180B, v29;
	v30 =	vsel vm5, $0x180C, v30  }
0xbc: {  	v31 =	vsel vm5, $0x180D, v31;
	v1 =	vsel vm1, $0x889, v1;
	v11 =	vsel vm1, $0x88A, v11  }
0xbd: {  	v32 =	vsel vm1, $0x188F, v32;
	v33 =	vsel vm1, $0x1880, v33;
	v0 =	vsel vm14, $0x1E0, v0  }
0xbe: {  	v12 =	vsel vm1, $0x88B, v12;
	v13 =	vsel vm1, $0x88C, v13;
	v14 =	vsel vm1, $0x88D, v14  }
0xbf: {  	v15 =	vsel vm1, $0x88E, v15;
	v16 =	vsel vm1, $0x88F, v16;
	v17 =	vsel vm1, $0x880, v17  }
0xc0: {  	v18 =	vsel vm1, $0x881, v18;
	v19 =	vsel vm1, $0x882, v19;
	v20 =	vsel vm1, $0x883, v20  }
0xc1: {  	v21 =	vsel vm1, $0x884, v21;
	v22 =	vsel vm1, $0x885, v22;
	v23 =	vsel vm1, $0x886, v23  }
0xc2: {  	v24 =	vsel vm1, $0x887, v24;
	v25 =	vsel vm1, $0x888, v25;
	v26 =	vsel vm1, $0x1889, v26  }
0xc3: {  	v27 =	vsel vm1, $0x188A, v27;
	v29 =	vsel vm1, $0x188C, v29;
	v30 =	vsel vm1, $0x188D, v30  }
0xc4: {  	v31 =	vsel vm1, $0x188E, v31;
	v1 =	vsel vm0, $0x90A, v1;
	v11 =	vsel vm0, $0x90B, v11  }
0xc5: {  	v32 =	vsel vm0, $0x1900, v32;
	v33 =	vsel vm0, $0x1901, v33;
	v29 =	vsel vm0, $0x190D, v29  }
0xc6: {  	v12 =	vsel vm0, $0x90C, v12;
	v30 =	vsel vm0, $0x190E, v30;
	v29 =	vsel vm12, $0x198E, v29  }
0xc7: {  	v31 =	vsel vm0, $0x190F, v31;
	v30 =	vsel vm12, $0x198F, v30;
	v29 =	vsel vm13, $0x1A0F, v29  }
0xc8: {  	v31 =	vsel vm12, $0x1980, v31;
	v30 =	vsel vm13, $0x1A00, v30;
	v2 =	vsel vm14, $0x1A80, v29  }
0xc9: {  	v32 =	vsel vm12, $0x1981, v32;
	v31 =	vsel vm13, $0x1A01, v31;
	[tilespmem:$0x1FC90] =	vst v2;
	v2 =	vsel vm14, $0x1A81, v30  }
0xca: {  	v33 =	vsel vm12, $0x1982, v33;
	v32 =	vsel vm13, $0x1A02, v32;
	[tilespmem:$0x1FCA0] =	vst v2;
	v2 =	vsel vm14, $0x1A82, v31  }
0xcb: {  	v13 =	vsel vm0, $0x90D, v13;
	v33 =	vsel vm13, $0x1A03, v33;
	[tilespmem:$0x1FCB0] =	vst v2;
	v2 =	vsel vm14, $0x1A83, v32  }
0xcc: {  	v14 =	vsel vm0, $0x90E, v14;
	v15 =	vsel vm0, $0x90F, v15;
	[tilespmem:$0x1FCC0] =	vst v2;
	v2 =	vsel vm14, $0x1A84, v33  }
0xcd: {  	s3 =	stileid.u32;
	v16 =	vsel vm0, $0x900, v16;
	v17 =	vsel vm0, $0x901, v17;
	[tilespmem:$0x1FCD0] =	vst v2;
	v2 =	vsel vm14, $0x1A85, v34  }
0xce: {  	s0 =	rddreg [dreg:$0x0];
	s4 =	sshll.u32 s3, $0x1;
	s3 =	simm.s32 $0x0;
	v18 =	vsel vm0, $0x902, v18;
	v19 =	vsel vm0, $0x903, v19;
	[tilespmem:$0x1FCE0] =	vst v2;
	v2 =	vsel vm14, $0x1A86, v35  }
0xcf: {  	[smem:$0x7FF] =	sst s3;
	v20 =	vsel vm0, $0x904, v20;
	v21 =	vsel vm0, $0x905, v21;
	v22 =	vsel vm0, $0x906, v22;
	[tilespmem:$0x1FCF0] =	vst v2  }
0xd0: {  	s2 =	rddreg [dreg:$0x1];
	v23 =	vsel vm0, $0x907, v23;
	v1 =	vsel vm12, $0x98B, v1;
	v29 =	vsel vm15, $0x160, v5;
	_ =	strace $0x80000047  }
0xd1: {  	v5 =	vsel vm15, $0x100, v7;
	v7 =	vsel vm15, $0x80, v9;
	v9 =	vsel vm15, $0x0, v0;
	v0 =	vld [tilespmem:$0x1FC90]  }
0xd2: {  	v11 =	vsel vm12, $0x98C, v11;
	v12 =	vsel vm12, $0x98D, v12;
	v13 =	vsel vm12, $0x98E, v13  }
0xd3: {  	v14 =	vsel vm12, $0x98F, v14;
	v15 =	vsel vm12, $0x980, v15;
	v16 =	vsel vm12, $0x981, v16  }
0xd4: {  	v17 =	vsel vm12, $0x982, v17;
	v18 =	vsel vm12, $0x983, v18;
	v19 =	vsel vm12, $0x984, v19  }
0xd5: {  	v20 =	vsel vm12, $0x985, v20;
	v21 =	vsel vm12, $0x986, v21;
	v13 =	vsel vm13, $0xA0F, v13  }
0xd6: {  	v54 =	vsel vm14, $0xA80, v13;
	v13 =	vsel vm14, $0x1A87, v36;
	v36 =	vsel vm15, $0x1B01, v0;
	v0 =	vld [tilespmem:$0x1FCA0]  }
0xd7: {  	v22 =	vsel vm12, $0x987, v22;
	v23 =	vsel vm12, $0x988, v23;
	v1 =	vsel vm13, $0xA0C, v1  }
0xd8: {  	v11 =	vsel vm13, $0xA0D, v11;
	v12 =	vsel vm13, $0xA0E, v12;
	v14 =	vsel vm13, $0xA00, v14  }
0xd9: {  	v15 =	vsel vm13, $0xA01, v15;
	v16 =	vsel vm13, $0xA02, v16;
	v18 =	vsel vm13, $0xA04, v18  }
0xda: {  	v20 =	vsel vm13, $0xA06, v20;
	v21 =	vsel vm13, $0xA07, v21;
	v52 =	vsel vm14, $0xA8E, v11  }
0xdb: {  	v62 =	vsel vm14, $0xA88, v21;
	v32 =	vsel vm14, $0x1A88, v37;
	v37 =	vsel vm15, $0x1B02, v0;
	v0 =	vld [tilespmem:$0x1FCB0]  }
0xdc: {  	v11 =	vsel vm14, $0x1A8A, v39;
	v61 =	vsel vm14, $0xA87, v20;
	v10 =	vsel vm15, $0xB09, v62  }
0xdd: {  	v53 =	vsel vm14, $0xA8F, v12;
	v30 =	vsel vm14, $0x1A8B, v40;
	v12 =	vsel vm15, $0xB08, v61;
	[tilespmem:$0x1FD60] =	vst v10  }
0xde: {  	v43 =	vsel vm15, $0x1B08, v13;
	v13 =	vsel vm15, $0x1B0B, v11;
	v11 =	vsel vm15, $0x1B0C, v30;
	[tilespmem:$0x1FD70] =	vst v12  }
0xdf: {  	v19 =	vsel vm13, $0xA05, v19;
	v1 =	vsel vm14, $0xA8D, v1;
	v59 =	vsel vm14, $0xA85, v18;
	[tilespmem:$0x1FD80] =	vst v11  }
0xe0: {  	v18 =	vsel vm15, $0xB0E, v1;
	v33 =	vsel vm14, $0x1A89, v38;
	[tilespmem:$0x1FD90] =	vst v13;
	v38 =	vsel vm15, $0x1B03, v0;
	v0 =	vld [tilespmem:$0x1FCC0]  }
0xe1: {  	v22 =	vsel vm13, $0xA08, v22;
	v55 =	vsel vm14, $0xA81, v14;
	v14 =	vsel vm15, $0x1E0, v51;
	[tilespmem:$0x1FDA0] =	vst v18  }
0xe2: {  	v23 =	vsel vm13, $0xA09, v23;
	v60 =	vsel vm14, $0xA86, v19;
	v19 =	vsel vm15, $0xB0F, v52;
	[tilespmem:$0x1FDB0] =	vst v14  }
0xe3: {  	v56 =	vsel vm14, $0xA82, v15;
	v63 =	vsel vm14, $0xA89, v22;
	v22 =	vsel vm15, $0xB02, v55;
	[tilespmem:$0x1FDC0] =	vst v19  }
0xe4: {  	v57 =	vsel vm14, $0xA83, v16;
	v44 =	vsel vm14, $0xA8A, v23;
	v23 =	vsel vm15, $0xB03, v56;
	[tilespmem:$0x1FDD0] =	vst v22  }
0xe5: {  	v17 =	vsel vm13, $0xA03, v17;
	v2 =	vsel vm15, $0xB04, v57;
	[tilespmem:$0x1FDE0] =	vst v23;
	v39 =	vsel vm15, $0x1B04, v0;
	v0 =	vld [tilespmem:$0x1FCD0]  }
0xe6: {  	v24 =	vsel vm0, $0x908, v24;
	v58 =	vsel vm14, $0xA84, v17;
	v17 =	vsel vm15, $0xB06, v59;
	[tilespmem:$0x1FDF0] =	vst v2  }
0xe7: {  	v28 =	vsel vm1, $0x188B, v28;
	v24 =	vsel vm12, $0x989, v24;
	v52 =	vsel vm15, $0xB07, v60;
	[tilespmem:$0x1FE00] =	vst v17  }
0xe8: {  	v25 =	vsel vm0, $0x909, v25;
	v24 =	vsel vm13, $0xA0A, v24;
	v15 =	vsel vm15, $0xB0A, v63;
	[tilespmem:$0x1FE10] =	vst v52  }
0xe9: {  	v27 =	vsel vm0, $0x190B, v27;
	v45 =	vsel vm14, $0xA8B, v24;
	v16 =	vsel vm15, $0xB0B, v44;
	[tilespmem:$0x1FE20] =	vst v15  }
0xea: {  	v28 =	vsel vm0, $0x190C, v28;
	v24 =	vsel vm15, $0xB0C, v45;
	[tilespmem:$0x1FE30] =	vst v16;
	v40 =	vsel vm15, $0x1B05, v0;
	v0 =	vld [tilespmem:$0x1FCE0]  }
0xeb: {  	v25 =	vsel vm12, $0x98A, v25;
	v27 =	vsel vm12, $0x198C, v27;
	v20 =	vsel vm15, $0xB00, v53;
	[tilespmem:$0x1FE40] =	vst v24  }
0xec: {  	v28 =	vsel vm12, $0x198D, v28;
	v27 =	vsel vm13, $0x1A0D, v27;
	v21 =	vsel vm15, $0xB01, v54;
	[tilespmem:$0x1FE50] =	vst v20  }
0xed: {  	v28 =	vsel vm13, $0x1A0E, v28;
	v48 =	vsel vm14, $0x1A8E, v27;
	v3 =	vsel vm15, $0xB05, v58;
	[tilespmem:$0x1FE60] =	vst v21  }
0xee: {  	v49 =	vsel vm14, $0x1A8F, v28;
	v27 =	vsel vm15, $0x1A0, v8;
	v8 =	vsel vm15, $0x1B0F, v48;
	[tilespmem:$0x1FE70] =	vst v3  }
0xef: {  	v31 =	vsel vm14, $0x1A8C, v41;
	v35 =	vsel vm15, $0x1B00, v49;
	[tilespmem:$0x1FE80] =	vst v8;
	v41 =	vsel vm15, $0x1B06, v0;
	v0 =	vld [tilespmem:$0x1FCF0]  }
0xf0: {  	v6 =	vsel vm12, $0x120, v6;
	v26 =	vsel vm0, $0x190A, v26;
	v25 =	vsel vm13, $0xA0B, v25;
	[tilespmem:$0x1FE90] =	vst v35  }
0xf1: {  	v26 =	vsel vm12, $0x198B, v26;
	v46 =	vsel vm14, $0xA8C, v25;
	v44 =	vsel vm15, $0x1B09, v32;
	[tilespmem:$0x1FF10] =	vst v43  }
0xf2: {  	v26 =	vsel vm13, $0x1A0C, v26;
	v25 =	vsel vm15, $0xB0D, v46;
	v46 =	vsel vm15, $0x1B0A, v33;
	[tilespmem:$0x1FF20] =	vst v44  }
0xf3: {  	v6 =	vsel vm13, $0x140, v6;
	v47 =	vsel vm14, $0x1A8D, v26;
	[tilespmem:$0x1FF30] =	vst v46;
	v1 =	vld [tilespmem:$0x1FD10]  }
0xf4: {  	v26 =	vsel vm15, $0x1B0E, v47;
	v34 =	vsel vm15, $0x140, v42;
	[tilespmem:$0x1FF40] =	vst v25;
	v42 =	vsel vm15, $0x1B07, v0;
	v0 =	vld [tilespmem:$0x1FD00]  }
0xf5: {  	v6 =	vsel vm14, $0x160, v6;
	[tilespmem:$0x1FF50] =	vst v26  }
0xf6: {  	v28 =	vsel vm15, $0x180, v6;
	[tilespmem:$0x1FF60] =	vst v27  }
0xf7: {  	[tilespmem:$0x1FF70] =	vst v28  }
0xf8: {  	[tilespmem:$0x1FF80] =	vst v29  }
0xf9: {  	v62 =	vmov v5;
	v63 =	vmov v4;
	[tilespmem:$0x1FF90] =	vst v34;
	v5 =	vcombine.low v1, v0;
	v0 =	vld [tilespmem:$0x1FD20]  }
0xfa: {  	v6 =	vsel vm15, $0xA0, v50;
	[tilespmem:$0x1FFA0] =	vst v63;
	v1 =	vld [tilespmem:$0x1FD30]  }
0xfb: {  	v59 =	vmov v6;
	[tilespmem:$0x1FFB0] =	vst v62  }
0xfc: {  	s1 =	srdreg.scid;
	s11 =	simm.s32 $0x5;
	s12 =	simm.s32 $0x100;
	v58 =	vmov v7;
	[tilespmem:$0x1FFC0] =	vst v59  }
0xfd: {  	s13 =	simm.s32 $0x6400;
	s14 =	simm.s32 $0x8400;
	s15 =	simm.s32 $0x1;
	v4 =	vsel vm15, $0x1B0D, v31;
	[tilespmem:$0x1FFD0] =	vst v58  }
0xfe: {  	s16 =	simm.s32 $0xA400;
	s17 =	simm.s32 $0xAC00;
	s18 =	simm.s32 $0xB400;
	[tilespmem:$0x1FFF0] =	vst v4  }
0xff: {  	s19 =	simm.s32 $0xBC00;
	s20 =	simm.s32 $0x2;
	s21 =	simm.s32 $0xC400;
	[tilespmem:$0x1FEA0] =	vst v36;
	v6 =	vcombine.low v1, v0;
	v0 =	vld [tilespmem:$0x1FD40]  }
0x100: {  	s22 =	simm.s32 $0xCC00;
	s23 =	simm.s32 $0xD400;
	s1 =	sand.u32 $0x1, s1;
	[tilespmem:$0x1FEB0] =	vst v37;
	v1 =	vld [tilespmem:$0x1FD50]  }
0x101: {  	s24 =	simm.s32 $0xDC00;
	s25 =	simm.s32 $0x3;
	s5 =	sor.u32 s1, s4;
	[tilespmem:$0x1FEC0] =	vst v38  }
0x102: {  	s26 =	simm.s32 $0x4;
	s28 =	simm.s32 $0x0;
	s4 =	smul.u32 $0xC80, s5;
	[tilespmem:$0x1FED0] =	vst v39  }
0x103: {  	s7 =	sadd.s32 $0x4000, s2;
	s8 =	sadd.s32 $0x8000, s2;
	s1 =	ssub.s32 $0x2, s1;
	[tilespmem:$0x1FEE0] =	vst v40  }
0x104: {  	s9 =	sadd.s32 $0xC000, s2;
	s30 =	sshrl.u32 s1, $0x1;
	s6 =	sadd.s32 s4, s0;
	[tilespmem:$0x1FEF0] =	vst v41  }
0x105: {  	s4 =	sadd.s32 $0xF42A00, s0;
	s0 =	ssub.s32 s1, s30;
	s31 =	sadd.s32 $0x600, s6;
	v45 =	vlaneseq.u32;
	[tilespmem:$0x1FF00] =	vst v42;
	v7 =	vcombine.low v1, v0;
	v1 =	vmov v9  }
0x106: {  	s5 =	smul.u32 $0x64, s5;
	s10 =	smax.u32 s0, $0x1;
	v49 =	vor.u32 $0x10, v45;
	[dreg:$0x3] =	wrdreg s31;
	v9 =	vmul.u32 $0x20, v45;
	[tilespmem:$0x1FFE0] =	vst v1  }
.LBB2_1:
0x107: {  	s0 =	rddreg [dreg:$0x3]  }
0x108: {  	[tilespmem:s3], [sflag:$0x5] =	stream.linear.gather [hbm4b:s0+s3], $0x6400, $0x38;
	[tilespmem:$0xE400] =	vst v63  }
0x109: {  	_ =	swait.ge [sflag:s11], $0x6400  }
0x10a: {  	[sflag:s11] =	ssyncset.done $0x0  }
0x10b: {  	[sflag:s11] =	ssyncadd.s32 $0xFFFF9C00  }
0x10c: {  	[tilespmem:s13], [sflag:$0x1] =	stream.indirect.gather [hbm4b:s4+s12], $0x20, s3, s12, $0xb8;
	[tilespmem:$0xE400] =	vst v63  }
0x10d: {  	s29 =	simm.s32 $0x0  }
0x10e: {  	[tilespmem:s14], [sflag:$0x2] =	stream.indirect.gather [hbm4b:s4+s12], $0x20, s12, s12, $0xb8;
	[tilespmem:$0xE400] =	vst v63  }
.LBB2_2:
0x10f: {  	s1 =	simm.s32 $0x0  }
0x110: {  	v0 =	vmov s1  }
0x111: {  	v0 =	vshll.u32 v0, $0x5  }
0x112: {  	v32 =	vor.u32 v9, v0  }
0x113: {  	v50 =	vor.u32 v45, v32;
	_ =	sdelay $0x1  }
0x114: {  	_ =	swait.ge [sflag:s15], $0x2000  }
0x115: {  	[sflag:s15] =	ssyncset.done $0x0  }
0x116: {  	[sflag:s15] =	ssyncadd.s32 $0xFFFFE000  }
0x117: {  	v51 =	vor.u32 s1, v18;
	v30 =	vor.u32 v14, v0;
	v50 =	vld.idx.msk [tilespmem:v50+s13+$0x0], $0xffff  }
0x118: {  	v53 =	vor.u32 v45, v30;
	_ =	sdelay $0x3  }
0x119: {  	[tilespmem:v51+s16+$0x0] =	vst.idx.msk $0xffff, v50  }
0x11a: {  	v61 =	vor.u32 s1, v19;
	v14 =	vor.u32 v1, v0;
	v50 =	vld.idx.msk [tilespmem:v53+s13+$0x0], $0xffff  }
0x11b: {  	v54 =	vor.u32 v45, v14;
	_ =	sdelay $0x3  }
0x11c: {  	[tilespmem:v61+s16+$0x0] =	vst.idx.msk $0xffff, v50  }
0x11d: {  	v33 =	vor.u32 s1, v20;
	v50 =	vld.idx.msk [tilespmem:v54+s13+$0x0], $0xffff;
	v54 =	vor.u32 v7, v0  }
0x11e: {  	v55 =	vor.u32 v45, v54;
	_ =	sdelay $0x3  }
0x11f: {  	[tilespmem:v33+s16+$0x0] =	vst.idx.msk $0xffff, v50  }
0x120: {  	v47 =	vor.u32 s1, v21;
	v50 =	vld.idx.msk [tilespmem:v55+s13+$0x0], $0xffff;
	v55 =	vor.u32 v6, v0  }
0x121: {  	v1 =	vld [tilespmem:$0x1FC80];
	v56 =	vor.u32 v45, v55;
	_ =	sdelay $0x3  }
0x122: {  	[tilespmem:v47+s16+$0x0] =	vst.idx.msk $0xffff, v50  }
0x123: {  	v60 =	vor.u32 s1, v22;
	v50 =	vld.idx.msk [tilespmem:v56+s13+$0x0], $0xffff;
	v56 =	vor.u32 v1, v0  }
0x124: {  	v57 =	vor.u32 v45, v56;
	_ =	sdelay $0x3  }
0x125: {  	[tilespmem:v60+s16+$0x0] =	vst.idx.msk $0xffff, v50  }
0x126: {  	v61 =	vor.u32 s1, v23;
	v50 =	vld.idx.msk [tilespmem:v57+s13+$0x0], $0xffff;
	v57 =	vor.u32 v58, v0  }
0x127: {  	v58 =	vor.u32 v45, v57;
	_ =	sdelay $0x3  }
0x128: {  	[tilespmem:v61+s16+$0x0] =	vst.idx.msk $0xffff, v50  }
0x129: {  	v33 =	vor.u32 s1, v2;
	v50 =	vld.idx.msk [tilespmem:v58+s13+$0x0], $0xffff;
	v58 =	vor.u32 v59, v0  }
0x12a: {  	v59 =	vor.u32 v45, v58;
	_ =	sdelay $0x3  }
0x12b: {  	[tilespmem:v33+s16+$0x0] =	vst.idx.msk $0xffff, v50  }
0x12c: {  	v47 =	vor.u32 s1, v3;
	v50 =	vld.idx.msk [tilespmem:v59+s13+$0x0], $0xffff;
	v59 =	vor.u32 v5, v0  }
0x12d: {  	v1 =	vld [tilespmem:$0x1FC70];
	v60 =	vor.u32 v45, v59;
	_ =	sdelay $0x3  }
0x12e: {  	[tilespmem:v47+s16+$0x0] =	vst.idx.msk $0xffff, v50  }
0x12f: {  	v33 =	vor.u32 s1, v17;
	v50 =	vld.idx.msk [tilespmem:v60+s13+$0x0], $0xffff;
	v60 =	vor.u32 v1, v0  }
0x130: {  	v61 =	vor.u32 v45, v60;
	_ =	sdelay $0x3  }
0x131: {  	[tilespmem:v33+s16+$0x0] =	vst.idx.msk $0xffff, v50  }
0x132: {  	v47 =	vor.u32 s1, v52;
	v50 =	vld.idx.msk [tilespmem:v61+s13+$0x0], $0xffff;
	v61 =	vor.u32 v62, v0  }
0x133: {  	v33 =	vor.u32 v45, v61;
	_ =	sdelay $0x3  }
0x134: {  	[tilespmem:v47+s16+$0x0] =	vst.idx.msk $0xffff, v50  }
0x135: {  	v48 =	vmovc v16;
	v16 =	vmov v62;
	v62 =	vor.u32 v63, v0;
	v47 =	vor.u32 s1, v12;
	v50 =	vld.idx.msk [tilespmem:v33+s13+$0x0], $0xffff  }
0x136: {  	v53 =	vor.u32 v45, v62;
	_ =	sdelay $0x3  }
0x137: {  	[tilespmem:v47+s16+$0x0] =	vst.idx.msk $0xffff, v50  }
0x138: {  	v51 =	vor.u32 s1, v10;
	v33 =	vmovc v15;
	v15 =	vmov v63;
	v63 =	vor.u32 v34, v0;
	v50 =	vld.idx.msk [tilespmem:v53+s13+$0x0], $0xffff  }
0x139: {  	v1 =	vor.u32 v45, v63;
	_ =	sdelay $0x3  }
0x13a: {  	[tilespmem:v51+s16+$0x0] =	vst.idx.msk $0xffff, v50  }
0x13b: {  	v53 =	vor.u32 v29, v0;
	v50 =	vor.u32 s1, v33;
	v51 =	vld.idx.msk [tilespmem:v1+s13+$0x0], $0xffff  }
0x13c: {  	v1 =	vor.u32 v45, v53;
	_ =	sdelay $0x3  }
0x13d: {  	[tilespmem:v50+s16+$0x0] =	vst.idx.msk $0xffff, v51  }
0x13e: {  	v47 =	vmov v52;
	v52 =	vor.u32 v28, v0;
	v50 =	vor.u32 s1, v48;
	v51 =	vld.idx.msk [tilespmem:v1+s13+$0x0], $0xffff  }
0x13f: {  	v1 =	vor.u32 v45, v52;
	_ =	sdelay $0x3  }
0x140: {  	v31 =	vmov v24;
	[tilespmem:v50+s16+$0x0] =	vst.idx.msk $0xffff, v51  }
0x141: {  	v0 =	vor.u32 v27, v0;
	v50 =	vor.u32 s1, v31;
	v1 =	vld.idx.msk [tilespmem:v1+s13+$0x0], $0xffff  }
0x142: {  	v51 =	vor.u32 v45, v0;
	_ =	sdelay $0x3  }
0x143: {  	v24 =	vmov v2;
	v2 =	vmov v25;
	[tilespmem:v50+s16+$0x0] =	vst.idx.msk $0xffff, v1  }
0x144: {  	v50 =	vor.u32 s1, v2;
	v1 =	vld.idx.msk [tilespmem:v51+s13+$0x0], $0xffff  }
0x145: {  	v32 =	vor.u32 v49, v32;
	_ =	sdelay $0x3  }
0x146: {  	v25 =	vmov v3;
	v3 =	vmov v26;
	[tilespmem:v50+s16+$0x0] =	vst.idx.msk $0xffff, v1  }
0x147: {  	v50 =	vor.u32 s1, v3;
	v1 =	vld.idx.msk [tilespmem:v32+s13+$0x0], $0xffff  }
0x148: {  	v32 =	vor.u32 v49, v30;
	_ =	sdelay $0x3  }
0x149: {  	[tilespmem:v50+s16+$0x0] =	vst.idx.msk $0xffff, v1  }
0x14a: {  	v50 =	vor.u32 s1, v8;
	v1 =	vld.idx.msk [tilespmem:v32+s13+$0x0], $0xffff  }
0x14b: {  	v32 =	vor.u32 v49, v14;
	_ =	sdelay $0x3  }
0x14c: {  	[tilespmem:v50+s16+$0x0] =	vst.idx.msk $0xffff, v1  }
0x14d: {  	v1 =	vld.idx.msk [tilespmem:v32+s13+$0x0], $0xffff;
	v32 =	vor.u32 s1, v35  }
0x14e: {  	v54 =	vor.u32 v49, v54;
	_ =	sdelay $0x3  }
0x14f: {  	[tilespmem:v32+s16+$0x0] =	vst.idx.msk $0xffff, v1  }
0x150: {  	v32 =	vor.u32 s1, v36;
	v1 =	vld.idx.msk [tilespmem:v54+s13+$0x0], $0xffff  }
0x151: {  	v54 =	vor.u32 v49, v55;
	_ =	sdelay $0x3  }
0x152: {  	[tilespmem:v32+s16+$0x0] =	vst.idx.msk $0xffff, v1  }
0x153: {  	v55 =	vor.u32 s1, v37;
	v1 =	vld.idx.msk [tilespmem:v54+s13+$0x0], $0xffff  }
0x154: {  	v56 =	vor.u32 v49, v56;
	_ =	sdelay $0x3  }
0x155: {  	[tilespmem:v55+s16+$0x0] =	vst.idx.msk $0xffff, v1  }
0x156: {  	v32 =	vor.u32 s1, v38;
	v1 =	vld.idx.msk [tilespmem:v56+s13+$0x0], $0xffff  }
0x157: {  	v54 =	vor.u32 v49, v57;
	_ =	sdelay $0x3  }
0x158: {  	[tilespmem:v32+s16+$0x0] =	vst.idx.msk $0xffff, v1  }
0x159: {  	v55 =	vor.u32 s1, v39;
	v1 =	vld.idx.msk [tilespmem:v54+s13+$0x0], $0xffff  }
0x15a: {  	v56 =	vor.u32 v49, v58;
	_ =	sdelay $0x3  }
0x15b: {  	[tilespmem:v55+s16+$0x0] =	vst.idx.msk $0xffff, v1  }
0x15c: {  	v57 =	vor.u32 s1, v40;
	v1 =	vld.idx.msk [tilespmem:v56+s13+$0x0], $0xffff  }
0x15d: {  	v58 =	vor.u32 v49, v59;
	_ =	sdelay $0x3  }
0x15e: {  	[tilespmem:v57+s16+$0x0] =	vst.idx.msk $0xffff, v1  }
0x15f: {  	v59 =	vor.u32 s1, v41;
	v1 =	vld.idx.msk [tilespmem:v58+s13+$0x0], $0xffff  }
0x160: {  	v60 =	vor.u32 v49, v60;
	_ =	sdelay $0x3  }
0x161: {  	[tilespmem:v59+s16+$0x0] =	vst.idx.msk $0xffff, v1  }
0x162: {  	v32 =	vor.u32 s1, v42;
	v1 =	vld.idx.msk [tilespmem:v60+s13+$0x0], $0xffff  }
0x163: {  	v54 =	vor.u32 v49, v61;
	_ =	sdelay $0x3  }
0x164: {  	[tilespmem:v32+s16+$0x0] =	vst.idx.msk $0xffff, v1  }
0x165: {  	v55 =	vor.u32 s1, v43;
	v1 =	vld.idx.msk [tilespmem:v54+s13+$0x0], $0xffff  }
0x166: {  	v56 =	vor.u32 v49, v62;
	_ =	sdelay $0x3  }
0x167: {  	[tilespmem:v55+s16+$0x0] =	vst.idx.msk $0xffff, v1  }
0x168: {  	v57 =	vor.u32 s1, v44;
	v1 =	vld.idx.msk [tilespmem:v56+s13+$0x0], $0xffff  }
0x169: {  	v58 =	vor.u32 v49, v63;
	_ =	sdelay $0x3  }
0x16a: {  	[tilespmem:v57+s16+$0x0] =	vst.idx.msk $0xffff, v1  }
0x16b: {  	v59 =	vor.u32 s1, v46;
	v1 =	vld.idx.msk [tilespmem:v58+s13+$0x0], $0xffff  }
0x16c: {  	v60 =	vor.u32 v49, v53;
	_ =	sdelay $0x3  }
0x16d: {  	[tilespmem:v59+s16+$0x0] =	vst.idx.msk $0xffff, v1  }
0x16e: {  	v61 =	vor.u32 s1, v13;
	v1 =	vld.idx.msk [tilespmem:v60+s13+$0x0], $0xffff  }
0x16f: {  	v62 =	vor.u32 v49, v52;
	_ =	sdelay $0x3  }
0x170: {  	[tilespmem:v61+s16+$0x0] =	vst.idx.msk $0xffff, v1  }
0x171: {  	v63 =	vor.u32 s1, v11;
	v1 =	vld.idx.msk [tilespmem:v62+s13+$0x0], $0xffff;
	_ =	sdelay $0x1  }
0x172: {  	v10 =	vmov v29;
	v29 =	vld [tilespmem:$0x1FDB0]  }
0x173: {  	v14 =	vmov v16;
	v16 =	vld [tilespmem:$0x1FFD0]  }
0x174: {  	s30 =	simm.s32 $0x10;
	v26 =	vmovc v17;
	v12 =	vmov v34;
	v34 =	vmov v33;
	v13 =	vmov v15;
	v15 =	vld [tilespmem:$0x1FFC0]  }
0x175: {  	s0 =	simm.s32 $0x20;
	v33 =	vmovc v3;
	v0 =	vor.u32 v49, v0;
	v30 =	vmovc v48;
	v11 =	vld [tilespmem:$0x1FFE0];
	v32 =	vmov v2;
	[tilespmem:v63+s16+$0x0] =	vst.idx.msk $0xffff, v1;
	v1 =	vmov s30  }
.LBB2_3:
0x176: {  	_ =	sdelay $0x2  }
0x177: {  	v57 =	vshll.u32 v1, $0x5  }
0x178: {  	v0 =	vld.idx.msk [tilespmem:v0+s13+$0x0], $0xffff;
	v1 =	vor.u32 s1, v4;
	v50 =	vor.u32 v9, v57  }
0x179: {  	v51 =	vor.u32 v45, v50;
	_ =	sdelay $0x3  }
0x17a: {  	s1 =	smov.u32 s30;
	[tilespmem:v1+s16+$0x0] =	vst.idx.msk $0xffff, v0  }
0x17b: {  	v1 =	vor.u32 s1, v18;
	v0 =	vld.idx.msk [tilespmem:v51+s13+$0x0], $0xffff;
	v51 =	vor.u32 v29, v57  }
0x17c: {  	v52 =	vor.u32 v45, v51;
	_ =	sdelay $0x3  }
0x17d: {  	[tilespmem:v1+s16+$0x0] =	vst.idx.msk $0xffff, v0  }
0x17e: {  	v1 =	vor.u32 s1, v19;
	v0 =	vld.idx.msk [tilespmem:v52+s13+$0x0], $0xffff;
	v52 =	vor.u32 v11, v57  }
0x17f: {  	v53 =	vor.u32 v45, v52;
	_ =	sdelay $0x3  }
0x180: {  	[tilespmem:v1+s16+$0x0] =	vst.idx.msk $0xffff, v0  }
0x181: {  	v1 =	vor.u32 s1, v20;
	v0 =	vld.idx.msk [tilespmem:v53+s13+$0x0], $0xffff;
	v53 =	vor.u32 v7, v57  }
0x182: {  	v54 =	vor.u32 v45, v53;
	_ =	sdelay $0x3  }
0x183: {  	[tilespmem:v1+s16+$0x0] =	vst.idx.msk $0xffff, v0  }
0x184: {  	v1 =	vor.u32 s1, v21;
	v0 =	vld.idx.msk [tilespmem:v54+s13+$0x0], $0xffff;
	v54 =	vor.u32 v6, v57  }
0x185: {  	v2 =	vld [tilespmem:$0x1FC80];
	v55 =	vor.u32 v45, v54;
	_ =	sdelay $0x3  }
0x186: {  	[tilespmem:v1+s16+$0x0] =	vst.idx.msk $0xffff, v0  }
0x187: {  	v1 =	vor.u32 s1, v22;
	v0 =	vld.idx.msk [tilespmem:v55+s13+$0x0], $0xffff;
	v55 =	vor.u32 v2, v57  }
0x188: {  	v56 =	vor.u32 v45, v55;
	_ =	sdelay $0x3  }
0x189: {  	[tilespmem:v1+s16+$0x0] =	vst.idx.msk $0xffff, v0  }
0x18a: {  	v1 =	vor.u32 s1, v23;
	v0 =	vld.idx.msk [tilespmem:v56+s13+$0x0], $0xffff;
	v56 =	vor.u32 v16, v57  }
0x18b: {  	v58 =	vor.u32 v45, v56;
	_ =	sdelay $0x3  }
0x18c: {  	[tilespmem:v1+s16+$0x0] =	vst.idx.msk $0xffff, v0  }
0x18d: {  	v1 =	vor.u32 s1, v24;
	v0 =	vld.idx.msk [tilespmem:v58+s13+$0x0], $0xffff;
	v58 =	vor.u32 v15, v57  }
0x18e: {  	v59 =	vor.u32 v45, v58;
	_ =	sdelay $0x3  }
0x18f: {  	[tilespmem:v1+s16+$0x0] =	vst.idx.msk $0xffff, v0  }
0x190: {  	v1 =	vor.u32 s1, v25;
	v0 =	vld.idx.msk [tilespmem:v59+s13+$0x0], $0xffff;
	v59 =	vor.u32 v5, v57  }
0x191: {  	v2 =	vld [tilespmem:$0x1FC70];
	v60 =	vor.u32 v45, v59;
	_ =	sdelay $0x3  }
0x192: {  	[tilespmem:v1+s16+$0x0] =	vst.idx.msk $0xffff, v0  }
0x193: {  	v1 =	vor.u32 s1, v26;
	v0 =	vld.idx.msk [tilespmem:v60+s13+$0x0], $0xffff;
	v60 =	vor.u32 v2, v57  }
0x194: {  	v61 =	vor.u32 v45, v60;
	_ =	sdelay $0x3  }
0x195: {  	[tilespmem:v1+s16+$0x0] =	vst.idx.msk $0xffff, v0  }
0x196: {  	v1 =	vor.u32 s1, v47;
	v0 =	vld.idx.msk [tilespmem:v61+s13+$0x0], $0xffff;
	_ =	sdelay $0x3  }
0x197: {  	v61 =	vor.u32 v14, v57  }
0x198: {  	v62 =	vor.u32 v45, v61;
	[tilespmem:v1+s16+$0x0] =	vst.idx.msk $0xffff, v0;
	v1 =	vld [tilespmem:$0x1FD70];
	_ =	sdelay $0x4  }
0x199: {  	v0 =	vld.idx.msk [tilespmem:v62+s13+$0x0], $0xffff;
	v1 =	vor.u32 s1, v1;
	_ =	sdelay $0x3  }
0x19a: {  	v62 =	vor.u32 v13, v57  }
0x19b: {  	v63 =	vor.u32 v45, v62;
	[tilespmem:v1+s16+$0x0] =	vst.idx.msk $0xffff, v0;
	v1 =	vld [tilespmem:$0x1FD60];
	_ =	sdelay $0x4  }
0x19c: {  	v48 =	vor.u32 v12, v57;
	v0 =	vld.idx.msk [tilespmem:v63+s13+$0x0], $0xffff;
	v1 =	vor.u32 s1, v1  }
0x19d: {  	v2 =	vor.u32 v45, v48;
	_ =	sdelay $0x3  }
0x19e: {  	[tilespmem:v1+s16+$0x0] =	vst.idx.msk $0xffff, v0  }
0x19f: {  	v0 =	vor.u32 v10, v57;
	v1 =	vld.idx.msk [tilespmem:v2+s13+$0x0], $0xffff;
	v2 =	vor.u32 s1, v34  }
0x1a0: {  	v3 =	vor.u32 v45, v0;
	_ =	sdelay $0x3  }
0x1a1: {  	[tilespmem:v2+s16+$0x0] =	vst.idx.msk $0xffff, v1  }
0x1a2: {  	v17 =	vmov v9;
	v1 =	vor.u32 v28, v57;
	v2 =	vld.idx.msk [tilespmem:v3+s13+$0x0], $0xffff;
	v3 =	vor.u32 s1, v30  }
0x1a3: {  	v9 =	vmovc v7;
	v7 =	vmovc v6;
	v6 =	vmov v5;
	v5 =	vmov v4;
	v4 =	vor.u32 v45, v1;
	_ =	sdelay $0x3  }
0x1a4: {  	[tilespmem:v3+s16+$0x0] =	vst.idx.msk $0xffff, v2  }
0x1a5: {  	v57 =	vor.u32 v27, v57;
	v3 =	vor.u32 s1, v31;
	v2 =	vld.idx.msk [tilespmem:v4+s13+$0x0], $0xffff  }
0x1a6: {  	v4 =	vor.u32 v45, v57;
	_ =	sdelay $0x3  }
0x1a7: {  	[tilespmem:v3+s16+$0x0] =	vst.idx.msk $0xffff, v2  }
0x1a8: {  	v3 =	vor.u32 s1, v32;
	v2 =	vld.idx.msk [tilespmem:v4+s13+$0x0], $0xffff  }
0x1a9: {  	v4 =	vor.u32 v49, v50;
	_ =	sdelay $0x3  }
0x1aa: {  	[tilespmem:v3+s16+$0x0] =	vst.idx.msk $0xffff, v2  }
0x1ab: {  	v3 =	vor.u32 s1, v33;
	v2 =	vld.idx.msk [tilespmem:v4+s13+$0x0], $0xffff  }
0x1ac: {  	v4 =	vor.u32 v49, v51;
	_ =	sdelay $0x3  }
0x1ad: {  	[tilespmem:v3+s16+$0x0] =	vst.idx.msk $0xffff, v2  }
0x1ae: {  	v3 =	vor.u32 s1, v8;
	v2 =	vld.idx.msk [tilespmem:v4+s13+$0x0], $0xffff  }
0x1af: {  	v4 =	vor.u32 v49, v52;
	_ =	sdelay $0x3  }
0x1b0: {  	[tilespmem:v3+s16+$0x0] =	vst.idx.msk $0xffff, v2  }
0x1b1: {  	v3 =	vor.u32 s1, v35;
	v2 =	vld.idx.msk [tilespmem:v4+s13+$0x0], $0xffff  }
0x1b2: {  	v4 =	vor.u32 v49, v53;
	_ =	sdelay $0x3  }
0x1b3: {  	[tilespmem:v3+s16+$0x0] =	vst.idx.msk $0xffff, v2  }
0x1b4: {  	v3 =	vor.u32 s1, v36;
	v2 =	vld.idx.msk [tilespmem:v4+s13+$0x0], $0xffff  }
0x1b5: {  	v4 =	vor.u32 v49, v54;
	_ =	sdelay $0x3  }
0x1b6: {  	[tilespmem:v3+s16+$0x0] =	vst.idx.msk $0xffff, v2  }
0x1b7: {  	v3 =	vor.u32 s1, v37;
	v2 =	vld.idx.msk [tilespmem:v4+s13+$0x0], $0xffff  }
0x1b8: {  	v4 =	vor.u32 v49, v55;
	_ =	sdelay $0x3  }
0x1b9: {  	[tilespmem:v3+s16+$0x0] =	vst.idx.msk $0xffff, v2  }
0x1ba: {  	v3 =	vor.u32 s1, v38;
	v2 =	vld.idx.msk [tilespmem:v4+s13+$0x0], $0xffff  }
0x1bb: {  	v4 =	vor.u32 v49, v56;
	_ =	sdelay $0x3  }
0x1bc: {  	[tilespmem:v3+s16+$0x0] =	vst.idx.msk $0xffff, v2  }
0x1bd: {  	v3 =	vor.u32 s1, v39;
	v2 =	vld.idx.msk [tilespmem:v4+s13+$0x0], $0xffff  }
0x1be: {  	v4 =	vor.u32 v49, v58;
	_ =	sdelay $0x3  }
0x1bf: {  	[tilespmem:v3+s16+$0x0] =	vst.idx.msk $0xffff, v2  }
0x1c0: {  	v3 =	vor.u32 s1, v40;
	v2 =	vld.idx.msk [tilespmem:v4+s13+$0x0], $0xffff  }
0x1c1: {  	v4 =	vor.u32 v49, v59;
	_ =	sdelay $0x3  }
0x1c2: {  	[tilespmem:v3+s16+$0x0] =	vst.idx.msk $0xffff, v2  }
0x1c3: {  	v3 =	vor.u32 s1, v41;
	v2 =	vld.idx.msk [tilespmem:v4+s13+$0x0], $0xffff  }
0x1c4: {  	v4 =	vor.u32 v49, v60;
	_ =	sdelay $0x3  }
0x1c5: {  	[tilespmem:v3+s16+$0x0] =	vst.idx.msk $0xffff, v2  }
0x1c6: {  	v3 =	vor.u32 s1, v42;
	v2 =	vld.idx.msk [tilespmem:v4+s13+$0x0], $0xffff  }
0x1c7: {  	v4 =	vor.u32 v49, v61;
	_ =	sdelay $0x3  }
0x1c8: {  	[tilespmem:v3+s16+$0x0] =	vst.idx.msk $0xffff, v2  }
0x1c9: {  	v3 =	vor.u32 s1, v43;
	v2 =	vld.idx.msk [tilespmem:v4+s13+$0x0], $0xffff  }
0x1ca: {  	v4 =	vor.u32 v49, v62;
	_ =	sdelay $0x3  }
0x1cb: {  	[tilespmem:v3+s16+$0x0] =	vst.idx.msk $0xffff, v2  }
0x1cc: {  	v3 =	vor.u32 s1, v44;
	v2 =	vld.idx.msk [tilespmem:v4+s13+$0x0], $0xffff  }
0x1cd: {  	v4 =	vor.u32 v49, v48;
	_ =	sdelay $0x3  }
0x1ce: {  	[tilespmem:v3+s16+$0x0] =	vst.idx.msk $0xffff, v2  }
0x1cf: {  	v3 =	vor.u32 s1, v46;
	v2 =	vld.idx.msk [tilespmem:v4+s13+$0x0], $0xffff;
	_ =	sdelay $0x4  }
0x1d0: {  	v0 =	vor.u32 v49, v0;
	[tilespmem:v3+s16+$0x0] =	vst.idx.msk $0xffff, v2;
	v2 =	vld [tilespmem:$0x1FD90];
	_ =	sdelay $0x4  }
0x1d1: {  	v0 =	vld.idx.msk [tilespmem:v0+s13+$0x0], $0xffff;
	v2 =	vor.u32 s1, v2;
	_ =	sdelay $0x4  }
0x1d2: {  	v1 =	vor.u32 v49, v1;
	[tilespmem:v2+s16+$0x0] =	vst.idx.msk $0xffff, v0;
	v0 =	vld [tilespmem:$0x1FD80];
	_ =	sdelay $0x4  }
0x1d3: {  	p0 =	sne.s32 s0, $0x70;
	v2 =	vld.idx.msk [tilespmem:v1+s13+$0x0], $0xffff;
	v3 =	vor.u32 s1, v0  }
.Ltmp0:
0x1d4: {  	_ = 	snop;
	(pc) =	sbr.rel @p0 .LBB2_3-.Ltmp0, $3  }
0x1d5: {  	_ =	sdelay $0x1  }
0x1d6: {  	s30 =	smov.u32 s0;
	v4 =	vmov v5;
	v5 =	vmov v6  }
0x1d7: {  	s0 =	sadd.s32 $0x10, s0;
	v6 =	vmovc v7;
	v7 =	vmovc v9;
	v9 =	vmov v17;
	v1 =	vmov s30;
	v0 =	vor.u32 v49, v57;
	[tilespmem:v3+s16+$0x0] =	vst.idx.msk $0xffff, v2  }
0x1d8: {  	_ =	sdelay $0x2  }
0x1d9: {  	v1 =	vshll.u32 v1, $0x5  }
0x1da: {  	v0 =	vld.idx.msk [tilespmem:v0+s13+$0x0], $0xffff;
	v3 =	vor.u32 s1, v4;
	v2 =	vor.u32 v9, v1  }
0x1db: {  	v4 =	vor.u32 v45, v2;
	_ =	sdelay $0x3  }
0x1dc: {  	[tilespmem:v3+s16+$0x0] =	vst.idx.msk $0xffff, v0  }
0x1dd: {  	v3 =	vor.u32 s30, v18;
	v0 =	vld.idx.msk [tilespmem:v4+s13+$0x0], $0xffff;
	v4 =	vor.u32 v29, v1  }
0x1de: {  	v50 =	vor.u32 v45, v4;
	_ =	sdelay $0x3  }
0x1df: {  	[tilespmem:v3+s16+$0x0] =	vst.idx.msk $0xffff, v0  }
0x1e0: {  	v3 =	vor.u32 s30, v19;
	v0 =	vld.idx.msk [tilespmem:v50+s13+$0x0], $0xffff;
	v50 =	vor.u32 v11, v1  }
0x1e1: {  	v51 =	vor.u32 v45, v50;
	_ =	sdelay $0x3  }
0x1e2: {  	[tilespmem:v3+s16+$0x0] =	vst.idx.msk $0xffff, v0  }
0x1e3: {  	v3 =	vor.u32 s30, v20;
	v0 =	vld.idx.msk [tilespmem:v51+s13+$0x0], $0xffff;
	v51 =	vor.u32 v7, v1  }
0x1e4: {  	v52 =	vor.u32 v45, v51;
	_ =	sdelay $0x3  }
0x1e5: {  	[tilespmem:v3+s16+$0x0] =	vst.idx.msk $0xffff, v0  }
0x1e6: {  	v3 =	vor.u32 s30, v21;
	v0 =	vld.idx.msk [tilespmem:v52+s13+$0x0], $0xffff;
	v52 =	vor.u32 v6, v1  }
0x1e7: {  	v17 =	vld [tilespmem:$0x1FC80];
	v53 =	vor.u32 v45, v52;
	_ =	sdelay $0x3  }
0x1e8: {  	[tilespmem:v3+s16+$0x0] =	vst.idx.msk $0xffff, v0  }
0x1e9: {  	v3 =	vor.u32 s30, v22;
	v0 =	vld.idx.msk [tilespmem:v53+s13+$0x0], $0xffff;
	v53 =	vor.u32 v17, v1  }
0x1ea: {  	v54 =	vor.u32 v45, v53;
	_ =	sdelay $0x3  }
0x1eb: {  	[tilespmem:v3+s16+$0x0] =	vst.idx.msk $0xffff, v0  }
0x1ec: {  	v3 =	vor.u32 s30, v23;
	v0 =	vld.idx.msk [tilespmem:v54+s13+$0x0], $0xffff;
	v54 =	vor.u32 v16, v1  }
0x1ed: {  	v55 =	vor.u32 v45, v54;
	_ =	sdelay $0x3  }
0x1ee: {  	[tilespmem:v3+s16+$0x0] =	vst.idx.msk $0xffff, v0  }
0x1ef: {  	v3 =	vor.u32 s30, v24;
	v0 =	vld.idx.msk [tilespmem:v55+s13+$0x0], $0xffff;
	v55 =	vor.u32 v15, v1  }
0x1f0: {  	v56 =	vor.u32 v45, v55;
	_ =	sdelay $0x3  }
0x1f1: {  	[tilespmem:v3+s16+$0x0] =	vst.idx.msk $0xffff, v0  }
0x1f2: {  	v3 =	vor.u32 s30, v25;
	v0 =	vld.idx.msk [tilespmem:v56+s13+$0x0], $0xffff;
	v56 =	vor.u32 v5, v1  }
0x1f3: {  	v48 =	vld [tilespmem:$0x1FC70];
	v57 =	vor.u32 v45, v56;
	_ =	sdelay $0x3  }
0x1f4: {  	[tilespmem:v3+s16+$0x0] =	vst.idx.msk $0xffff, v0  }
0x1f5: {  	v3 =	vor.u32 s30, v26;
	v0 =	vld.idx.msk [tilespmem:v57+s13+$0x0], $0xffff;
	v57 =	vor.u32 v48, v1  }
0x1f6: {  	v58 =	vor.u32 v45, v57;
	_ =	sdelay $0x3  }
0x1f7: {  	[tilespmem:v3+s16+$0x0] =	vst.idx.msk $0xffff, v0  }
0x1f8: {  	v3 =	vor.u32 s30, v47;
	v0 =	vld.idx.msk [tilespmem:v58+s13+$0x0], $0xffff;
	_ =	sdelay $0x3  }
0x1f9: {  	v58 =	vor.u32 v14, v1  }
0x1fa: {  	v59 =	vor.u32 v45, v58;
	[tilespmem:v3+s16+$0x0] =	vst.idx.msk $0xffff, v0;
	v3 =	vld [tilespmem:$0x1FD70];
	_ =	sdelay $0x4  }
0x1fb: {  	v0 =	vld.idx.msk [tilespmem:v59+s13+$0x0], $0xffff;
	v3 =	vor.u32 s30, v3;
	_ =	sdelay $0x3  }
0x1fc: {  	v59 =	vor.u32 v13, v1  }
0x1fd: {  	v60 =	vor.u32 v45, v59;
	[tilespmem:v3+s16+$0x0] =	vst.idx.msk $0xffff, v0;
	v3 =	vld [tilespmem:$0x1FD60];
	_ =	sdelay $0x4  }
0x1fe: {  	v0 =	vld.idx.msk [tilespmem:v60+s13+$0x0], $0xffff;
	v60 =	vor.u32 v12, v1;
	v3 =	vor.u32 s30, v3  }
0x1ff: {  	v61 =	vor.u32 v45, v60;
	_ =	sdelay $0x3  }
0x200: {  	[tilespmem:v3+s16+$0x0] =	vst.idx.msk $0xffff, v0  }
0x201: {  	v3 =	vor.u32 s30, v34;
	v0 =	vld.idx.msk [tilespmem:v61+s13+$0x0], $0xffff;
	v61 =	vor.u32 v10, v1  }
0x202: {  	v62 =	vor.u32 v45, v61;
	_ =	sdelay $0x3  }
0x203: {  	[tilespmem:v3+s16+$0x0] =	vst.idx.msk $0xffff, v0  }
0x204: {  	v3 =	vor.u32 s30, v30;
	v0 =	vld.idx.msk [tilespmem:v62+s13+$0x0], $0xffff;
	v62 =	vor.u32 v28, v1  }
0x205: {  	v63 =	vor.u32 v45, v62;
	_ =	sdelay $0x3  }
0x206: {  	[tilespmem:v3+s16+$0x0] =	vst.idx.msk $0xffff, v0  }
0x207: {  	v1 =	vor.u32 v27, v1;
	v3 =	vor.u32 s30, v31;
	v0 =	vld.idx.msk [tilespmem:v63+s13+$0x0], $0xffff  }
0x208: {  	v63 =	vor.u32 v45, v1;
	_ =	sdelay $0x3  }
0x209: {  	[tilespmem:v3+s16+$0x0] =	vst.idx.msk $0xffff, v0  }
0x20a: {  	v3 =	vor.u32 s30, v32;
	v0 =	vld.idx.msk [tilespmem:v63+s13+$0x0], $0xffff  }
0x20b: {  	v2 =	vor.u32 v49, v2;
	_ =	sdelay $0x3  }
0x20c: {  	[tilespmem:v3+s16+$0x0] =	vst.idx.msk $0xffff, v0  }
0x20d: {  	v0 =	vld.idx.msk [tilespmem:v2+s13+$0x0], $0xffff;
	v2 =	vor.u32 s30, v33  }
0x20e: {  	v3 =	vor.u32 v49, v4;
	_ =	sdelay $0x3  }
0x20f: {  	[tilespmem:v2+s16+$0x0] =	vst.idx.msk $0xffff, v0  }
0x210: {  	v2 =	vor.u32 s30, v8;
	v0 =	vld.idx.msk [tilespmem:v3+s13+$0x0], $0xffff  }
0x211: {  	v3 =	vor.u32 v49, v50;
	_ =	sdelay $0x3  }
0x212: {  	[tilespmem:v2+s16+$0x0] =	vst.idx.msk $0xffff, v0  }
0x213: {  	v2 =	vor.u32 s30, v35;
	v0 =	vld.idx.msk [tilespmem:v3+s13+$0x0], $0xffff  }
0x214: {  	v3 =	vor.u32 v49, v51;
	_ =	sdelay $0x3  }
0x215: {  	[tilespmem:v2+s16+$0x0] =	vst.idx.msk $0xffff, v0  }
0x216: {  	v2 =	vor.u32 s30, v36;
	v0 =	vld.idx.msk [tilespmem:v3+s13+$0x0], $0xffff  }
0x217: {  	v3 =	vor.u32 v49, v52;
	_ =	sdelay $0x3  }
0x218: {  	[tilespmem:v2+s16+$0x0] =	vst.idx.msk $0xffff, v0  }
0x219: {  	v2 =	vor.u32 s30, v37;
	v0 =	vld.idx.msk [tilespmem:v3+s13+$0x0], $0xffff  }
0x21a: {  	v3 =	vor.u32 v49, v53;
	_ =	sdelay $0x3  }
0x21b: {  	[tilespmem:v2+s16+$0x0] =	vst.idx.msk $0xffff, v0  }
0x21c: {  	v2 =	vor.u32 s30, v38;
	v0 =	vld.idx.msk [tilespmem:v3+s13+$0x0], $0xffff  }
0x21d: {  	v3 =	vor.u32 v49, v54;
	_ =	sdelay $0x3  }
0x21e: {  	[tilespmem:v2+s16+$0x0] =	vst.idx.msk $0xffff, v0  }
0x21f: {  	v2 =	vor.u32 s30, v39;
	v0 =	vld.idx.msk [tilespmem:v3+s13+$0x0], $0xffff  }
0x220: {  	v3 =	vor.u32 v49, v55;
	_ =	sdelay $0x3  }
0x221: {  	[tilespmem:v2+s16+$0x0] =	vst.idx.msk $0xffff, v0  }
0x222: {  	v2 =	vor.u32 s30, v40;
	v0 =	vld.idx.msk [tilespmem:v3+s13+$0x0], $0xffff  }
0x223: {  	v3 =	vor.u32 v49, v56;
	_ =	sdelay $0x3  }
0x224: {  	[tilespmem:v2+s16+$0x0] =	vst.idx.msk $0xffff, v0  }
0x225: {  	v2 =	vor.u32 s30, v41;
	v0 =	vld.idx.msk [tilespmem:v3+s13+$0x0], $0xffff  }
0x226: {  	v3 =	vor.u32 v49, v57;
	_ =	sdelay $0x3  }
0x227: {  	[tilespmem:v2+s16+$0x0] =	vst.idx.msk $0xffff, v0  }
0x228: {  	v2 =	vor.u32 s30, v42;
	v0 =	vld.idx.msk [tilespmem:v3+s13+$0x0], $0xffff  }
0x229: {  	v3 =	vor.u32 v49, v58;
	_ =	sdelay $0x3  }
0x22a: {  	[tilespmem:v2+s16+$0x0] =	vst.idx.msk $0xffff, v0  }
0x22b: {  	v2 =	vor.u32 s30, v43;
	v0 =	vld.idx.msk [tilespmem:v3+s13+$0x0], $0xffff  }
0x22c: {  	v3 =	vor.u32 v49, v59;
	_ =	sdelay $0x3  }
0x22d: {  	[tilespmem:v2+s16+$0x0] =	vst.idx.msk $0xffff, v0  }
0x22e: {  	v2 =	vor.u32 s30, v44;
	v0 =	vld.idx.msk [tilespmem:v3+s13+$0x0], $0xffff  }
0x22f: {  	v3 =	vor.u32 v49, v60;
	_ =	sdelay $0x3  }
0x230: {  	[tilespmem:v2+s16+$0x0] =	vst.idx.msk $0xffff, v0  }
0x231: {  	v2 =	vor.u32 s30, v46;
	v0 =	vld.idx.msk [tilespmem:v3+s13+$0x0], $0xffff;
	_ =	sdelay $0x4  }
0x232: {  	v3 =	vor.u32 v49, v61;
	[tilespmem:v2+s16+$0x0] =	vst.idx.msk $0xffff, v0;
	v2 =	vld [tilespmem:$0x1FD90];
	_ =	sdelay $0x4  }
0x233: {  	v0 =	vld.idx.msk [tilespmem:v3+s13+$0x0], $0xffff;
	v2 =	vor.u32 s30, v2;
	_ =	sdelay $0x4  }
0x234: {  	v3 =	vor.u32 v49, v62;
	[tilespmem:v2+s16+$0x0] =	vst.idx.msk $0xffff, v0;
	v2 =	vld [tilespmem:$0x1FD80];
	_ =	sdelay $0x4  }
0x235: {  	v0 =	vld.idx.msk [tilespmem:v3+s13+$0x0], $0xffff;
	v2 =	vor.u32 s30, v2;
	_ =	sdelay $0x4  }
0x236: {  	v1 =	vor.u32 v49, v1;
	[tilespmem:v2+s16+$0x0] =	vst.idx.msk $0xffff, v0;
	v2 =	vld [tilespmem:$0x1FFF0];
	_ =	sdelay $0x3  }
0x237: {  	s0 =	simm.s32 $0x80  }
0x238: {  	v3 =	vmov s0;
	v1 =	vld.idx.msk [tilespmem:v1+s13+$0x0], $0xffff;
	v17 =	vmov v2;
	v2 =	vor.u32 s30, v2  }
0x239: {  	v0 =	vshll.u32 v3, $0x5  }
0x23a: {  	v3 =	vor.u32 v9, v0  }
0x23b: {  	v4 =	vor.u32 v45, v3;
	_ =	sdelay $0x1  }
0x23c: {  	[tilespmem:v2+s16+$0x0] =	vst.idx.msk $0xffff, v1;
	v2 =	vld [tilespmem:$0x1FDA0];
	_ =	sdelay $0x2  }
0x23d: {  	v1 =	vld.idx.msk [tilespmem:v4+s13+$0x0], $0xffff  }
0x23e: {  	s1 =	simm.s32 $0x400;
	v4 =	vld [tilespmem:$0x1FDB0]  }
0x23f: {  	v2 =	vor.u32 s1, v2;
	_ =	sdelay $0x3  }
0x240: {  	v4 =	vor.u32 v4, v0  }
0x241: {  	v60 =	vor.u32 v45, v4;
	[tilespmem:v2+s16+$0x0] =	vst.idx.msk $0xffff, v1;
	v2 =	vld [tilespmem:$0x1FDC0];
	_ =	sdelay $0x3  }
0x242: {  	v61 =	vld [tilespmem:$0x1FFE0]  }
0x243: {  	v1 =	vld.idx.msk [tilespmem:v60+s13+$0x0], $0xffff;
	v2 =	vor.u32 s1, v2;
	_ =	sdelay $0x3  }
0x244: {  	v50 =	vor.u32 v61, v0  }
0x245: {  	v62 =	vor.u32 v45, v50;
	[tilespmem:v2+s16+$0x0] =	vst.idx.msk $0xffff, v1;
	v2 =	vld [tilespmem:$0x1FE50];
	_ =	sdelay $0x4  }
0x246: {  	v1 =	vld.idx.msk [tilespmem:v62+s13+$0x0], $0xffff;
	v2 =	vor.u32 s1, v2;
	_ =	sdelay $0x3  }
0x247: {  	v51 =	vor.u32 v7, v0  }
0x248: {  	v63 =	vor.u32 v45, v51;
	[tilespmem:v2+s16+$0x0] =	vst.idx.msk $0xffff, v1;
	v2 =	vld [tilespmem:$0x1FE60];
	_ =	sdelay $0x4  }
0x249: {  	v1 =	vld.idx.msk [tilespmem:v63+s13+$0x0], $0xffff;
	v2 =	vor.u32 s1, v2;
	_ =	sdelay $0x3  }
0x24a: {  	v52 =	vor.u32 v6, v0  }
0x24b: {  	v56 =	vor.u32 v45, v52;
	[tilespmem:v2+s16+$0x0] =	vst.idx.msk $0xffff, v1;
	v2 =	vld [tilespmem:$0x1FDD0];
	_ =	sdelay $0x3  }
0x24c: {  	v57 =	vld [tilespmem:$0x1FC80]  }
0x24d: {  	v1 =	vld.idx.msk [tilespmem:v56+s13+$0x0], $0xffff;
	v2 =	vor.u32 s1, v2;
	_ =	sdelay $0x3  }
0x24e: {  	v53 =	vor.u32 v57, v0  }
0x24f: {  	v58 =	vor.u32 v45, v53;
	[tilespmem:v2+s16+$0x0] =	vst.idx.msk $0xffff, v1;
	v2 =	vld [tilespmem:$0x1FDE0];
	_ =	sdelay $0x3  }
0x250: {  	v59 =	vld [tilespmem:$0x1FFD0]  }
0x251: {  	v1 =	vld.idx.msk [tilespmem:v58+s13+$0x0], $0xffff;
	v2 =	vor.u32 s1, v2;
	_ =	sdelay $0x3  }
0x252: {  	v54 =	vor.u32 v59, v0  }
0x253: {  	v60 =	vor.u32 v45, v54;
	[tilespmem:v2+s16+$0x0] =	vst.idx.msk $0xffff, v1;
	v2 =	vld [tilespmem:$0x1FDF0];
	_ =	sdelay $0x3  }
0x254: {  	v61 =	vld [tilespmem:$0x1FFC0]  }
0x255: {  	v1 =	vld.idx.msk [tilespmem:v60+s13+$0x0], $0xffff;
	v2 =	vor.u32 s1, v2;
	_ =	sdelay $0x3  }
0x256: {  	v55 =	vor.u32 v61, v0  }
0x257: {  	v62 =	vor.u32 v45, v55;
	[tilespmem:v2+s16+$0x0] =	vst.idx.msk $0xffff, v1;
	v2 =	vld [tilespmem:$0x1FE70];
	_ =	sdelay $0x4  }
0x258: {  	v1 =	vld.idx.msk [tilespmem:v62+s13+$0x0], $0xffff;
	v2 =	vor.u32 s1, v2;
	_ =	sdelay $0x3  }
0x259: {  	v56 =	vor.u32 v5, v0  }
0x25a: {  	v63 =	vor.u32 v45, v56;
	[tilespmem:v2+s16+$0x0] =	vst.idx.msk $0xffff, v1;
	v2 =	vld [tilespmem:$0x1FE00];
	_ =	sdelay $0x4  }
0x25b: {  	v1 =	vld.idx.msk [tilespmem:v63+s13+$0x0], $0xffff;
	v2 =	vor.u32 s1, v2;
	_ =	sdelay $0x3  }
0x25c: {  	v57 =	vor.u32 v48, v0  }
0x25d: {  	v60 =	vor.u32 v45, v57;
	[tilespmem:v2+s16+$0x0] =	vst.idx.msk $0xffff, v1;
	v2 =	vld [tilespmem:$0x1FE10];
	_ =	sdelay $0x3  }
0x25e: {  	v61 =	vld [tilespmem:$0x1FFB0]  }
0x25f: {  	v1 =	vld.idx.msk [tilespmem:v60+s13+$0x0], $0xffff;
	v2 =	vor.u32 s1, v2;
	_ =	sdelay $0x3  }
0x260: {  	v58 =	vor.u32 v61, v0;
	v63 =	vld [tilespmem:$0x1FFA0]  }
0x261: {  	v62 =	vor.u32 v45, v58;
	[tilespmem:v2+s16+$0x0] =	vst.idx.msk $0xffff, v1;
	v2 =	vld [tilespmem:$0x1FD70];
	_ =	sdelay $0x4  }
0x262: {  	v59 =	vor.u32 v63, v0;
	v1 =	vld.idx.msk [tilespmem:v62+s13+$0x0], $0xffff;
	v2 =	vor.u32 s1, v2  }
0x263: {  	v60 =	vor.u32 v45, v59;
	_ =	sdelay $0x3  }
0x264: {  	[tilespmem:v2+s16+$0x0] =	vst.idx.msk $0xffff, v1;
	v2 =	vld [tilespmem:$0x1FD60]  }
0x265: {  	v1 =	vld.idx.msk [tilespmem:v60+s13+$0x0], $0xffff  }
0x266: {  	v60 =	vld [tilespmem:$0x1FF90];
	_ =	sdelay $0x4  }
0x267: {  	v2 =	vor.u32 s1, v2;
	v60 =	vor.u32 v60, v0  }
0x268: {  	v61 =	vor.u32 v45, v60;
	_ =	sdelay $0x3  }
0x269: {  	[tilespmem:v2+s16+$0x0] =	vst.idx.msk $0xffff, v1;
	v2 =	vld [tilespmem:$0x1FE20]  }
0x26a: {  	v1 =	vld.idx.msk [tilespmem:v61+s13+$0x0], $0xffff  }
0x26b: {  	v61 =	vld [tilespmem:$0x1FF80];
	_ =	sdelay $0x4  }
0x26c: {  	v2 =	vor.u32 s1, v2;
	v61 =	vor.u32 v61, v0  }
0x26d: {  	v62 =	vor.u32 v45, v61;
	_ =	sdelay $0x3  }
0x26e: {  	[tilespmem:v2+s16+$0x0] =	vst.idx.msk $0xffff, v1;
	v2 =	vld [tilespmem:$0x1FE30]  }
0x26f: {  	v1 =	vld.idx.msk [tilespmem:v62+s13+$0x0], $0xffff  }
0x270: {  	v62 =	vld [tilespmem:$0x1FF70];
	_ =	sdelay $0x2  }
0x271: {  	v2 =	vor.u32 s1, v2;
	_ =	sdelay $0x1  }
0x272: {  	v62 =	vor.u32 v62, v0  }
0x273: {  	v63 =	vor.u32 v45, v62;
	_ =	sdelay $0x1  }
0x274: {  	[tilespmem:v2+s16+$0x0] =	vst.idx.msk $0xffff, v1;
	v2 =	vld [tilespmem:$0x1FE40];
	_ =	sdelay $0x2  }
0x275: {  	v1 =	vld.idx.msk [tilespmem:v63+s13+$0x0], $0xffff  }
0x276: {  	v63 =	vld [tilespmem:$0x1FF60]  }
0x277: {  	v2 =	vor.u32 s1, v2;
	_ =	sdelay $0x3  }
0x278: {  	v63 =	vor.u32 v63, v0  }
0x279: {  	v0 =	vor.u32 v45, v63;
	[tilespmem:v2+s16+$0x0] =	vst.idx.msk $0xffff, v1;
	v1 =	vld [tilespmem:$0x1FF40];
	_ =	sdelay $0x4  }
0x27a: {  	v0 =	vld.idx.msk [tilespmem:v0+s13+$0x0], $0xffff;
	v1 =	vor.u32 s1, v1;
	_ =	sdelay $0x4  }
0x27b: {  	v2 =	vor.u32 v49, v3;
	[tilespmem:v1+s16+$0x0] =	vst.idx.msk $0xffff, v0;
	v1 =	vld [tilespmem:$0x1FF50];
	_ =	sdelay $0x4  }
0x27c: {  	v0 =	vld.idx.msk [tilespmem:v2+s13+$0x0], $0xffff;
	v1 =	vor.u32 s1, v1;
	_ =	sdelay $0x4  }
0x27d: {  	v2 =	vor.u32 v49, v4;
	[tilespmem:v1+s16+$0x0] =	vst.idx.msk $0xffff, v0;
	v1 =	vld [tilespmem:$0x1FE80];
	_ =	sdelay $0x4  }
0x27e: {  	v0 =	vld.idx.msk [tilespmem:v2+s13+$0x0], $0xffff;
	v1 =	vor.u32 s1, v1;
	_ =	sdelay $0x4  }
0x27f: {  	v2 =	vor.u32 v49, v50;
	[tilespmem:v1+s16+$0x0] =	vst.idx.msk $0xffff, v0;
	v1 =	vld [tilespmem:$0x1FE90];
	_ =	sdelay $0x4  }
0x280: {  	v0 =	vld.idx.msk [tilespmem:v2+s13+$0x0], $0xffff;
	v1 =	vor.u32 s1, v1;
	_ =	sdelay $0x4  }
0x281: {  	v2 =	vor.u32 v49, v51;
	[tilespmem:v1+s16+$0x0] =	vst.idx.msk $0xffff, v0;
	v1 =	vld [tilespmem:$0x1FEA0];
	_ =	sdelay $0x4  }
0x282: {  	v0 =	vld.idx.msk [tilespmem:v2+s13+$0x0], $0xffff;
	v1 =	vor.u32 s1, v1;
	_ =	sdelay $0x4  }
0x283: {  	v2 =	vor.u32 v49, v52;
	[tilespmem:v1+s16+$0x0] =	vst.idx.msk $0xffff, v0;
	v1 =	vld [tilespmem:$0x1FEB0];
	_ =	sdelay $0x4  }
0x284: {  	v0 =	vld.idx.msk [tilespmem:v2+s13+$0x0], $0xffff;
	v1 =	vor.u32 s1, v1;
	_ =	sdelay $0x4  }
0x285: {  	v2 =	vor.u32 v49, v53;
	[tilespmem:v1+s16+$0x0] =	vst.idx.msk $0xffff, v0;
	v1 =	vld [tilespmem:$0x1FEC0];
	_ =	sdelay $0x4  }
0x286: {  	v0 =	vld.idx.msk [tilespmem:v2+s13+$0x0], $0xffff;
	v1 =	vor.u32 s1, v1;
	_ =	sdelay $0x4  }
0x287: {  	v2 =	vor.u32 v49, v54;
	[tilespmem:v1+s16+$0x0] =	vst.idx.msk $0xffff, v0;
	v1 =	vld [tilespmem:$0x1FED0];
	_ =	sdelay $0x4  }
0x288: {  	v0 =	vld.idx.msk [tilespmem:v2+s13+$0x0], $0xffff;
	v1 =	vor.u32 s1, v1;
	_ =	sdelay $0x4  }
0x289: {  	v2 =	vor.u32 v49, v55;
	[tilespmem:v1+s16+$0x0] =	vst.idx.msk $0xffff, v0;
	v1 =	vld [tilespmem:$0x1FEE0];
	_ =	sdelay $0x4  }
0x28a: {  	v0 =	vld.idx.msk [tilespmem:v2+s13+$0x0], $0xffff;
	v1 =	vor.u32 s1, v1;
	_ =	sdelay $0x4  }
0x28b: {  	v2 =	vor.u32 v49, v56;
	[tilespmem:v1+s16+$0x0] =	vst.idx.msk $0xffff, v0;
	v1 =	vld [tilespmem:$0x1FEF0];
	_ =	sdelay $0x4  }
0x28c: {  	v0 =	vld.idx.msk [tilespmem:v2+s13+$0x0], $0xffff;
	v1 =	vor.u32 s1, v1;
	_ =	sdelay $0x4  }
0x28d: {  	v2 =	vor.u32 v49, v57;
	[tilespmem:v1+s16+$0x0] =	vst.idx.msk $0xffff, v0;
	v1 =	vld [tilespmem:$0x1FF00];
	_ =	sdelay $0x4  }
0x28e: {  	v0 =	vld.idx.msk [tilespmem:v2+s13+$0x0], $0xffff;
	v1 =	vor.u32 s1, v1;
	_ =	sdelay $0x4  }
0x28f: {  	v2 =	vor.u32 v49, v58;
	[tilespmem:v1+s16+$0x0] =	vst.idx.msk $0xffff, v0;
	v1 =	vld [tilespmem:$0x1FF10];
	_ =	sdelay $0x4  }
0x290: {  	v0 =	vld.idx.msk [tilespmem:v2+s13+$0x0], $0xffff;
	v1 =	vor.u32 s1, v1;
	_ =	sdelay $0x4  }
0x291: {  	v2 =	vor.u32 v49, v59;
	[tilespmem:v1+s16+$0x0] =	vst.idx.msk $0xffff, v0;
	v1 =	vld [tilespmem:$0x1FF20];
	_ =	sdelay $0x4  }
0x292: {  	v0 =	vld.idx.msk [tilespmem:v2+s13+$0x0], $0xffff;
	v1 =	vor.u32 s1, v1;
	_ =	sdelay $0x4  }
0x293: {  	v2 =	vor.u32 v49, v60;
	[tilespmem:v1+s16+$0x0] =	vst.idx.msk $0xffff, v0;
	v1 =	vld [tilespmem:$0x1FF30];
	_ =	sdelay $0x4  }
0x294: {  	v0 =	vld.idx.msk [tilespmem:v2+s13+$0x0], $0xffff;
	v1 =	vor.u32 s1, v1;
	_ =	sdelay $0x4  }
0x295: {  	v2 =	vor.u32 v49, v61;
	[tilespmem:v1+s16+$0x0] =	vst.idx.msk $0xffff, v0;
	v1 =	vld [tilespmem:$0x1FD90];
	_ =	sdelay $0x4  }
0x296: {  	v0 =	vld.idx.msk [tilespmem:v2+s13+$0x0], $0xffff;
	v1 =	vor.u32 s1, v1;
	_ =	sdelay $0x4  }
0x297: {  	v2 =	vor.u32 v49, v62;
	[tilespmem:v1+s16+$0x0] =	vst.idx.msk $0xffff, v0;
	v1 =	vld [tilespmem:$0x1FD80];
	_ =	sdelay $0x4  }
0x298: {  	s31 =	simm.s32 $0x420;
	s0 =	simm.s32 $0x90;
	s30 =	simm.s32 $0x410;
	v0 =	vld.idx.msk [tilespmem:v2+s13+$0x0], $0xffff;
	v50 =	vor.u32 s1, v1;
	v1 =	vor.u32 v49, v63  }
.LBB2_5:
0x299: {  	_ =	sdelay $0x2  }
0x29a: {  	v2 =	vmov s0  }
0x29b: {  	[tilespmem:v50+s16+$0x0] =	vst.idx.msk $0xffff, v0;
	v57 =	vshll.u32 v2, $0x5  }
0x29c: {  	v0 =	vld.idx.msk [tilespmem:v1+s13+$0x0], $0xffff;
	v1 =	vor.u32 s1, v17;
	v50 =	vor.u32 v9, v57  }
0x29d: {  	v2 =	vor.u32 v45, v50;
	_ =	sdelay $0x3  }
0x29e: {  	s1 =	smov.u32 s30;
	[tilespmem:v1+s16+$0x0] =	vst.idx.msk $0xffff, v0  }
0x29f: {  	v51 =	vor.u32 v29, v57;
	v1 =	vor.u32 s1, v18;
	v0 =	vld.idx.msk [tilespmem:v2+s13+$0x0], $0xffff  }
0x2a0: {  	v2 =	vor.u32 v45, v51;
	_ =	sdelay $0x3  }
0x2a1: {  	[tilespmem:v1+s16+$0x0] =	vst.idx.msk $0xffff, v0  }
0x2a2: {  	v52 =	vor.u32 v11, v57;
	v1 =	vor.u32 s1, v19;
	v0 =	vld.idx.msk [tilespmem:v2+s13+$0x0], $0xffff  }
0x2a3: {  	v2 =	vor.u32 v45, v52;
	_ =	sdelay $0x3  }
0x2a4: {  	[tilespmem:v1+s16+$0x0] =	vst.idx.msk $0xffff, v0  }
0x2a5: {  	v53 =	vor.u32 v7, v57;
	v1 =	vor.u32 s1, v20;
	v0 =	vld.idx.msk [tilespmem:v2+s13+$0x0], $0xffff  }
0x2a6: {  	v2 =	vor.u32 v45, v53;
	_ =	sdelay $0x3  }
0x2a7: {  	[tilespmem:v1+s16+$0x0] =	vst.idx.msk $0xffff, v0  }
0x2a8: {  	v54 =	vor.u32 v6, v57;
	v1 =	vor.u32 s1, v21;
	v0 =	vld.idx.msk [tilespmem:v2+s13+$0x0], $0xffff  }
0x2a9: {  	v2 =	vor.u32 v45, v54;
	_ =	sdelay $0x3  }
0x2aa: {  	[tilespmem:v1+s16+$0x0] =	vst.idx.msk $0xffff, v0  }
0x2ab: {  	v0 =	vld.idx.msk [tilespmem:v2+s13+$0x0], $0xffff  }
0x2ac: {  	v2 =	vld [tilespmem:$0x1FC80];
	_ =	sdelay $0x4  }
0x2ad: {  	v1 =	vor.u32 s1, v22;
	v55 =	vor.u32 v2, v57  }
0x2ae: {  	v2 =	vor.u32 v45, v55;
	_ =	sdelay $0x3  }
0x2af: {  	[tilespmem:v1+s16+$0x0] =	vst.idx.msk $0xffff, v0  }
0x2b0: {  	v56 =	vor.u32 v16, v57;
	v1 =	vor.u32 s1, v23;
	v0 =	vld.idx.msk [tilespmem:v2+s13+$0x0], $0xffff  }
0x2b1: {  	v2 =	vor.u32 v45, v56;
	_ =	sdelay $0x3  }
0x2b2: {  	[tilespmem:v1+s16+$0x0] =	vst.idx.msk $0xffff, v0  }
0x2b3: {  	v58 =	vor.u32 v15, v57;
	v1 =	vor.u32 s1, v24;
	v0 =	vld.idx.msk [tilespmem:v2+s13+$0x0], $0xffff  }
0x2b4: {  	v2 =	vor.u32 v45, v58;
	_ =	sdelay $0x3  }
0x2b5: {  	[tilespmem:v1+s16+$0x0] =	vst.idx.msk $0xffff, v0  }
0x2b6: {  	v59 =	vor.u32 v5, v57;
	v1 =	vor.u32 s1, v25;
	v0 =	vld.idx.msk [tilespmem:v2+s13+$0x0], $0xffff  }
0x2b7: {  	v2 =	vor.u32 v45, v59;
	_ =	sdelay $0x3  }
0x2b8: {  	[tilespmem:v1+s16+$0x0] =	vst.idx.msk $0xffff, v0  }
0x2b9: {  	v60 =	vor.u32 v48, v57;
	v1 =	vor.u32 s1, v26;
	v0 =	vld.idx.msk [tilespmem:v2+s13+$0x0], $0xffff  }
0x2ba: {  	v2 =	vor.u32 v45, v60;
	_ =	sdelay $0x3  }
0x2bb: {  	[tilespmem:v1+s16+$0x0] =	vst.idx.msk $0xffff, v0  }
0x2bc: {  	v1 =	vor.u32 s1, v47;
	v0 =	vld.idx.msk [tilespmem:v2+s13+$0x0], $0xffff;
	_ =	sdelay $0x3  }
0x2bd: {  	v61 =	vor.u32 v14, v57  }
0x2be: {  	v2 =	vor.u32 v45, v61;
	[tilespmem:v1+s16+$0x0] =	vst.idx.msk $0xffff, v0;
	v1 =	vld [tilespmem:$0x1FD70];
	_ =	sdelay $0x4  }
0x2bf: {  	v0 =	vld.idx.msk [tilespmem:v2+s13+$0x0], $0xffff;
	v1 =	vor.u32 s1, v1;
	_ =	sdelay $0x3  }
0x2c0: {  	v62 =	vor.u32 v13, v57  }
0x2c1: {  	v2 =	vor.u32 v45, v62;
	[tilespmem:v1+s16+$0x0] =	vst.idx.msk $0xffff, v0;
	v1 =	vld [tilespmem:$0x1FD60];
	_ =	sdelay $0x4  }
0x2c2: {  	v63 =	vor.u32 v12, v57;
	v0 =	vld.idx.msk [tilespmem:v2+s13+$0x0], $0xffff;
	v1 =	vor.u32 s1, v1  }
0x2c3: {  	v2 =	vor.u32 v45, v63;
	_ =	sdelay $0x3  }
0x2c4: {  	[tilespmem:v1+s16+$0x0] =	vst.idx.msk $0xffff, v0  }
0x2c5: {  	v0 =	vor.u32 v10, v57;
	v1 =	vld.idx.msk [tilespmem:v2+s13+$0x0], $0xffff;
	v2 =	vor.u32 s1, v34  }
0x2c6: {  	v3 =	vor.u32 v45, v0;
	_ =	sdelay $0x3  }
0x2c7: {  	[tilespmem:v2+s16+$0x0] =	vst.idx.msk $0xffff, v1  }
0x2c8: {  	v1 =	vor.u32 v28, v57;
	v2 =	vld.idx.msk [tilespmem:v3+s13+$0x0], $0xffff;
	v3 =	vor.u32 s1, v30  }
0x2c9: {  	v4 =	vor.u32 v45, v1;
	_ =	sdelay $0x3  }
0x2ca: {  	[tilespmem:v3+s16+$0x0] =	vst.idx.msk $0xffff, v2  }
0x2cb: {  	v57 =	vor.u32 v27, v57;
	v3 =	vor.u32 s1, v31;
	v2 =	vld.idx.msk [tilespmem:v4+s13+$0x0], $0xffff  }
0x2cc: {  	v4 =	vor.u32 v45, v57;
	_ =	sdelay $0x3  }
0x2cd: {  	[tilespmem:v3+s16+$0x0] =	vst.idx.msk $0xffff, v2  }
0x2ce: {  	v3 =	vor.u32 s1, v32;
	v2 =	vld.idx.msk [tilespmem:v4+s13+$0x0], $0xffff  }
0x2cf: {  	v4 =	vor.u32 v49, v50;
	_ =	sdelay $0x3  }
0x2d0: {  	[tilespmem:v3+s16+$0x0] =	vst.idx.msk $0xffff, v2  }
0x2d1: {  	v3 =	vor.u32 s1, v33;
	v2 =	vld.idx.msk [tilespmem:v4+s13+$0x0], $0xffff  }
0x2d2: {  	v4 =	vor.u32 v49, v51;
	_ =	sdelay $0x3  }
0x2d3: {  	[tilespmem:v3+s16+$0x0] =	vst.idx.msk $0xffff, v2  }
0x2d4: {  	v3 =	vor.u32 s1, v8;
	v2 =	vld.idx.msk [tilespmem:v4+s13+$0x0], $0xffff  }
0x2d5: {  	v4 =	vor.u32 v49, v52;
	_ =	sdelay $0x3  }
0x2d6: {  	[tilespmem:v3+s16+$0x0] =	vst.idx.msk $0xffff, v2  }
0x2d7: {  	v3 =	vor.u32 s1, v35;
	v2 =	vld.idx.msk [tilespmem:v4+s13+$0x0], $0xffff  }
0x2d8: {  	v4 =	vor.u32 v49, v53;
	_ =	sdelay $0x3  }
0x2d9: {  	[tilespmem:v3+s16+$0x0] =	vst.idx.msk $0xffff, v2  }
0x2da: {  	v3 =	vor.u32 s1, v36;
	v2 =	vld.idx.msk [tilespmem:v4+s13+$0x0], $0xffff  }
0x2db: {  	v4 =	vor.u32 v49, v54;
	_ =	sdelay $0x3  }
0x2dc: {  	[tilespmem:v3+s16+$0x0] =	vst.idx.msk $0xffff, v2  }
0x2dd: {  	v3 =	vor.u32 s1, v37;
	v2 =	vld.idx.msk [tilespmem:v4+s13+$0x0], $0xffff  }
0x2de: {  	v4 =	vor.u32 v49, v55;
	_ =	sdelay $0x3  }
0x2df: {  	[tilespmem:v3+s16+$0x0] =	vst.idx.msk $0xffff, v2  }
0x2e0: {  	v3 =	vor.u32 s1, v38;
	v2 =	vld.idx.msk [tilespmem:v4+s13+$0x0], $0xffff  }
0x2e1: {  	v4 =	vor.u32 v49, v56;
	_ =	sdelay $0x3  }
0x2e2: {  	[tilespmem:v3+s16+$0x0] =	vst.idx.msk $0xffff, v2  }
0x2e3: {  	v3 =	vor.u32 s1, v39;
	v2 =	vld.idx.msk [tilespmem:v4+s13+$0x0], $0xffff  }
0x2e4: {  	v4 =	vor.u32 v49, v58;
	_ =	sdelay $0x3  }
0x2e5: {  	[tilespmem:v3+s16+$0x0] =	vst.idx.msk $0xffff, v2  }
0x2e6: {  	v3 =	vor.u32 s1, v40;
	v2 =	vld.idx.msk [tilespmem:v4+s13+$0x0], $0xffff  }
0x2e7: {  	v4 =	vor.u32 v49, v59;
	_ =	sdelay $0x3  }
0x2e8: {  	[tilespmem:v3+s16+$0x0] =	vst.idx.msk $0xffff, v2  }
0x2e9: {  	v3 =	vor.u32 s1, v41;
	v2 =	vld.idx.msk [tilespmem:v4+s13+$0x0], $0xffff  }
0x2ea: {  	v4 =	vor.u32 v49, v60;
	_ =	sdelay $0x3  }
0x2eb: {  	[tilespmem:v3+s16+$0x0] =	vst.idx.msk $0xffff, v2  }
0x2ec: {  	v3 =	vor.u32 s1, v42;
	v2 =	vld.idx.msk [tilespmem:v4+s13+$0x0], $0xffff  }
0x2ed: {  	v4 =	vor.u32 v49, v61;
	_ =	sdelay $0x3  }
0x2ee: {  	[tilespmem:v3+s16+$0x0] =	vst.idx.msk $0xffff, v2  }
0x2ef: {  	v3 =	vor.u32 s1, v43;
	v2 =	vld.idx.msk [tilespmem:v4+s13+$0x0], $0xffff  }
0x2f0: {  	v4 =	vor.u32 v49, v62;
	_ =	sdelay $0x3  }
0x2f1: {  	[tilespmem:v3+s16+$0x0] =	vst.idx.msk $0xffff, v2  }
0x2f2: {  	v3 =	vor.u32 s1, v44;
	v2 =	vld.idx.msk [tilespmem:v4+s13+$0x0], $0xffff  }
0x2f3: {  	v4 =	vor.u32 v49, v63;
	_ =	sdelay $0x3  }
0x2f4: {  	[tilespmem:v3+s16+$0x0] =	vst.idx.msk $0xffff, v2  }
0x2f5: {  	v3 =	vor.u32 s1, v46;
	v2 =	vld.idx.msk [tilespmem:v4+s13+$0x0], $0xffff;
	_ =	sdelay $0x4  }
0x2f6: {  	v0 =	vor.u32 v49, v0;
	[tilespmem:v3+s16+$0x0] =	vst.idx.msk $0xffff, v2;
	v2 =	vld [tilespmem:$0x1FD90];
	_ =	sdelay $0x4  }
0x2f7: {  	v0 =	vld.idx.msk [tilespmem:v0+s13+$0x0], $0xffff;
	v2 =	vor.u32 s1, v2  }
0x2f8: {  	v1 =	vor.u32 v49, v1;
	_ =	sdelay $0x3  }
0x2f9: {  	[tilespmem:v2+s16+$0x0] =	vst.idx.msk $0xffff, v0  }
0x2fa: {  	v0 =	vld.idx.msk [tilespmem:v1+s13+$0x0], $0xffff  }
0x2fb: {  	p0 =	sne.s32 s31, $0x470;
	v1 =	vld [tilespmem:$0x1FD80]  }
.Ltmp1:
0x2fc: {  	_ = 	snop;
	(pc) =	sbr.rel @p0 .LBB2_5-.Ltmp1, $3  }
0x2fd: {  	_ =	sdelay $0x1  }
0x2fe: {  	s30 =	smov.u32 s31  }
0x2ff: {  	s31 =	sadd.s32 $0x10, s31;
	s0 =	sadd.s32 $0xFFFFFC80, s30;
	v50 =	vor.u32 s1, v1;
	v1 =	vor.u32 v49, v57  }
0x300: {  	_ =	sdelay $0x2  }
0x301: {  	v2 =	vmov s0  }
0x302: {  	[tilespmem:v50+s16+$0x0] =	vst.idx.msk $0xffff, v0;
	v0 =	vshll.u32 v2, $0x5  }
0x303: {  	v3 =	vor.u32 s1, v17;
	v1 =	vld.idx.msk [tilespmem:v1+s13+$0x0], $0xffff;
	v2 =	vor.u32 v9, v0  }
0x304: {  	v4 =	vor.u32 v45, v2;
	_ =	sdelay $0x3  }
0x305: {  	[tilespmem:v3+s16+$0x0] =	vst.idx.msk $0xffff, v1  }
0x306: {  	v3 =	vor.u32 s30, v18;
	v1 =	vld.idx.msk [tilespmem:v4+s13+$0x0], $0xffff;
	v4 =	vor.u32 v29, v0  }
0x307: {  	v57 =	vor.u32 v45, v4;
	_ =	sdelay $0x3  }
0x308: {  	[tilespmem:v3+s16+$0x0] =	vst.idx.msk $0xffff, v1  }
0x309: {  	v50 =	vor.u32 v11, v0;
	v3 =	vor.u32 s30, v19;
	v1 =	vld.idx.msk [tilespmem:v57+s13+$0x0], $0xffff  }
0x30a: {  	v51 =	vor.u32 v45, v50;
	_ =	sdelay $0x3  }
0x30b: {  	[tilespmem:v3+s16+$0x0] =	vst.idx.msk $0xffff, v1  }
0x30c: {  	v3 =	vor.u32 s30, v20;
	v1 =	vld.idx.msk [tilespmem:v51+s13+$0x0], $0xffff;
	v51 =	vor.u32 v7, v0  }
0x30d: {  	v52 =	vor.u32 v45, v51;
	_ =	sdelay $0x3  }
0x30e: {  	[tilespmem:v3+s16+$0x0] =	vst.idx.msk $0xffff, v1  }
0x30f: {  	v3 =	vor.u32 s30, v21;
	v1 =	vld.idx.msk [tilespmem:v52+s13+$0x0], $0xffff;
	v52 =	vor.u32 v6, v0  }
0x310: {  	v58 =	vld [tilespmem:$0x1FC80];
	v53 =	vor.u32 v45, v52;
	_ =	sdelay $0x3  }
0x311: {  	[tilespmem:v3+s16+$0x0] =	vst.idx.msk $0xffff, v1  }
0x312: {  	v3 =	vor.u32 s30, v22;
	v1 =	vld.idx.msk [tilespmem:v53+s13+$0x0], $0xffff;
	v53 =	vor.u32 v58, v0  }
0x313: {  	v54 =	vor.u32 v45, v53;
	_ =	sdelay $0x3  }
0x314: {  	[tilespmem:v3+s16+$0x0] =	vst.idx.msk $0xffff, v1  }
0x315: {  	v3 =	vor.u32 s30, v23;
	v1 =	vld.idx.msk [tilespmem:v54+s13+$0x0], $0xffff;
	v54 =	vor.u32 v16, v0  }
0x316: {  	v55 =	vor.u32 v45, v54;
	_ =	sdelay $0x3  }
0x317: {  	[tilespmem:v3+s16+$0x0] =	vst.idx.msk $0xffff, v1  }
0x318: {  	v3 =	vor.u32 s30, v24;
	v1 =	vld.idx.msk [tilespmem:v55+s13+$0x0], $0xffff;
	v55 =	vor.u32 v15, v0  }
0x319: {  	v56 =	vor.u32 v45, v55;
	_ =	sdelay $0x3  }
0x31a: {  	[tilespmem:v3+s16+$0x0] =	vst.idx.msk $0xffff, v1  }
0x31b: {  	v3 =	vor.u32 s30, v25;
	v1 =	vld.idx.msk [tilespmem:v56+s13+$0x0], $0xffff;
	v56 =	vor.u32 v5, v0  }
0x31c: {  	v57 =	vor.u32 v45, v56;
	_ =	sdelay $0x3  }
0x31d: {  	[tilespmem:v3+s16+$0x0] =	vst.idx.msk $0xffff, v1  }
0x31e: {  	v3 =	vor.u32 s30, v26;
	v1 =	vld.idx.msk [tilespmem:v57+s13+$0x0], $0xffff;
	v57 =	vor.u32 v48, v0  }
0x31f: {  	v58 =	vor.u32 v45, v57;
	_ =	sdelay $0x3  }
0x320: {  	[tilespmem:v3+s16+$0x0] =	vst.idx.msk $0xffff, v1  }
0x321: {  	v3 =	vor.u32 s30, v47;
	v1 =	vld.idx.msk [tilespmem:v58+s13+$0x0], $0xffff;
	_ =	sdelay $0x3  }
0x322: {  	v58 =	vor.u32 v14, v0  }
0x323: {  	v59 =	vor.u32 v45, v58;
	[tilespmem:v3+s16+$0x0] =	vst.idx.msk $0xffff, v1;
	v3 =	vld [tilespmem:$0x1FD70];
	_ =	sdelay $0x4  }
0x324: {  	v1 =	vld.idx.msk [tilespmem:v59+s13+$0x0], $0xffff;
	v3 =	vor.u32 s30, v3;
	_ =	sdelay $0x3  }
0x325: {  	v59 =	vor.u32 v13, v0  }
0x326: {  	v60 =	vor.u32 v45, v59;
	[tilespmem:v3+s16+$0x0] =	vst.idx.msk $0xffff, v1;
	v3 =	vld [tilespmem:$0x1FD60];
	_ =	sdelay $0x4  }
0x327: {  	v1 =	vld.idx.msk [tilespmem:v60+s13+$0x0], $0xffff;
	v60 =	vor.u32 v12, v0;
	v3 =	vor.u32 s30, v3  }
0x328: {  	v61 =	vor.u32 v45, v60;
	_ =	sdelay $0x3  }
0x329: {  	[tilespmem:v3+s16+$0x0] =	vst.idx.msk $0xffff, v1  }
0x32a: {  	v3 =	vor.u32 s30, v34;
	v1 =	vld.idx.msk [tilespmem:v61+s13+$0x0], $0xffff;
	v61 =	vor.u32 v10, v0  }
0x32b: {  	v62 =	vor.u32 v45, v61;
	_ =	sdelay $0x3  }
0x32c: {  	[tilespmem:v3+s16+$0x0] =	vst.idx.msk $0xffff, v1  }
0x32d: {  	v3 =	vor.u32 s30, v30;
	v1 =	vld.idx.msk [tilespmem:v62+s13+$0x0], $0xffff;
	v62 =	vor.u32 v28, v0  }
0x32e: {  	v63 =	vor.u32 v45, v62;
	_ =	sdelay $0x3  }
0x32f: {  	[tilespmem:v3+s16+$0x0] =	vst.idx.msk $0xffff, v1  }
0x330: {  	v0 =	vor.u32 v27, v0;
	v3 =	vor.u32 s30, v31;
	v1 =	vld.idx.msk [tilespmem:v63+s13+$0x0], $0xffff  }
0x331: {  	v63 =	vor.u32 v45, v0;
	_ =	sdelay $0x3  }
0x332: {  	[tilespmem:v3+s16+$0x0] =	vst.idx.msk $0xffff, v1  }
0x333: {  	v3 =	vor.u32 s30, v32;
	v1 =	vld.idx.msk [tilespmem:v63+s13+$0x0], $0xffff  }
0x334: {  	v2 =	vor.u32 v49, v2;
	_ =	sdelay $0x3  }
0x335: {  	[tilespmem:v3+s16+$0x0] =	vst.idx.msk $0xffff, v1  }
0x336: {  	v1 =	vld.idx.msk [tilespmem:v2+s13+$0x0], $0xffff;
	v2 =	vor.u32 s30, v33  }
0x337: {  	v3 =	vor.u32 v49, v4;
	_ =	sdelay $0x3  }
0x338: {  	[tilespmem:v2+s16+$0x0] =	vst.idx.msk $0xffff, v1  }
0x339: {  	v2 =	vor.u32 s30, v8;
	v1 =	vld.idx.msk [tilespmem:v3+s13+$0x0], $0xffff  }
0x33a: {  	v3 =	vor.u32 v49, v50;
	_ =	sdelay $0x3  }
0x33b: {  	[tilespmem:v2+s16+$0x0] =	vst.idx.msk $0xffff, v1  }
0x33c: {  	v2 =	vor.u32 s30, v35;
	v1 =	vld.idx.msk [tilespmem:v3+s13+$0x0], $0xffff  }
0x33d: {  	v3 =	vor.u32 v49, v51;
	_ =	sdelay $0x3  }
0x33e: {  	[tilespmem:v2+s16+$0x0] =	vst.idx.msk $0xffff, v1  }
0x33f: {  	v2 =	vor.u32 s30, v36;
	v1 =	vld.idx.msk [tilespmem:v3+s13+$0x0], $0xffff  }
0x340: {  	v3 =	vor.u32 v49, v52;
	_ =	sdelay $0x3  }
0x341: {  	[tilespmem:v2+s16+$0x0] =	vst.idx.msk $0xffff, v1  }
0x342: {  	v2 =	vor.u32 s30, v37;
	v1 =	vld.idx.msk [tilespmem:v3+s13+$0x0], $0xffff  }
0x343: {  	v3 =	vor.u32 v49, v53;
	_ =	sdelay $0x3  }
0x344: {  	[tilespmem:v2+s16+$0x0] =	vst.idx.msk $0xffff, v1  }
0x345: {  	v2 =	vor.u32 s30, v38;
	v1 =	vld.idx.msk [tilespmem:v3+s13+$0x0], $0xffff  }
0x346: {  	v3 =	vor.u32 v49, v54;
	_ =	sdelay $0x3  }
0x347: {  	[tilespmem:v2+s16+$0x0] =	vst.idx.msk $0xffff, v1  }
0x348: {  	v2 =	vor.u32 s30, v39;
	v1 =	vld.idx.msk [tilespmem:v3+s13+$0x0], $0xffff  }
0x349: {  	v3 =	vor.u32 v49, v55;
	_ =	sdelay $0x3  }
0x34a: {  	[tilespmem:v2+s16+$0x0] =	vst.idx.msk $0xffff, v1  }
0x34b: {  	v2 =	vor.u32 s30, v40;
	v1 =	vld.idx.msk [tilespmem:v3+s13+$0x0], $0xffff  }
0x34c: {  	v3 =	vor.u32 v49, v56;
	_ =	sdelay $0x3  }
0x34d: {  	[tilespmem:v2+s16+$0x0] =	vst.idx.msk $0xffff, v1  }
0x34e: {  	v2 =	vor.u32 s30, v41;
	v1 =	vld.idx.msk [tilespmem:v3+s13+$0x0], $0xffff  }
0x34f: {  	v3 =	vor.u32 v49, v57;
	_ =	sdelay $0x3  }
0x350: {  	[tilespmem:v2+s16+$0x0] =	vst.idx.msk $0xffff, v1  }
0x351: {  	v2 =	vor.u32 s30, v42;
	v1 =	vld.idx.msk [tilespmem:v3+s13+$0x0], $0xffff  }
0x352: {  	v3 =	vor.u32 v49, v58;
	_ =	sdelay $0x3  }
0x353: {  	[tilespmem:v2+s16+$0x0] =	vst.idx.msk $0xffff, v1  }
0x354: {  	v2 =	vor.u32 s30, v43;
	v1 =	vld.idx.msk [tilespmem:v3+s13+$0x0], $0xffff  }
0x355: {  	v3 =	vor.u32 v49, v59;
	_ =	sdelay $0x3  }
0x356: {  	[tilespmem:v2+s16+$0x0] =	vst.idx.msk $0xffff, v1  }
0x357: {  	v2 =	vor.u32 s30, v44;
	v1 =	vld.idx.msk [tilespmem:v3+s13+$0x0], $0xffff  }
0x358: {  	v3 =	vor.u32 v49, v60;
	_ =	sdelay $0x3  }
0x359: {  	[tilespmem:v2+s16+$0x0] =	vst.idx.msk $0xffff, v1  }
0x35a: {  	v2 =	vor.u32 s30, v46;
	v1 =	vld.idx.msk [tilespmem:v3+s13+$0x0], $0xffff;
	_ =	sdelay $0x4  }
0x35b: {  	v3 =	vor.u32 v49, v61;
	[tilespmem:v2+s16+$0x0] =	vst.idx.msk $0xffff, v1;
	v2 =	vld [tilespmem:$0x1FD90];
	_ =	sdelay $0x4  }
0x35c: {  	v1 =	vld.idx.msk [tilespmem:v3+s13+$0x0], $0xffff;
	v2 =	vor.u32 s30, v2;
	_ =	sdelay $0x4  }
0x35d: {  	v3 =	vor.u32 v49, v62;
	[tilespmem:v2+s16+$0x0] =	vst.idx.msk $0xffff, v1;
	v2 =	vld [tilespmem:$0x1FD80];
	_ =	sdelay $0x4  }
0x35e: {  	v1 =	vld.idx.msk [tilespmem:v3+s13+$0x0], $0xffff;
	v2 =	vor.u32 s30, v2;
	_ =	sdelay $0x4  }
0x35f: {  	v0 =	vor.u32 v49, v0;
	[tilespmem:v2+s16+$0x0] =	vst.idx.msk $0xffff, v1;
	v1 =	vld [tilespmem:$0x1FFF0];
	_ =	sdelay $0x4  }
0x360: {  	v0 =	vld.idx.msk [tilespmem:v0+s13+$0x0], $0xffff;
	v1 =	vor.u32 s30, v1  }
0x361: {  	s30 =	sshll.u32 s29, $0x1  }
0x362: {  	s6 =	sadd.s32 $0x2, s30  }
0x363: {  	p0 =	seq.s32 s6, $0x64;
	s0 =	sshll.u32 s6, $0xA  }
0x364: {  	s0 =	simm.s32 @p0 $0x0  }
0x365: {  	s1 =	sadd.s32 s5, s30;
	s0 =	sshrl.u32 s0, $0x2;
	[tilespmem:v1+s16+$0x0] =	vst.idx.msk $0xffff, v0  }
0x366: {  	[tilespmem:s13], [sflag:$0x1] =	stream.indirect.gather [hbm4b:s4+s12], $0x20, s0, s12, $0xb8;
	[tilespmem:$0xE400] =	vst v63  }
0x367: {  	s6 =	sshll.u32 s1, $0x8;
	s0 =	sshll.u32 s1, $0xA  }
0x368: {  	s1 =	sand.u32 $0x3E00, s6;
	s0 =	sand.u32 $0x1FFF0000, s0  }
0x369: {  	s0 =	sor.u32 s1, s0  }
0x36a: {  	s31 =	simm.s32 $0x0;
	s1 =	sadd.s32 s2, s0  }
0x36b: {  	[hbm4b:s1+s31] =	stream.linear.scatter [tilespmem:s16], [sflag:$0x3], $0x800, $0x38;
	[tilespmem:$0xE400] =	vst v63  }
0x36c: {  	s6 =	sadd.s32 s0, s7  }
0x36d: {  	[hbm4b:s6+s31] =	stream.linear.scatter [tilespmem:s17], [sflag:$0x3], $0x800, $0x38;
	[tilespmem:$0xE400] =	vst v63  }
0x36e: {  	s6 =	sadd.s32 s0, s8  }
0x36f: {  	[hbm4b:s6+s31] =	stream.linear.scatter [tilespmem:s18], [sflag:$0x3], $0x800, $0x38;
	[tilespmem:$0xE400] =	vst v63  }
0x370: {  	v0 =	vmov s31;
	s0 =	sadd.s32 s0, s9  }
0x371: {  	v0 =	vshll.u32 v0, $0x5;
	[hbm4b:s0+s31] =	stream.linear.scatter [tilespmem:s19], [sflag:$0x3], $0x800, $0x38;
	[tilespmem:$0xE400] =	vst v63  }
0x372: {  	v1 =	vor.u32 v9, v0;
	_ =	swait.ge [sflag:s20], $0x2000  }
0x373: {  	v2 =	vor.u32 v45, v1;
	v3 =	vld [tilespmem:$0x1FDA0];
	_ =	sdelay $0x2  }
0x374: {  	[sflag:s20] =	ssyncset.done $0x0  }
0x375: {  	v4 =	vld [tilespmem:$0x1FDB0];
	[sflag:s20] =	ssyncadd.s32 $0xFFFFE000  }
0x376: {  	v2 =	vld.idx.msk [tilespmem:v2+s14+$0x0], $0xffff;
	v3 =	vor.u32 s31, v3;
	_ =	sdelay $0x3  }
0x377: {  	v4 =	vor.u32 v4, v0  }
0x378: {  	v59 =	vor.u32 v45, v4;
	[tilespmem:v3+s21+$0x0] =	vst.idx.msk $0xffff, v2;
	v3 =	vld [tilespmem:$0x1FDC0];
	_ =	sdelay $0x3  }
0x379: {  	v60 =	vld [tilespmem:$0x1FFE0]  }
0x37a: {  	v2 =	vld.idx.msk [tilespmem:v59+s14+$0x0], $0xffff;
	v3 =	vor.u32 s31, v3;
	_ =	sdelay $0x3  }
0x37b: {  	v50 =	vor.u32 v60, v0  }
0x37c: {  	v61 =	vor.u32 v45, v50;
	[tilespmem:v3+s21+$0x0] =	vst.idx.msk $0xffff, v2;
	v3 =	vld [tilespmem:$0x1FE50];
	_ =	sdelay $0x4  }
0x37d: {  	v2 =	vld.idx.msk [tilespmem:v61+s14+$0x0], $0xffff;
	v3 =	vor.u32 s31, v3;
	_ =	sdelay $0x3  }
0x37e: {  	v51 =	vor.u32 v7, v0  }
0x37f: {  	v62 =	vor.u32 v45, v51;
	[tilespmem:v3+s21+$0x0] =	vst.idx.msk $0xffff, v2;
	v3 =	vld [tilespmem:$0x1FE60];
	_ =	sdelay $0x4  }
0x380: {  	v2 =	vld.idx.msk [tilespmem:v62+s14+$0x0], $0xffff;
	v3 =	vor.u32 s31, v3;
	_ =	sdelay $0x3  }
0x381: {  	v52 =	vor.u32 v6, v0  }
0x382: {  	v63 =	vor.u32 v45, v52;
	[tilespmem:v3+s21+$0x0] =	vst.idx.msk $0xffff, v2;
	v3 =	vld [tilespmem:$0x1FDD0];
	_ =	sdelay $0x3  }
0x383: {  	v56 =	vld [tilespmem:$0x1FC80]  }
0x384: {  	v2 =	vld.idx.msk [tilespmem:v63+s14+$0x0], $0xffff;
	v3 =	vor.u32 s31, v3;
	_ =	sdelay $0x3  }
0x385: {  	v53 =	vor.u32 v56, v0  }
0x386: {  	v57 =	vor.u32 v45, v53;
	[tilespmem:v3+s21+$0x0] =	vst.idx.msk $0xffff, v2;
	v3 =	vld [tilespmem:$0x1FDE0];
	_ =	sdelay $0x3  }
0x387: {  	v58 =	vld [tilespmem:$0x1FFD0]  }
0x388: {  	v2 =	vld.idx.msk [tilespmem:v57+s14+$0x0], $0xffff;
	v3 =	vor.u32 s31, v3;
	_ =	sdelay $0x3  }
0x389: {  	v54 =	vor.u32 v58, v0  }
0x38a: {  	v59 =	vor.u32 v45, v54;
	[tilespmem:v3+s21+$0x0] =	vst.idx.msk $0xffff, v2;
	v3 =	vld [tilespmem:$0x1FDF0];
	_ =	sdelay $0x3  }
0x38b: {  	v60 =	vld [tilespmem:$0x1FFC0]  }
0x38c: {  	v2 =	vld.idx.msk [tilespmem:v59+s14+$0x0], $0xffff;
	v3 =	vor.u32 s31, v3;
	_ =	sdelay $0x3  }
0x38d: {  	v55 =	vor.u32 v60, v0  }
0x38e: {  	v61 =	vor.u32 v45, v55;
	[tilespmem:v3+s21+$0x0] =	vst.idx.msk $0xffff, v2;
	v3 =	vld [tilespmem:$0x1FE70];
	_ =	sdelay $0x4  }
0x38f: {  	v2 =	vld.idx.msk [tilespmem:v61+s14+$0x0], $0xffff;
	v3 =	vor.u32 s31, v3;
	_ =	sdelay $0x3  }
0x390: {  	v56 =	vor.u32 v5, v0  }
0x391: {  	v62 =	vor.u32 v45, v56;
	[tilespmem:v3+s21+$0x0] =	vst.idx.msk $0xffff, v2;
	v3 =	vld [tilespmem:$0x1FE00];
	_ =	sdelay $0x3  }
0x392: {  	v63 =	vld [tilespmem:$0x1FC70]  }
0x393: {  	v2 =	vld.idx.msk [tilespmem:v62+s14+$0x0], $0xffff;
	v3 =	vor.u32 s31, v3;
	_ =	sdelay $0x3  }
0x394: {  	v57 =	vor.u32 v63, v0  }
0x395: {  	v60 =	vor.u32 v45, v57;
	[tilespmem:v3+s21+$0x0] =	vst.idx.msk $0xffff, v2;
	v3 =	vld [tilespmem:$0x1FE10];
	_ =	sdelay $0x3  }
0x396: {  	v61 =	vld [tilespmem:$0x1FFB0]  }
0x397: {  	v2 =	vld.idx.msk [tilespmem:v60+s14+$0x0], $0xffff;
	v3 =	vor.u32 s31, v3;
	_ =	sdelay $0x3  }
0x398: {  	v63 =	vld [tilespmem:$0x1FFA0];
	v58 =	vor.u32 v61, v0  }
0x399: {  	v62 =	vor.u32 v45, v58;
	[tilespmem:v3+s21+$0x0] =	vst.idx.msk $0xffff, v2;
	v3 =	vld [tilespmem:$0x1FD70];
	_ =	sdelay $0x4  }
0x39a: {  	v59 =	vor.u32 v63, v0;
	v2 =	vld.idx.msk [tilespmem:v62+s14+$0x0], $0xffff;
	v3 =	vor.u32 s31, v3  }
0x39b: {  	v60 =	vor.u32 v45, v59;
	_ =	sdelay $0x3  }
0x39c: {  	[tilespmem:v3+s21+$0x0] =	vst.idx.msk $0xffff, v2;
	v3 =	vld [tilespmem:$0x1FD60]  }
0x39d: {  	v2 =	vld.idx.msk [tilespmem:v60+s14+$0x0], $0xffff  }
0x39e: {  	v60 =	vld [tilespmem:$0x1FF90];
	_ =	sdelay $0x4  }
0x39f: {  	v3 =	vor.u32 s31, v3;
	v60 =	vor.u32 v60, v0  }
0x3a0: {  	v61 =	vor.u32 v45, v60;
	_ =	sdelay $0x3  }
0x3a1: {  	[tilespmem:v3+s21+$0x0] =	vst.idx.msk $0xffff, v2;
	v3 =	vld [tilespmem:$0x1FE20]  }
0x3a2: {  	v2 =	vld.idx.msk [tilespmem:v61+s14+$0x0], $0xffff  }
0x3a3: {  	v61 =	vld [tilespmem:$0x1FF80];
	_ =	sdelay $0x4  }
0x3a4: {  	v3 =	vor.u32 s31, v3;
	v61 =	vor.u32 v61, v0  }
0x3a5: {  	v62 =	vor.u32 v45, v61;
	_ =	sdelay $0x3  }
0x3a6: {  	[tilespmem:v3+s21+$0x0] =	vst.idx.msk $0xffff, v2;
	v3 =	vld [tilespmem:$0x1FE30]  }
0x3a7: {  	v2 =	vld.idx.msk [tilespmem:v62+s14+$0x0], $0xffff  }
0x3a8: {  	v62 =	vld [tilespmem:$0x1FF70];
	_ =	sdelay $0x2  }
0x3a9: {  	v3 =	vor.u32 s31, v3;
	_ =	sdelay $0x1  }
0x3aa: {  	v62 =	vor.u32 v62, v0  }
0x3ab: {  	v63 =	vor.u32 v45, v62;
	_ =	sdelay $0x1  }
0x3ac: {  	[tilespmem:v3+s21+$0x0] =	vst.idx.msk $0xffff, v2;
	v3 =	vld [tilespmem:$0x1FE40];
	_ =	sdelay $0x2  }
0x3ad: {  	v2 =	vld.idx.msk [tilespmem:v63+s14+$0x0], $0xffff  }
0x3ae: {  	v63 =	vld [tilespmem:$0x1FF60]  }
0x3af: {  	v3 =	vor.u32 s31, v3;
	_ =	sdelay $0x3  }
0x3b0: {  	v0 =	vor.u32 v63, v0  }
0x3b1: {  	v63 =	vor.u32 v45, v0;
	[tilespmem:v3+s21+$0x0] =	vst.idx.msk $0xffff, v2;
	v3 =	vld [tilespmem:$0x1FF40];
	_ =	sdelay $0x4  }
0x3b2: {  	v2 =	vld.idx.msk [tilespmem:v63+s14+$0x0], $0xffff;
	v3 =	vor.u32 s31, v3;
	_ =	sdelay $0x4  }
0x3b3: {  	v1 =	vor.u32 v49, v1;
	[tilespmem:v3+s21+$0x0] =	vst.idx.msk $0xffff, v2;
	v2 =	vld [tilespmem:$0x1FF50];
	_ =	sdelay $0x4  }
0x3b4: {  	v1 =	vld.idx.msk [tilespmem:v1+s14+$0x0], $0xffff;
	v2 =	vor.u32 s31, v2;
	_ =	sdelay $0x4  }
0x3b5: {  	v3 =	vor.u32 v49, v4;
	[tilespmem:v2+s21+$0x0] =	vst.idx.msk $0xffff, v1;
	v2 =	vld [tilespmem:$0x1FE80];
	_ =	sdelay $0x4  }
0x3b6: {  	v1 =	vld.idx.msk [tilespmem:v3+s14+$0x0], $0xffff;
	v2 =	vor.u32 s31, v2;
	_ =	sdelay $0x4  }
0x3b7: {  	v3 =	vor.u32 v49, v50;
	[tilespmem:v2+s21+$0x0] =	vst.idx.msk $0xffff, v1;
	v2 =	vld [tilespmem:$0x1FE90];
	_ =	sdelay $0x4  }
0x3b8: {  	v1 =	vld.idx.msk [tilespmem:v3+s14+$0x0], $0xffff;
	v2 =	vor.u32 s31, v2;
	_ =	sdelay $0x4  }
0x3b9: {  	v3 =	vor.u32 v49, v51;
	[tilespmem:v2+s21+$0x0] =	vst.idx.msk $0xffff, v1;
	v2 =	vld [tilespmem:$0x1FEA0];
	_ =	sdelay $0x4  }
0x3ba: {  	v1 =	vld.idx.msk [tilespmem:v3+s14+$0x0], $0xffff;
	v2 =	vor.u32 s31, v2;
	_ =	sdelay $0x4  }
0x3bb: {  	v3 =	vor.u32 v49, v52;
	[tilespmem:v2+s21+$0x0] =	vst.idx.msk $0xffff, v1;
	v2 =	vld [tilespmem:$0x1FEB0];
	_ =	sdelay $0x4  }
0x3bc: {  	v1 =	vld.idx.msk [tilespmem:v3+s14+$0x0], $0xffff;
	v2 =	vor.u32 s31, v2;
	_ =	sdelay $0x4  }
0x3bd: {  	v3 =	vor.u32 v49, v53;
	[tilespmem:v2+s21+$0x0] =	vst.idx.msk $0xffff, v1;
	v2 =	vld [tilespmem:$0x1FEC0];
	_ =	sdelay $0x4  }
0x3be: {  	v1 =	vld.idx.msk [tilespmem:v3+s14+$0x0], $0xffff;
	v2 =	vor.u32 s31, v2;
	_ =	sdelay $0x4  }
0x3bf: {  	v3 =	vor.u32 v49, v54;
	[tilespmem:v2+s21+$0x0] =	vst.idx.msk $0xffff, v1;
	v2 =	vld [tilespmem:$0x1FED0];
	_ =	sdelay $0x4  }
0x3c0: {  	v1 =	vld.idx.msk [tilespmem:v3+s14+$0x0], $0xffff;
	v2 =	vor.u32 s31, v2;
	_ =	sdelay $0x4  }
0x3c1: {  	v3 =	vor.u32 v49, v55;
	[tilespmem:v2+s21+$0x0] =	vst.idx.msk $0xffff, v1;
	v2 =	vld [tilespmem:$0x1FEE0];
	_ =	sdelay $0x4  }
0x3c2: {  	v1 =	vld.idx.msk [tilespmem:v3+s14+$0x0], $0xffff;
	v2 =	vor.u32 s31, v2;
	_ =	sdelay $0x4  }
0x3c3: {  	v3 =	vor.u32 v49, v56;
	[tilespmem:v2+s21+$0x0] =	vst.idx.msk $0xffff, v1;
	v2 =	vld [tilespmem:$0x1FEF0];
	_ =	sdelay $0x4  }
0x3c4: {  	v1 =	vld.idx.msk [tilespmem:v3+s14+$0x0], $0xffff;
	v2 =	vor.u32 s31, v2;
	_ =	sdelay $0x4  }
0x3c5: {  	v3 =	vor.u32 v49, v57;
	[tilespmem:v2+s21+$0x0] =	vst.idx.msk $0xffff, v1;
	v2 =	vld [tilespmem:$0x1FF00];
	_ =	sdelay $0x4  }
0x3c6: {  	v1 =	vld.idx.msk [tilespmem:v3+s14+$0x0], $0xffff;
	v2 =	vor.u32 s31, v2;
	_ =	sdelay $0x4  }
0x3c7: {  	v3 =	vor.u32 v49, v58;
	[tilespmem:v2+s21+$0x0] =	vst.idx.msk $0xffff, v1;
	v2 =	vld [tilespmem:$0x1FF10];
	_ =	sdelay $0x4  }
0x3c8: {  	v1 =	vld.idx.msk [tilespmem:v3+s14+$0x0], $0xffff;
	v2 =	vor.u32 s31, v2;
	_ =	sdelay $0x4  }
0x3c9: {  	v3 =	vor.u32 v49, v59;
	[tilespmem:v2+s21+$0x0] =	vst.idx.msk $0xffff, v1;
	v2 =	vld [tilespmem:$0x1FF20];
	_ =	sdelay $0x4  }
0x3ca: {  	v1 =	vld.idx.msk [tilespmem:v3+s14+$0x0], $0xffff;
	v2 =	vor.u32 s31, v2;
	_ =	sdelay $0x4  }
0x3cb: {  	v3 =	vor.u32 v49, v60;
	[tilespmem:v2+s21+$0x0] =	vst.idx.msk $0xffff, v1;
	v2 =	vld [tilespmem:$0x1FF30];
	_ =	sdelay $0x4  }
0x3cc: {  	v1 =	vld.idx.msk [tilespmem:v3+s14+$0x0], $0xffff;
	v2 =	vor.u32 s31, v2;
	_ =	sdelay $0x4  }
0x3cd: {  	v3 =	vor.u32 v49, v61;
	[tilespmem:v2+s21+$0x0] =	vst.idx.msk $0xffff, v1;
	v2 =	vld [tilespmem:$0x1FD90];
	_ =	sdelay $0x4  }
0x3ce: {  	v1 =	vld.idx.msk [tilespmem:v3+s14+$0x0], $0xffff;
	v2 =	vor.u32 s31, v2;
	_ =	sdelay $0x4  }
0x3cf: {  	v3 =	vor.u32 v49, v62;
	[tilespmem:v2+s21+$0x0] =	vst.idx.msk $0xffff, v1;
	v2 =	vld [tilespmem:$0x1FD80];
	_ =	sdelay $0x4  }
0x3d0: {  	v1 =	vld.idx.msk [tilespmem:v3+s14+$0x0], $0xffff;
	v2 =	vor.u32 s31, v2;
	_ =	sdelay $0x3  }
0x3d1: {  	s1 =	simm.s32 $0x10  }
0x3d2: {  	s0 =	simm.s32 $0x20;
	v0 =	vor.u32 v49, v0;
	[tilespmem:v2+s21+$0x0] =	vst.idx.msk $0xffff, v1;
	v1 =	vmov s1  }
.LBB2_7:
0x3d3: {  	_ =	sdelay $0x2  }
0x3d4: {  	v57 =	vshll.u32 v1, $0x5  }
0x3d5: {  	v0 =	vld.idx.msk [tilespmem:v0+s14+$0x0], $0xffff;
	v1 =	vor.u32 s31, v17;
	v50 =	vor.u32 v9, v57  }
0x3d6: {  	v2 =	vor.u32 v45, v50;
	_ =	sdelay $0x3  }
0x3d7: {  	s31 =	smov.u32 s1;
	[tilespmem:v1+s21+$0x0] =	vst.idx.msk $0xffff, v0  }
0x3d8: {  	v51 =	vor.u32 v29, v57;
	v1 =	vor.u32 s31, v18;
	v0 =	vld.idx.msk [tilespmem:v2+s14+$0x0], $0xffff  }
0x3d9: {  	v2 =	vor.u32 v45, v51;
	_ =	sdelay $0x3  }
0x3da: {  	[tilespmem:v1+s21+$0x0] =	vst.idx.msk $0xffff, v0  }
0x3db: {  	v52 =	vor.u32 v11, v57;
	v1 =	vor.u32 s31, v19;
	v0 =	vld.idx.msk [tilespmem:v2+s14+$0x0], $0xffff  }
0x3dc: {  	v2 =	vor.u32 v45, v52;
	_ =	sdelay $0x3  }
0x3dd: {  	[tilespmem:v1+s21+$0x0] =	vst.idx.msk $0xffff, v0  }
0x3de: {  	v53 =	vor.u32 v7, v57;
	v1 =	vor.u32 s31, v20;
	v0 =	vld.idx.msk [tilespmem:v2+s14+$0x0], $0xffff  }
0x3df: {  	v2 =	vor.u32 v45, v53;
	_ =	sdelay $0x3  }
0x3e0: {  	[tilespmem:v1+s21+$0x0] =	vst.idx.msk $0xffff, v0  }
0x3e1: {  	v54 =	vor.u32 v6, v57;
	v1 =	vor.u32 s31, v21;
	v0 =	vld.idx.msk [tilespmem:v2+s14+$0x0], $0xffff  }
0x3e2: {  	v2 =	vor.u32 v45, v54;
	_ =	sdelay $0x3  }
0x3e3: {  	[tilespmem:v1+s21+$0x0] =	vst.idx.msk $0xffff, v0  }
0x3e4: {  	v0 =	vld.idx.msk [tilespmem:v2+s14+$0x0], $0xffff  }
0x3e5: {  	v2 =	vld [tilespmem:$0x1FC80];
	_ =	sdelay $0x4  }
0x3e6: {  	v1 =	vor.u32 s31, v22;
	v55 =	vor.u32 v2, v57  }
0x3e7: {  	v2 =	vor.u32 v45, v55;
	_ =	sdelay $0x3  }
0x3e8: {  	[tilespmem:v1+s21+$0x0] =	vst.idx.msk $0xffff, v0  }
0x3e9: {  	v56 =	vor.u32 v16, v57;
	v1 =	vor.u32 s31, v23;
	v0 =	vld.idx.msk [tilespmem:v2+s14+$0x0], $0xffff  }
0x3ea: {  	v2 =	vor.u32 v45, v56;
	_ =	sdelay $0x3  }
0x3eb: {  	[tilespmem:v1+s21+$0x0] =	vst.idx.msk $0xffff, v0  }
0x3ec: {  	v58 =	vor.u32 v15, v57;
	v1 =	vor.u32 s31, v24;
	v0 =	vld.idx.msk [tilespmem:v2+s14+$0x0], $0xffff  }
0x3ed: {  	v2 =	vor.u32 v45, v58;
	_ =	sdelay $0x3  }
0x3ee: {  	[tilespmem:v1+s21+$0x0] =	vst.idx.msk $0xffff, v0  }
0x3ef: {  	v59 =	vor.u32 v5, v57;
	v1 =	vor.u32 s31, v25;
	v0 =	vld.idx.msk [tilespmem:v2+s14+$0x0], $0xffff  }
0x3f0: {  	v2 =	vor.u32 v45, v59;
	_ =	sdelay $0x3  }
0x3f1: {  	[tilespmem:v1+s21+$0x0] =	vst.idx.msk $0xffff, v0  }
0x3f2: {  	v60 =	vor.u32 v48, v57;
	v1 =	vor.u32 s31, v26;
	v0 =	vld.idx.msk [tilespmem:v2+s14+$0x0], $0xffff  }
0x3f3: {  	v2 =	vor.u32 v45, v60;
	_ =	sdelay $0x3  }
0x3f4: {  	[tilespmem:v1+s21+$0x0] =	vst.idx.msk $0xffff, v0  }
0x3f5: {  	v1 =	vor.u32 s31, v47;
	v0 =	vld.idx.msk [tilespmem:v2+s14+$0x0], $0xffff;
	_ =	sdelay $0x3  }
0x3f6: {  	v61 =	vor.u32 v14, v57  }
0x3f7: {  	v2 =	vor.u32 v45, v61;
	[tilespmem:v1+s21+$0x0] =	vst.idx.msk $0xffff, v0;
	v1 =	vld [tilespmem:$0x1FD70];
	_ =	sdelay $0x4  }
0x3f8: {  	v0 =	vld.idx.msk [tilespmem:v2+s14+$0x0], $0xffff;
	v1 =	vor.u32 s31, v1;
	_ =	sdelay $0x3  }
0x3f9: {  	v62 =	vor.u32 v13, v57  }
0x3fa: {  	v2 =	vor.u32 v45, v62;
	[tilespmem:v1+s21+$0x0] =	vst.idx.msk $0xffff, v0;
	v1 =	vld [tilespmem:$0x1FD60];
	_ =	sdelay $0x4  }
0x3fb: {  	v63 =	vor.u32 v12, v57;
	v0 =	vld.idx.msk [tilespmem:v2+s14+$0x0], $0xffff;
	v1 =	vor.u32 s31, v1  }
0x3fc: {  	v2 =	vor.u32 v45, v63;
	_ =	sdelay $0x3  }
0x3fd: {  	[tilespmem:v1+s21+$0x0] =	vst.idx.msk $0xffff, v0  }
0x3fe: {  	v0 =	vor.u32 v10, v57;
	v1 =	vld.idx.msk [tilespmem:v2+s14+$0x0], $0xffff;
	v2 =	vor.u32 s31, v34  }
0x3ff: {  	v3 =	vor.u32 v45, v0;
	_ =	sdelay $0x3  }
0x400: {  	[tilespmem:v2+s21+$0x0] =	vst.idx.msk $0xffff, v1  }
0x401: {  	v1 =	vor.u32 v28, v57;
	v2 =	vld.idx.msk [tilespmem:v3+s14+$0x0], $0xffff;
	v3 =	vor.u32 s31, v30  }
0x402: {  	v4 =	vor.u32 v45, v1;
	_ =	sdelay $0x3  }
0x403: {  	[tilespmem:v3+s21+$0x0] =	vst.idx.msk $0xffff, v2  }
0x404: {  	v57 =	vor.u32 v27, v57;
	v3 =	vor.u32 s31, v31;
	v2 =	vld.idx.msk [tilespmem:v4+s14+$0x0], $0xffff  }
0x405: {  	v4 =	vor.u32 v45, v57;
	_ =	sdelay $0x3  }
0x406: {  	[tilespmem:v3+s21+$0x0] =	vst.idx.msk $0xffff, v2  }
0x407: {  	v3 =	vor.u32 s31, v32;
	v2 =	vld.idx.msk [tilespmem:v4+s14+$0x0], $0xffff  }
0x408: {  	v4 =	vor.u32 v49, v50;
	_ =	sdelay $0x3  }
0x409: {  	[tilespmem:v3+s21+$0x0] =	vst.idx.msk $0xffff, v2  }
0x40a: {  	v3 =	vor.u32 s31, v33;
	v2 =	vld.idx.msk [tilespmem:v4+s14+$0x0], $0xffff  }
0x40b: {  	v4 =	vor.u32 v49, v51;
	_ =	sdelay $0x3  }
0x40c: {  	[tilespmem:v3+s21+$0x0] =	vst.idx.msk $0xffff, v2  }
0x40d: {  	v3 =	vor.u32 s31, v8;
	v2 =	vld.idx.msk [tilespmem:v4+s14+$0x0], $0xffff  }
0x40e: {  	v4 =	vor.u32 v49, v52;
	_ =	sdelay $0x3  }
0x40f: {  	[tilespmem:v3+s21+$0x0] =	vst.idx.msk $0xffff, v2  }
0x410: {  	v3 =	vor.u32 s31, v35;
	v2 =	vld.idx.msk [tilespmem:v4+s14+$0x0], $0xffff  }
0x411: {  	v4 =	vor.u32 v49, v53;
	_ =	sdelay $0x3  }
0x412: {  	[tilespmem:v3+s21+$0x0] =	vst.idx.msk $0xffff, v2  }
0x413: {  	v3 =	vor.u32 s31, v36;
	v2 =	vld.idx.msk [tilespmem:v4+s14+$0x0], $0xffff  }
0x414: {  	v4 =	vor.u32 v49, v54;
	_ =	sdelay $0x3  }
0x415: {  	[tilespmem:v3+s21+$0x0] =	vst.idx.msk $0xffff, v2  }
0x416: {  	v3 =	vor.u32 s31, v37;
	v2 =	vld.idx.msk [tilespmem:v4+s14+$0x0], $0xffff  }
0x417: {  	v4 =	vor.u32 v49, v55;
	_ =	sdelay $0x3  }
0x418: {  	[tilespmem:v3+s21+$0x0] =	vst.idx.msk $0xffff, v2  }
0x419: {  	v3 =	vor.u32 s31, v38;
	v2 =	vld.idx.msk [tilespmem:v4+s14+$0x0], $0xffff  }
0x41a: {  	v4 =	vor.u32 v49, v56;
	_ =	sdelay $0x3  }
0x41b: {  	[tilespmem:v3+s21+$0x0] =	vst.idx.msk $0xffff, v2  }
0x41c: {  	v3 =	vor.u32 s31, v39;
	v2 =	vld.idx.msk [tilespmem:v4+s14+$0x0], $0xffff  }
0x41d: {  	v4 =	vor.u32 v49, v58;
	_ =	sdelay $0x3  }
0x41e: {  	[tilespmem:v3+s21+$0x0] =	vst.idx.msk $0xffff, v2  }
0x41f: {  	v3 =	vor.u32 s31, v40;
	v2 =	vld.idx.msk [tilespmem:v4+s14+$0x0], $0xffff  }
0x420: {  	v4 =	vor.u32 v49, v59;
	_ =	sdelay $0x3  }
0x421: {  	[tilespmem:v3+s21+$0x0] =	vst.idx.msk $0xffff, v2  }
0x422: {  	v3 =	vor.u32 s31, v41;
	v2 =	vld.idx.msk [tilespmem:v4+s14+$0x0], $0xffff  }
0x423: {  	v4 =	vor.u32 v49, v60;
	_ =	sdelay $0x3  }
0x424: {  	[tilespmem:v3+s21+$0x0] =	vst.idx.msk $0xffff, v2  }
0x425: {  	v3 =	vor.u32 s31, v42;
	v2 =	vld.idx.msk [tilespmem:v4+s14+$0x0], $0xffff  }
0x426: {  	v4 =	vor.u32 v49, v61;
	_ =	sdelay $0x3  }
0x427: {  	[tilespmem:v3+s21+$0x0] =	vst.idx.msk $0xffff, v2  }
0x428: {  	v3 =	vor.u32 s31, v43;
	v2 =	vld.idx.msk [tilespmem:v4+s14+$0x0], $0xffff  }
0x429: {  	v4 =	vor.u32 v49, v62;
	_ =	sdelay $0x3  }
0x42a: {  	[tilespmem:v3+s21+$0x0] =	vst.idx.msk $0xffff, v2  }
0x42b: {  	v3 =	vor.u32 s31, v44;
	v2 =	vld.idx.msk [tilespmem:v4+s14+$0x0], $0xffff  }
0x42c: {  	v4 =	vor.u32 v49, v63;
	_ =	sdelay $0x3  }
0x42d: {  	[tilespmem:v3+s21+$0x0] =	vst.idx.msk $0xffff, v2  }
0x42e: {  	v3 =	vor.u32 s31, v46;
	v2 =	vld.idx.msk [tilespmem:v4+s14+$0x0], $0xffff;
	_ =	sdelay $0x4  }
0x42f: {  	v0 =	vor.u32 v49, v0;
	[tilespmem:v3+s21+$0x0] =	vst.idx.msk $0xffff, v2;
	v2 =	vld [tilespmem:$0x1FD90];
	_ =	sdelay $0x4  }
0x430: {  	v0 =	vld.idx.msk [tilespmem:v0+s14+$0x0], $0xffff;
	v2 =	vor.u32 s31, v2;
	_ =	sdelay $0x4  }
0x431: {  	v1 =	vor.u32 v49, v1;
	[tilespmem:v2+s21+$0x0] =	vst.idx.msk $0xffff, v0;
	v0 =	vld [tilespmem:$0x1FD80];
	_ =	sdelay $0x4  }
0x432: {  	p0 =	sne.s32 s0, $0x70;
	v2 =	vld.idx.msk [tilespmem:v1+s14+$0x0], $0xffff;
	v3 =	vor.u32 s31, v0  }
.Ltmp2:
0x433: {  	_ = 	snop;
	(pc) =	sbr.rel @p0 .LBB2_7-.Ltmp2, $3  }
0x434: {  	_ =	sdelay $0x1  }
0x435: {  	s1 =	smov.u32 s0  }
0x436: {  	s0 =	sadd.s32 $0x10, s0;
	v1 =	vmov s1;
	v0 =	vor.u32 v49, v57;
	[tilespmem:v3+s21+$0x0] =	vst.idx.msk $0xffff, v2  }
0x437: {  	_ =	sdelay $0x2  }
0x438: {  	v1 =	vshll.u32 v1, $0x5  }
0x439: {  	v0 =	vld.idx.msk [tilespmem:v0+s14+$0x0], $0xffff;
	v3 =	vor.u32 s31, v17;
	v2 =	vor.u32 v9, v1  }
0x43a: {  	v4 =	vor.u32 v45, v2;
	_ =	sdelay $0x3  }
0x43b: {  	[tilespmem:v3+s21+$0x0] =	vst.idx.msk $0xffff, v0  }
0x43c: {  	v3 =	vor.u32 s1, v18;
	v0 =	vld.idx.msk [tilespmem:v4+s14+$0x0], $0xffff;
	v4 =	vor.u32 v29, v1  }
0x43d: {  	v50 =	vor.u32 v45, v4;
	_ =	sdelay $0x3  }
0x43e: {  	[tilespmem:v3+s21+$0x0] =	vst.idx.msk $0xffff, v0  }
0x43f: {  	v3 =	vor.u32 s1, v19;
	v0 =	vld.idx.msk [tilespmem:v50+s14+$0x0], $0xffff;
	v50 =	vor.u32 v11, v1  }
0x440: {  	v51 =	vor.u32 v45, v50;
	_ =	sdelay $0x3  }
0x441: {  	[tilespmem:v3+s21+$0x0] =	vst.idx.msk $0xffff, v0  }
0x442: {  	v3 =	vor.u32 s1, v20;
	v0 =	vld.idx.msk [tilespmem:v51+s14+$0x0], $0xffff;
	v51 =	vor.u32 v7, v1  }
0x443: {  	v52 =	vor.u32 v45, v51;
	_ =	sdelay $0x3  }
0x444: {  	[tilespmem:v3+s21+$0x0] =	vst.idx.msk $0xffff, v0  }
0x445: {  	v3 =	vor.u32 s1, v21;
	v0 =	vld.idx.msk [tilespmem:v52+s14+$0x0], $0xffff;
	v52 =	vor.u32 v6, v1  }
0x446: {  	v58 =	vld [tilespmem:$0x1FC80];
	v53 =	vor.u32 v45, v52;
	_ =	sdelay $0x3  }
0x447: {  	[tilespmem:v3+s21+$0x0] =	vst.idx.msk $0xffff, v0  }
0x448: {  	v3 =	vor.u32 s1, v22;
	v0 =	vld.idx.msk [tilespmem:v53+s14+$0x0], $0xffff;
	v53 =	vor.u32 v58, v1  }
0x449: {  	v54 =	vor.u32 v45, v53;
	_ =	sdelay $0x3  }
0x44a: {  	[tilespmem:v3+s21+$0x0] =	vst.idx.msk $0xffff, v0  }
0x44b: {  	v3 =	vor.u32 s1, v23;
	v0 =	vld.idx.msk [tilespmem:v54+s14+$0x0], $0xffff;
	v54 =	vor.u32 v16, v1  }
0x44c: {  	v55 =	vor.u32 v45, v54;
	_ =	sdelay $0x3  }
0x44d: {  	[tilespmem:v3+s21+$0x0] =	vst.idx.msk $0xffff, v0  }
0x44e: {  	v3 =	vor.u32 s1, v24;
	v0 =	vld.idx.msk [tilespmem:v55+s14+$0x0], $0xffff;
	v55 =	vor.u32 v15, v1  }
0x44f: {  	v56 =	vor.u32 v45, v55;
	_ =	sdelay $0x3  }
0x450: {  	[tilespmem:v3+s21+$0x0] =	vst.idx.msk $0xffff, v0  }
0x451: {  	v3 =	vor.u32 s1, v25;
	v0 =	vld.idx.msk [tilespmem:v56+s14+$0x0], $0xffff;
	v56 =	vor.u32 v5, v1  }
0x452: {  	v57 =	vor.u32 v45, v56;
	_ =	sdelay $0x3  }
0x453: {  	[tilespmem:v3+s21+$0x0] =	vst.idx.msk $0xffff, v0  }
0x454: {  	v3 =	vor.u32 s1, v26;
	v0 =	vld.idx.msk [tilespmem:v57+s14+$0x0], $0xffff;
	v57 =	vor.u32 v48, v1  }
0x455: {  	v58 =	vor.u32 v45, v57;
	_ =	sdelay $0x3  }
0x456: {  	[tilespmem:v3+s21+$0x0] =	vst.idx.msk $0xffff, v0  }
0x457: {  	v3 =	vor.u32 s1, v47;
	v0 =	vld.idx.msk [tilespmem:v58+s14+$0x0], $0xffff;
	_ =	sdelay $0x3  }
0x458: {  	v58 =	vor.u32 v14, v1  }
0x459: {  	v59 =	vor.u32 v45, v58;
	[tilespmem:v3+s21+$0x0] =	vst.idx.msk $0xffff, v0;
	v3 =	vld [tilespmem:$0x1FD70];
	_ =	sdelay $0x4  }
0x45a: {  	v0 =	vld.idx.msk [tilespmem:v59+s14+$0x0], $0xffff;
	v3 =	vor.u32 s1, v3;
	_ =	sdelay $0x3  }
0x45b: {  	v59 =	vor.u32 v13, v1  }
0x45c: {  	v60 =	vor.u32 v45, v59;
	[tilespmem:v3+s21+$0x0] =	vst.idx.msk $0xffff, v0;
	v3 =	vld [tilespmem:$0x1FD60];
	_ =	sdelay $0x4  }
0x45d: {  	v0 =	vld.idx.msk [tilespmem:v60+s14+$0x0], $0xffff;
	v60 =	vor.u32 v12, v1;
	v3 =	vor.u32 s1, v3  }
0x45e: {  	v61 =	vor.u32 v45, v60;
	_ =	sdelay $0x3  }
0x45f: {  	[tilespmem:v3+s21+$0x0] =	vst.idx.msk $0xffff, v0  }
0x460: {  	v3 =	vor.u32 s1, v34;
	v0 =	vld.idx.msk [tilespmem:v61+s14+$0x0], $0xffff;
	v61 =	vor.u32 v10, v1  }
0x461: {  	v62 =	vor.u32 v45, v61;
	_ =	sdelay $0x3  }
0x462: {  	[tilespmem:v3+s21+$0x0] =	vst.idx.msk $0xffff, v0  }
0x463: {  	v3 =	vor.u32 s1, v30;
	v0 =	vld.idx.msk [tilespmem:v62+s14+$0x0], $0xffff;
	v62 =	vor.u32 v28, v1  }
0x464: {  	v63 =	vor.u32 v45, v62;
	_ =	sdelay $0x3  }
0x465: {  	[tilespmem:v3+s21+$0x0] =	vst.idx.msk $0xffff, v0  }
0x466: {  	v1 =	vor.u32 v27, v1;
	v3 =	vor.u32 s1, v31;
	v0 =	vld.idx.msk [tilespmem:v63+s14+$0x0], $0xffff  }
0x467: {  	v63 =	vor.u32 v45, v1;
	_ =	sdelay $0x3  }
0x468: {  	[tilespmem:v3+s21+$0x0] =	vst.idx.msk $0xffff, v0  }
0x469: {  	v3 =	vor.u32 s1, v32;
	v0 =	vld.idx.msk [tilespmem:v63+s14+$0x0], $0xffff  }
0x46a: {  	v2 =	vor.u32 v49, v2;
	_ =	sdelay $0x3  }
0x46b: {  	[tilespmem:v3+s21+$0x0] =	vst.idx.msk $0xffff, v0  }
0x46c: {  	v0 =	vld.idx.msk [tilespmem:v2+s14+$0x0], $0xffff;
	v2 =	vor.u32 s1, v33  }
0x46d: {  	v3 =	vor.u32 v49, v4;
	_ =	sdelay $0x3  }
0x46e: {  	[tilespmem:v2+s21+$0x0] =	vst.idx.msk $0xffff, v0  }
0x46f: {  	v2 =	vor.u32 s1, v8;
	v0 =	vld.idx.msk [tilespmem:v3+s14+$0x0], $0xffff  }
0x470: {  	v3 =	vor.u32 v49, v50;
	_ =	sdelay $0x3  }
0x471: {  	[tilespmem:v2+s21+$0x0] =	vst.idx.msk $0xffff, v0  }
0x472: {  	v2 =	vor.u32 s1, v35;
	v0 =	vld.idx.msk [tilespmem:v3+s14+$0x0], $0xffff  }
0x473: {  	v3 =	vor.u32 v49, v51;
	_ =	sdelay $0x3  }
0x474: {  	[tilespmem:v2+s21+$0x0] =	vst.idx.msk $0xffff, v0  }
0x475: {  	v2 =	vor.u32 s1, v36;
	v0 =	vld.idx.msk [tilespmem:v3+s14+$0x0], $0xffff  }
0x476: {  	v3 =	vor.u32 v49, v52;
	_ =	sdelay $0x3  }
0x477: {  	[tilespmem:v2+s21+$0x0] =	vst.idx.msk $0xffff, v0  }
0x478: {  	v2 =	vor.u32 s1, v37;
	v0 =	vld.idx.msk [tilespmem:v3+s14+$0x0], $0xffff  }
0x479: {  	v3 =	vor.u32 v49, v53;
	_ =	sdelay $0x3  }
0x47a: {  	[tilespmem:v2+s21+$0x0] =	vst.idx.msk $0xffff, v0  }
0x47b: {  	v2 =	vor.u32 s1, v38;
	v0 =	vld.idx.msk [tilespmem:v3+s14+$0x0], $0xffff  }
0x47c: {  	v3 =	vor.u32 v49, v54;
	_ =	sdelay $0x3  }
0x47d: {  	[tilespmem:v2+s21+$0x0] =	vst.idx.msk $0xffff, v0  }
0x47e: {  	v2 =	vor.u32 s1, v39;
	v0 =	vld.idx.msk [tilespmem:v3+s14+$0x0], $0xffff  }
0x47f: {  	v3 =	vor.u32 v49, v55;
	_ =	sdelay $0x3  }
0x480: {  	[tilespmem:v2+s21+$0x0] =	vst.idx.msk $0xffff, v0  }
0x481: {  	v2 =	vor.u32 s1, v40;
	v0 =	vld.idx.msk [tilespmem:v3+s14+$0x0], $0xffff  }
0x482: {  	v3 =	vor.u32 v49, v56;
	_ =	sdelay $0x3  }
0x483: {  	[tilespmem:v2+s21+$0x0] =	vst.idx.msk $0xffff, v0  }
0x484: {  	v2 =	vor.u32 s1, v41;
	v0 =	vld.idx.msk [tilespmem:v3+s14+$0x0], $0xffff  }
0x485: {  	v3 =	vor.u32 v49, v57;
	_ =	sdelay $0x3  }
0x486: {  	[tilespmem:v2+s21+$0x0] =	vst.idx.msk $0xffff, v0  }
0x487: {  	v2 =	vor.u32 s1, v42;
	v0 =	vld.idx.msk [tilespmem:v3+s14+$0x0], $0xffff  }
0x488: {  	v3 =	vor.u32 v49, v58;
	_ =	sdelay $0x3  }
0x489: {  	[tilespmem:v2+s21+$0x0] =	vst.idx.msk $0xffff, v0  }
0x48a: {  	v2 =	vor.u32 s1, v43;
	v0 =	vld.idx.msk [tilespmem:v3+s14+$0x0], $0xffff  }
0x48b: {  	v3 =	vor.u32 v49, v59;
	_ =	sdelay $0x3  }
0x48c: {  	[tilespmem:v2+s21+$0x0] =	vst.idx.msk $0xffff, v0  }
0x48d: {  	v2 =	vor.u32 s1, v44;
	v0 =	vld.idx.msk [tilespmem:v3+s14+$0x0], $0xffff  }
0x48e: {  	v3 =	vor.u32 v49, v60;
	_ =	sdelay $0x3  }
0x48f: {  	[tilespmem:v2+s21+$0x0] =	vst.idx.msk $0xffff, v0  }
0x490: {  	v2 =	vor.u32 s1, v46;
	v0 =	vld.idx.msk [tilespmem:v3+s14+$0x0], $0xffff;
	_ =	sdelay $0x4  }
0x491: {  	v3 =	vor.u32 v49, v61;
	[tilespmem:v2+s21+$0x0] =	vst.idx.msk $0xffff, v0;
	v2 =	vld [tilespmem:$0x1FD90];
	_ =	sdelay $0x4  }
0x492: {  	v0 =	vld.idx.msk [tilespmem:v3+s14+$0x0], $0xffff;
	v2 =	vor.u32 s1, v2;
	_ =	sdelay $0x4  }
0x493: {  	v3 =	vor.u32 v49, v62;
	[tilespmem:v2+s21+$0x0] =	vst.idx.msk $0xffff, v0;
	v2 =	vld [tilespmem:$0x1FD80];
	_ =	sdelay $0x4  }
0x494: {  	v0 =	vld.idx.msk [tilespmem:v3+s14+$0x0], $0xffff;
	v2 =	vor.u32 s1, v2;
	_ =	sdelay $0x4  }
0x495: {  	v1 =	vor.u32 v49, v1;
	[tilespmem:v2+s21+$0x0] =	vst.idx.msk $0xffff, v0;
	v2 =	vld [tilespmem:$0x1FFF0];
	_ =	sdelay $0x3  }
0x496: {  	s0 =	simm.s32 $0x80  }
0x497: {  	v3 =	vmov s0;
	v1 =	vld.idx.msk [tilespmem:v1+s14+$0x0], $0xffff;
	v2 =	vor.u32 s1, v2  }
0x498: {  	v0 =	vshll.u32 v3, $0x5  }
0x499: {  	v3 =	vor.u32 v9, v0  }
0x49a: {  	v4 =	vor.u32 v45, v3;
	_ =	sdelay $0x1  }
0x49b: {  	[tilespmem:v2+s21+$0x0] =	vst.idx.msk $0xffff, v1;
	v2 =	vld [tilespmem:$0x1FDA0];
	_ =	sdelay $0x2  }
0x49c: {  	v1 =	vld.idx.msk [tilespmem:v4+s14+$0x0], $0xffff  }
0x49d: {  	s1 =	simm.s32 $0x400;
	v4 =	vld [tilespmem:$0x1FDB0]  }
0x49e: {  	v2 =	vor.u32 s1, v2;
	_ =	sdelay $0x3  }
0x49f: {  	v4 =	vor.u32 v4, v0  }
0x4a0: {  	v59 =	vor.u32 v45, v4;
	[tilespmem:v2+s21+$0x0] =	vst.idx.msk $0xffff, v1;
	v2 =	vld [tilespmem:$0x1FDC0];
	_ =	sdelay $0x3  }
0x4a1: {  	v60 =	vld [tilespmem:$0x1FFE0]  }
0x4a2: {  	v1 =	vld.idx.msk [tilespmem:v59+s14+$0x0], $0xffff;
	v2 =	vor.u32 s1, v2;
	_ =	sdelay $0x3  }
0x4a3: {  	v50 =	vor.u32 v60, v0  }
0x4a4: {  	v61 =	vor.u32 v45, v50;
	[tilespmem:v2+s21+$0x0] =	vst.idx.msk $0xffff, v1;
	v2 =	vld [tilespmem:$0x1FE50];
	_ =	sdelay $0x4  }
0x4a5: {  	v1 =	vld.idx.msk [tilespmem:v61+s14+$0x0], $0xffff;
	v2 =	vor.u32 s1, v2;
	_ =	sdelay $0x3  }
0x4a6: {  	v51 =	vor.u32 v7, v0  }
0x4a7: {  	v62 =	vor.u32 v45, v51;
	[tilespmem:v2+s21+$0x0] =	vst.idx.msk $0xffff, v1;
	v2 =	vld [tilespmem:$0x1FE60];
	_ =	sdelay $0x4  }
0x4a8: {  	v1 =	vld.idx.msk [tilespmem:v62+s14+$0x0], $0xffff;
	v2 =	vor.u32 s1, v2;
	_ =	sdelay $0x3  }
0x4a9: {  	v52 =	vor.u32 v6, v0  }
0x4aa: {  	v63 =	vor.u32 v45, v52;
	[tilespmem:v2+s21+$0x0] =	vst.idx.msk $0xffff, v1;
	v2 =	vld [tilespmem:$0x1FDD0];
	_ =	sdelay $0x3  }
0x4ab: {  	v56 =	vld [tilespmem:$0x1FC80]  }
0x4ac: {  	v1 =	vld.idx.msk [tilespmem:v63+s14+$0x0], $0xffff;
	v2 =	vor.u32 s1, v2;
	_ =	sdelay $0x3  }
0x4ad: {  	v53 =	vor.u32 v56, v0  }
0x4ae: {  	v57 =	vor.u32 v45, v53;
	[tilespmem:v2+s21+$0x0] =	vst.idx.msk $0xffff, v1;
	v2 =	vld [tilespmem:$0x1FDE0];
	_ =	sdelay $0x3  }
0x4af: {  	v58 =	vld [tilespmem:$0x1FFD0]  }
0x4b0: {  	v1 =	vld.idx.msk [tilespmem:v57+s14+$0x0], $0xffff;
	v2 =	vor.u32 s1, v2;
	_ =	sdelay $0x3  }
0x4b1: {  	v54 =	vor.u32 v58, v0  }
0x4b2: {  	v59 =	vor.u32 v45, v54;
	[tilespmem:v2+s21+$0x0] =	vst.idx.msk $0xffff, v1;
	v2 =	vld [tilespmem:$0x1FDF0];
	_ =	sdelay $0x3  }
0x4b3: {  	v60 =	vld [tilespmem:$0x1FFC0]  }
0x4b4: {  	v1 =	vld.idx.msk [tilespmem:v59+s14+$0x0], $0xffff;
	v2 =	vor.u32 s1, v2;
	_ =	sdelay $0x3  }
0x4b5: {  	v55 =	vor.u32 v60, v0  }
0x4b6: {  	v61 =	vor.u32 v45, v55;
	[tilespmem:v2+s21+$0x0] =	vst.idx.msk $0xffff, v1;
	v2 =	vld [tilespmem:$0x1FE70];
	_ =	sdelay $0x4  }
0x4b7: {  	v1 =	vld.idx.msk [tilespmem:v61+s14+$0x0], $0xffff;
	v2 =	vor.u32 s1, v2;
	_ =	sdelay $0x3  }
0x4b8: {  	v56 =	vor.u32 v5, v0  }
0x4b9: {  	v62 =	vor.u32 v45, v56;
	[tilespmem:v2+s21+$0x0] =	vst.idx.msk $0xffff, v1;
	v2 =	vld [tilespmem:$0x1FE00];
	_ =	sdelay $0x3  }
0x4ba: {  	v63 =	vld [tilespmem:$0x1FC70]  }
0x4bb: {  	v1 =	vld.idx.msk [tilespmem:v62+s14+$0x0], $0xffff;
	v2 =	vor.u32 s1, v2;
	_ =	sdelay $0x3  }
0x4bc: {  	v57 =	vor.u32 v63, v0  }
0x4bd: {  	v60 =	vor.u32 v45, v57;
	[tilespmem:v2+s21+$0x0] =	vst.idx.msk $0xffff, v1;
	v2 =	vld [tilespmem:$0x1FE10];
	_ =	sdelay $0x3  }
0x4be: {  	v61 =	vld [tilespmem:$0x1FFB0]  }
0x4bf: {  	v1 =	vld.idx.msk [tilespmem:v60+s14+$0x0], $0xffff;
	v2 =	vor.u32 s1, v2;
	_ =	sdelay $0x3  }
0x4c0: {  	v63 =	vld [tilespmem:$0x1FFA0];
	v58 =	vor.u32 v61, v0  }
0x4c1: {  	v62 =	vor.u32 v45, v58;
	[tilespmem:v2+s21+$0x0] =	vst.idx.msk $0xffff, v1;
	v2 =	vld [tilespmem:$0x1FD70];
	_ =	sdelay $0x4  }
0x4c2: {  	v59 =	vor.u32 v63, v0;
	v1 =	vld.idx.msk [tilespmem:v62+s14+$0x0], $0xffff;
	v2 =	vor.u32 s1, v2  }
0x4c3: {  	v60 =	vor.u32 v45, v59;
	_ =	sdelay $0x3  }
0x4c4: {  	[tilespmem:v2+s21+$0x0] =	vst.idx.msk $0xffff, v1;
	v2 =	vld [tilespmem:$0x1FD60]  }
0x4c5: {  	v1 =	vld.idx.msk [tilespmem:v60+s14+$0x0], $0xffff  }
0x4c6: {  	v60 =	vld [tilespmem:$0x1FF90];
	_ =	sdelay $0x4  }
0x4c7: {  	v2 =	vor.u32 s1, v2;
	v60 =	vor.u32 v60, v0  }
0x4c8: {  	v61 =	vor.u32 v45, v60;
	_ =	sdelay $0x3  }
0x4c9: {  	[tilespmem:v2+s21+$0x0] =	vst.idx.msk $0xffff, v1;
	v2 =	vld [tilespmem:$0x1FE20]  }
0x4ca: {  	v1 =	vld.idx.msk [tilespmem:v61+s14+$0x0], $0xffff  }
0x4cb: {  	v61 =	vld [tilespmem:$0x1FF80];
	_ =	sdelay $0x4  }
0x4cc: {  	v2 =	vor.u32 s1, v2;
	v61 =	vor.u32 v61, v0  }
0x4cd: {  	v62 =	vor.u32 v45, v61;
	_ =	sdelay $0x3  }
0x4ce: {  	[tilespmem:v2+s21+$0x0] =	vst.idx.msk $0xffff, v1;
	v2 =	vld [tilespmem:$0x1FE30]  }
0x4cf: {  	v1 =	vld.idx.msk [tilespmem:v62+s14+$0x0], $0xffff  }
0x4d0: {  	v62 =	vld [tilespmem:$0x1FF70];
	_ =	sdelay $0x2  }
0x4d1: {  	v2 =	vor.u32 s1, v2;
	_ =	sdelay $0x1  }
0x4d2: {  	v62 =	vor.u32 v62, v0  }
0x4d3: {  	v63 =	vor.u32 v45, v62;
	_ =	sdelay $0x1  }
0x4d4: {  	[tilespmem:v2+s21+$0x0] =	vst.idx.msk $0xffff, v1;
	v2 =	vld [tilespmem:$0x1FE40];
	_ =	sdelay $0x2  }
0x4d5: {  	v1 =	vld.idx.msk [tilespmem:v63+s14+$0x0], $0xffff  }
0x4d6: {  	v63 =	vld [tilespmem:$0x1FF60]  }
0x4d7: {  	v2 =	vor.u32 s1, v2;
	_ =	sdelay $0x3  }
0x4d8: {  	v63 =	vor.u32 v63, v0  }
0x4d9: {  	v0 =	vor.u32 v45, v63;
	[tilespmem:v2+s21+$0x0] =	vst.idx.msk $0xffff, v1;
	v1 =	vld [tilespmem:$0x1FF40];
	_ =	sdelay $0x4  }
0x4da: {  	v0 =	vld.idx.msk [tilespmem:v0+s14+$0x0], $0xffff;
	v1 =	vor.u32 s1, v1;
	_ =	sdelay $0x4  }
0x4db: {  	v2 =	vor.u32 v49, v3;
	[tilespmem:v1+s21+$0x0] =	vst.idx.msk $0xffff, v0;
	v1 =	vld [tilespmem:$0x1FF50];
	_ =	sdelay $0x4  }
0x4dc: {  	v0 =	vld.idx.msk [tilespmem:v2+s14+$0x0], $0xffff;
	v1 =	vor.u32 s1, v1;
	_ =	sdelay $0x4  }
0x4dd: {  	v2 =	vor.u32 v49, v4;
	[tilespmem:v1+s21+$0x0] =	vst.idx.msk $0xffff, v0;
	v1 =	vld [tilespmem:$0x1FE80];
	_ =	sdelay $0x4  }
0x4de: {  	v0 =	vld.idx.msk [tilespmem:v2+s14+$0x0], $0xffff;
	v1 =	vor.u32 s1, v1;
	_ =	sdelay $0x4  }
0x4df: {  	v2 =	vor.u32 v49, v50;
	[tilespmem:v1+s21+$0x0] =	vst.idx.msk $0xffff, v0;
	v1 =	vld [tilespmem:$0x1FE90];
	_ =	sdelay $0x4  }
0x4e0: {  	v0 =	vld.idx.msk [tilespmem:v2+s14+$0x0], $0xffff;
	v1 =	vor.u32 s1, v1;
	_ =	sdelay $0x4  }
0x4e1: {  	v2 =	vor.u32 v49, v51;
	[tilespmem:v1+s21+$0x0] =	vst.idx.msk $0xffff, v0;
	v1 =	vld [tilespmem:$0x1FEA0];
	_ =	sdelay $0x4  }
0x4e2: {  	v0 =	vld.idx.msk [tilespmem:v2+s14+$0x0], $0xffff;
	v1 =	vor.u32 s1, v1;
	_ =	sdelay $0x4  }
0x4e3: {  	v2 =	vor.u32 v49, v52;
	[tilespmem:v1+s21+$0x0] =	vst.idx.msk $0xffff, v0;
	v1 =	vld [tilespmem:$0x1FEB0];
	_ =	sdelay $0x4  }
0x4e4: {  	v0 =	vld.idx.msk [tilespmem:v2+s14+$0x0], $0xffff;
	v1 =	vor.u32 s1, v1;
	_ =	sdelay $0x4  }
0x4e5: {  	v2 =	vor.u32 v49, v53;
	[tilespmem:v1+s21+$0x0] =	vst.idx.msk $0xffff, v0;
	v1 =	vld [tilespmem:$0x1FEC0];
	_ =	sdelay $0x4  }
0x4e6: {  	v0 =	vld.idx.msk [tilespmem:v2+s14+$0x0], $0xffff;
	v1 =	vor.u32 s1, v1;
	_ =	sdelay $0x4  }
0x4e7: {  	v2 =	vor.u32 v49, v54;
	[tilespmem:v1+s21+$0x0] =	vst.idx.msk $0xffff, v0;
	v1 =	vld [tilespmem:$0x1FED0];
	_ =	sdelay $0x4  }
0x4e8: {  	v0 =	vld.idx.msk [tilespmem:v2+s14+$0x0], $0xffff;
	v1 =	vor.u32 s1, v1;
	_ =	sdelay $0x4  }
0x4e9: {  	v2 =	vor.u32 v49, v55;
	[tilespmem:v1+s21+$0x0] =	vst.idx.msk $0xffff, v0;
	v1 =	vld [tilespmem:$0x1FEE0];
	_ =	sdelay $0x4  }
0x4ea: {  	v0 =	vld.idx.msk [tilespmem:v2+s14+$0x0], $0xffff;
	v1 =	vor.u32 s1, v1;
	_ =	sdelay $0x4  }
0x4eb: {  	v2 =	vor.u32 v49, v56;
	[tilespmem:v1+s21+$0x0] =	vst.idx.msk $0xffff, v0;
	v1 =	vld [tilespmem:$0x1FEF0];
	_ =	sdelay $0x4  }
0x4ec: {  	v0 =	vld.idx.msk [tilespmem:v2+s14+$0x0], $0xffff;
	v1 =	vor.u32 s1, v1;
	_ =	sdelay $0x4  }
0x4ed: {  	v2 =	vor.u32 v49, v57;
	[tilespmem:v1+s21+$0x0] =	vst.idx.msk $0xffff, v0;
	v1 =	vld [tilespmem:$0x1FF00];
	_ =	sdelay $0x4  }
0x4ee: {  	v0 =	vld.idx.msk [tilespmem:v2+s14+$0x0], $0xffff;
	v1 =	vor.u32 s1, v1;
	_ =	sdelay $0x4  }
0x4ef: {  	v2 =	vor.u32 v49, v58;
	[tilespmem:v1+s21+$0x0] =	vst.idx.msk $0xffff, v0;
	v1 =	vld [tilespmem:$0x1FF10];
	_ =	sdelay $0x4  }
0x4f0: {  	v0 =	vld.idx.msk [tilespmem:v2+s14+$0x0], $0xffff;
	v1 =	vor.u32 s1, v1;
	_ =	sdelay $0x4  }
0x4f1: {  	v2 =	vor.u32 v49, v59;
	[tilespmem:v1+s21+$0x0] =	vst.idx.msk $0xffff, v0;
	v1 =	vld [tilespmem:$0x1FF20];
	_ =	sdelay $0x4  }
0x4f2: {  	v0 =	vld.idx.msk [tilespmem:v2+s14+$0x0], $0xffff;
	v1 =	vor.u32 s1, v1;
	_ =	sdelay $0x4  }
0x4f3: {  	v2 =	vor.u32 v49, v60;
	[tilespmem:v1+s21+$0x0] =	vst.idx.msk $0xffff, v0;
	v1 =	vld [tilespmem:$0x1FF30];
	_ =	sdelay $0x4  }
0x4f4: {  	v0 =	vld.idx.msk [tilespmem:v2+s14+$0x0], $0xffff;
	v1 =	vor.u32 s1, v1;
	_ =	sdelay $0x4  }
0x4f5: {  	v2 =	vor.u32 v49, v61;
	[tilespmem:v1+s21+$0x0] =	vst.idx.msk $0xffff, v0;
	v1 =	vld [tilespmem:$0x1FD90];
	_ =	sdelay $0x4  }
0x4f6: {  	v0 =	vld.idx.msk [tilespmem:v2+s14+$0x0], $0xffff;
	v1 =	vor.u32 s1, v1;
	_ =	sdelay $0x4  }
0x4f7: {  	v2 =	vor.u32 v49, v62;
	[tilespmem:v1+s21+$0x0] =	vst.idx.msk $0xffff, v0;
	v1 =	vld [tilespmem:$0x1FD80];
	_ =	sdelay $0x4  }
0x4f8: {  	s31 =	simm.s32 $0x410;
	s6 =	simm.s32 $0x90;
	s0 =	simm.s32 $0x420;
	v0 =	vld.idx.msk [tilespmem:v2+s14+$0x0], $0xffff;
	v50 =	vor.u32 s1, v1;
	v1 =	vor.u32 v49, v63  }
.LBB2_9:
0x4f9: {  	_ =	sdelay $0x2  }
0x4fa: {  	v2 =	vmov s6  }
0x4fb: {  	[tilespmem:v50+s21+$0x0] =	vst.idx.msk $0xffff, v0;
	v57 =	vshll.u32 v2, $0x5  }
0x4fc: {  	v0 =	vld.idx.msk [tilespmem:v1+s14+$0x0], $0xffff;
	v1 =	vor.u32 s1, v17;
	v50 =	vor.u32 v9, v57  }
0x4fd: {  	v2 =	vor.u32 v45, v50;
	_ =	sdelay $0x3  }
0x4fe: {  	s1 =	smov.u32 s31;
	[tilespmem:v1+s21+$0x0] =	vst.idx.msk $0xffff, v0  }
0x4ff: {  	v51 =	vor.u32 v29, v57;
	v1 =	vor.u32 s1, v18;
	v0 =	vld.idx.msk [tilespmem:v2+s14+$0x0], $0xffff  }
0x500: {  	v2 =	vor.u32 v45, v51;
	_ =	sdelay $0x3  }
0x501: {  	[tilespmem:v1+s21+$0x0] =	vst.idx.msk $0xffff, v0  }
0x502: {  	v52 =	vor.u32 v11, v57;
	v1 =	vor.u32 s1, v19;
	v0 =	vld.idx.msk [tilespmem:v2+s14+$0x0], $0xffff  }
0x503: {  	v2 =	vor.u32 v45, v52;
	_ =	sdelay $0x3  }
0x504: {  	[tilespmem:v1+s21+$0x0] =	vst.idx.msk $0xffff, v0  }
0x505: {  	v53 =	vor.u32 v7, v57;
	v1 =	vor.u32 s1, v20;
	v0 =	vld.idx.msk [tilespmem:v2+s14+$0x0], $0xffff  }
0x506: {  	v2 =	vor.u32 v45, v53;
	_ =	sdelay $0x3  }
0x507: {  	[tilespmem:v1+s21+$0x0] =	vst.idx.msk $0xffff, v0  }
0x508: {  	v54 =	vor.u32 v6, v57;
	v1 =	vor.u32 s1, v21;
	v0 =	vld.idx.msk [tilespmem:v2+s14+$0x0], $0xffff  }
0x509: {  	v2 =	vor.u32 v45, v54;
	_ =	sdelay $0x3  }
0x50a: {  	[tilespmem:v1+s21+$0x0] =	vst.idx.msk $0xffff, v0  }
0x50b: {  	v0 =	vld.idx.msk [tilespmem:v2+s14+$0x0], $0xffff  }
0x50c: {  	v2 =	vld [tilespmem:$0x1FC80];
	_ =	sdelay $0x4  }
0x50d: {  	v1 =	vor.u32 s1, v22;
	v55 =	vor.u32 v2, v57  }
0x50e: {  	v2 =	vor.u32 v45, v55;
	_ =	sdelay $0x3  }
0x50f: {  	[tilespmem:v1+s21+$0x0] =	vst.idx.msk $0xffff, v0  }
0x510: {  	v56 =	vor.u32 v16, v57;
	v1 =	vor.u32 s1, v23;
	v0 =	vld.idx.msk [tilespmem:v2+s14+$0x0], $0xffff  }
0x511: {  	v2 =	vor.u32 v45, v56;
	_ =	sdelay $0x3  }
0x512: {  	[tilespmem:v1+s21+$0x0] =	vst.idx.msk $0xffff, v0  }
0x513: {  	v58 =	vor.u32 v15, v57;
	v1 =	vor.u32 s1, v24;
	v0 =	vld.idx.msk [tilespmem:v2+s14+$0x0], $0xffff  }
0x514: {  	v2 =	vor.u32 v45, v58;
	_ =	sdelay $0x3  }
0x515: {  	[tilespmem:v1+s21+$0x0] =	vst.idx.msk $0xffff, v0  }
0x516: {  	v59 =	vor.u32 v5, v57;
	v1 =	vor.u32 s1, v25;
	v0 =	vld.idx.msk [tilespmem:v2+s14+$0x0], $0xffff  }
0x517: {  	v2 =	vor.u32 v45, v59;
	_ =	sdelay $0x3  }
0x518: {  	[tilespmem:v1+s21+$0x0] =	vst.idx.msk $0xffff, v0  }
0x519: {  	v60 =	vor.u32 v48, v57;
	v1 =	vor.u32 s1, v26;
	v0 =	vld.idx.msk [tilespmem:v2+s14+$0x0], $0xffff  }
0x51a: {  	v2 =	vor.u32 v45, v60;
	_ =	sdelay $0x3  }
0x51b: {  	[tilespmem:v1+s21+$0x0] =	vst.idx.msk $0xffff, v0  }
0x51c: {  	v1 =	vor.u32 s1, v47;
	v0 =	vld.idx.msk [tilespmem:v2+s14+$0x0], $0xffff;
	_ =	sdelay $0x3  }
0x51d: {  	v61 =	vor.u32 v14, v57  }
0x51e: {  	v2 =	vor.u32 v45, v61;
	[tilespmem:v1+s21+$0x0] =	vst.idx.msk $0xffff, v0;
	v1 =	vld [tilespmem:$0x1FD70];
	_ =	sdelay $0x4  }
0x51f: {  	v0 =	vld.idx.msk [tilespmem:v2+s14+$0x0], $0xffff;
	v1 =	vor.u32 s1, v1;
	_ =	sdelay $0x3  }
0x520: {  	v62 =	vor.u32 v13, v57  }
0x521: {  	v2 =	vor.u32 v45, v62;
	[tilespmem:v1+s21+$0x0] =	vst.idx.msk $0xffff, v0;
	v1 =	vld [tilespmem:$0x1FD60];
	_ =	sdelay $0x4  }
0x522: {  	v63 =	vor.u32 v12, v57;
	v0 =	vld.idx.msk [tilespmem:v2+s14+$0x0], $0xffff;
	v1 =	vor.u32 s1, v1  }
0x523: {  	v2 =	vor.u32 v45, v63;
	_ =	sdelay $0x3  }
0x524: {  	[tilespmem:v1+s21+$0x0] =	vst.idx.msk $0xffff, v0  }
0x525: {  	v0 =	vor.u32 v10, v57;
	v1 =	vld.idx.msk [tilespmem:v2+s14+$0x0], $0xffff;
	v2 =	vor.u32 s1, v34  }
0x526: {  	v3 =	vor.u32 v45, v0;
	_ =	sdelay $0x3  }
0x527: {  	[tilespmem:v2+s21+$0x0] =	vst.idx.msk $0xffff, v1  }
0x528: {  	v1 =	vor.u32 v28, v57;
	v2 =	vld.idx.msk [tilespmem:v3+s14+$0x0], $0xffff;
	v3 =	vor.u32 s1, v30  }
0x529: {  	v4 =	vor.u32 v45, v1;
	_ =	sdelay $0x3  }
0x52a: {  	[tilespmem:v3+s21+$0x0] =	vst.idx.msk $0xffff, v2  }
0x52b: {  	v57 =	vor.u32 v27, v57;
	v3 =	vor.u32 s1, v31;
	v2 =	vld.idx.msk [tilespmem:v4+s14+$0x0], $0xffff  }
0x52c: {  	v4 =	vor.u32 v45, v57;
	_ =	sdelay $0x3  }
0x52d: {  	[tilespmem:v3+s21+$0x0] =	vst.idx.msk $0xffff, v2  }
0x52e: {  	v3 =	vor.u32 s1, v32;
	v2 =	vld.idx.msk [tilespmem:v4+s14+$0x0], $0xffff  }
0x52f: {  	v4 =	vor.u32 v49, v50;
	_ =	sdelay $0x3  }
0x530: {  	[tilespmem:v3+s21+$0x0] =	vst.idx.msk $0xffff, v2  }
0x531: {  	v3 =	vor.u32 s1, v33;
	v2 =	vld.idx.msk [tilespmem:v4+s14+$0x0], $0xffff  }
0x532: {  	v4 =	vor.u32 v49, v51;
	_ =	sdelay $0x3  }
0x533: {  	[tilespmem:v3+s21+$0x0] =	vst.idx.msk $0xffff, v2  }
0x534: {  	v3 =	vor.u32 s1, v8;
	v2 =	vld.idx.msk [tilespmem:v4+s14+$0x0], $0xffff  }
0x535: {  	v4 =	vor.u32 v49, v52;
	_ =	sdelay $0x3  }
0x536: {  	[tilespmem:v3+s21+$0x0] =	vst.idx.msk $0xffff, v2  }
0x537: {  	v3 =	vor.u32 s1, v35;
	v2 =	vld.idx.msk [tilespmem:v4+s14+$0x0], $0xffff  }
0x538: {  	v4 =	vor.u32 v49, v53;
	_ =	sdelay $0x3  }
0x539: {  	[tilespmem:v3+s21+$0x0] =	vst.idx.msk $0xffff, v2  }
0x53a: {  	v3 =	vor.u32 s1, v36;
	v2 =	vld.idx.msk [tilespmem:v4+s14+$0x0], $0xffff  }
0x53b: {  	v4 =	vor.u32 v49, v54;
	_ =	sdelay $0x3  }
0x53c: {  	[tilespmem:v3+s21+$0x0] =	vst.idx.msk $0xffff, v2  }
0x53d: {  	v3 =	vor.u32 s1, v37;
	v2 =	vld.idx.msk [tilespmem:v4+s14+$0x0], $0xffff  }
0x53e: {  	v4 =	vor.u32 v49, v55;
	_ =	sdelay $0x3  }
0x53f: {  	[tilespmem:v3+s21+$0x0] =	vst.idx.msk $0xffff, v2  }
0x540: {  	v3 =	vor.u32 s1, v38;
	v2 =	vld.idx.msk [tilespmem:v4+s14+$0x0], $0xffff  }
0x541: {  	v4 =	vor.u32 v49, v56;
	_ =	sdelay $0x3  }
0x542: {  	[tilespmem:v3+s21+$0x0] =	vst.idx.msk $0xffff, v2  }
0x543: {  	v3 =	vor.u32 s1, v39;
	v2 =	vld.idx.msk [tilespmem:v4+s14+$0x0], $0xffff  }
0x544: {  	v4 =	vor.u32 v49, v58;
	_ =	sdelay $0x3  }
0x545: {  	[tilespmem:v3+s21+$0x0] =	vst.idx.msk $0xffff, v2  }
0x546: {  	v3 =	vor.u32 s1, v40;
	v2 =	vld.idx.msk [tilespmem:v4+s14+$0x0], $0xffff  }
0x547: {  	v4 =	vor.u32 v49, v59;
	_ =	sdelay $0x3  }
0x548: {  	[tilespmem:v3+s21+$0x0] =	vst.idx.msk $0xffff, v2  }
0x549: {  	v3 =	vor.u32 s1, v41;
	v2 =	vld.idx.msk [tilespmem:v4+s14+$0x0], $0xffff  }
0x54a: {  	v4 =	vor.u32 v49, v60;
	_ =	sdelay $0x3  }
0x54b: {  	[tilespmem:v3+s21+$0x0] =	vst.idx.msk $0xffff, v2  }
0x54c: {  	v3 =	vor.u32 s1, v42;
	v2 =	vld.idx.msk [tilespmem:v4+s14+$0x0], $0xffff  }
0x54d: {  	v4 =	vor.u32 v49, v61;
	_ =	sdelay $0x3  }
0x54e: {  	[tilespmem:v3+s21+$0x0] =	vst.idx.msk $0xffff, v2  }
0x54f: {  	v3 =	vor.u32 s1, v43;
	v2 =	vld.idx.msk [tilespmem:v4+s14+$0x0], $0xffff  }
0x550: {  	v4 =	vor.u32 v49, v62;
	_ =	sdelay $0x3  }
0x551: {  	[tilespmem:v3+s21+$0x0] =	vst.idx.msk $0xffff, v2  }
0x552: {  	v3 =	vor.u32 s1, v44;
	v2 =	vld.idx.msk [tilespmem:v4+s14+$0x0], $0xffff  }
0x553: {  	v4 =	vor.u32 v49, v63;
	_ =	sdelay $0x3  }
0x554: {  	[tilespmem:v3+s21+$0x0] =	vst.idx.msk $0xffff, v2  }
0x555: {  	v3 =	vor.u32 s1, v46;
	v2 =	vld.idx.msk [tilespmem:v4+s14+$0x0], $0xffff;
	_ =	sdelay $0x4  }
0x556: {  	v0 =	vor.u32 v49, v0;
	[tilespmem:v3+s21+$0x0] =	vst.idx.msk $0xffff, v2;
	v2 =	vld [tilespmem:$0x1FD90];
	_ =	sdelay $0x4  }
0x557: {  	v0 =	vld.idx.msk [tilespmem:v0+s14+$0x0], $0xffff;
	v2 =	vor.u32 s1, v2  }
0x558: {  	v1 =	vor.u32 v49, v1;
	_ =	sdelay $0x3  }
0x559: {  	[tilespmem:v2+s21+$0x0] =	vst.idx.msk $0xffff, v0  }
0x55a: {  	v0 =	vld.idx.msk [tilespmem:v1+s14+$0x0], $0xffff  }
0x55b: {  	p0 =	sne.s32 s0, $0x470;
	v1 =	vld [tilespmem:$0x1FD80]  }
.Ltmp3:
0x55c: {  	_ = 	snop;
	(pc) =	sbr.rel @p0 .LBB2_9-.Ltmp3, $3  }
0x55d: {  	_ =	sdelay $0x1  }
0x55e: {  	s31 =	smov.u32 s0  }
0x55f: {  	s0 =	sadd.s32 $0x10, s0;
	s6 =	sadd.s32 $0xFFFFFC80, s31;
	v50 =	vor.u32 s1, v1;
	v1 =	vor.u32 v49, v57  }
0x560: {  	_ =	sdelay $0x2  }
0x561: {  	v2 =	vmov s6  }
0x562: {  	[tilespmem:v50+s21+$0x0] =	vst.idx.msk $0xffff, v0;
	v0 =	vshll.u32 v2, $0x5  }
0x563: {  	v3 =	vor.u32 s1, v17;
	v1 =	vld.idx.msk [tilespmem:v1+s14+$0x0], $0xffff;
	v2 =	vor.u32 v9, v0  }
0x564: {  	v4 =	vor.u32 v45, v2;
	_ =	sdelay $0x3  }
0x565: {  	[tilespmem:v3+s21+$0x0] =	vst.idx.msk $0xffff, v1  }
0x566: {  	v3 =	vor.u32 s31, v18;
	v1 =	vld.idx.msk [tilespmem:v4+s14+$0x0], $0xffff;
	v4 =	vor.u32 v29, v0  }
0x567: {  	v62 =	vor.u32 v45, v4;
	_ =	sdelay $0x3  }
0x568: {  	[tilespmem:v3+s21+$0x0] =	vst.idx.msk $0xffff, v1  }
0x569: {  	v50 =	vor.u32 v11, v0;
	v3 =	vor.u32 s31, v19;
	v1 =	vld.idx.msk [tilespmem:v62+s14+$0x0], $0xffff  }
0x56a: {  	v51 =	vor.u32 v45, v50;
	_ =	sdelay $0x3  }
0x56b: {  	[tilespmem:v3+s21+$0x0] =	vst.idx.msk $0xffff, v1  }
0x56c: {  	v3 =	vor.u32 s31, v20;
	v1 =	vld.idx.msk [tilespmem:v51+s14+$0x0], $0xffff;
	v51 =	vor.u32 v7, v0  }
0x56d: {  	v52 =	vor.u32 v45, v51;
	_ =	sdelay $0x3  }
0x56e: {  	[tilespmem:v3+s21+$0x0] =	vst.idx.msk $0xffff, v1  }
0x56f: {  	v3 =	vor.u32 s31, v21;
	v1 =	vld.idx.msk [tilespmem:v52+s14+$0x0], $0xffff;
	v52 =	vor.u32 v6, v0  }
0x570: {  	v63 =	vld [tilespmem:$0x1FC80];
	v53 =	vor.u32 v45, v52;
	_ =	sdelay $0x3  }
0x571: {  	[tilespmem:v3+s21+$0x0] =	vst.idx.msk $0xffff, v1  }
0x572: {  	v3 =	vor.u32 s31, v22;
	v1 =	vld.idx.msk [tilespmem:v53+s14+$0x0], $0xffff;
	v53 =	vor.u32 v63, v0  }
0x573: {  	v54 =	vor.u32 v45, v53;
	_ =	sdelay $0x3  }
0x574: {  	[tilespmem:v3+s21+$0x0] =	vst.idx.msk $0xffff, v1  }
0x575: {  	v3 =	vor.u32 s31, v23;
	v1 =	vld.idx.msk [tilespmem:v54+s14+$0x0], $0xffff;
	v54 =	vor.u32 v16, v0  }
0x576: {  	v55 =	vor.u32 v45, v54;
	_ =	sdelay $0x3  }
0x577: {  	[tilespmem:v3+s21+$0x0] =	vst.idx.msk $0xffff, v1  }
0x578: {  	v3 =	vor.u32 s31, v24;
	v1 =	vld.idx.msk [tilespmem:v55+s14+$0x0], $0xffff;
	v55 =	vor.u32 v15, v0  }
0x579: {  	v56 =	vor.u32 v45, v55;
	_ =	sdelay $0x3  }
0x57a: {  	[tilespmem:v3+s21+$0x0] =	vst.idx.msk $0xffff, v1  }
0x57b: {  	v3 =	vor.u32 s31, v25;
	v1 =	vld.idx.msk [tilespmem:v56+s14+$0x0], $0xffff;
	v56 =	vor.u32 v5, v0  }
0x57c: {  	v57 =	vor.u32 v45, v56;
	_ =	sdelay $0x3  }
0x57d: {  	[tilespmem:v3+s21+$0x0] =	vst.idx.msk $0xffff, v1  }
0x57e: {  	v3 =	vor.u32 s31, v26;
	v1 =	vld.idx.msk [tilespmem:v57+s14+$0x0], $0xffff;
	v57 =	vor.u32 v48, v0  }
0x57f: {  	v58 =	vor.u32 v45, v57;
	_ =	sdelay $0x3  }
0x580: {  	[tilespmem:v3+s21+$0x0] =	vst.idx.msk $0xffff, v1  }
0x581: {  	v3 =	vor.u32 s31, v47;
	v1 =	vld.idx.msk [tilespmem:v58+s14+$0x0], $0xffff;
	v58 =	vor.u32 v14, v0  }
0x582: {  	v18 =	vmov v15;
	v15 =	vld [tilespmem:$0x1FD70];
	v59 =	vor.u32 v45, v58;
	_ =	sdelay $0x3  }
0x583: {  	[tilespmem:v3+s21+$0x0] =	vst.idx.msk $0xffff, v1  }
0x584: {  	v3 =	vor.u32 s31, v15;
	v1 =	vld.idx.msk [tilespmem:v59+s14+$0x0], $0xffff;
	v59 =	vor.u32 v13, v0  }
0x585: {  	v17 =	vmov v11;
	v11 =	vld [tilespmem:$0x1FD60];
	v60 =	vor.u32 v45, v59;
	_ =	sdelay $0x3  }
0x586: {  	[tilespmem:v3+s21+$0x0] =	vst.idx.msk $0xffff, v1  }
0x587: {  	v3 =	vor.u32 s31, v11;
	v1 =	vld.idx.msk [tilespmem:v60+s14+$0x0], $0xffff;
	v60 =	vor.u32 v12, v0  }
0x588: {  	v61 =	vor.u32 v45, v60;
	_ =	sdelay $0x3  }
0x589: {  	[tilespmem:v3+s21+$0x0] =	vst.idx.msk $0xffff, v1  }
0x58a: {  	v24 =	vmov v47;
	v47 =	vor.u32 v10, v0;
	v3 =	vor.u32 s31, v34;
	v1 =	vld.idx.msk [tilespmem:v61+s14+$0x0], $0xffff  }
0x58b: {  	v62 =	vor.u32 v45, v47;
	_ =	sdelay $0x3  }
0x58c: {  	[tilespmem:v3+s21+$0x0] =	vst.idx.msk $0xffff, v1  }
0x58d: {  	v19 =	vmovc v16;
	v16 =	vmov v34;
	v34 =	vor.u32 v28, v0;
	v3 =	vor.u32 s31, v30;
	v1 =	vld.idx.msk [tilespmem:v62+s14+$0x0], $0xffff  }
0x58e: {  	v63 =	vor.u32 v45, v34;
	_ =	sdelay $0x3  }
0x58f: {  	[tilespmem:v3+s21+$0x0] =	vst.idx.msk $0xffff, v1  }
0x590: {  	v0 =	vor.u32 v27, v0;
	v3 =	vor.u32 s31, v31;
	v1 =	vld.idx.msk [tilespmem:v63+s14+$0x0], $0xffff  }
0x591: {  	v48 =	vor.u32 v45, v0;
	_ =	sdelay $0x3  }
0x592: {  	[tilespmem:v3+s21+$0x0] =	vst.idx.msk $0xffff, v1  }
0x593: {  	v3 =	vor.u32 s31, v32;
	v1 =	vld.idx.msk [tilespmem:v48+s14+$0x0], $0xffff  }
0x594: {  	v2 =	vor.u32 v49, v2;
	_ =	sdelay $0x3  }
0x595: {  	[tilespmem:v3+s21+$0x0] =	vst.idx.msk $0xffff, v1  }
0x596: {  	v1 =	vld.idx.msk [tilespmem:v2+s14+$0x0], $0xffff;
	v2 =	vor.u32 s31, v33  }
0x597: {  	v3 =	vor.u32 v49, v4;
	_ =	sdelay $0x3  }
0x598: {  	[tilespmem:v2+s21+$0x0] =	vst.idx.msk $0xffff, v1  }
0x599: {  	v2 =	vor.u32 s31, v8;
	v1 =	vld.idx.msk [tilespmem:v3+s14+$0x0], $0xffff  }
0x59a: {  	v3 =	vor.u32 v49, v50;
	_ =	sdelay $0x3  }
0x59b: {  	[tilespmem:v2+s21+$0x0] =	vst.idx.msk $0xffff, v1  }
0x59c: {  	v2 =	vor.u32 s31, v35;
	v1 =	vld.idx.msk [tilespmem:v3+s14+$0x0], $0xffff  }
0x59d: {  	v3 =	vor.u32 v49, v51;
	_ =	sdelay $0x3  }
0x59e: {  	[tilespmem:v2+s21+$0x0] =	vst.idx.msk $0xffff, v1  }
0x59f: {  	v2 =	vor.u32 s31, v36;
	v1 =	vld.idx.msk [tilespmem:v3+s14+$0x0], $0xffff  }
0x5a0: {  	v3 =	vor.u32 v49, v52;
	_ =	sdelay $0x3  }
0x5a1: {  	[tilespmem:v2+s21+$0x0] =	vst.idx.msk $0xffff, v1  }
0x5a2: {  	v2 =	vor.u32 s31, v37;
	v1 =	vld.idx.msk [tilespmem:v3+s14+$0x0], $0xffff  }
0x5a3: {  	v3 =	vor.u32 v49, v53;
	_ =	sdelay $0x3  }
0x5a4: {  	[tilespmem:v2+s21+$0x0] =	vst.idx.msk $0xffff, v1  }
0x5a5: {  	v2 =	vor.u32 s31, v38;
	v1 =	vld.idx.msk [tilespmem:v3+s14+$0x0], $0xffff  }
0x5a6: {  	v3 =	vor.u32 v49, v54;
	_ =	sdelay $0x3  }
0x5a7: {  	[tilespmem:v2+s21+$0x0] =	vst.idx.msk $0xffff, v1  }
0x5a8: {  	v2 =	vor.u32 s31, v39;
	v1 =	vld.idx.msk [tilespmem:v3+s14+$0x0], $0xffff  }
0x5a9: {  	v3 =	vor.u32 v49, v55;
	_ =	sdelay $0x3  }
0x5aa: {  	[tilespmem:v2+s21+$0x0] =	vst.idx.msk $0xffff, v1  }
0x5ab: {  	v2 =	vor.u32 s31, v40;
	v1 =	vld.idx.msk [tilespmem:v3+s14+$0x0], $0xffff  }
0x5ac: {  	v3 =	vor.u32 v49, v56;
	_ =	sdelay $0x3  }
0x5ad: {  	[tilespmem:v2+s21+$0x0] =	vst.idx.msk $0xffff, v1  }
0x5ae: {  	v2 =	vor.u32 s31, v41;
	v1 =	vld.idx.msk [tilespmem:v3+s14+$0x0], $0xffff  }
0x5af: {  	v3 =	vor.u32 v49, v57;
	_ =	sdelay $0x3  }
0x5b0: {  	[tilespmem:v2+s21+$0x0] =	vst.idx.msk $0xffff, v1  }
0x5b1: {  	v2 =	vor.u32 s31, v42;
	v1 =	vld.idx.msk [tilespmem:v3+s14+$0x0], $0xffff  }
0x5b2: {  	v3 =	vor.u32 v49, v58;
	_ =	sdelay $0x3  }
0x5b3: {  	[tilespmem:v2+s21+$0x0] =	vst.idx.msk $0xffff, v1  }
0x5b4: {  	v2 =	vor.u32 s31, v43;
	v1 =	vld.idx.msk [tilespmem:v3+s14+$0x0], $0xffff  }
0x5b5: {  	v3 =	vor.u32 v49, v59;
	_ =	sdelay $0x3  }
0x5b6: {  	[tilespmem:v2+s21+$0x0] =	vst.idx.msk $0xffff, v1  }
0x5b7: {  	v2 =	vor.u32 s31, v44;
	v1 =	vld.idx.msk [tilespmem:v3+s14+$0x0], $0xffff  }
0x5b8: {  	v3 =	vor.u32 v49, v60;
	_ =	sdelay $0x3  }
0x5b9: {  	[tilespmem:v2+s21+$0x0] =	vst.idx.msk $0xffff, v1  }
0x5ba: {  	v2 =	vor.u32 s31, v46;
	v1 =	vld.idx.msk [tilespmem:v3+s14+$0x0], $0xffff  }
0x5bb: {  	v3 =	vor.u32 v49, v47;
	v47 =	vld [tilespmem:$0x1FD90];
	_ =	sdelay $0x3  }
0x5bc: {  	[tilespmem:v2+s21+$0x0] =	vst.idx.msk $0xffff, v1  }
0x5bd: {  	v2 =	vor.u32 s31, v47;
	v1 =	vld.idx.msk [tilespmem:v3+s14+$0x0], $0xffff  }
0x5be: {  	v48 =	vld [tilespmem:$0x1FD80];
	v3 =	vor.u32 v49, v34;
	_ =	sdelay $0x3  }
0x5bf: {  	[tilespmem:v2+s21+$0x0] =	vst.idx.msk $0xffff, v1  }
0x5c0: {  	v2 =	vor.u32 s31, v48;
	v1 =	vld.idx.msk [tilespmem:v3+s14+$0x0], $0xffff  }
0x5c1: {  	v0 =	vor.u32 v49, v0;
	v4 =	vld [tilespmem:$0x1FFF0];
	_ =	sdelay $0x2  }
0x5c2: {  	s0 =	sadd.s32 $0x3, s30  }
0x5c3: {  	s6 =	smulhi.u32 $0x51EB851F, s0;
	[tilespmem:v2+s21+$0x0] =	vst.idx.msk $0xffff, v1  }
0x5c4: {  	v1 =	vor.u32 s31, v4;
	v0 =	vld.idx.msk [tilespmem:v0+s14+$0x0], $0xffff  }
0x5c5: {  	s1 =	sshrl.u32 s6, $0x5  }
0x5c6: {  	s1 =	smul.u32 $0x64, s1;
	_ =	sdelay $0x1  }
0x5c7: {  	s0 =	ssub.s32 s0, s1  }
0x5c8: {  	s1 =	sadd.s32 s30, s5;
	s0 =	sshll.u32 s0, $0x8;
	[tilespmem:v1+s21+$0x0] =	vst.idx.msk $0xffff, v0  }
0x5c9: {  	[tilespmem:s14], [sflag:$0x2] =	stream.indirect.gather [hbm4b:s4+s12], $0x20, s0, s12, $0xb8;
	[tilespmem:$0xE400] =	vst v63  }
0x5ca: {  	s0 =	sadd.s32 $0x1, s1  }
0x5cb: {  	s6 =	sshll.u32 s0, $0x8;
	s0 =	sshll.u32 s0, $0xA  }
0x5cc: {  	s1 =	sand.u32 $0x3F00, s6;
	s0 =	sand.u32 $0x1FFF0000, s0  }
0x5cd: {  	s0 =	sor.u32 s1, s0  }
0x5ce: {  	s1 =	sadd.s32 s2, s0  }
0x5cf: {  	[hbm4b:s1+s3] =	stream.linear.scatter [tilespmem:s21], [sflag:$0x4], $0x800, $0x38;
	[tilespmem:$0xE400] =	vst v63  }
0x5d0: {  	s30 =	sadd.s32 s0, s7  }
0x5d1: {  	[hbm4b:s30+s3] =	stream.linear.scatter [tilespmem:s22], [sflag:$0x4], $0x800, $0x38;
	[tilespmem:$0xE400] =	vst v63  }
0x5d2: {  	s31 =	sadd.s32 s0, s8  }
0x5d3: {  	[hbm4b:s31+s3] =	stream.linear.scatter [tilespmem:s23], [sflag:$0x4], $0x800, $0x38;
	[tilespmem:$0xE400] =	vst v63  }
0x5d4: {  	s0 =	sadd.s32 s0, s9  }
0x5d5: {  	[hbm4b:s0+s3] =	stream.linear.scatter [tilespmem:s24], [sflag:$0x4], $0x800, $0x38;
	[tilespmem:$0xE400] =	vst v63  }
0x5d6: {  	_ =	swait.ge [sflag:s25], $0x800  }
0x5d7: {  	[sflag:s25] =	ssyncset.done $0x0  }
0x5d8: {  	[sflag:s25] =	ssyncadd.s32 $0xFFFFF800  }
0x5d9: {  	_ =	swait.ge [sflag:s25], $0x800  }
0x5da: {  	[sflag:s25] =	ssyncset.done $0x0  }
0x5db: {  	[sflag:s25] =	ssyncadd.s32 $0xFFFFF800  }
0x5dc: {  	_ =	swait.ge [sflag:s25], $0x800  }
0x5dd: {  	[sflag:s25] =	ssyncset.done $0x0  }
0x5de: {  	[sflag:s25] =	ssyncadd.s32 $0xFFFFF800  }
0x5df: {  	_ =	swait.ge [sflag:s25], $0x800  }
0x5e0: {  	[sflag:s25] =	ssyncset.done $0x0  }
0x5e1: {  	[sflag:s25] =	ssyncadd.s32 $0xFFFFF800  }
0x5e2: {  	_ =	swait.ge [sflag:s26], $0x800  }
0x5e3: {  	[sflag:s26] =	ssyncset.done $0x0  }
0x5e4: {  	[sflag:s26] =	ssyncadd.s32 $0xFFFFF800  }
0x5e5: {  	_ =	swait.ge [sflag:s26], $0x800  }
0x5e6: {  	[sflag:s26] =	ssyncset.done $0x0  }
0x5e7: {  	[sflag:s26] =	ssyncadd.s32 $0xFFFFF800  }
0x5e8: {  	_ =	swait.ge [sflag:s26], $0x800  }
0x5e9: {  	s29 =	sadd.s32 $0x1, s29;
	[sflag:s26] =	ssyncset.done $0x0  }
0x5ea: {  	p0 =	sne.s32 s29, $0x32;
	[sflag:s26] =	ssyncadd.s32 $0xFFFFF800  }
.Ltmp4:
0x5eb: {  	_ =	swait.ge [sflag:s26], $0x800;
	(pc) =	sbr.rel @p0 .LBB2_2-.Ltmp4, $4  }
0x5ec: {  	v29 =	vmovc v10;
	v10 =	vmov v11;
	v62 =	vmov v14;
	v63 =	vmov v13;
	v14 =	vld [tilespmem:$0x1FDB0]  }
0x5ed: {  	v11 =	vmovc v48;
	v52 =	vmovc v24;
	v24 =	vmov v31;
	v58 =	vmov v19;
	v59 =	vmov v18;
	v18 =	vld [tilespmem:$0x1FDA0]  }
0x5ee: {  	v13 =	vmovc v47;
	v34 =	vmovc v12;
	v12 =	vmov v15;
	v15 =	vmov v16;
	v16 =	vmov v30;
	[sflag:s26] =	ssyncset.done $0x0;
	v19 =	vld [tilespmem:$0x1FDC0]  }
0x5ef: {  	v3 =	vmovc v25;
	v25 =	vmovc v32;
	v1 =	vmov v17;
	v17 =	vmov v26;
	v26 =	vmov v33;
	v2 =	vld [tilespmem:$0x1FDF0];
	[sflag:s26] =	ssyncadd.s32 $0xFFFFF800  }
0x5f0: {  	s28 =	sadd.s32 $0x1, s28  }
0x5f1: {  	_ =	swait.ge [sflag:s15], $0x2000;
	p0 =	sne.s32 s28, s10  }
.Ltmp5:
0x5f2: {  	[sflag:s15] =	ssyncset.done $0x0;
	(pc) =	sbr.rel @p0 .LBB2_1-.Ltmp5, $4  }
0x5f3: {  	[sflag:s15] =	ssyncadd.s32 $0xFFFFE000  }
0x5f4: {  	_ =	swait.ge [sflag:s20], $0x2000  }
0x5f5: {  	[sflag:s20] =	ssyncset.done $0x0  }
0x5f6: {  	[sflag:s20] =	ssyncadd.s32 $0xFFFFE000  }
0x5f7: {  	_ =	sfence.sel $0x180000  }
0x5f8: {  	[bflag:$0x0] =	sbarrier.arrive $0xFFFF  }
0x5f9: {  	_ =	strace $0x90000047  }
0x5fa: {  	s0 =	stileid.u32;
	[bflag:$0x2] =	sbarrier.arrive $0xFFFF  }
0x5fb: {  	p0 =	sne.s32 s0, $0x0;
	s0 =	rddreg [dreg:$0x2]  }
0x5fc: {  	s0 =	sadd.s32 @!p0 $0x100000, s0  }
0x5fd: {  	[sflag:s0] =	ssyncadd.tile.s32 @!p0 $0x1;
	_ =	shalt  }
.Lfunc_end2:
_tile_overlayer_lowered:
.L_overlay_start_2:
0x5fe: {  	(tag) =	ssettag $0x2  }
0x5ff: {  	s0 =	rddreg [dreg:$0x0];
	s2 =	stileid.u32  }
0x600: {  	s1 =	rddreg [dreg:$0x1];
	p0 =	sne.s32 s2, $0x0  }
0x601: {  	s3 =	rddreg [dreg:$0x2];
	[bflag:$0x3] =	sbarrier.arrive $0xFFFF;
	s2 =	simm.s32 @!p0 $0x1C05  }
0x602: {  	[timem:s3], [sflag:s2] =	dma.local @!p0 [hbm:s0], s1  }
0x603: {  	s0 =	simm.s32 @!p0 $0x5  }
0x604: {  	_ =	swait.ge @!p0 [sflag:s0], s1  }
0x605: {  	s1 =	ssub.s32 @!p0 $0x0, s1;
	[sflag:s0] =	ssyncset.done @!p0 $0x0  }
0x606: {  	[sflag:s0] =	ssyncadd.s32 @!p0 s1  }
0x607: {  	[bflag:$0x3] =	sbarrier.arrive $0xFFFF  }
0x608: {  	_ =	shalt  }

</sc_bundles>
